<compile_context>
chip_gen: v7x
topology: tpu7x:2x2x1
jax: 0.10.2.dev20260603
libtpu: 0.0.44.dev20260713+nightly
codegen_flags: <defaults>
</compile_context>

<pallas_src>
import jax
import jax.numpy as jnp
from jax import lax
from jax.experimental import pallas as pl
from jax.experimental.pallas import tpu as pltpu
from jax.experimental.pallas import tpu_sc as plsc

N_NODES = 100000
D = 256
D_EDGE = 16
D_TIME = 100
N_EDGES = 3200000
B = 8192
K = 32
BK = B * K

NC, NS = 2, 16
NW = NC * NS
CH = 128
RPW = BK // NW
NCHUNK = RPW // CH
SPW = B // NW

BS = 128
GRID = B // BS
TBLK = 1568


def _sc_gather_body(nodes, selnode, uniq,
                    nf_out, src_out,
                    nidx, uidx, nr0, nr1,
                    gs0, gs1, ws0, ws1):
    wid = lax.axis_index("s") * NC + lax.axis_index("c")
    base = wid * RPW
    nrows = (nr0, nr1)
    gsem = (gs0, gs1)
    wsem = (ws0, ws1)

    pltpu.sync_copy(selnode.at[pl.ds(base, RPW)], nidx)

    @pl.loop(0, NCHUNK, step=2)
    def _pair(cc):
        @pl.when(cc > 0)
        def _():
            for s in range(2):
                pltpu.make_async_copy(
                    nrows[s], nf_out.at[pl.ds(base, CH)], wsem[s]).wait()
        gn = []
        for s in range(2):
            c = cc + s
            gn.append(pltpu.async_copy(
                nodes.at[nidx.at[pl.ds(c * CH, CH)]], nrows[s], gsem[s]))
        for s in range(2):
            c = cc + s
            gn[s].wait()
            pltpu.async_copy(nrows[s], nf_out.at[pl.ds(base + c * CH, CH)],
                             wsem[s])

    for s in range(2):
        pltpu.make_async_copy(nrows[s], nf_out.at[pl.ds(base, CH)],
                              wsem[s]).wait()

    sbase = wid * SPW
    pltpu.sync_copy(uniq.at[pl.ds(sbase, SPW)], uidx)
    for t in range(2):
        pltpu.async_copy(nodes.at[uidx.at[pl.ds(t * CH, CH)]], nrows[t],
                         gsem[t]).wait()
        pltpu.sync_copy(nrows[t], src_out.at[pl.ds(sbase + t * CH, CH)])


def _sc_gather(node_features, selnode_flat, unique_nodes):
    mesh = plsc.VectorSubcoreMesh(core_axis_name="c", subcore_axis_name="s")
    return pl.kernel(
        _sc_gather_body,
        out_type=(
            jax.ShapeDtypeStruct((BK, D), jnp.float32),
            jax.ShapeDtypeStruct((B, D), jnp.float32),
        ),
        mesh=mesh,
        scratch_types=(
            pltpu.VMEM((RPW,), jnp.int32),
            pltpu.VMEM((SPW,), jnp.int32),
            pltpu.VMEM((CH, D), jnp.float32),
            pltpu.VMEM((CH, D), jnp.float32),
        ) + (pltpu.SemaphoreType.DMA,) * 4,
        name="sc_gather",
    )(node_features, selnode_flat, unique_nodes)


def _sc_gather_edges_body(et, seledge, eft_out, eidx, eb0, eb1,
                          ge0, ge1, we0, we1):
    wid = lax.axis_index("s") * NC + lax.axis_index("c")
    base = wid * RPW
    efb = (eb0, eb1)
    esem = (ge0, ge1)
    wesem = (we0, we1)

    pltpu.sync_copy(seledge.at[pl.ds(base, RPW)], eidx)

    @pl.loop(0, NCHUNK, step=2)
    def _pair(cc):
        @pl.when(cc > 0)
        def _():
            for s in range(2):
                pltpu.make_async_copy(
                    efb[s], eft_out.at[:, pl.ds(base, CH)], wesem[s]).wait()
        ge = []
        for s in range(2):
            c = cc + s
            idx = eidx.at[pl.ds(c * CH, CH)]
            ge.append([pltpu.async_copy(et.at[f].at[idx], efb[s].at[f],
                                        esem[s])
                       for f in range(D_EDGE)])
        for s in range(2):
            c = cc + s
            for cp in ge[s]:
                cp.wait()
            pltpu.async_copy(efb[s], eft_out.at[:, pl.ds(base + c * CH, CH)],
                             wesem[s])

    for s in range(2):
        pltpu.make_async_copy(efb[s], eft_out.at[:, pl.ds(base, CH)],
                              wesem[s]).wait()


def _sc_gather_edges(edges_t, seledge_flat):
    mesh = plsc.VectorSubcoreMesh(core_axis_name="c", subcore_axis_name="s")
    return pl.kernel(
        _sc_gather_edges_body,
        out_type=jax.ShapeDtypeStruct((D_EDGE, BK), jnp.float32),
        mesh=mesh,
        scratch_types=(
            pltpu.VMEM((RPW,), jnp.int32),
            pltpu.VMEM((D_EDGE, CH), jnp.float32),
            pltpu.VMEM((D_EDGE, CH), jnp.float32),
        ) + (pltpu.SemaphoreType.DMA,) * 4,
        compiler_params=pltpu.CompilerParams(use_tc_tiling_on_sc=False),
        name="sc_gather_edges",
    )(edges_t, seledge_flat)


_C2PI_HI = 6.28125
_C2PI_LO = 2 * 3.14159265358979323846 - 6.28125
_COS_COEF = (9.9999999228e-01, -4.9999991771e-01, 4.1666524336e-02,
             -1.3887970263e-03, 2.4773420792e-05, -2.7113337540e-07,
             1.7368995131e-09)


def _fast_cos(x):
    n = jnp.floor(x * (1.0 / (2 * 3.14159265358979323846)) + 0.5)
    r = (x - n * _C2PI_HI) - n * _C2PI_LO
    r2 = r * r
    p = jnp.float32(_COS_COEF[6])
    for c in _COS_COEF[5::-1]:
        p = p * r2 + jnp.float32(c)
    return p


def _tc_mlp_body(nf, ef, dt, wflat, w2d, srcrows, ucol, urow, tbl_in,
                 w1n, w1e, w1t, b1, w2, b2, w1s, b1s, w2s, b2s,
                 updA, updB, updb, twp, tbp,
                 emb_out, win_out, tbl_out):
    tbl_out[...] = tbl_in[...]

    bf = jnp.bfloat16
    te = _fast_cos(dt[...] * twp[...] + tbp[...])
    h = (jnp.dot(nf[...].astype(bf), w1n[...], preferred_element_type=jnp.float32)
         + lax.dot_general(ef[...].astype(bf), w1e[...],
                           (((0,), (0,)), ((), ())),
                           preferred_element_type=jnp.float32)
         + jnp.dot(te.astype(bf), w1t[...], preferred_element_type=jnp.float32)
         + b1[...])
    h = jnp.maximum(h, 0.0)
    h2 = jnp.dot(h.astype(bf), w2[...], preferred_element_type=jnp.float32) + b2[...]
    sc = h2 * wflat[...]
    agg = jnp.sum(sc.reshape(BS, K, D), axis=1)
    ws = jnp.sum(w2d[...], axis=1, keepdims=True)
    ws = jnp.where(ws < 1e-6, 1e-6, ws)
    agg = agg / ws

    hs = jnp.maximum(
        jnp.dot(srcrows[...], w1s[...], preferred_element_type=jnp.float32)
        + b1s[...], 0.0)
    semb = jnp.dot(hs, w2s[...], preferred_element_type=jnp.float32) + b2s[...]
    emb_out[...] = (jnp.dot(semb, updA[...], preferred_element_type=jnp.float32)
                    + jnp.dot(agg, updB[...], preferred_element_type=jnp.float32)
                    + updb[...])

    jj = lax.broadcasted_iota(jnp.int32, (BS, B), 1)
    win_out[...] = jnp.max(jnp.where(ucol[...] == urow[...], jj, -1), axis=1,
                           keepdims=True)


def _tc_mlp(nf_rows, ef_rows, dt_flat, wflat, w2d, src_rows, ucol, urow,
            node_features, w1n, w1e, w1t, b1, w2, b2, w1s, b1s, w2s, b2s,
            updA, updB, updb, twp, tbp):
    full = lambda a: pl.BlockSpec(a.shape, lambda g: (0,) * a.ndim)
    return pl.pallas_call(
        _tc_mlp_body,
        grid=(GRID,),
        in_specs=[
            pl.BlockSpec((BS * K, D), lambda g: (g, 0)),
            pl.BlockSpec((D_EDGE, BS * K), lambda g: (0, g)),
            pl.BlockSpec((BS * K, 1), lambda g: (g, 0)),
            pl.BlockSpec((BS * K, 1), lambda g: (g, 0)),
            pl.BlockSpec((BS, K), lambda g: (g, 0)),
            pl.BlockSpec((BS, D), lambda g: (g, 0)),
            pl.BlockSpec((BS, 1), lambda g: (g, 0)),
            pl.BlockSpec((1, B), lambda g: (0, 0)),
            pl.BlockSpec((TBLK, D), lambda g: (g, 0)),
        ] + [full(a) for a in (w1n, w1e, w1t, b1, w2, b2, w1s, b1s, w2s, b2s,
                               updA, updB, updb, twp, tbp)],
        out_specs=[
            pl.BlockSpec((BS, D), lambda g: (g, 0)),
            pl.BlockSpec((BS, 1), lambda g: (g, 0)),
            pl.BlockSpec((TBLK, D), lambda g: (g, 0)),
        ],
        out_shape=[
            jax.ShapeDtypeStruct((B, D), jnp.float32),
            jax.ShapeDtypeStruct((B, 1), jnp.int32),
            jax.ShapeDtypeStruct((N_NODES, D), jnp.float32),
        ],
        name="tc_mlp",
    )(nf_rows, ef_rows, dt_flat, wflat, w2d, src_rows, ucol, urow,
      node_features, w1n, w1e, w1t, b1, w2, b2, w1s, b1s, w2s, b2s,
      updA, updB, updb, twp, tbp)


def _sc_scatter_body(tbl, emb, u, win, u0, u1, wv0, wv1, r0, r1, s0, s1):
    wid = lax.axis_index("s") * NC + lax.axis_index("c")
    sbase = wid * SPW
    pltpu.sync_copy(u.at[pl.ds(sbase, CH)], u0)
    pltpu.sync_copy(u.at[pl.ds(sbase + CH, CH)], u1)
    pltpu.sync_copy(win.at[pl.ds(sbase, CH)], wv0)
    pltpu.sync_copy(win.at[pl.ds(sbase + CH, CH)], wv1)
    g0 = pltpu.async_copy(emb.at[wv0], r0, s0)
    g1 = pltpu.async_copy(emb.at[wv1], r1, s1)
    g0.wait()
    d0 = pltpu.async_copy(r0, tbl.at[u0], s0)
    g1.wait()
    d1 = pltpu.async_copy(r1, tbl.at[u1], s1)
    d0.wait()
    d1.wait()


def _sc_scatter(tbl_ref, emb, unique_nodes, winner):
    mesh = plsc.VectorSubcoreMesh(core_axis_name="c", subcore_axis_name="s")
    pl.kernel(
        _sc_scatter_body,
        out_type=(),
        mesh=mesh,
        scratch_types=(
            pltpu.VMEM((CH,), jnp.int32),
            pltpu.VMEM((CH,), jnp.int32),
            pltpu.VMEM((CH,), jnp.int32),
            pltpu.VMEM((CH,), jnp.int32),
            pltpu.VMEM((CH, D), jnp.float32),
            pltpu.VMEM((CH, D), jnp.float32),
            pltpu.SemaphoreType.DMA,
            pltpu.SemaphoreType.DMA,
        ),
        name="sc_scatter",
    )(tbl_ref, emb, unique_nodes, winner)


def kernel(unique_nodes, selected_node, selected_edge_idxs, selected_delta_time,
           selected_weight, node_features, edge_features, time_w, time_b,
           fc1_W, fc1_b, fc2_W, fc2_b, fc1s_W, fc1s_b, fc2s_W, fc2s_b,
           upd_W, upd_b):
    selnode_flat = selected_node.reshape(BK)
    seledge_flat = selected_edge_idxs.reshape(BK)
    dt_flat = selected_delta_time.reshape(BK, 1)
    wflat = selected_weight.reshape(BK, 1)
    ucol = unique_nodes.reshape(B, 1)
    urow = unique_nodes.reshape(1, B)

    w1n = fc1_W[:D].astype(jnp.bfloat16)
    w1e = fc1_W[D:D + D_EDGE].astype(jnp.bfloat16)
    w1t = jnp.zeros((128, D), jnp.float32).at[:D_TIME].set(
        fc1_W[D + D_EDGE:]).astype(jnp.bfloat16)
    twp = jnp.zeros((1, 128), jnp.float32).at[:, :D_TIME].set(time_w[None, :])
    tbp = jnp.zeros((1, 128), jnp.float32).at[:, :D_TIME].set(time_b[None, :])
    b1 = fc1_b.reshape(1, D)
    b2 = fc2_b.reshape(1, D)
    b1s = fc1s_b.reshape(1, D)
    b2s = fc2s_b.reshape(1, D)
    updA = upd_W[:D]
    updB = upd_W[D:]
    updb = upd_b.reshape(1, D)

    nf_rows, src_rows = _sc_gather(node_features, selnode_flat, unique_nodes)
    ef_rows = _sc_gather_edges(edge_features.T, seledge_flat)

    emb, winner, tbl_copy = _tc_mlp(
        nf_rows, ef_rows, dt_flat, wflat, selected_weight, src_rows, ucol,
        urow, node_features, w1n, w1e, w1t, b1, w2=fc2_W.astype(jnp.bfloat16),
        b2=b2, w1s=fc1s_W,
        b1s=b1s, w2s=fc2s_W, b2s=b2s, updA=updA, updB=updB, updb=updb,
        twp=twp, tbp=tbp)

    tbl_ref = jax.new_ref(tbl_copy)
    _sc_scatter(tbl_ref, emb, unique_nodes, winner.reshape(B))
    return emb, tbl_ref[...]

# --- scband reference (transcript-rebuilt; emitter-appended) ---
"""Pipeline reference for scband-graph-diffusion-embedding-49667001811673 (READ-ONLY COPY).

The authoritative reference and input builder live on the scoring server;
editing this copy changes nothing except your own understanding.
"""

import jax, jax.numpy as jnp
import numpy as np

N_NODES = 100000
D = 256
D_EDGE = 16
D_TIME = 100
N_EDGES = 3200000
B = 8192
K = 32


def setup_inputs(seed: int = 0) -> dict:
    key = jax.random.key(seed)
    ks = jax.random.split(key, 20)
    inp = {}
    # forward args (int32 in jax to avoid x64 config; values match int64 torch specs)
    inp["unique_nodes"] = jax.random.randint(ks[0], (B,), 0, N_NODES, dtype=jnp.int32)
    inp["selected_node"] = jax.random.randint(ks[1], (B, K), 0, N_NODES, dtype=jnp.int32)
    inp["selected_edge_idxs"] = jax.random.randint(ks[2], (B, K), 0, N_EDGES, dtype=jnp.int32)
    inp["selected_delta_time"] = jax.random.uniform(ks[3], (B, K), dtype=jnp.float32)
    inp["selected_weight"] = jax.random.uniform(ks[4], (B, K), dtype=jnp.float32)
    # memory tables (buffers in torch)
    inp["node_features"] = jax.random.normal(ks[5], (N_NODES, D), dtype=jnp.float32) * 0.1
    inp["edge_features"] = jax.random.normal(ks[6], (N_EDGES, D_EDGE), dtype=jnp.float32) * 0.1
    # time encoder (cos(t*w + b), standard TGN)
    inp["time_w"] = jax.random.normal(ks[7], (D_TIME,), dtype=jnp.float32)
    inp["time_b"] = jax.random.normal(ks[8], (D_TIME,), dtype=jnp.float32)
    # neighbor transform MLP (fc1: neighbor_dim -> D, fc2: D -> D)
    nd = D + D_EDGE + D_TIME
    inp["fc1_W"] = jax.random.normal(ks[9], (nd, D), dtype=jnp.float32) * (1.0 / np.sqrt(nd))
    inp["fc1_b"] = jnp.zeros((D,), dtype=jnp.float32)
    inp["fc2_W"] = jax.random.normal(ks[10], (D, D), dtype=jnp.float32) * (1.0 / np.sqrt(D))
    inp["fc2_b"] = jnp.zeros((D,), dtype=jnp.float32)
    # source transform MLP
    inp["fc1s_W"] = jax.random.normal(ks[11], (D, D), dtype=jnp.float32) * (1.0 / np.sqrt(D))
    inp["fc1s_b"] = jnp.zeros((D,), dtype=jnp.float32)
    inp["fc2s_W"] = jax.random.normal(ks[12], (D, D), dtype=jnp.float32) * (1.0 / np.sqrt(D))
    inp["fc2s_b"] = jnp.zeros((D,), dtype=jnp.float32)
    # update_node_feature: Linear(2D -> D)
    inp["upd_W"] = jax.random.normal(ks[13], (2 * D, D), dtype=jnp.float32) * (1.0 / np.sqrt(2 * D))
    inp["upd_b"] = jnp.zeros((D,), dtype=jnp.float32)
    return inp


def reference(unique_nodes, selected_node, selected_edge_idxs, selected_delta_time,
              selected_weight, node_features, edge_features, time_w, time_b,
              fc1_W, fc1_b, fc2_W, fc2_b, fc1s_W, fc1s_b, fc2s_W, fc2s_b,
              upd_W, upd_b):
    # source embeddings: gather + transform_source (dropout is identity in eval)
    src = jnp.take(node_features, unique_nodes, axis=0)              # [B, D]
    h = jax.nn.relu(src @ fc1s_W + fc1s_b)
    src_emb = h @ fc2s_W + fc2s_b                                    # [B, D]
    # neighbor gathers
    nf = jnp.take(node_features, selected_node, axis=0)              # [B, K, D]
    ef = jnp.take(edge_features, selected_edge_idxs, axis=0)         # [B, K, D_EDGE]
    te = jnp.cos(selected_delta_time[..., None] * time_w + time_b)   # [B, K, D_TIME]
    neigh = jnp.concatenate([nf, ef, te], axis=-1)
    h = jax.nn.relu(neigh @ fc1_W + fc1_b)
    neigh = h @ fc2_W + fc2_b                                        # [B, K, D]
    # weight normalization
    ws = jnp.sum(selected_weight, axis=1)
    ws = jnp.where(ws < 1e-06, 1e-06, ws)
    w = selected_weight / ws[:, None]
    agg = jnp.sum(neigh * w[:, :, None], axis=1)                     # [B, D]
    emb = jnp.concatenate([src_emb, agg], axis=1) @ upd_W + upd_b    # [B, D]
    # in-place memory update (torch.no_grad scatter-overwrite)
    new_node_features = node_features.at[unique_nodes].set(jax.lax.stop_gradient(emb))
    return emb, new_node_features

if __name__ == "__main__":
    import jax
    _d = setup_inputs()
    print(jax.jit(kernel)(*tuple(_d.values())))

</pallas_src>

<mosaic_0001>
#map = affine_map<(d0, d1) -> (0, 0)>
#map1 = affine_map<(d0, d1) -> (0)>
module attributes {stable_mosaic.version = 14 : i64} {
  func.func @sc_gather(%arg0: i32, %arg1: i32, %arg2: memref<100000x256xf32, #tpu.memory_space<hbm>>, %arg3: memref<262144xi32, #tpu.memory_space<hbm>>, %arg4: memref<8192xi32, #tpu.memory_space<hbm>>, %arg5: memref<262144x256xf32, #tpu.memory_space<hbm>>, %arg6: memref<8192x256xf32, #tpu.memory_space<hbm>>, %arg7: memref<8192xi32, #tpu.memory_space<vmem>>, %arg8: memref<256xi32, #tpu.memory_space<vmem>>, %arg9: memref<128x256xf32, #tpu.memory_space<vmem>>, %arg10: memref<128x256xf32, #tpu.memory_space<vmem>>, %arg11: memref<!tpu.dma_semaphore, #tpu.memory_space<semaphore_mem>>, %arg12: memref<!tpu.dma_semaphore, #tpu.memory_space<semaphore_mem>>, %arg13: memref<!tpu.dma_semaphore, #tpu.memory_space<semaphore_mem>>, %arg14: memref<!tpu.dma_semaphore, #tpu.memory_space<semaphore_mem>>) attributes {dimension_semantics = [#tpu.dimension_semantics<core_parallel>, #tpu.dimension_semantics<subcore_parallel>], iteration_bounds = array<i64: 2, 16>, scalar_prefetch = 0 : i64, scratch_operands = 8 : i64, tpu.core_type = #tpu.core_type<sc_vector_subcore>, window_params = [{transform_indices = #map}, {transform_indices = #map1}, {transform_indices = #map1}, {transform_indices = #map}, {transform_indices = #map}]} {
    %mul3A = arith.constant 2 : i32
    %mul3A_0 = arith.muli %arg1, %mul3A : i32
    %add3A = arith.addi %mul3A_0, %arg0 : i32
    %mul3A_1 = arith.constant 8192 : i32
    %mul3A_2 = arith.muli %add3A, %mul3A_1 : i32
    "tpu.region"() ({
      %run_scoped3A = tpu.sem_alloc : memref<!tpu.dma_semaphore, #tpu.memory_space<semaphore_mem>>
      %dma_start3A_39 = tpu.memref_slice %arg3[%mul3A_2] : memref<262144xi32, #tpu.memory_space<hbm>> -> memref<8192xi32, #tpu.memory_space<hbm>>
      %dma_start3A_40 = tpu.memref_slice %arg3[%mul3A_2] : memref<262144xi32, #tpu.memory_space<hbm>> -> memref<8192xi32, #tpu.memory_space<hbm>>
      tpu.enqueue_dma source(%dma_start3A_40 : memref<8192xi32, #tpu.memory_space<hbm>>) target(%arg7 : memref<8192xi32, #tpu.memory_space<vmem>>) target_semaphore(%run_scoped3A : memref<!tpu.dma_semaphore, #tpu.memory_space<semaphore_mem>>)
      %dma_wait3A_41 = tpu.memref_slice %arg3[%mul3A_2] : memref<262144xi32, #tpu.memory_space<hbm>> -> memref<8192xi32, #tpu.memory_space<hbm>>
      %dma_wait3A_42 = tpu.memref_slice %arg3[%mul3A_2] : memref<262144xi32, #tpu.memory_space<hbm>> -> memref<8192xi32, #tpu.memory_space<hbm>>
      tpu.wait_dma2 semaphore(%run_scoped3A : memref<!tpu.dma_semaphore, #tpu.memory_space<semaphore_mem>>) src(%dma_wait3A_42 : memref<8192xi32, #tpu.memory_space<hbm>>) dst(%arg7 : memref<8192xi32, #tpu.memory_space<vmem>>)
      tpu.yield
    }) : () -> ()
    %scan3A = arith.constant 0 : i32
    %scan3A_3 = arith.constant 32 : i32
    %scan3A_4 = arith.addi %scan3A, %scan3A_3 : i32
    %scan3A_5 = arith.constant 1 : i32
    scf.for %scan3A_39 = %scan3A to %scan3A_4 step %scan3A_5  : i32 {
      %mul3A_40 = arith.constant 2 : i32
      %mul3A_41 = arith.muli %scan3A_39, %mul3A_40 : i32
      %add3A_42 = arith.constant 0 : i32
      %add3A_43 = arith.addi %add3A_42, %mul3A_41 : i32
      %gt3A = arith.constant 0 : i32
      %gt3A_44 = arith.cmpi sgt, %add3A_43, %gt3A : i32
      %convert_element_type3A = arith.extui %gt3A_44 : i1 to i32
      %cond3A = arith.constant 0 : i32
      %cond3A_45 = arith.cmpi ne, %convert_element_type3A, %cond3A : i32
      scf.if %cond3A_45 {
        %dma_wait3A_88 = arith.constant 0 : i32
        %dma_wait3A_89 = tpu.memref_slice %arg5[%mul3A_2, %dma_wait3A_88] : memref<262144x256xf32, #tpu.memory_space<hbm>> -> memref<128x256xf32, #tpu.memory_space<hbm>>
        %dma_wait3A_90 = arith.constant 0 : i32
        %dma_wait3A_91 = tpu.memref_slice %arg5[%mul3A_2, %dma_wait3A_90] : memref<262144x256xf32, #tpu.memory_space<hbm>> -> memref<128x256xf32, #tpu.memory_space<hbm>>
        tpu.wait_dma2 semaphore(%arg13 : memref<!tpu.dma_semaphore, #tpu.memory_space<semaphore_mem>>) src(%arg9 : memref<128x256xf32, #tpu.memory_space<vmem>>) dst(%dma_wait3A_91 : memref<128x256xf32, #tpu.memory_space<hbm>>)
        %dma_wait3A_92 = arith.constant 0 : i32
        %dma_wait3A_93 = tpu.memref_slice %arg5[%mul3A_2, %dma_wait3A_92] : memref<262144x256xf32, #tpu.memory_space<hbm>> -> memref<128x256xf32, #tpu.memory_space<hbm>>
        %dma_wait3A_94 = arith.constant 0 : i32
        %dma_wait3A_95 = tpu.memref_slice %arg5[%mul3A_2, %dma_wait3A_94] : memref<262144x256xf32, #tpu.memory_space<hbm>> -> memref<128x256xf32, #tpu.memory_space<hbm>>
        tpu.wait_dma2 semaphore(%arg14 : memref<!tpu.dma_semaphore, #tpu.memory_space<semaphore_mem>>) src(%arg10 : memref<128x256xf32, #tpu.memory_space<vmem>>) dst(%dma_wait3A_95 : memref<128x256xf32, #tpu.memory_space<hbm>>)
      } else {
      }
      %add3A_46 = arith.constant 0 : i32
      %add3A_47 = arith.addi %add3A_43, %add3A_46 : i32
      %mul3A_48 = arith.constant 128 : i32
      %mul3A_49 = arith.muli %add3A_47, %mul3A_48 : i32
      %dma_start3A_50 = tpu.memref_slice %arg7[%mul3A_49] : memref<8192xi32, #tpu.memory_space<vmem>> -> memref<128xi32, #tpu.memory_space<vmem>>
      %dma_start3A_51 = arith.constant 0 : i32
      %dma_start3A_52 = arith.constant 0 : i32
      %dma_start3A_53 = tpu.memref_slice %arg2[%dma_start3A_51, %dma_start3A_52] : memref<100000x256xf32, #tpu.memory_space<hbm>> -> memref<100000x256xf32, #tpu.memory_space<hbm>>
      tpu.enqueue_indirect_dma source(%dma_start3A_53 : memref<100000x256xf32, #tpu.memory_space<hbm>>) target(%arg9 : memref<128x256xf32, #tpu.memory_space<vmem>>) offsets(%dma_start3A_50 : memref<128xi32, #tpu.memory_space<vmem>>) semaphore(%arg11 : memref<!tpu.dma_semaphore, #tpu.memory_space<semaphore_mem>>)
      %add3A_54 = arith.constant 1 : i32
      %add3A_55 = arith.addi %add3A_43, %add3A_54 : i32
      %mul3A_56 = arith.constant 128 : i32
      %mul3A_57 = arith.muli %add3A_55, %mul3A_56 : i32
      %dma_start3A_58 = tpu.memref_slice %arg7[%mul3A_57] : memref<8192xi32, #tpu.memory_space<vmem>> -> memref<128xi32, #tpu.memory_space<vmem>>
      %dma_start3A_59 = arith.constant 0 : i32
      %dma_start3A_60 = arith.constant 0 : i32
      %dma_start3A_61 = tpu.memref_slice %arg2[%dma_start3A_59, %dma_start3A_60] : memref<100000x256xf32, #tpu.memory_space<hbm>> -> memref<100000x256xf32, #tpu.memory_space<hbm>>
      tpu.enqueue_indirect_dma source(%dma_start3A_61 : memref<100000x256xf32, #tpu.memory_space<hbm>>) target(%arg10 : memref<128x256xf32, #tpu.memory_space<vmem>>) offsets(%dma_start3A_58 : memref<128xi32, #tpu.memory_space<vmem>>) semaphore(%arg12 : memref<!tpu.dma_semaphore, #tpu.memory_space<semaphore_mem>>)
      %add3A_62 = arith.constant 0 : i32
      %add3A_63 = arith.addi %add3A_43, %add3A_62 : i32
      %dma_wait3A_64 = tpu.memref_slice %arg7[%mul3A_49] : memref<8192xi32, #tpu.memory_space<vmem>> -> memref<128xi32, #tpu.memory_space<vmem>>
      %dma_wait3A_65 = arith.constant 0 : i32
      %dma_wait3A_66 = arith.constant 0 : i32
      %dma_wait3A_67 = tpu.memref_slice %arg2[%dma_wait3A_65, %dma_wait3A_66] : memref<100000x256xf32, #tpu.memory_space<hbm>> -> memref<100000x256xf32, #tpu.memory_space<hbm>>
      tpu.wait_indirect_dma semaphore(%arg11 : memref<!tpu.dma_semaphore, #tpu.memory_space<semaphore_mem>>) src(%dma_wait3A_67 : memref<100000x256xf32, #tpu.memory_space<hbm>>) dst(%arg9 : memref<128x256xf32, #tpu.memory_space<vmem>>)
      %mul3A_68 = arith.constant 128 : i32
      %mul3A_69 = arith.muli %add3A_63, %mul3A_68 : i32
      %add3A_70 = arith.addi %mul3A_2, %mul3A_69 : i32
      %dma_start3A_71 = arith.constant 0 : i32
      %dma_start3A_72 = tpu.memref_slice %arg5[%add3A_70, %dma_start3A_71] : memref<262144x256xf32, #tpu.memory_space<hbm>> -> memref<128x256xf32, #tpu.memory_space<hbm>>
      %dma_start3A_73 = arith.constant 0 : i32
      %dma_start3A_74 = tpu.memref_slice %arg5[%add3A_70, %dma_start3A_73] : memref<262144x256xf32, #tpu.memory_space<hbm>> -> memref<128x256xf32, #tpu.memory_space<hbm>>
      tpu.enqueue_dma source(%arg9 : memref<128x256xf32, #tpu.memory_space<vmem>>) target(%dma_start3A_74 : memref<128x256xf32, #tpu.memory_space<hbm>>) target_semaphore(%arg13 : memref<!tpu.dma_semaphore, #tpu.memory_space<semaphore_mem>>)
      %add3A_75 = arith.constant 1 : i32
      %add3A_76 = arith.addi %add3A_43, %add3A_75 : i32
      %dma_wait3A_77 = tpu.memref_slice %arg7[%mul3A_57] : memref<8192xi32, #tpu.memory_space<vmem>> -> memref<128xi32, #tpu.memory_space<vmem>>
      %dma_wait3A_78 = arith.constant 0 : i32
      %dma_wait3A_79 = arith.constant 0 : i32
      %dma_wait3A_80 = tpu.memref_slice %arg2[%dma_wait3A_78, %dma_wait3A_79] : memref<100000x256xf32, #tpu.memory_space<hbm>> -> memref<100000x256xf32, #tpu.memory_space<hbm>>
      tpu.wait_indirect_dma semaphore(%arg12 : memref<!tpu.dma_semaphore, #tpu.memory_space<semaphore_mem>>) src(%dma_wait3A_80 : memref<100000x256xf32, #tpu.memory_space<hbm>>) dst(%arg10 : memref<128x256xf32, #tpu.memory_space<vmem>>)
      %mul3A_81 = arith.constant 128 : i32
      %mul3A_82 = arith.muli %add3A_76, %mul3A_81 : i32
      %add3A_83 = arith.addi %mul3A_2, %mul3A_82 : i32
      %dma_start3A_84 = arith.constant 0 : i32
      %dma_start3A_85 = tpu.memref_slice %arg5[%add3A_83, %dma_start3A_84] : memref<262144x256xf32, #tpu.memory_space<hbm>> -> memref<128x256xf32, #tpu.memory_space<hbm>>
      %dma_start3A_86 = arith.constant 0 : i32
      %dma_start3A_87 = tpu.memref_slice %arg5[%add3A_83, %dma_start3A_86] : memref<262144x256xf32, #tpu.memory_space<hbm>> -> memref<128x256xf32, #tpu.memory_space<hbm>>
      tpu.enqueue_dma source(%arg10 : memref<128x256xf32, #tpu.memory_space<vmem>>) target(%dma_start3A_87 : memref<128x256xf32, #tpu.memory_space<hbm>>) target_semaphore(%arg14 : memref<!tpu.dma_semaphore, #tpu.memory_space<semaphore_mem>>)
    }
    %scan3A_6 = arith.constant 32 : i32
    %dma_wait3A = arith.constant 0 : i32
    %dma_wait3A_7 = tpu.memref_slice %arg5[%mul3A_2, %dma_wait3A] : memref<262144x256xf32, #tpu.memory_space<hbm>> -> memref<128x256xf32, #tpu.memory_space<hbm>>
    %dma_wait3A_8 = arith.constant 0 : i32
    %dma_wait3A_9 = tpu.memref_slice %arg5[%mul3A_2, %dma_wait3A_8] : memref<262144x256xf32, #tpu.memory_space<hbm>> -> memref<128x256xf32, #tpu.memory_space<hbm>>
    tpu.wait_dma2 semaphore(%arg13 : memref<!tpu.dma_semaphore, #tpu.memory_space<semaphore_mem>>) src(%arg9 : memref<128x256xf32, #tpu.memory_space<vmem>>) dst(%dma_wait3A_9 : memref<128x256xf32, #tpu.memory_space<hbm>>)
    %dma_wait3A_10 = arith.constant 0 : i32
    %dma_wait3A_11 = tpu.memref_slice %arg5[%mul3A_2, %dma_wait3A_10] : memref<262144x256xf32, #tpu.memory_space<hbm>> -> memref<128x256xf32, #tpu.memory_space<hbm>>
    %dma_wait3A_12 = arith.constant 0 : i32
    %dma_wait3A_13 = tpu.memref_slice %arg5[%mul3A_2, %dma_wait3A_12] : memref<262144x256xf32, #tpu.memory_space<hbm>> -> memref<128x256xf32, #tpu.memory_space<hbm>>
    tpu.wait_dma2 semaphore(%arg14 : memref<!tpu.dma_semaphore, #tpu.memory_space<semaphore_mem>>) src(%arg10 : memref<128x256xf32, #tpu.memory_space<vmem>>) dst(%dma_wait3A_13 : memref<128x256xf32, #tpu.memory_space<hbm>>)
    %mul3A_14 = arith.constant 256 : i32
    %mul3A_15 = arith.muli %add3A, %mul3A_14 : i32
    "tpu.region"() ({
      %run_scoped3A = tpu.sem_alloc : memref<!tpu.dma_semaphore, #tpu.memory_space<semaphore_mem>>
      %dma_start3A_39 = tpu.memref_slice %arg4[%mul3A_15] : memref<8192xi32, #tpu.memory_space<hbm>> -> memref<256xi32, #tpu.memory_space<hbm>>
      %dma_start3A_40 = tpu.memref_slice %arg4[%mul3A_15] : memref<8192xi32, #tpu.memory_space<hbm>> -> memref<256xi32, #tpu.memory_space<hbm>>
      tpu.enqueue_dma source(%dma_start3A_40 : memref<256xi32, #tpu.memory_space<hbm>>) target(%arg8 : memref<256xi32, #tpu.memory_space<vmem>>) target_semaphore(%run_scoped3A : memref<!tpu.dma_semaphore, #tpu.memory_space<semaphore_mem>>)
      %dma_wait3A_41 = tpu.memref_slice %arg4[%mul3A_15] : memref<8192xi32, #tpu.memory_space<hbm>> -> memref<256xi32, #tpu.memory_space<hbm>>
      %dma_wait3A_42 = tpu.memref_slice %arg4[%mul3A_15] : memref<8192xi32, #tpu.memory_space<hbm>> -> memref<256xi32, #tpu.memory_space<hbm>>
      tpu.wait_dma2 semaphore(%run_scoped3A : memref<!tpu.dma_semaphore, #tpu.memory_space<semaphore_mem>>) src(%dma_wait3A_42 : memref<256xi32, #tpu.memory_space<hbm>>) dst(%arg8 : memref<256xi32, #tpu.memory_space<vmem>>)
      tpu.yield
    }) : () -> ()
    %dma_start3A = arith.constant 0 : i32
    %dma_start3A_16 = tpu.memref_slice %arg8[%dma_start3A] : memref<256xi32, #tpu.memory_space<vmem>> -> memref<128xi32, #tpu.memory_space<vmem>>
    %dma_start3A_17 = arith.constant 0 : i32
    %dma_start3A_18 = arith.constant 0 : i32
    %dma_start3A_19 = tpu.memref_slice %arg2[%dma_start3A_17, %dma_start3A_18] : memref<100000x256xf32, #tpu.memory_space<hbm>> -> memref<100000x256xf32, #tpu.memory_space<hbm>>
    tpu.enqueue_indirect_dma source(%dma_start3A_19 : memref<100000x256xf32, #tpu.memory_space<hbm>>) target(%arg9 : memref<128x256xf32, #tpu.memory_space<vmem>>) offsets(%dma_start3A_16 : memref<128xi32, #tpu.memory_space<vmem>>) semaphore(%arg11 : memref<!tpu.dma_semaphore, #tpu.memory_space<semaphore_mem>>)
    %dma_wait3A_20 = arith.constant 0 : i32
    %dma_wait3A_21 = tpu.memref_slice %arg8[%dma_wait3A_20] : memref<256xi32, #tpu.memory_space<vmem>> -> memref<128xi32, #tpu.memory_space<vmem>>
    %dma_wait3A_22 = arith.constant 0 : i32
    %dma_wait3A_23 = arith.constant 0 : i32
    %dma_wait3A_24 = tpu.memref_slice %arg2[%dma_wait3A_22, %dma_wait3A_23] : memref<100000x256xf32, #tpu.memory_space<hbm>> -> memref<100000x256xf32, #tpu.memory_space<hbm>>
    tpu.wait_indirect_dma semaphore(%arg11 : memref<!tpu.dma_semaphore, #tpu.memory_space<semaphore_mem>>) src(%dma_wait3A_24 : memref<100000x256xf32, #tpu.memory_space<hbm>>) dst(%arg9 : memref<128x256xf32, #tpu.memory_space<vmem>>)
    %add3A_25 = arith.constant 0 : i32
    %add3A_26 = arith.addi %mul3A_15, %add3A_25 : i32
    "tpu.region"() ({
      %run_scoped3A = tpu.sem_alloc : memref<!tpu.dma_semaphore, #tpu.memory_space<semaphore_mem>>
      %dma_start3A_39 = arith.constant 0 : i32
      %dma_start3A_40 = tpu.memref_slice %arg6[%add3A_26, %dma_start3A_39] : memref<8192x256xf32, #tpu.memory_space<hbm>> -> memref<128x256xf32, #tpu.memory_space<hbm>>
      %dma_start3A_41 = arith.constant 0 : i32
      %dma_start3A_42 = tpu.memref_slice %arg6[%add3A_26, %dma_start3A_41] : memref<8192x256xf32, #tpu.memory_space<hbm>> -> memref<128x256xf32, #tpu.memory_space<hbm>>
      tpu.enqueue_dma source(%arg9 : memref<128x256xf32, #tpu.memory_space<vmem>>) target(%dma_start3A_42 : memref<128x256xf32, #tpu.memory_space<hbm>>) target_semaphore(%run_scoped3A : memref<!tpu.dma_semaphore, #tpu.memory_space<semaphore_mem>>)
      %dma_wait3A_43 = arith.constant 0 : i32
      %dma_wait3A_44 = tpu.memref_slice %arg6[%add3A_26, %dma_wait3A_43] : memref<8192x256xf32, #tpu.memory_space<hbm>> -> memref<128x256xf32, #tpu.memory_space<hbm>>
      %dma_wait3A_45 = arith.constant 0 : i32
      %dma_wait3A_46 = tpu.memref_slice %arg6[%add3A_26, %dma_wait3A_45] : memref<8192x256xf32, #tpu.memory_space<hbm>> -> memref<128x256xf32, #tpu.memory_space<hbm>>
      tpu.wait_dma2 semaphore(%run_scoped3A : memref<!tpu.dma_semaphore, #tpu.memory_space<semaphore_mem>>) src(%arg9 : memref<128x256xf32, #tpu.memory_space<vmem>>) dst(%dma_wait3A_46 : memref<128x256xf32, #tpu.memory_space<hbm>>)
      tpu.yield
    }) : () -> ()
    %dma_start3A_27 = arith.constant 128 : i32
    %dma_start3A_28 = tpu.memref_slice %arg8[%dma_start3A_27] : memref<256xi32, #tpu.memory_space<vmem>> -> memref<128xi32, #tpu.memory_space<vmem>>
    %dma_start3A_29 = arith.constant 0 : i32
    %dma_start3A_30 = arith.constant 0 : i32
    %dma_start3A_31 = tpu.memref_slice %arg2[%dma_start3A_29, %dma_start3A_30] : memref<100000x256xf32, #tpu.memory_space<hbm>> -> memref<100000x256xf32, #tpu.memory_space<hbm>>
    tpu.enqueue_indirect_dma source(%dma_start3A_31 : memref<100000x256xf32, #tpu.memory_space<hbm>>) target(%arg10 : memref<128x256xf32, #tpu.memory_space<vmem>>) offsets(%dma_start3A_28 : memref<128xi32, #tpu.memory_space<vmem>>) semaphore(%arg12 : memref<!tpu.dma_semaphore, #tpu.memory_space<semaphore_mem>>)
    %dma_wait3A_32 = arith.constant 128 : i32
    %dma_wait3A_33 = tpu.memref_slice %arg8[%dma_wait3A_32] : memref<256xi32, #tpu.memory_space<vmem>> -> memref<128xi32, #tpu.memory_space<vmem>>
    %dma_wait3A_34 = arith.constant 0 : i32
    %dma_wait3A_35 = arith.constant 0 : i32
    %dma_wait3A_36 = tpu.memref_slice %arg2[%dma_wait3A_34, %dma_wait3A_35] : memref<100000x256xf32, #tpu.memory_space<hbm>> -> memref<100000x256xf32, #tpu.memory_space<hbm>>
    tpu.wait_indirect_dma semaphore(%arg12 : memref<!tpu.dma_semaphore, #tpu.memory_space<semaphore_mem>>) src(%dma_wait3A_36 : memref<100000x256xf32, #tpu.memory_space<hbm>>) dst(%arg10 : memref<128x256xf32, #tpu.memory_space<vmem>>)
    %add3A_37 = arith.constant 128 : i32
    %add3A_38 = arith.addi %mul3A_15, %add3A_37 : i32
    "tpu.region"() ({
      %run_scoped3A = tpu.sem_alloc : memref<!tpu.dma_semaphore, #tpu.memory_space<semaphore_mem>>
      %dma_start3A_39 = arith.constant 0 : i32
      %dma_start3A_40 = tpu.memref_slice %arg6[%add3A_38, %dma_start3A_39] : memref<8192x256xf32, #tpu.memory_space<hbm>> -> memref<128x256xf32, #tpu.memory_space<hbm>>
      %dma_start3A_41 = arith.constant 0 : i32
      %dma_start3A_42 = tpu.memref_slice %arg6[%add3A_38, %dma_start3A_41] : memref<8192x256xf32, #tpu.memory_space<hbm>> -> memref<128x256xf32, #tpu.memory_space<hbm>>
      tpu.enqueue_dma source(%arg10 : memref<128x256xf32, #tpu.memory_space<vmem>>) target(%dma_start3A_42 : memref<128x256xf32, #tpu.memory_space<hbm>>) target_semaphore(%run_scoped3A : memref<!tpu.dma_semaphore, #tpu.memory_space<semaphore_mem>>)
      %dma_wait3A_43 = arith.constant 0 : i32
      %dma_wait3A_44 = tpu.memref_slice %arg6[%add3A_38, %dma_wait3A_43] : memref<8192x256xf32, #tpu.memory_space<hbm>> -> memref<128x256xf32, #tpu.memory_space<hbm>>
      %dma_wait3A_45 = arith.constant 0 : i32
      %dma_wait3A_46 = tpu.memref_slice %arg6[%add3A_38, %dma_wait3A_45] : memref<8192x256xf32, #tpu.memory_space<hbm>> -> memref<128x256xf32, #tpu.memory_space<hbm>>
      tpu.wait_dma2 semaphore(%run_scoped3A : memref<!tpu.dma_semaphore, #tpu.memory_space<semaphore_mem>>) src(%arg10 : memref<128x256xf32, #tpu.memory_space<vmem>>) dst(%dma_wait3A_46 : memref<128x256xf32, #tpu.memory_space<hbm>>)
      tpu.yield
    }) : () -> ()
    return
  }
}

#map = affine_map<(d0, d1) -> (0, 0)>
#map1 = affine_map<(d0, d1) -> (0)>
module attributes {stable_mosaic.version = 14 : i64} {
  func.func @sc_gather_edges(%arg0: i32, %arg1: i32, %arg2: memref<16x3200000xf32, #tpu.memory_space<hbm>>, %arg3: memref<262144xi32, #tpu.memory_space<hbm>>, %arg4: memref<16x262144xf32, #tpu.memory_space<hbm>>, %arg5: memref<8192xi32, #tpu.memory_space<vmem>>, %arg6: memref<16x128xf32, #tpu.memory_space<vmem>>, %arg7: memref<16x128xf32, #tpu.memory_space<vmem>>, %arg8: memref<!tpu.dma_semaphore, #tpu.memory_space<semaphore_mem>>, %arg9: memref<!tpu.dma_semaphore, #tpu.memory_space<semaphore_mem>>, %arg10: memref<!tpu.dma_semaphore, #tpu.memory_space<semaphore_mem>>, %arg11: memref<!tpu.dma_semaphore, #tpu.memory_space<semaphore_mem>>) attributes {dimension_semantics = [#tpu.dimension_semantics<core_parallel>, #tpu.dimension_semantics<subcore_parallel>], iteration_bounds = array<i64: 2, 16>, scalar_prefetch = 0 : i64, scratch_operands = 7 : i64, tpu.core_type = #tpu.core_type<sc_vector_subcore>, window_params = [{transform_indices = #map}, {transform_indices = #map1}, {transform_indices = #map}]} {
    %mul3A = arith.constant 2 : i32
    %mul3A_0 = arith.muli %arg1, %mul3A : i32
    %add3A = arith.addi %mul3A_0, %arg0 : i32
    %mul3A_1 = arith.constant 8192 : i32
    %mul3A_2 = arith.muli %add3A, %mul3A_1 : i32
    "tpu.region"() ({
      %run_scoped3A = tpu.sem_alloc : memref<!tpu.dma_semaphore, #tpu.memory_space<semaphore_mem>>
      %dma_start3A = tpu.memref_slice %arg3[%mul3A_2] : memref<262144xi32, #tpu.memory_space<hbm>> -> memref<8192xi32, #tpu.memory_space<hbm>>
      %dma_start3A_14 = tpu.memref_slice %arg3[%mul3A_2] : memref<262144xi32, #tpu.memory_space<hbm>> -> memref<8192xi32, #tpu.memory_space<hbm>>
      tpu.enqueue_dma source(%dma_start3A_14 : memref<8192xi32, #tpu.memory_space<hbm>>) target(%arg5 : memref<8192xi32, #tpu.memory_space<vmem>>) target_semaphore(%run_scoped3A : memref<!tpu.dma_semaphore, #tpu.memory_space<semaphore_mem>>)
      %dma_wait3A_15 = tpu.memref_slice %arg3[%mul3A_2] : memref<262144xi32, #tpu.memory_space<hbm>> -> memref<8192xi32, #tpu.memory_space<hbm>>
      %dma_wait3A_16 = tpu.memref_slice %arg3[%mul3A_2] : memref<262144xi32, #tpu.memory_space<hbm>> -> memref<8192xi32, #tpu.memory_space<hbm>>
      tpu.wait_dma2 semaphore(%run_scoped3A : memref<!tpu.dma_semaphore, #tpu.memory_space<semaphore_mem>>) src(%dma_wait3A_16 : memref<8192xi32, #tpu.memory_space<hbm>>) dst(%arg5 : memref<8192xi32, #tpu.memory_space<vmem>>)
      tpu.yield
    }) : () -> ()
    %scan3A = arith.constant 0 : i32
    %scan3A_3 = arith.constant 32 : i32
    %scan3A_4 = arith.addi %scan3A, %scan3A_3 : i32
    %scan3A_5 = arith.constant 1 : i32
    scf.for %scan3A_14 = %scan3A to %scan3A_4 step %scan3A_5  : i32 {
      %mul3A_15 = arith.constant 2 : i32
      %mul3A_16 = arith.muli %scan3A_14, %mul3A_15 : i32
      %add3A_17 = arith.constant 0 : i32
      %add3A_18 = arith.addi %add3A_17, %mul3A_16 : i32
      %gt3A = arith.constant 0 : i32
      %gt3A_19 = arith.cmpi sgt, %add3A_18, %gt3A : i32
      %convert_element_type3A = arith.extui %gt3A_19 : i1 to i32
      %cond3A = arith.constant 0 : i32
      %cond3A_20 = arith.cmpi ne, %convert_element_type3A, %cond3A : i32
      scf.if %cond3A_20 {
        %dma_wait3A_750 = arith.constant 0 : i32
        %dma_wait3A_751 = tpu.memref_slice %arg4[%dma_wait3A_750, %mul3A_2] : memref<16x262144xf32, #tpu.memory_space<hbm>> -> memref<16x128xf32, #tpu.memory_space<hbm>>
        %dma_wait3A_752 = arith.constant 0 : i32
        %dma_wait3A_753 = tpu.memref_slice %arg4[%dma_wait3A_752, %mul3A_2] : memref<16x262144xf32, #tpu.memory_space<hbm>> -> memref<16x128xf32, #tpu.memory_space<hbm>>
        tpu.wait_dma2 semaphore(%arg10 : memref<!tpu.dma_semaphore, #tpu.memory_space<semaphore_mem>>) src(%arg6 : memref<16x128xf32, #tpu.memory_space<vmem>>) dst(%dma_wait3A_753 : memref<16x128xf32, #tpu.memory_space<hbm>>)
        %dma_wait3A_754 = arith.constant 0 : i32
        %dma_wait3A_755 = tpu.memref_slice %arg4[%dma_wait3A_754, %mul3A_2] : memref<16x262144xf32, #tpu.memory_space<hbm>> -> memref<16x128xf32, #tpu.memory_space<hbm>>
        %dma_wait3A_756 = arith.constant 0 : i32
        %dma_wait3A_757 = tpu.memref_slice %arg4[%dma_wait3A_756, %mul3A_2] : memref<16x262144xf32, #tpu.memory_space<hbm>> -> memref<16x128xf32, #tpu.memory_space<hbm>>
        tpu.wait_dma2 semaphore(%arg11 : memref<!tpu.dma_semaphore, #tpu.memory_space<semaphore_mem>>) src(%arg7 : memref<16x128xf32, #tpu.memory_space<vmem>>) dst(%dma_wait3A_757 : memref<16x128xf32, #tpu.memory_space<hbm>>)
      } else {
      }
      %add3A_21 = arith.constant 0 : i32
      %add3A_22 = arith.addi %add3A_18, %add3A_21 : i32
      %mul3A_23 = arith.constant 128 : i32
      %mul3A_24 = arith.muli %add3A_22, %mul3A_23 : i32
      %dma_start3A = arith.constant 0 : i32
      %dma_start3A_25 = arith.constant 0 : i32
      %dma_start3A_26 = arith.constant 0 : i32
      %dma_start3A_27 = tpu.memref_slice %arg6[%dma_start3A_25, %dma_start3A_26] : memref<16x128xf32, #tpu.memory_space<vmem>> -> memref<1x128xf32, #tpu.memory_space<vmem>>
      %dma_start3A_28 = tpu.memref_squeeze %dma_start3A_27 : memref<1x128xf32, #tpu.memory_space<vmem>> -> memref<128xf32, #tpu.memory_space<vmem>>
      %dma_start3A_29 = tpu.memref_slice %arg5[%mul3A_24] : memref<8192xi32, #tpu.memory_space<vmem>> -> memref<128xi32, #tpu.memory_space<vmem>>
      %dma_start3A_30 = arith.constant 0 : i32
      %dma_start3A_31 = tpu.memref_slice %arg2[%dma_start3A, %dma_start3A_30] : memref<16x3200000xf32, #tpu.memory_space<hbm>> -> memref<1x3200000xf32, #tpu.memory_space<hbm>>
      %dma_start3A_32 = tpu.memref_squeeze %dma_start3A_31 : memref<1x3200000xf32, #tpu.memory_space<hbm>> -> memref<3200000xf32, #tpu.memory_space<hbm>>
      %dma_start3A_33 = arith.constant 0 : i32
      %dma_start3A_34 = tpu.memref_slice %dma_start3A_32[%dma_start3A_33] : memref<3200000xf32, #tpu.memory_space<hbm>> -> memref<3200000xf32, #tpu.memory_space<hbm>>
      tpu.enqueue_indirect_dma source(%dma_start3A_34 : memref<3200000xf32, #tpu.memory_space<hbm>>) target(%dma_start3A_28 : memref<128xf32, #tpu.memory_space<vmem>>) offsets(%dma_start3A_29 : memref<128xi32, #tpu.memory_space<vmem>>) semaphore(%arg8 : memref<!tpu.dma_semaphore, #tpu.memory_space<semaphore_mem>>)
      %dma_start3A_35 = arith.constant 1 : i32
      %dma_start3A_36 = arith.constant 1 : i32
      %dma_start3A_37 = arith.constant 0 : i32
      %dma_start3A_38 = tpu.memref_slice %arg6[%dma_start3A_36, %dma_start3A_37] : memref<16x128xf32, #tpu.memory_space<vmem>> -> memref<1x128xf32, #tpu.memory_space<vmem>>
      %dma_start3A_39 = tpu.memref_squeeze %dma_start3A_38 : memref<1x128xf32, #tpu.memory_space<vmem>> -> memref<128xf32, #tpu.memory_space<vmem>>
      %dma_start3A_40 = tpu.memref_slice %arg5[%mul3A_24] : memref<8192xi32, #tpu.memory_space<vmem>> -> memref<128xi32, #tpu.memory_space<vmem>>
      %dma_start3A_41 = arith.constant 0 : i32
      %dma_start3A_42 = tpu.memref_slice %arg2[%dma_start3A_35, %dma_start3A_41] : memref<16x3200000xf32, #tpu.memory_space<hbm>> -> memref<1x3200000xf32, #tpu.memory_space<hbm>>
      %dma_start3A_43 = tpu.memref_squeeze %dma_start3A_42 : memref<1x3200000xf32, #tpu.memory_space<hbm>> -> memref<3200000xf32, #tpu.memory_space<hbm>>
      %dma_start3A_44 = arith.constant 0 : i32
      %dma_start3A_45 = tpu.memref_slice %dma_start3A_43[%dma_start3A_44] : memref<3200000xf32, #tpu.memory_space<hbm>> -> memref<3200000xf32, #tpu.memory_space<hbm>>
      tpu.enqueue_indirect_dma source(%dma_start3A_45 : memref<3200000xf32, #tpu.memory_space<hbm>>) target(%dma_start3A_39 : memref<128xf32, #tpu.memory_space<vmem>>) offsets(%dma_start3A_40 : memref<128xi32, #tpu.memory_space<vmem>>) semaphore(%arg8 : memref<!tpu.dma_semaphore, #tpu.memory_space<semaphore_mem>>)
      %dma_start3A_46 = arith.constant 2 : i32
      %dma_start3A_47 = arith.constant 2 : i32
      %dma_start3A_48 = arith.constant 0 : i32
      %dma_start3A_49 = tpu.memref_slice %arg6[%dma_start3A_47, %dma_start3A_48] : memref<16x128xf32, #tpu.memory_space<vmem>> -> memref<1x128xf32, #tpu.memory_space<vmem>>
      %dma_start3A_50 = tpu.memref_squeeze %dma_start3A_49 : memref<1x128xf32, #tpu.memory_space<vmem>> -> memref<128xf32, #tpu.memory_space<vmem>>
      %dma_start3A_51 = tpu.memref_slice %arg5[%mul3A_24] : memref<8192xi32, #tpu.memory_space<vmem>> -> memref<128xi32, #tpu.memory_space<vmem>>
      %dma_start3A_52 = arith.constant 0 : i32
      %dma_start3A_53 = tpu.memref_slice %arg2[%dma_start3A_46, %dma_start3A_52] : memref<16x3200000xf32, #tpu.memory_space<hbm>> -> memref<1x3200000xf32, #tpu.memory_space<hbm>>
      %dma_start3A_54 = tpu.memref_squeeze %dma_start3A_53 : memref<1x3200000xf32, #tpu.memory_space<hbm>> -> memref<3200000xf32, #tpu.memory_space<hbm>>
      %dma_start3A_55 = arith.constant 0 : i32
      %dma_start3A_56 = tpu.memref_slice %dma_start3A_54[%dma_start3A_55] : memref<3200000xf32, #tpu.memory_space<hbm>> -> memref<3200000xf32, #tpu.memory_space<hbm>>
      tpu.enqueue_indirect_dma source(%dma_start3A_56 : memref<3200000xf32, #tpu.memory_space<hbm>>) target(%dma_start3A_50 : memref<128xf32, #tpu.memory_space<vmem>>) offsets(%dma_start3A_51 : memref<128xi32, #tpu.memory_space<vmem>>) semaphore(%arg8 : memref<!tpu.dma_semaphore, #tpu.memory_space<semaphore_mem>>)
      %dma_start3A_57 = arith.constant 3 : i32
      %dma_start3A_58 = arith.constant 3 : i32
      %dma_start3A_59 = arith.constant 0 : i32
      %dma_start3A_60 = tpu.memref_slice %arg6[%dma_start3A_58, %dma_start3A_59] : memref<16x128xf32, #tpu.memory_space<vmem>> -> memref<1x128xf32, #tpu.memory_space<vmem>>
      %dma_start3A_61 = tpu.memref_squeeze %dma_start3A_60 : memref<1x128xf32, #tpu.memory_space<vmem>> -> memref<128xf32, #tpu.memory_space<vmem>>
      %dma_start3A_62 = tpu.memref_slice %arg5[%mul3A_24] : memref<8192xi32, #tpu.memory_space<vmem>> -> memref<128xi32, #tpu.memory_space<vmem>>
      %dma_start3A_63 = arith.constant 0 : i32
      %dma_start3A_64 = tpu.memref_slice %arg2[%dma_start3A_57, %dma_start3A_63] : memref<16x3200000xf32, #tpu.memory_space<hbm>> -> memref<1x3200000xf32, #tpu.memory_space<hbm>>
      %dma_start3A_65 = tpu.memref_squeeze %dma_start3A_64 : memref<1x3200000xf32, #tpu.memory_space<hbm>> -> memref<3200000xf32, #tpu.memory_space<hbm>>
      %dma_start3A_66 = arith.constant 0 : i32
      %dma_start3A_67 = tpu.memref_slice %dma_start3A_65[%dma_start3A_66] : memref<3200000xf32, #tpu.memory_space<hbm>> -> memref<3200000xf32, #tpu.memory_space<hbm>>
      tpu.enqueue_indirect_dma source(%dma_start3A_67 : memref<3200000xf32, #tpu.memory_space<hbm>>) target(%dma_start3A_61 : memref<128xf32, #tpu.memory_space<vmem>>) offsets(%dma_start3A_62 : memref<128xi32, #tpu.memory_space<vmem>>) semaphore(%arg8 : memref<!tpu.dma_semaphore, #tpu.memory_space<semaphore_mem>>)
      %dma_start3A_68 = arith.constant 4 : i32
      %dma_start3A_69 = arith.constant 4 : i32
      %dma_start3A_70 = arith.constant 0 : i32
      %dma_start3A_71 = tpu.memref_slice %arg6[%dma_start3A_69, %dma_start3A_70] : memref<16x128xf32, #tpu.memory_space<vmem>> -> memref<1x128xf32, #tpu.memory_space<vmem>>
      %dma_start3A_72 = tpu.memref_squeeze %dma_start3A_71 : memref<1x128xf32, #tpu.memory_space<vmem>> -> memref<128xf32, #tpu.memory_space<vmem>>
      %dma_start3A_73 = tpu.memref_slice %arg5[%mul3A_24] : memref<8192xi32, #tpu.memory_space<vmem>> -> memref<128xi32, #tpu.memory_space<vmem>>
      %dma_start3A_74 = arith.constant 0 : i32
      %dma_start3A_75 = tpu.memref_slice %arg2[%dma_start3A_68, %dma_start3A_74] : memref<16x3200000xf32, #tpu.memory_space<hbm>> -> memref<1x3200000xf32, #tpu.memory_space<hbm>>
      %dma_start3A_76 = tpu.memref_squeeze %dma_start3A_75 : memref<1x3200000xf32, #tpu.memory_space<hbm>> -> memref<3200000xf32, #tpu.memory_space<hbm>>
      %dma_start3A_77 = arith.constant 0 : i32
      %dma_start3A_78 = tpu.memref_slice %dma_start3A_76[%dma_start3A_77] : memref<3200000xf32, #tpu.memory_space<hbm>> -> memref<3200000xf32, #tpu.memory_space<hbm>>
      tpu.enqueue_indirect_dma source(%dma_start3A_78 : memref<3200000xf32, #tpu.memory_space<hbm>>) target(%dma_start3A_72 : memref<128xf32, #tpu.memory_space<vmem>>) offsets(%dma_start3A_73 : memref<128xi32, #tpu.memory_space<vmem>>) semaphore(%arg8 : memref<!tpu.dma_semaphore, #tpu.memory_space<semaphore_mem>>)
      %dma_start3A_79 = arith.constant 5 : i32
      %dma_start3A_80 = arith.constant 5 : i32
      %dma_start3A_81 = arith.constant 0 : i32
      %dma_start3A_82 = tpu.memref_slice %arg6[%dma_start3A_80, %dma_start3A_81] : memref<16x128xf32, #tpu.memory_space<vmem>> -> memref<1x128xf32, #tpu.memory_space<vmem>>
      %dma_start3A_83 = tpu.memref_squeeze %dma_start3A_82 : memref<1x128xf32, #tpu.memory_space<vmem>> -> memref<128xf32, #tpu.memory_space<vmem>>
      %dma_start3A_84 = tpu.memref_slice %arg5[%mul3A_24] : memref<8192xi32, #tpu.memory_space<vmem>> -> memref<128xi32, #tpu.memory_space<vmem>>
      %dma_start3A_85 = arith.constant 0 : i32
      %dma_start3A_86 = tpu.memref_slice %arg2[%dma_start3A_79, %dma_start3A_85] : memref<16x3200000xf32, #tpu.memory_space<hbm>> -> memref<1x3200000xf32, #tpu.memory_space<hbm>>
      %dma_start3A_87 = tpu.memref_squeeze %dma_start3A_86 : memref<1x3200000xf32, #tpu.memory_space<hbm>> -> memref<3200000xf32, #tpu.memory_space<hbm>>
      %dma_start3A_88 = arith.constant 0 : i32
      %dma_start3A_89 = tpu.memref_slice %dma_start3A_87[%dma_start3A_88] : memref<3200000xf32, #tpu.memory_space<hbm>> -> memref<3200000xf32, #tpu.memory_space<hbm>>
      tpu.enqueue_indirect_dma source(%dma_start3A_89 : memref<3200000xf32, #tpu.memory_space<hbm>>) target(%dma_start3A_83 : memref<128xf32, #tpu.memory_space<vmem>>) offsets(%dma_start3A_84 : memref<128xi32, #tpu.memory_space<vmem>>) semaphore(%arg8 : memref<!tpu.dma_semaphore, #tpu.memory_space<semaphore_mem>>)
      %dma_start3A_90 = arith.constant 6 : i32
      %dma_start3A_91 = arith.constant 6 : i32
      %dma_start3A_92 = arith.constant 0 : i32
      %dma_start3A_93 = tpu.memref_slice %arg6[%dma_start3A_91, %dma_start3A_92] : memref<16x128xf32, #tpu.memory_space<vmem>> -> memref<1x128xf32, #tpu.memory_space<vmem>>
      %dma_start3A_94 = tpu.memref_squeeze %dma_start3A_93 : memref<1x128xf32, #tpu.memory_space<vmem>> -> memref<128xf32, #tpu.memory_space<vmem>>
      %dma_start3A_95 = tpu.memref_slice %arg5[%mul3A_24] : memref<8192xi32, #tpu.memory_space<vmem>> -> memref<128xi32, #tpu.memory_space<vmem>>
      %dma_start3A_96 = arith.constant 0 : i32
      %dma_start3A_97 = tpu.memref_slice %arg2[%dma_start3A_90, %dma_start3A_96] : memref<16x3200000xf32, #tpu.memory_space<hbm>> -> memref<1x3200000xf32, #tpu.memory_space<hbm>>
      %dma_start3A_98 = tpu.memref_squeeze %dma_start3A_97 : memref<1x3200000xf32, #tpu.memory_space<hbm>> -> memref<3200000xf32, #tpu.memory_space<hbm>>
      %dma_start3A_99 = arith.constant 0 : i32
      %dma_start3A_100 = tpu.memref_slice %dma_start3A_98[%dma_start3A_99] : memref<3200000xf32, #tpu.memory_space<hbm>> -> memref<3200000xf32, #tpu.memory_space<hbm>>
      tpu.enqueue_indirect_dma source(%dma_start3A_100 : memref<3200000xf32, #tpu.memory_space<hbm>>) target(%dma_start3A_94 : memref<128xf32, #tpu.memory_space<vmem>>) offsets(%dma_start3A_95 : memref<128xi32, #tpu.memory_space<vmem>>) semaphore(%arg8 : memref<!tpu.dma_semaphore, #tpu.memory_space<semaphore_mem>>)
      %dma_start3A_101 = arith.constant 7 : i32
      %dma_start3A_102 = arith.constant 7 : i32
      %dma_start3A_103 = arith.constant 0 : i32
      %dma_start3A_104 = tpu.memref_slice %arg6[%dma_start3A_102, %dma_start3A_103] : memref<16x128xf32, #tpu.memory_space<vmem>> -> memref<1x128xf32, #tpu.memory_space<vmem>>
      %dma_start3A_105 = tpu.memref_squeeze %dma_start3A_104 : memref<1x128xf32, #tpu.memory_space<vmem>> -> memref<128xf32, #tpu.memory_space<vmem>>
      %dma_start3A_106 = tpu.memref_slice %arg5[%mul3A_24] : memref<8192xi32, #tpu.memory_space<vmem>> -> memref<128xi32, #tpu.memory_space<vmem>>
      %dma_start3A_107 = arith.constant 0 : i32
      %dma_start3A_108 = tpu.memref_slice %arg2[%dma_start3A_101, %dma_start3A_107] : memref<16x3200000xf32, #tpu.memory_space<hbm>> -> memref<1x3200000xf32, #tpu.memory_space<hbm>>
      %dma_start3A_109 = tpu.memref_squeeze %dma_start3A_108 : memref<1x3200000xf32, #tpu.memory_space<hbm>> -> memref<3200000xf32, #tpu.memory_space<hbm>>
      %dma_start3A_110 = arith.constant 0 : i32
      %dma_start3A_111 = tpu.memref_slice %dma_start3A_109[%dma_start3A_110] : memref<3200000xf32, #tpu.memory_space<hbm>> -> memref<3200000xf32, #tpu.memory_space<hbm>>
      tpu.enqueue_indirect_dma source(%dma_start3A_111 : memref<3200000xf32, #tpu.memory_space<hbm>>) target(%dma_start3A_105 : memref<128xf32, #tpu.memory_space<vmem>>) offsets(%dma_start3A_106 : memref<128xi32, #tpu.memory_space<vmem>>) semaphore(%arg8 : memref<!tpu.dma_semaphore, #tpu.memory_space<semaphore_mem>>)
      %dma_start3A_112 = arith.constant 8 : i32
      %dma_start3A_113 = arith.constant 8 : i32
      %dma_start3A_114 = arith.constant 0 : i32
      %dma_start3A_115 = tpu.memref_slice %arg6[%dma_start3A_113, %dma_start3A_114] : memref<16x128xf32, #tpu.memory_space<vmem>> -> memref<1x128xf32, #tpu.memory_space<vmem>>
      %dma_start3A_116 = tpu.memref_squeeze %dma_start3A_115 : memref<1x128xf32, #tpu.memory_space<vmem>> -> memref<128xf32, #tpu.memory_space<vmem>>
      %dma_start3A_117 = tpu.memref_slice %arg5[%mul3A_24] : memref<8192xi32, #tpu.memory_space<vmem>> -> memref<128xi32, #tpu.memory_space<vmem>>
      %dma_start3A_118 = arith.constant 0 : i32
      %dma_start3A_119 = tpu.memref_slice %arg2[%dma_start3A_112, %dma_start3A_118] : memref<16x3200000xf32, #tpu.memory_space<hbm>> -> memref<1x3200000xf32, #tpu.memory_space<hbm>>
      %dma_start3A_120 = tpu.memref_squeeze %dma_start3A_119 : memref<1x3200000xf32, #tpu.memory_space<hbm>> -> memref<3200000xf32, #tpu.memory_space<hbm>>
      %dma_start3A_121 = arith.constant 0 : i32
      %dma_start3A_122 = tpu.memref_slice %dma_start3A_120[%dma_start3A_121] : memref<3200000xf32, #tpu.memory_space<hbm>> -> memref<3200000xf32, #tpu.memory_space<hbm>>
      tpu.enqueue_indirect_dma source(%dma_start3A_122 : memref<3200000xf32, #tpu.memory_space<hbm>>) target(%dma_start3A_116 : memref<128xf32, #tpu.memory_space<vmem>>) offsets(%dma_start3A_117 : memref<128xi32, #tpu.memory_space<vmem>>) semaphore(%arg8 : memref<!tpu.dma_semaphore, #tpu.memory_space<semaphore_mem>>)
      %dma_start3A_123 = arith.constant 9 : i32
      %dma_start3A_124 = arith.constant 9 : i32
      %dma_start3A_125 = arith.constant 0 : i32
      %dma_start3A_126 = tpu.memref_slice %arg6[%dma_start3A_124, %dma_start3A_125] : memref<16x128xf32, #tpu.memory_space<vmem>> -> memref<1x128xf32, #tpu.memory_space<vmem>>
      %dma_start3A_127 = tpu.memref_squeeze %dma_start3A_126 : memref<1x128xf32, #tpu.memory_space<vmem>> -> memref<128xf32, #tpu.memory_space<vmem>>
      %dma_start3A_128 = tpu.memref_slice %arg5[%mul3A_24] : memref<8192xi32, #tpu.memory_space<vmem>> -> memref<128xi32, #tpu.memory_space<vmem>>
      %dma_start3A_129 = arith.constant 0 : i32
      %dma_start3A_130 = tpu.memref_slice %arg2[%dma_start3A_123, %dma_start3A_129] : memref<16x3200000xf32, #tpu.memory_space<hbm>> -> memref<1x3200000xf32, #tpu.memory_space<hbm>>
      %dma_start3A_131 = tpu.memref_squeeze %dma_start3A_130 : memref<1x3200000xf32, #tpu.memory_space<hbm>> -> memref<3200000xf32, #tpu.memory_space<hbm>>
      %dma_start3A_132 = arith.constant 0 : i32
      %dma_start3A_133 = tpu.memref_slice %dma_start3A_131[%dma_start3A_132] : memref<3200000xf32, #tpu.memory_space<hbm>> -> memref<3200000xf32, #tpu.memory_space<hbm>>
      tpu.enqueue_indirect_dma source(%dma_start3A_133 : memref<3200000xf32, #tpu.memory_space<hbm>>) target(%dma_start3A_127 : memref<128xf32, #tpu.memory_space<vmem>>) offsets(%dma_start3A_128 : memref<128xi32, #tpu.memory_space<vmem>>) semaphore(%arg8 : memref<!tpu.dma_semaphore, #tpu.memory_space<semaphore_mem>>)
      %dma_start3A_134 = arith.constant 10 : i32
      %dma_start3A_135 = arith.constant 10 : i32
      %dma_start3A_136 = arith.constant 0 : i32
      %dma_start3A_137 = tpu.memref_slice %arg6[%dma_start3A_135, %dma_start3A_136] : memref<16x128xf32, #tpu.memory_space<vmem>> -> memref<1x128xf32, #tpu.memory_space<vmem>>
      %dma_start3A_138 = tpu.memref_squeeze %dma_start3A_137 : memref<1x128xf32, #tpu.memory_space<vmem>> -> memref<128xf32, #tpu.memory_space<vmem>>
      %dma_start3A_139 = tpu.memref_slice %arg5[%mul3A_24] : memref<8192xi32, #tpu.memory_space<vmem>> -> memref<128xi32, #tpu.memory_space<vmem>>
      %dma_start3A_140 = arith.constant 0 : i32
      %dma_start3A_141 = tpu.memref_slice %arg2[%dma_start3A_134, %dma_start3A_140] : memref<16x3200000xf32, #tpu.memory_space<hbm>> -> memref<1x3200000xf32, #tpu.memory_space<hbm>>
      %dma_start3A_142 = tpu.memref_squeeze %dma_start3A_141 : memref<1x3200000xf32, #tpu.memory_space<hbm>> -> memref<3200000xf32, #tpu.memory_space<hbm>>
      %dma_start3A_143 = arith.constant 0 : i32
      %dma_start3A_144 = tpu.memref_slice %dma_start3A_142[%dma_start3A_143] : memref<3200000xf32, #tpu.memory_space<hbm>> -> memref<3200000xf32, #tpu.memory_space<hbm>>
      tpu.enqueue_indirect_dma source(%dma_start3A_144 : memref<3200000xf32, #tpu.memory_space<hbm>>) target(%dma_start3A_138 : memref<128xf32, #tpu.memory_space<vmem>>) offsets(%dma_start3A_139 : memref<128xi32, #tpu.memory_space<vmem>>) semaphore(%arg8 : memref<!tpu.dma_semaphore, #tpu.memory_space<semaphore_mem>>)
      %dma_start3A_145 = arith.constant 11 : i32
      %dma_start3A_146 = arith.constant 11 : i32
      %dma_start3A_147 = arith.constant 0 : i32
      %dma_start3A_148 = tpu.memref_slice %arg6[%dma_start3A_146, %dma_start3A_147] : memref<16x128xf32, #tpu.memory_space<vmem>> -> memref<1x128xf32, #tpu.memory_space<vmem>>
      %dma_start3A_149 = tpu.memref_squeeze %dma_start3A_148 : memref<1x128xf32, #tpu.memory_space<vmem>> -> memref<128xf32, #tpu.memory_space<vmem>>
      %dma_start3A_150 = tpu.memref_slice %arg5[%mul3A_24] : memref<8192xi32, #tpu.memory_space<vmem>> -> memref<128xi32, #tpu.memory_space<vmem>>
      %dma_start3A_151 = arith.constant 0 : i32
      %dma_start3A_152 = tpu.memref_slice %arg2[%dma_start3A_145, %dma_start3A_151] : memref<16x3200000xf32, #tpu.memory_space<hbm>> -> memref<1x3200000xf32, #tpu.memory_space<hbm>>
      %dma_start3A_153 = tpu.memref_squeeze %dma_start3A_152 : memref<1x3200000xf32, #tpu.memory_space<hbm>> -> memref<3200000xf32, #tpu.memory_space<hbm>>
      %dma_start3A_154 = arith.constant 0 : i32
      %dma_start3A_155 = tpu.memref_slice %dma_start3A_153[%dma_start3A_154] : memref<3200000xf32, #tpu.memory_space<hbm>> -> memref<3200000xf32, #tpu.memory_space<hbm>>
      tpu.enqueue_indirect_dma source(%dma_start3A_155 : memref<3200000xf32, #tpu.memory_space<hbm>>) target(%dma_start3A_149 : memref<128xf32, #tpu.memory_space<vmem>>) offsets(%dma_start3A_150 : memref<128xi32, #tpu.memory_space<vmem>>) semaphore(%arg8 : memref<!tpu.dma_semaphore, #tpu.memory_space<semaphore_mem>>)
      %dma_start3A_156 = arith.constant 12 : i32
      %dma_start3A_157 = arith.constant 12 : i32
      %dma_start3A_158 = arith.constant 0 : i32
      %dma_start3A_159 = tpu.memref_slice %arg6[%dma_start3A_157, %dma_start3A_158] : memref<16x128xf32, #tpu.memory_space<vmem>> -> memref<1x128xf32, #tpu.memory_space<vmem>>
      %dma_start3A_160 = tpu.memref_squeeze %dma_start3A_159 : memref<1x128xf32, #tpu.memory_space<vmem>> -> memref<128xf32, #tpu.memory_space<vmem>>
      %dma_start3A_161 = tpu.memref_slice %arg5[%mul3A_24] : memref<8192xi32, #tpu.memory_space<vmem>> -> memref<128xi32, #tpu.memory_space<vmem>>
      %dma_start3A_162 = arith.constant 0 : i32
      %dma_start3A_163 = tpu.memref_slice %arg2[%dma_start3A_156, %dma_start3A_162] : memref<16x3200000xf32, #tpu.memory_space<hbm>> -> memref<1x3200000xf32, #tpu.memory_space<hbm>>
      %dma_start3A_164 = tpu.memref_squeeze %dma_start3A_163 : memref<1x3200000xf32, #tpu.memory_space<hbm>> -> memref<3200000xf32, #tpu.memory_space<hbm>>
      %dma_start3A_165 = arith.constant 0 : i32
      %dma_start3A_166 = tpu.memref_slice %dma_start3A_164[%dma_start3A_165] : memref<3200000xf32, #tpu.memory_space<hbm>> -> memref<3200000xf32, #tpu.memory_space<hbm>>
      tpu.enqueue_indirect_dma source(%dma_start3A_166 : memref<3200000xf32, #tpu.memory_space<hbm>>) target(%dma_start3A_160 : memref<128xf32, #tpu.memory_space<vmem>>) offsets(%dma_start3A_161 : memref<128xi32, #tpu.memory_space<vmem>>) semaphore(%arg8 : memref<!tpu.dma_semaphore, #tpu.memory_space<semaphore_mem>>)
      %dma_start3A_167 = arith.constant 13 : i32
      %dma_start3A_168 = arith.constant 13 : i32
      %dma_start3A_169 = arith.constant 0 : i32
      %dma_start3A_170 = tpu.memref_slice %arg6[%dma_start3A_168, %dma_start3A_169] : memref<16x128xf32, #tpu.memory_space<vmem>> -> memref<1x128xf32, #tpu.memory_space<vmem>>
      %dma_start3A_171 = tpu.memref_squeeze %dma_start3A_170 : memref<1x128xf32, #tpu.memory_space<vmem>> -> memref<128xf32, #tpu.memory_space<vmem>>
      %dma_start3A_172 = tpu.memref_slice %arg5[%mul3A_24] : memref<8192xi32, #tpu.memory_space<vmem>> -> memref<128xi32, #tpu.memory_space<vmem>>
      %dma_start3A_173 = arith.constant 0 : i32
      %dma_start3A_174 = tpu.memref_slice %arg2[%dma_start3A_167, %dma_start3A_173] : memref<16x3200000xf32, #tpu.memory_space<hbm>> -> memref<1x3200000xf32, #tpu.memory_space<hbm>>
      %dma_start3A_175 = tpu.memref_squeeze %dma_start3A_174 : memref<1x3200000xf32, #tpu.memory_space<hbm>> -> memref<3200000xf32, #tpu.memory_space<hbm>>
      %dma_start3A_176 = arith.constant 0 : i32
      %dma_start3A_177 = tpu.memref_slice %dma_start3A_175[%dma_start3A_176] : memref<3200000xf32, #tpu.memory_space<hbm>> -> memref<3200000xf32, #tpu.memory_space<hbm>>
      tpu.enqueue_indirect_dma source(%dma_start3A_177 : memref<3200000xf32, #tpu.memory_space<hbm>>) target(%dma_start3A_171 : memref<128xf32, #tpu.memory_space<vmem>>) offsets(%dma_start3A_172 : memref<128xi32, #tpu.memory_space<vmem>>) semaphore(%arg8 : memref<!tpu.dma_semaphore, #tpu.memory_space<semaphore_mem>>)
      %dma_start3A_178 = arith.constant 14 : i32
      %dma_start3A_179 = arith.constant 14 : i32
      %dma_start3A_180 = arith.constant 0 : i32
      %dma_start3A_181 = tpu.memref_slice %arg6[%dma_start3A_179, %dma_start3A_180] : memref<16x128xf32, #tpu.memory_space<vmem>> -> memref<1x128xf32, #tpu.memory_space<vmem>>
      %dma_start3A_182 = tpu.memref_squeeze %dma_start3A_181 : memref<1x128xf32, #tpu.memory_space<vmem>> -> memref<128xf32, #tpu.memory_space<vmem>>
      %dma_start3A_183 = tpu.memref_slice %arg5[%mul3A_24] : memref<8192xi32, #tpu.memory_space<vmem>> -> memref<128xi32, #tpu.memory_space<vmem>>
      %dma_start3A_184 = arith.constant 0 : i32
      %dma_start3A_185 = tpu.memref_slice %arg2[%dma_start3A_178, %dma_start3A_184] : memref<16x3200000xf32, #tpu.memory_space<hbm>> -> memref<1x3200000xf32, #tpu.memory_space<hbm>>
      %dma_start3A_186 = tpu.memref_squeeze %dma_start3A_185 : memref<1x3200000xf32, #tpu.memory_space<hbm>> -> memref<3200000xf32, #tpu.memory_space<hbm>>
      %dma_start3A_187 = arith.constant 0 : i32
      %dma_start3A_188 = tpu.memref_slice %dma_start3A_186[%dma_start3A_187] : memref<3200000xf32, #tpu.memory_space<hbm>> -> memref<3200000xf32, #tpu.memory_space<hbm>>
      tpu.enqueue_indirect_dma source(%dma_start3A_188 : memref<3200000xf32, #tpu.memory_space<hbm>>) target(%dma_start3A_182 : memref<128xf32, #tpu.memory_space<vmem>>) offsets(%dma_start3A_183 : memref<128xi32, #tpu.memory_space<vmem>>) semaphore(%arg8 : memref<!tpu.dma_semaphore, #tpu.memory_space<semaphore_mem>>)
      %dma_start3A_189 = arith.constant 15 : i32
      %dma_start3A_190 = arith.constant 15 : i32
      %dma_start3A_191 = arith.constant 0 : i32
      %dma_start3A_192 = tpu.memref_slice %arg6[%dma_start3A_190, %dma_start3A_191] : memref<16x128xf32, #tpu.memory_space<vmem>> -> memref<1x128xf32, #tpu.memory_space<vmem>>
      %dma_start3A_193 = tpu.memref_squeeze %dma_start3A_192 : memref<1x128xf32, #tpu.memory_space<vmem>> -> memref<128xf32, #tpu.memory_space<vmem>>
      %dma_start3A_194 = tpu.memref_slice %arg5[%mul3A_24] : memref<8192xi32, #tpu.memory_space<vmem>> -> memref<128xi32, #tpu.memory_space<vmem>>
      %dma_start3A_195 = arith.constant 0 : i32
      %dma_start3A_196 = tpu.memref_slice %arg2[%dma_start3A_189, %dma_start3A_195] : memref<16x3200000xf32, #tpu.memory_space<hbm>> -> memref<1x3200000xf32, #tpu.memory_space<hbm>>
      %dma_start3A_197 = tpu.memref_squeeze %dma_start3A_196 : memref<1x3200000xf32, #tpu.memory_space<hbm>> -> memref<3200000xf32, #tpu.memory_space<hbm>>
      %dma_start3A_198 = arith.constant 0 : i32
      %dma_start3A_199 = tpu.memref_slice %dma_start3A_197[%dma_start3A_198] : memref<3200000xf32, #tpu.memory_space<hbm>> -> memref<3200000xf32, #tpu.memory_space<hbm>>
      tpu.enqueue_indirect_dma source(%dma_start3A_199 : memref<3200000xf32, #tpu.memory_space<hbm>>) target(%dma_start3A_193 : memref<128xf32, #tpu.memory_space<vmem>>) offsets(%dma_start3A_194 : memref<128xi32, #tpu.memory_space<vmem>>) semaphore(%arg8 : memref<!tpu.dma_semaphore, #tpu.memory_space<semaphore_mem>>)
      %add3A_200 = arith.constant 1 : i32
      %add3A_201 = arith.addi %add3A_18, %add3A_200 : i32
      %mul3A_202 = arith.constant 128 : i32
      %mul3A_203 = arith.muli %add3A_201, %mul3A_202 : i32
      %dma_start3A_204 = arith.constant 0 : i32
      %dma_start3A_205 = arith.constant 0 : i32
      %dma_start3A_206 = arith.constant 0 : i32
      %dma_start3A_207 = tpu.memref_slice %arg7[%dma_start3A_205, %dma_start3A_206] : memref<16x128xf32, #tpu.memory_space<vmem>> -> memref<1x128xf32, #tpu.memory_space<vmem>>
      %dma_start3A_208 = tpu.memref_squeeze %dma_start3A_207 : memref<1x128xf32, #tpu.memory_space<vmem>> -> memref<128xf32, #tpu.memory_space<vmem>>
      %dma_start3A_209 = tpu.memref_slice %arg5[%mul3A_203] : memref<8192xi32, #tpu.memory_space<vmem>> -> memref<128xi32, #tpu.memory_space<vmem>>
      %dma_start3A_210 = arith.constant 0 : i32
      %dma_start3A_211 = tpu.memref_slice %arg2[%dma_start3A_204, %dma_start3A_210] : memref<16x3200000xf32, #tpu.memory_space<hbm>> -> memref<1x3200000xf32, #tpu.memory_space<hbm>>
      %dma_start3A_212 = tpu.memref_squeeze %dma_start3A_211 : memref<1x3200000xf32, #tpu.memory_space<hbm>> -> memref<3200000xf32, #tpu.memory_space<hbm>>
      %dma_start3A_213 = arith.constant 0 : i32
      %dma_start3A_214 = tpu.memref_slice %dma_start3A_212[%dma_start3A_213] : memref<3200000xf32, #tpu.memory_space<hbm>> -> memref<3200000xf32, #tpu.memory_space<hbm>>
      tpu.enqueue_indirect_dma source(%dma_start3A_214 : memref<3200000xf32, #tpu.memory_space<hbm>>) target(%dma_start3A_208 : memref<128xf32, #tpu.memory_space<vmem>>) offsets(%dma_start3A_209 : memref<128xi32, #tpu.memory_space<vmem>>) semaphore(%arg9 : memref<!tpu.dma_semaphore, #tpu.memory_space<semaphore_mem>>)
      %dma_start3A_215 = arith.constant 1 : i32
      %dma_start3A_216 = arith.constant 1 : i32
      %dma_start3A_217 = arith.constant 0 : i32
      %dma_start3A_218 = tpu.memref_slice %arg7[%dma_start3A_216, %dma_start3A_217] : memref<16x128xf32, #tpu.memory_space<vmem>> -> memref<1x128xf32, #tpu.memory_space<vmem>>
      %dma_start3A_219 = tpu.memref_squeeze %dma_start3A_218 : memref<1x128xf32, #tpu.memory_space<vmem>> -> memref<128xf32, #tpu.memory_space<vmem>>
      %dma_start3A_220 = tpu.memref_slice %arg5[%mul3A_203] : memref<8192xi32, #tpu.memory_space<vmem>> -> memref<128xi32, #tpu.memory_space<vmem>>
      %dma_start3A_221 = arith.constant 0 : i32
      %dma_start3A_222 = tpu.memref_slice %arg2[%dma_start3A_215, %dma_start3A_221] : memref<16x3200000xf32, #tpu.memory_space<hbm>> -> memref<1x3200000xf32, #tpu.memory_space<hbm>>
      %dma_start3A_223 = tpu.memref_squeeze %dma_start3A_222 : memref<1x3200000xf32, #tpu.memory_space<hbm>> -> memref<3200000xf32, #tpu.memory_space<hbm>>
      %dma_start3A_224 = arith.constant 0 : i32
      %dma_start3A_225 = tpu.memref_slice %dma_start3A_223[%dma_start3A_224] : memref<3200000xf32, #tpu.memory_space<hbm>> -> memref<3200000xf32, #tpu.memory_space<hbm>>
      tpu.enqueue_indirect_dma source(%dma_start3A_225 : memref<3200000xf32, #tpu.memory_space<hbm>>) target(%dma_start3A_219 : memref<128xf32, #tpu.memory_space<vmem>>) offsets(%dma_start3A_220 : memref<128xi32, #tpu.memory_space<vmem>>) semaphore(%arg9 : memref<!tpu.dma_semaphore, #tpu.memory_space<semaphore_mem>>)
      %dma_start3A_226 = arith.constant 2 : i32
      %dma_start3A_227 = arith.constant 2 : i32
      %dma_start3A_228 = arith.constant 0 : i32
      %dma_start3A_229 = tpu.memref_slice %arg7[%dma_start3A_227, %dma_start3A_228] : memref<16x128xf32, #tpu.memory_space<vmem>> -> memref<1x128xf32, #tpu.memory_space<vmem>>
      %dma_start3A_230 = tpu.memref_squeeze %dma_start3A_229 : memref<1x128xf32, #tpu.memory_space<vmem>> -> memref<128xf32, #tpu.memory_space<vmem>>
      %dma_start3A_231 = tpu.memref_slice %arg5[%mul3A_203] : memref<8192xi32, #tpu.memory_space<vmem>> -> memref<128xi32, #tpu.memory_space<vmem>>
      %dma_start3A_232 = arith.constant 0 : i32
      %dma_start3A_233 = tpu.memref_slice %arg2[%dma_start3A_226, %dma_start3A_232] : memref<16x3200000xf32, #tpu.memory_space<hbm>> -> memref<1x3200000xf32, #tpu.memory_space<hbm>>
      %dma_start3A_234 = tpu.memref_squeeze %dma_start3A_233 : memref<1x3200000xf32, #tpu.memory_space<hbm>> -> memref<3200000xf32, #tpu.memory_space<hbm>>
      %dma_start3A_235 = arith.constant 0 : i32
      %dma_start3A_236 = tpu.memref_slice %dma_start3A_234[%dma_start3A_235] : memref<3200000xf32, #tpu.memory_space<hbm>> -> memref<3200000xf32, #tpu.memory_space<hbm>>
      tpu.enqueue_indirect_dma source(%dma_start3A_236 : memref<3200000xf32, #tpu.memory_space<hbm>>) target(%dma_start3A_230 : memref<128xf32, #tpu.memory_space<vmem>>) offsets(%dma_start3A_231 : memref<128xi32, #tpu.memory_space<vmem>>) semaphore(%arg9 : memref<!tpu.dma_semaphore, #tpu.memory_space<semaphore_mem>>)
      %dma_start3A_237 = arith.constant 3 : i32
      %dma_start3A_238 = arith.constant 3 : i32
      %dma_start3A_239 = arith.constant 0 : i32
      %dma_start3A_240 = tpu.memref_slice %arg7[%dma_start3A_238, %dma_start3A_239] : memref<16x128xf32, #tpu.memory_space<vmem>> -> memref<1x128xf32, #tpu.memory_space<vmem>>
      %dma_start3A_241 = tpu.memref_squeeze %dma_start3A_240 : memref<1x128xf32, #tpu.memory_space<vmem>> -> memref<128xf32, #tpu.memory_space<vmem>>
      %dma_start3A_242 = tpu.memref_slice %arg5[%mul3A_203] : memref<8192xi32, #tpu.memory_space<vmem>> -> memref<128xi32, #tpu.memory_space<vmem>>
      %dma_start3A_243 = arith.constant 0 : i32
      %dma_start3A_244 = tpu.memref_slice %arg2[%dma_start3A_237, %dma_start3A_243] : memref<16x3200000xf32, #tpu.memory_space<hbm>> -> memref<1x3200000xf32, #tpu.memory_space<hbm>>
      %dma_start3A_245 = tpu.memref_squeeze %dma_start3A_244 : memref<1x3200000xf32, #tpu.memory_space<hbm>> -> memref<3200000xf32, #tpu.memory_space<hbm>>
      %dma_start3A_246 = arith.constant 0 : i32
      %dma_start3A_247 = tpu.memref_slice %dma_start3A_245[%dma_start3A_246] : memref<3200000xf32, #tpu.memory_space<hbm>> -> memref<3200000xf32, #tpu.memory_space<hbm>>
      tpu.enqueue_indirect_dma source(%dma_start3A_247 : memref<3200000xf32, #tpu.memory_space<hbm>>) target(%dma_start3A_241 : memref<128xf32, #tpu.memory_space<vmem>>) offsets(%dma_start3A_242 : memref<128xi32, #tpu.memory_space<vmem>>) semaphore(%arg9 : memref<!tpu.dma_semaphore, #tpu.memory_space<semaphore_mem>>)
      %dma_start3A_248 = arith.constant 4 : i32
      %dma_start3A_249 = arith.constant 4 : i32
      %dma_start3A_250 = arith.constant 0 : i32
      %dma_start3A_251 = tpu.memref_slice %arg7[%dma_start3A_249, %dma_start3A_250] : memref<16x128xf32, #tpu.memory_space<vmem>> -> memref<1x128xf32, #tpu.memory_space<vmem>>
      %dma_start3A_252 = tpu.memref_squeeze %dma_start3A_251 : memref<1x128xf32, #tpu.memory_space<vmem>> -> memref<128xf32, #tpu.memory_space<vmem>>
      %dma_start3A_253 = tpu.memref_slice %arg5[%mul3A_203] : memref<8192xi32, #tpu.memory_space<vmem>> -> memref<128xi32, #tpu.memory_space<vmem>>
      %dma_start3A_254 = arith.constant 0 : i32
      %dma_start3A_255 = tpu.memref_slice %arg2[%dma_start3A_248, %dma_start3A_254] : memref<16x3200000xf32, #tpu.memory_space<hbm>> -> memref<1x3200000xf32, #tpu.memory_space<hbm>>
      %dma_start3A_256 = tpu.memref_squeeze %dma_start3A_255 : memref<1x3200000xf32, #tpu.memory_space<hbm>> -> memref<3200000xf32, #tpu.memory_space<hbm>>
      %dma_start3A_257 = arith.constant 0 : i32
      %dma_start3A_258 = tpu.memref_slice %dma_start3A_256[%dma_start3A_257] : memref<3200000xf32, #tpu.memory_space<hbm>> -> memref<3200000xf32, #tpu.memory_space<hbm>>
      tpu.enqueue_indirect_dma source(%dma_start3A_258 : memref<3200000xf32, #tpu.memory_space<hbm>>) target(%dma_start3A_252 : memref<128xf32, #tpu.memory_space<vmem>>) offsets(%dma_start3A_253 : memref<128xi32, #tpu.memory_space<vmem>>) semaphore(%arg9 : memref<!tpu.dma_semaphore, #tpu.memory_space<semaphore_mem>>)
      %dma_start3A_259 = arith.constant 5 : i32
      %dma_start3A_260 = arith.constant 5 : i32
      %dma_start3A_261 = arith.constant 0 : i32
      %dma_start3A_262 = tpu.memref_slice %arg7[%dma_start3A_260, %dma_start3A_261] : memref<16x128xf32, #tpu.memory_space<vmem>> -> memref<1x128xf32, #tpu.memory_space<vmem>>
      %dma_start3A_263 = tpu.memref_squeeze %dma_start3A_262 : memref<1x128xf32, #tpu.memory_space<vmem>> -> memref<128xf32, #tpu.memory_space<vmem>>
      %dma_start3A_264 = tpu.memref_slice %arg5[%mul3A_203] : memref<8192xi32, #tpu.memory_space<vmem>> -> memref<128xi32, #tpu.memory_space<vmem>>
      %dma_start3A_265 = arith.constant 0 : i32
      %dma_start3A_266 = tpu.memref_slice %arg2[%dma_start3A_259, %dma_start3A_265] : memref<16x3200000xf32, #tpu.memory_space<hbm>> -> memref<1x3200000xf32, #tpu.memory_space<hbm>>
      %dma_start3A_267 = tpu.memref_squeeze %dma_start3A_266 : memref<1x3200000xf32, #tpu.memory_space<hbm>> -> memref<3200000xf32, #tpu.memory_space<hbm>>
      %dma_start3A_268 = arith.constant 0 : i32
      %dma_start3A_269 = tpu.memref_slice %dma_start3A_267[%dma_start3A_268] : memref<3200000xf32, #tpu.memory_space<hbm>> -> memref<3200000xf32, #tpu.memory_space<hbm>>
      tpu.enqueue_indirect_dma source(%dma_start3A_269 : memref<3200000xf32, #tpu.memory_space<hbm>>) target(%dma_start3A_263 : memref<128xf32, #tpu.memory_space<vmem>>) offsets(%dma_start3A_264 : memref<128xi32, #tpu.memory_space<vmem>>) semaphore(%arg9 : memref<!tpu.dma_semaphore, #tpu.memory_space<semaphore_mem>>)
      %dma_start3A_270 = arith.constant 6 : i32
      %dma_start3A_271 = arith.constant 6 : i32
      %dma_start3A_272 = arith.constant 0 : i32
      %dma_start3A_273 = tpu.memref_slice %arg7[%dma_start3A_271, %dma_start3A_272] : memref<16x128xf32, #tpu.memory_space<vmem>> -> memref<1x128xf32, #tpu.memory_space<vmem>>
      %dma_start3A_274 = tpu.memref_squeeze %dma_start3A_273 : memref<1x128xf32, #tpu.memory_space<vmem>> -> memref<128xf32, #tpu.memory_space<vmem>>
      %dma_start3A_275 = tpu.memref_slice %arg5[%mul3A_203] : memref<8192xi32, #tpu.memory_space<vmem>> -> memref<128xi32, #tpu.memory_space<vmem>>
      %dma_start3A_276 = arith.constant 0 : i32
      %dma_start3A_277 = tpu.memref_slice %arg2[%dma_start3A_270, %dma_start3A_276] : memref<16x3200000xf32, #tpu.memory_space<hbm>> -> memref<1x3200000xf32, #tpu.memory_space<hbm>>
      %dma_start3A_278 = tpu.memref_squeeze %dma_start3A_277 : memref<1x3200000xf32, #tpu.memory_space<hbm>> -> memref<3200000xf32, #tpu.memory_space<hbm>>
      %dma_start3A_279 = arith.constant 0 : i32
      %dma_start3A_280 = tpu.memref_slice %dma_start3A_278[%dma_start3A_279] : memref<3200000xf32, #tpu.memory_space<hbm>> -> memref<3200000xf32, #tpu.memory_space<hbm>>
      tpu.enqueue_indirect_dma source(%dma_start3A_280 : memref<3200000xf32, #tpu.memory_space<hbm>>) target(%dma_start3A_274 : memref<128xf32, #tpu.memory_space<vmem>>) offsets(%dma_start3A_275 : memref<128xi32, #tpu.memory_space<vmem>>) semaphore(%arg9 : memref<!tpu.dma_semaphore, #tpu.memory_space<semaphore_mem>>)
      %dma_start3A_281 = arith.constant 7 : i32
      %dma_start3A_282 = arith.constant 7 : i32
      %dma_start3A_283 = arith.constant 0 : i32
      %dma_start3A_284 = tpu.memref_slice %arg7[%dma_start3A_282, %dma_start3A_283] : memref<16x128xf32, #tpu.memory_space<vmem>> -> memref<1x128xf32, #tpu.memory_space<vmem>>
      %dma_start3A_285 = tpu.memref_squeeze %dma_start3A_284 : memref<1x128xf32, #tpu.memory_space<vmem>> -> memref<128xf32, #tpu.memory_space<vmem>>
      %dma_start3A_286 = tpu.memref_slice %arg5[%mul3A_203] : memref<8192xi32, #tpu.memory_space<vmem>> -> memref<128xi32, #tpu.memory_space<vmem>>
      %dma_start3A_287 = arith.constant 0 : i32
      %dma_start3A_288 = tpu.memref_slice %arg2[%dma_start3A_281, %dma_start3A_287] : memref<16x3200000xf32, #tpu.memory_space<hbm>> -> memref<1x3200000xf32, #tpu.memory_space<hbm>>
      %dma_start3A_289 = tpu.memref_squeeze %dma_start3A_288 : memref<1x3200000xf32, #tpu.memory_space<hbm>> -> memref<3200000xf32, #tpu.memory_space<hbm>>
      %dma_start3A_290 = arith.constant 0 : i32
      %dma_start3A_291 = tpu.memref_slice %dma_start3A_289[%dma_start3A_290] : memref<3200000xf32, #tpu.memory_space<hbm>> -> memref<3200000xf32, #tpu.memory_space<hbm>>
      tpu.enqueue_indirect_dma source(%dma_start3A_291 : memref<3200000xf32, #tpu.memory_space<hbm>>) target(%dma_start3A_285 : memref<128xf32, #tpu.memory_space<vmem>>) offsets(%dma_start3A_286 : memref<128xi32, #tpu.memory_space<vmem>>) semaphore(%arg9 : memref<!tpu.dma_semaphore, #tpu.memory_space<semaphore_mem>>)
      %dma_start3A_292 = arith.constant 8 : i32
      %dma_start3A_293 = arith.constant 8 : i32
      %dma_start3A_294 = arith.constant 0 : i32
      %dma_start3A_295 = tpu.memref_slice %arg7[%dma_start3A_293, %dma_start3A_294] : memref<16x128xf32, #tpu.memory_space<vmem>> -> memref<1x128xf32, #tpu.memory_space<vmem>>
      %dma_start3A_296 = tpu.memref_squeeze %dma_start3A_295 : memref<1x128xf32, #tpu.memory_space<vmem>> -> memref<128xf32, #tpu.memory_space<vmem>>
      %dma_start3A_297 = tpu.memref_slice %arg5[%mul3A_203] : memref<8192xi32, #tpu.memory_space<vmem>> -> memref<128xi32, #tpu.memory_space<vmem>>
      %dma_start3A_298 = arith.constant 0 : i32
      %dma_start3A_299 = tpu.memref_slice %arg2[%dma_start3A_292, %dma_start3A_298] : memref<16x3200000xf32, #tpu.memory_space<hbm>> -> memref<1x3200000xf32, #tpu.memory_space<hbm>>
      %dma_start3A_300 = tpu.memref_squeeze %dma_start3A_299 : memref<1x3200000xf32, #tpu.memory_space<hbm>> -> memref<3200000xf32, #tpu.memory_space<hbm>>
      %dma_start3A_301 = arith.constant 0 : i32
      %dma_start3A_302 = tpu.memref_slice %dma_start3A_300[%dma_start3A_301] : memref<3200000xf32, #tpu.memory_space<hbm>> -> memref<3200000xf32, #tpu.memory_space<hbm>>
      tpu.enqueue_indirect_dma source(%dma_start3A_302 : memref<3200000xf32, #tpu.memory_space<hbm>>) target(%dma_start3A_296 : memref<128xf32, #tpu.memory_space<vmem>>) offsets(%dma_start3A_297 : memref<128xi32, #tpu.memory_space<vmem>>) semaphore(%arg9 : memref<!tpu.dma_semaphore, #tpu.memory_space<semaphore_mem>>)
      %dma_start3A_303 = arith.constant 9 : i32
      %dma_start3A_304 = arith.constant 9 : i32
      %dma_start3A_305 = arith.constant 0 : i32
      %dma_start3A_306 = tpu.memref_slice %arg7[%dma_start3A_304, %dma_start3A_305] : memref<16x128xf32, #tpu.memory_space<vmem>> -> memref<1x128xf32, #tpu.memory_space<vmem>>
      %dma_start3A_307 = tpu.memref_squeeze %dma_start3A_306 : memref<1x128xf32, #tpu.memory_space<vmem>> -> memref<128xf32, #tpu.memory_space<vmem>>
      %dma_start3A_308 = tpu.memref_slice %arg5[%mul3A_203] : memref<8192xi32, #tpu.memory_space<vmem>> -> memref<128xi32, #tpu.memory_space<vmem>>
      %dma_start3A_309 = arith.constant 0 : i32
      %dma_start3A_310 = tpu.memref_slice %arg2[%dma_start3A_303, %dma_start3A_309] : memref<16x3200000xf32, #tpu.memory_space<hbm>> -> memref<1x3200000xf32, #tpu.memory_space<hbm>>
      %dma_start3A_311 = tpu.memref_squeeze %dma_start3A_310 : memref<1x3200000xf32, #tpu.memory_space<hbm>> -> memref<3200000xf32, #tpu.memory_space<hbm>>
      %dma_start3A_312 = arith.constant 0 : i32
      %dma_start3A_313 = tpu.memref_slice %dma_start3A_311[%dma_start3A_312] : memref<3200000xf32, #tpu.memory_space<hbm>> -> memref<3200000xf32, #tpu.memory_space<hbm>>
      tpu.enqueue_indirect_dma source(%dma_start3A_313 : memref<3200000xf32, #tpu.memory_space<hbm>>) target(%dma_start3A_307 : memref<128xf32, #tpu.memory_space<vmem>>) offsets(%dma_start3A_308 : memref<128xi32, #tpu.memory_space<vmem>>) semaphore(%arg9 : memref<!tpu.dma_semaphore, #tpu.memory_space<semaphore_mem>>)
      %dma_start3A_314 = arith.constant 10 : i32
      %dma_start3A_315 = arith.constant 10 : i32
      %dma_start3A_316 = arith.constant 0 : i32
      %dma_start3A_317 = tpu.memref_slice %arg7[%dma_start3A_315, %dma_start3A_316] : memref<16x128xf32, #tpu.memory_space<vmem>> -> memref<1x128xf32, #tpu.memory_space<vmem>>
      %dma_start3A_318 = tpu.memref_squeeze %dma_start3A_317 : memref<1x128xf32, #tpu.memory_space<vmem>> -> memref<128xf32, #tpu.memory_space<vmem>>
      %dma_start3A_319 = tpu.memref_slice %arg5[%mul3A_203] : memref<8192xi32, #tpu.memory_space<vmem>> -> memref<128xi32, #tpu.memory_space<vmem>>
      %dma_start3A_320 = arith.constant 0 : i32
      %dma_start3A_321 = tpu.memref_slice %arg2[%dma_start3A_314, %dma_start3A_320] : memref<16x3200000xf32, #tpu.memory_space<hbm>> -> memref<1x3200000xf32, #tpu.memory_space<hbm>>
      %dma_start3A_322 = tpu.memref_squeeze %dma_start3A_321 : memref<1x3200000xf32, #tpu.memory_space<hbm>> -> memref<3200000xf32, #tpu.memory_space<hbm>>
      %dma_start3A_323 = arith.constant 0 : i32
      %dma_start3A_324 = tpu.memref_slice %dma_start3A_322[%dma_start3A_323] : memref<3200000xf32, #tpu.memory_space<hbm>> -> memref<3200000xf32, #tpu.memory_space<hbm>>
      tpu.enqueue_indirect_dma source(%dma_start3A_324 : memref<3200000xf32, #tpu.memory_space<hbm>>) target(%dma_start3A_318 : memref<128xf32, #tpu.memory_space<vmem>>) offsets(%dma_start3A_319 : memref<128xi32, #tpu.memory_space<vmem>>) semaphore(%arg9 : memref<!tpu.dma_semaphore, #tpu.memory_space<semaphore_mem>>)
      %dma_start3A_325 = arith.constant 11 : i32
      %dma_start3A_326 = arith.constant 11 : i32
      %dma_start3A_327 = arith.constant 0 : i32
      %dma_start3A_328 = tpu.memref_slice %arg7[%dma_start3A_326, %dma_start3A_327] : memref<16x128xf32, #tpu.memory_space<vmem>> -> memref<1x128xf32, #tpu.memory_space<vmem>>
      %dma_start3A_329 = tpu.memref_squeeze %dma_start3A_328 : memref<1x128xf32, #tpu.memory_space<vmem>> -> memref<128xf32, #tpu.memory_space<vmem>>
      %dma_start3A_330 = tpu.memref_slice %arg5[%mul3A_203] : memref<8192xi32, #tpu.memory_space<vmem>> -> memref<128xi32, #tpu.memory_space<vmem>>
      %dma_start3A_331 = arith.constant 0 : i32
      %dma_start3A_332 = tpu.memref_slice %arg2[%dma_start3A_325, %dma_start3A_331] : memref<16x3200000xf32, #tpu.memory_space<hbm>> -> memref<1x3200000xf32, #tpu.memory_space<hbm>>
      %dma_start3A_333 = tpu.memref_squeeze %dma_start3A_332 : memref<1x3200000xf32, #tpu.memory_space<hbm>> -> memref<3200000xf32, #tpu.memory_space<hbm>>
      %dma_start3A_334 = arith.constant 0 : i32
      %dma_start3A_335 = tpu.memref_slice %dma_start3A_333[%dma_start3A_334] : memref<3200000xf32, #tpu.memory_space<hbm>> -> memref<3200000xf32, #tpu.memory_space<hbm>>
      tpu.enqueue_indirect_dma source(%dma_start3A_335 : memref<3200000xf32, #tpu.memory_space<hbm>>) target(%dma_start3A_329 : memref<128xf32, #tpu.memory_space<vmem>>) offsets(%dma_start3A_330 : memref<128xi32, #tpu.memory_space<vmem>>) semaphore(%arg9 : memref<!tpu.dma_semaphore, #tpu.memory_space<semaphore_mem>>)
      %dma_start3A_336 = arith.constant 12 : i32
      %dma_start3A_337 = arith.constant 12 : i32
      %dma_start3A_338 = arith.constant 0 : i32
      %dma_start3A_339 = tpu.memref_slice %arg7[%dma_start3A_337, %dma_start3A_338] : memref<16x128xf32, #tpu.memory_space<vmem>> -> memref<1x128xf32, #tpu.memory_space<vmem>>
      %dma_start3A_340 = tpu.memref_squeeze %dma_start3A_339 : memref<1x128xf32, #tpu.memory_space<vmem>> -> memref<128xf32, #tpu.memory_space<vmem>>
      %dma_start3A_341 = tpu.memref_slice %arg5[%mul3A_203] : memref<8192xi32, #tpu.memory_space<vmem>> -> memref<128xi32, #tpu.memory_space<vmem>>
      %dma_start3A_342 = arith.constant 0 : i32
      %dma_start3A_343 = tpu.memref_slice %arg2[%dma_start3A_336, %dma_start3A_342] : memref<16x3200000xf32, #tpu.memory_space<hbm>> -> memref<1x3200000xf32, #tpu.memory_space<hbm>>
      %dma_start3A_344 = tpu.memref_squeeze %dma_start3A_343 : memref<1x3200000xf32, #tpu.memory_space<hbm>> -> memref<3200000xf32, #tpu.memory_space<hbm>>
      %dma_start3A_345 = arith.constant 0 : i32
      %dma_start3A_346 = tpu.memref_slice %dma_start3A_344[%dma_start3A_345] : memref<3200000xf32, #tpu.memory_space<hbm>> -> memref<3200000xf32, #tpu.memory_space<hbm>>
      tpu.enqueue_indirect_dma source(%dma_start3A_346 : memref<3200000xf32, #tpu.memory_space<hbm>>) target(%dma_start3A_340 : memref<128xf32, #tpu.memory_space<vmem>>) offsets(%dma_start3A_341 : memref<128xi32, #tpu.memory_space<vmem>>) semaphore(%arg9 : memref<!tpu.dma_semaphore, #tpu.memory_space<semaphore_mem>>)
      %dma_start3A_347 = arith.constant 13 : i32
      %dma_start3A_348 = arith.constant 13 : i32
      %dma_start3A_349 = arith.constant 0 : i32
      %dma_start3A_350 = tpu.memref_slice %arg7[%dma_start3A_348, %dma_start3A_349] : memref<16x128xf32, #tpu.memory_space<vmem>> -> memref<1x128xf32, #tpu.memory_space<vmem>>
      %dma_start3A_351 = tpu.memref_squeeze %dma_start3A_350 : memref<1x128xf32, #tpu.memory_space<vmem>> -> memref<128xf32, #tpu.memory_space<vmem>>
      %dma_start3A_352 = tpu.memref_slice %arg5[%mul3A_203] : memref<8192xi32, #tpu.memory_space<vmem>> -> memref<128xi32, #tpu.memory_space<vmem>>
      %dma_start3A_353 = arith.constant 0 : i32
      %dma_start3A_354 = tpu.memref_slice %arg2[%dma_start3A_347, %dma_start3A_353] : memref<16x3200000xf32, #tpu.memory_space<hbm>> -> memref<1x3200000xf32, #tpu.memory_space<hbm>>
      %dma_start3A_355 = tpu.memref_squeeze %dma_start3A_354 : memref<1x3200000xf32, #tpu.memory_space<hbm>> -> memref<3200000xf32, #tpu.memory_space<hbm>>
      %dma_start3A_356 = arith.constant 0 : i32
      %dma_start3A_357 = tpu.memref_slice %dma_start3A_355[%dma_start3A_356] : memref<3200000xf32, #tpu.memory_space<hbm>> -> memref<3200000xf32, #tpu.memory_space<hbm>>
      tpu.enqueue_indirect_dma source(%dma_start3A_357 : memref<3200000xf32, #tpu.memory_space<hbm>>) target(%dma_start3A_351 : memref<128xf32, #tpu.memory_space<vmem>>) offsets(%dma_start3A_352 : memref<128xi32, #tpu.memory_space<vmem>>) semaphore(%arg9 : memref<!tpu.dma_semaphore, #tpu.memory_space<semaphore_mem>>)
      %dma_start3A_358 = arith.constant 14 : i32
      %dma_start3A_359 = arith.constant 14 : i32
      %dma_start3A_360 = arith.constant 0 : i32
      %dma_start3A_361 = tpu.memref_slice %arg7[%dma_start3A_359, %dma_start3A_360] : memref<16x128xf32, #tpu.memory_space<vmem>> -> memref<1x128xf32, #tpu.memory_space<vmem>>
      %dma_start3A_362 = tpu.memref_squeeze %dma_start3A_361 : memref<1x128xf32, #tpu.memory_space<vmem>> -> memref<128xf32, #tpu.memory_space<vmem>>
      %dma_start3A_363 = tpu.memref_slice %arg5[%mul3A_203] : memref<8192xi32, #tpu.memory_space<vmem>> -> memref<128xi32, #tpu.memory_space<vmem>>
      %dma_start3A_364 = arith.constant 0 : i32
      %dma_start3A_365 = tpu.memref_slice %arg2[%dma_start3A_358, %dma_start3A_364] : memref<16x3200000xf32, #tpu.memory_space<hbm>> -> memref<1x3200000xf32, #tpu.memory_space<hbm>>
      %dma_start3A_366 = tpu.memref_squeeze %dma_start3A_365 : memref<1x3200000xf32, #tpu.memory_space<hbm>> -> memref<3200000xf32, #tpu.memory_space<hbm>>
      %dma_start3A_367 = arith.constant 0 : i32
      %dma_start3A_368 = tpu.memref_slice %dma_start3A_366[%dma_start3A_367] : memref<3200000xf32, #tpu.memory_space<hbm>> -> memref<3200000xf32, #tpu.memory_space<hbm>>
      tpu.enqueue_indirect_dma source(%dma_start3A_368 : memref<3200000xf32, #tpu.memory_space<hbm>>) target(%dma_start3A_362 : memref<128xf32, #tpu.memory_space<vmem>>) offsets(%dma_start3A_363 : memref<128xi32, #tpu.memory_space<vmem>>) semaphore(%arg9 : memref<!tpu.dma_semaphore, #tpu.memory_space<semaphore_mem>>)
      %dma_start3A_369 = arith.constant 15 : i32
      %dma_start3A_370 = arith.constant 15 : i32
      %dma_start3A_371 = arith.constant 0 : i32
      %dma_start3A_372 = tpu.memref_slice %arg7[%dma_start3A_370, %dma_start3A_371] : memref<16x128xf32, #tpu.memory_space<vmem>> -> memref<1x128xf32, #tpu.memory_space<vmem>>
      %dma_start3A_373 = tpu.memref_squeeze %dma_start3A_372 : memref<1x128xf32, #tpu.memory_space<vmem>> -> memref<128xf32, #tpu.memory_space<vmem>>
      %dma_start3A_374 = tpu.memref_slice %arg5[%mul3A_203] : memref<8192xi32, #tpu.memory_space<vmem>> -> memref<128xi32, #tpu.memory_space<vmem>>
      %dma_start3A_375 = arith.constant 0 : i32
      %dma_start3A_376 = tpu.memref_slice %arg2[%dma_start3A_369, %dma_start3A_375] : memref<16x3200000xf32, #tpu.memory_space<hbm>> -> memref<1x3200000xf32, #tpu.memory_space<hbm>>
      %dma_start3A_377 = tpu.memref_squeeze %dma_start3A_376 : memref<1x3200000xf32, #tpu.memory_space<hbm>> -> memref<3200000xf32, #tpu.memory_space<hbm>>
      %dma_start3A_378 = arith.constant 0 : i32
      %dma_start3A_379 = tpu.memref_slice %dma_start3A_377[%dma_start3A_378] : memref<3200000xf32, #tpu.memory_space<hbm>> -> memref<3200000xf32, #tpu.memory_space<hbm>>
      tpu.enqueue_indirect_dma source(%dma_start3A_379 : memref<3200000xf32, #tpu.memory_space<hbm>>) target(%dma_start3A_373 : memref<128xf32, #tpu.memory_space<vmem>>) offsets(%dma_start3A_374 : memref<128xi32, #tpu.memory_space<vmem>>) semaphore(%arg9 : memref<!tpu.dma_semaphore, #tpu.memory_space<semaphore_mem>>)
      %add3A_380 = arith.constant 0 : i32
      %add3A_381 = arith.addi %add3A_18, %add3A_380 : i32
      %dma_wait3A_382 = arith.constant 0 : i32
      %dma_wait3A_383 = arith.constant 0 : i32
      %dma_wait3A_384 = arith.constant 0 : i32
      %dma_wait3A_385 = tpu.memref_slice %arg6[%dma_wait3A_383, %dma_wait3A_384] : memref<16x128xf32, #tpu.memory_space<vmem>> -> memref<1x128xf32, #tpu.memory_space<vmem>>
      %dma_wait3A_386 = tpu.memref_squeeze %dma_wait3A_385 : memref<1x128xf32, #tpu.memory_space<vmem>> -> memref<128xf32, #tpu.memory_space<vmem>>
      %dma_wait3A_387 = tpu.memref_slice %arg5[%mul3A_24] : memref<8192xi32, #tpu.memory_space<vmem>> -> memref<128xi32, #tpu.memory_space<vmem>>
      %dma_wait3A_388 = arith.constant 0 : i32
      %dma_wait3A_389 = tpu.memref_slice %arg2[%dma_wait3A_382, %dma_wait3A_388] : memref<16x3200000xf32, #tpu.memory_space<hbm>> -> memref<1x3200000xf32, #tpu.memory_space<hbm>>
      %dma_wait3A_390 = tpu.memref_squeeze %dma_wait3A_389 : memref<1x3200000xf32, #tpu.memory_space<hbm>> -> memref<3200000xf32, #tpu.memory_space<hbm>>
      %dma_wait3A_391 = arith.constant 0 : i32
      %dma_wait3A_392 = tpu.memref_slice %dma_wait3A_390[%dma_wait3A_391] : memref<3200000xf32, #tpu.memory_space<hbm>> -> memref<3200000xf32, #tpu.memory_space<hbm>>
      tpu.wait_indirect_dma semaphore(%arg8 : memref<!tpu.dma_semaphore, #tpu.memory_space<semaphore_mem>>) src(%dma_wait3A_392 : memref<3200000xf32, #tpu.memory_space<hbm>>) dst(%dma_wait3A_386 : memref<128xf32, #tpu.memory_space<vmem>>)
      %dma_wait3A_393 = arith.constant 1 : i32
      %dma_wait3A_394 = arith.constant 1 : i32
      %dma_wait3A_395 = arith.constant 0 : i32
      %dma_wait3A_396 = tpu.memref_slice %arg6[%dma_wait3A_394, %dma_wait3A_395] : memref<16x128xf32, #tpu.memory_space<vmem>> -> memref<1x128xf32, #tpu.memory_space<vmem>>
      %dma_wait3A_397 = tpu.memref_squeeze %dma_wait3A_396 : memref<1x128xf32, #tpu.memory_space<vmem>> -> memref<128xf32, #tpu.memory_space<vmem>>
      %dma_wait3A_398 = tpu.memref_slice %arg5[%mul3A_24] : memref<8192xi32, #tpu.memory_space<vmem>> -> memref<128xi32, #tpu.memory_space<vmem>>
      %dma_wait3A_399 = arith.constant 0 : i32
      %dma_wait3A_400 = tpu.memref_slice %arg2[%dma_wait3A_393, %dma_wait3A_399] : memref<16x3200000xf32, #tpu.memory_space<hbm>> -> memref<1x3200000xf32, #tpu.memory_space<hbm>>
      %dma_wait3A_401 = tpu.memref_squeeze %dma_wait3A_400 : memref<1x3200000xf32, #tpu.memory_space<hbm>> -> memref<3200000xf32, #tpu.memory_space<hbm>>
      %dma_wait3A_402 = arith.constant 0 : i32
      %dma_wait3A_403 = tpu.memref_slice %dma_wait3A_401[%dma_wait3A_402] : memref<3200000xf32, #tpu.memory_space<hbm>> -> memref<3200000xf32, #tpu.memory_space<hbm>>
      tpu.wait_indirect_dma semaphore(%arg8 : memref<!tpu.dma_semaphore, #tpu.memory_space<semaphore_mem>>) src(%dma_wait3A_403 : memref<3200000xf32, #tpu.memory_space<hbm>>) dst(%dma_wait3A_397 : memref<128xf32, #tpu.memory_space<vmem>>)
      %dma_wait3A_404 = arith.constant 2 : i32
      %dma_wait3A_405 = arith.constant 2 : i32
      %dma_wait3A_406 = arith.constant 0 : i32
      %dma_wait3A_407 = tpu.memref_slice %arg6[%dma_wait3A_405, %dma_wait3A_406] : memref<16x128xf32, #tpu.memory_space<vmem>> -> memref<1x128xf32, #tpu.memory_space<vmem>>
      %dma_wait3A_408 = tpu.memref_squeeze %dma_wait3A_407 : memref<1x128xf32, #tpu.memory_space<vmem>> -> memref<128xf32, #tpu.memory_space<vmem>>
      %dma_wait3A_409 = tpu.memref_slice %arg5[%mul3A_24] : memref<8192xi32, #tpu.memory_space<vmem>> -> memref<128xi32, #tpu.memory_space<vmem>>
      %dma_wait3A_410 = arith.constant 0 : i32
      %dma_wait3A_411 = tpu.memref_slice %arg2[%dma_wait3A_404, %dma_wait3A_410] : memref<16x3200000xf32, #tpu.memory_space<hbm>> -> memref<1x3200000xf32, #tpu.memory_space<hbm>>
      %dma_wait3A_412 = tpu.memref_squeeze %dma_wait3A_411 : memref<1x3200000xf32, #tpu.memory_space<hbm>> -> memref<3200000xf32, #tpu.memory_space<hbm>>
      %dma_wait3A_413 = arith.constant 0 : i32
      %dma_wait3A_414 = tpu.memref_slice %dma_wait3A_412[%dma_wait3A_413] : memref<3200000xf32, #tpu.memory_space<hbm>> -> memref<3200000xf32, #tpu.memory_space<hbm>>
      tpu.wait_indirect_dma semaphore(%arg8 : memref<!tpu.dma_semaphore, #tpu.memory_space<semaphore_mem>>) src(%dma_wait3A_414 : memref<3200000xf32, #tpu.memory_space<hbm>>) dst(%dma_wait3A_408 : memref<128xf32, #tpu.memory_space<vmem>>)
      %dma_wait3A_415 = arith.constant 3 : i32
      %dma_wait3A_416 = arith.constant 3 : i32
      %dma_wait3A_417 = arith.constant 0 : i32
      %dma_wait3A_418 = tpu.memref_slice %arg6[%dma_wait3A_416, %dma_wait3A_417] : memref<16x128xf32, #tpu.memory_space<vmem>> -> memref<1x128xf32, #tpu.memory_space<vmem>>
      %dma_wait3A_419 = tpu.memref_squeeze %dma_wait3A_418 : memref<1x128xf32, #tpu.memory_space<vmem>> -> memref<128xf32, #tpu.memory_space<vmem>>
      %dma_wait3A_420 = tpu.memref_slice %arg5[%mul3A_24] : memref<8192xi32, #tpu.memory_space<vmem>> -> memref<128xi32, #tpu.memory_space<vmem>>
      %dma_wait3A_421 = arith.constant 0 : i32
      %dma_wait3A_422 = tpu.memref_slice %arg2[%dma_wait3A_415, %dma_wait3A_421] : memref<16x3200000xf32, #tpu.memory_space<hbm>> -> memref<1x3200000xf32, #tpu.memory_space<hbm>>
      %dma_wait3A_423 = tpu.memref_squeeze %dma_wait3A_422 : memref<1x3200000xf32, #tpu.memory_space<hbm>> -> memref<3200000xf32, #tpu.memory_space<hbm>>
      %dma_wait3A_424 = arith.constant 0 : i32
      %dma_wait3A_425 = tpu.memref_slice %dma_wait3A_423[%dma_wait3A_424] : memref<3200000xf32, #tpu.memory_space<hbm>> -> memref<3200000xf32, #tpu.memory_space<hbm>>
      tpu.wait_indirect_dma semaphore(%arg8 : memref<!tpu.dma_semaphore, #tpu.memory_space<semaphore_mem>>) src(%dma_wait3A_425 : memref<3200000xf32, #tpu.memory_space<hbm>>) dst(%dma_wait3A_419 : memref<128xf32, #tpu.memory_space<vmem>>)
      %dma_wait3A_426 = arith.constant 4 : i32
      %dma_wait3A_427 = arith.constant 4 : i32
      %dma_wait3A_428 = arith.constant 0 : i32
      %dma_wait3A_429 = tpu.memref_slice %arg6[%dma_wait3A_427, %dma_wait3A_428] : memref<16x128xf32, #tpu.memory_space<vmem>> -> memref<1x128xf32, #tpu.memory_space<vmem>>
      %dma_wait3A_430 = tpu.memref_squeeze %dma_wait3A_429 : memref<1x128xf32, #tpu.memory_space<vmem>> -> memref<128xf32, #tpu.memory_space<vmem>>
      %dma_wait3A_431 = tpu.memref_slice %arg5[%mul3A_24] : memref<8192xi32, #tpu.memory_space<vmem>> -> memref<128xi32, #tpu.memory_space<vmem>>
      %dma_wait3A_432 = arith.constant 0 : i32
      %dma_wait3A_433 = tpu.memref_slice %arg2[%dma_wait3A_426, %dma_wait3A_432] : memref<16x3200000xf32, #tpu.memory_space<hbm>> -> memref<1x3200000xf32, #tpu.memory_space<hbm>>
      %dma_wait3A_434 = tpu.memref_squeeze %dma_wait3A_433 : memref<1x3200000xf32, #tpu.memory_space<hbm>> -> memref<3200000xf32, #tpu.memory_space<hbm>>
      %dma_wait3A_435 = arith.constant 0 : i32
      %dma_wait3A_436 = tpu.memref_slice %dma_wait3A_434[%dma_wait3A_435] : memref<3200000xf32, #tpu.memory_space<hbm>> -> memref<3200000xf32, #tpu.memory_space<hbm>>
      tpu.wait_indirect_dma semaphore(%arg8 : memref<!tpu.dma_semaphore, #tpu.memory_space<semaphore_mem>>) src(%dma_wait3A_436 : memref<3200000xf32, #tpu.memory_space<hbm>>) dst(%dma_wait3A_430 : memref<128xf32, #tpu.memory_space<vmem>>)
      %dma_wait3A_437 = arith.constant 5 : i32
      %dma_wait3A_438 = arith.constant 5 : i32
      %dma_wait3A_439 = arith.constant 0 : i32
      %dma_wait3A_440 = tpu.memref_slice %arg6[%dma_wait3A_438, %dma_wait3A_439] : memref<16x128xf32, #tpu.memory_space<vmem>> -> memref<1x128xf32, #tpu.memory_space<vmem>>
      %dma_wait3A_441 = tpu.memref_squeeze %dma_wait3A_440 : memref<1x128xf32, #tpu.memory_space<vmem>> -> memref<128xf32, #tpu.memory_space<vmem>>
      %dma_wait3A_442 = tpu.memref_slice %arg5[%mul3A_24] : memref<8192xi32, #tpu.memory_space<vmem>> -> memref<128xi32, #tpu.memory_space<vmem>>
      %dma_wait3A_443 = arith.constant 0 : i32
      %dma_wait3A_444 = tpu.memref_slice %arg2[%dma_wait3A_437, %dma_wait3A_443] : memref<16x3200000xf32, #tpu.memory_space<hbm>> -> memref<1x3200000xf32, #tpu.memory_space<hbm>>
      %dma_wait3A_445 = tpu.memref_squeeze %dma_wait3A_444 : memref<1x3200000xf32, #tpu.memory_space<hbm>> -> memref<3200000xf32, #tpu.memory_space<hbm>>
      %dma_wait3A_446 = arith.constant 0 : i32
      %dma_wait3A_447 = tpu.memref_slice %dma_wait3A_445[%dma_wait3A_446] : memref<3200000xf32, #tpu.memory_space<hbm>> -> memref<3200000xf32, #tpu.memory_space<hbm>>
      tpu.wait_indirect_dma semaphore(%arg8 : memref<!tpu.dma_semaphore, #tpu.memory_space<semaphore_mem>>) src(%dma_wait3A_447 : memref<3200000xf32, #tpu.memory_space<hbm>>) dst(%dma_wait3A_441 : memref<128xf32, #tpu.memory_space<vmem>>)
      %dma_wait3A_448 = arith.constant 6 : i32
      %dma_wait3A_449 = arith.constant 6 : i32
      %dma_wait3A_450 = arith.constant 0 : i32
      %dma_wait3A_451 = tpu.memref_slice %arg6[%dma_wait3A_449, %dma_wait3A_450] : memref<16x128xf32, #tpu.memory_space<vmem>> -> memref<1x128xf32, #tpu.memory_space<vmem>>
      %dma_wait3A_452 = tpu.memref_squeeze %dma_wait3A_451 : memref<1x128xf32, #tpu.memory_space<vmem>> -> memref<128xf32, #tpu.memory_space<vmem>>
      %dma_wait3A_453 = tpu.memref_slice %arg5[%mul3A_24] : memref<8192xi32, #tpu.memory_space<vmem>> -> memref<128xi32, #tpu.memory_space<vmem>>
      %dma_wait3A_454 = arith.constant 0 : i32
      %dma_wait3A_455 = tpu.memref_slice %arg2[%dma_wait3A_448, %dma_wait3A_454] : memref<16x3200000xf32, #tpu.memory_space<hbm>> -> memref<1x3200000xf32, #tpu.memory_space<hbm>>
      %dma_wait3A_456 = tpu.memref_squeeze %dma_wait3A_455 : memref<1x3200000xf32, #tpu.memory_space<hbm>> -> memref<3200000xf32, #tpu.memory_space<hbm>>
      %dma_wait3A_457 = arith.constant 0 : i32
      %dma_wait3A_458 = tpu.memref_slice %dma_wait3A_456[%dma_wait3A_457] : memref<3200000xf32, #tpu.memory_space<hbm>> -> memref<3200000xf32, #tpu.memory_space<hbm>>
      tpu.wait_indirect_dma semaphore(%arg8 : memref<!tpu.dma_semaphore, #tpu.memory_space<semaphore_mem>>) src(%dma_wait3A_458 : memref<3200000xf32, #tpu.memory_space<hbm>>) dst(%dma_wait3A_452 : memref<128xf32, #tpu.memory_space<vmem>>)
      %dma_wait3A_459 = arith.constant 7 : i32
      %dma_wait3A_460 = arith.constant 7 : i32
      %dma_wait3A_461 = arith.constant 0 : i32
      %dma_wait3A_462 = tpu.memref_slice %arg6[%dma_wait3A_460, %dma_wait3A_461] : memref<16x128xf32, #tpu.memory_space<vmem>> -> memref<1x128xf32, #tpu.memory_space<vmem>>
      %dma_wait3A_463 = tpu.memref_squeeze %dma_wait3A_462 : memref<1x128xf32, #tpu.memory_space<vmem>> -> memref<128xf32, #tpu.memory_space<vmem>>
      %dma_wait3A_464 = tpu.memref_slice %arg5[%mul3A_24] : memref<8192xi32, #tpu.memory_space<vmem>> -> memref<128xi32, #tpu.memory_space<vmem>>
      %dma_wait3A_465 = arith.constant 0 : i32
      %dma_wait3A_466 = tpu.memref_slice %arg2[%dma_wait3A_459, %dma_wait3A_465] : memref<16x3200000xf32, #tpu.memory_space<hbm>> -> memref<1x3200000xf32, #tpu.memory_space<hbm>>
      %dma_wait3A_467 = tpu.memref_squeeze %dma_wait3A_466 : memref<1x3200000xf32, #tpu.memory_space<hbm>> -> memref<3200000xf32, #tpu.memory_space<hbm>>
      %dma_wait3A_468 = arith.constant 0 : i32
      %dma_wait3A_469 = tpu.memref_slice %dma_wait3A_467[%dma_wait3A_468] : memref<3200000xf32, #tpu.memory_space<hbm>> -> memref<3200000xf32, #tpu.memory_space<hbm>>
      tpu.wait_indirect_dma semaphore(%arg8 : memref<!tpu.dma_semaphore, #tpu.memory_space<semaphore_mem>>) src(%dma_wait3A_469 : memref<3200000xf32, #tpu.memory_space<hbm>>) dst(%dma_wait3A_463 : memref<128xf32, #tpu.memory_space<vmem>>)
      %dma_wait3A_470 = arith.constant 8 : i32
      %dma_wait3A_471 = arith.constant 8 : i32
      %dma_wait3A_472 = arith.constant 0 : i32
      %dma_wait3A_473 = tpu.memref_slice %arg6[%dma_wait3A_471, %dma_wait3A_472] : memref<16x128xf32, #tpu.memory_space<vmem>> -> memref<1x128xf32, #tpu.memory_space<vmem>>
      %dma_wait3A_474 = tpu.memref_squeeze %dma_wait3A_473 : memref<1x128xf32, #tpu.memory_space<vmem>> -> memref<128xf32, #tpu.memory_space<vmem>>
      %dma_wait3A_475 = tpu.memref_slice %arg5[%mul3A_24] : memref<8192xi32, #tpu.memory_space<vmem>> -> memref<128xi32, #tpu.memory_space<vmem>>
      %dma_wait3A_476 = arith.constant 0 : i32
      %dma_wait3A_477 = tpu.memref_slice %arg2[%dma_wait3A_470, %dma_wait3A_476] : memref<16x3200000xf32, #tpu.memory_space<hbm>> -> memref<1x3200000xf32, #tpu.memory_space<hbm>>
      %dma_wait3A_478 = tpu.memref_squeeze %dma_wait3A_477 : memref<1x3200000xf32, #tpu.memory_space<hbm>> -> memref<3200000xf32, #tpu.memory_space<hbm>>
      %dma_wait3A_479 = arith.constant 0 : i32
      %dma_wait3A_480 = tpu.memref_slice %dma_wait3A_478[%dma_wait3A_479] : memref<3200000xf32, #tpu.memory_space<hbm>> -> memref<3200000xf32, #tpu.memory_space<hbm>>
      tpu.wait_indirect_dma semaphore(%arg8 : memref<!tpu.dma_semaphore, #tpu.memory_space<semaphore_mem>>) src(%dma_wait3A_480 : memref<3200000xf32, #tpu.memory_space<hbm>>) dst(%dma_wait3A_474 : memref<128xf32, #tpu.memory_space<vmem>>)
      %dma_wait3A_481 = arith.constant 9 : i32
      %dma_wait3A_482 = arith.constant 9 : i32
      %dma_wait3A_483 = arith.constant 0 : i32
      %dma_wait3A_484 = tpu.memref_slice %arg6[%dma_wait3A_482, %dma_wait3A_483] : memref<16x128xf32, #tpu.memory_space<vmem>> -> memref<1x128xf32, #tpu.memory_space<vmem>>
      %dma_wait3A_485 = tpu.memref_squeeze %dma_wait3A_484 : memref<1x128xf32, #tpu.memory_space<vmem>> -> memref<128xf32, #tpu.memory_space<vmem>>
      %dma_wait3A_486 = tpu.memref_slice %arg5[%mul3A_24] : memref<8192xi32, #tpu.memory_space<vmem>> -> memref<128xi32, #tpu.memory_space<vmem>>
      %dma_wait3A_487 = arith.constant 0 : i32
      %dma_wait3A_488 = tpu.memref_slice %arg2[%dma_wait3A_481, %dma_wait3A_487] : memref<16x3200000xf32, #tpu.memory_space<hbm>> -> memref<1x3200000xf32, #tpu.memory_space<hbm>>
      %dma_wait3A_489 = tpu.memref_squeeze %dma_wait3A_488 : memref<1x3200000xf32, #tpu.memory_space<hbm>> -> memref<3200000xf32, #tpu.memory_space<hbm>>
      %dma_wait3A_490 = arith.constant 0 : i32
      %dma_wait3A_491 = tpu.memref_slice %dma_wait3A_489[%dma_wait3A_490] : memref<3200000xf32, #tpu.memory_space<hbm>> -> memref<3200000xf32, #tpu.memory_space<hbm>>
      tpu.wait_indirect_dma semaphore(%arg8 : memref<!tpu.dma_semaphore, #tpu.memory_space<semaphore_mem>>) src(%dma_wait3A_491 : memref<3200000xf32, #tpu.memory_space<hbm>>) dst(%dma_wait3A_485 : memref<128xf32, #tpu.memory_space<vmem>>)
      %dma_wait3A_492 = arith.constant 10 : i32
      %dma_wait3A_493 = arith.constant 10 : i32
      %dma_wait3A_494 = arith.constant 0 : i32
      %dma_wait3A_495 = tpu.memref_slice %arg6[%dma_wait3A_493, %dma_wait3A_494] : memref<16x128xf32, #tpu.memory_space<vmem>> -> memref<1x128xf32, #tpu.memory_space<vmem>>
      %dma_wait3A_496 = tpu.memref_squeeze %dma_wait3A_495 : memref<1x128xf32, #tpu.memory_space<vmem>> -> memref<128xf32, #tpu.memory_space<vmem>>
      %dma_wait3A_497 = tpu.memref_slice %arg5[%mul3A_24] : memref<8192xi32, #tpu.memory_space<vmem>> -> memref<128xi32, #tpu.memory_space<vmem>>
      %dma_wait3A_498 = arith.constant 0 : i32
      %dma_wait3A_499 = tpu.memref_slice %arg2[%dma_wait3A_492, %dma_wait3A_498] : memref<16x3200000xf32, #tpu.memory_space<hbm>> -> memref<1x3200000xf32, #tpu.memory_space<hbm>>
      %dma_wait3A_500 = tpu.memref_squeeze %dma_wait3A_499 : memref<1x3200000xf32, #tpu.memory_space<hbm>> -> memref<3200000xf32, #tpu.memory_space<hbm>>
      %dma_wait3A_501 = arith.constant 0 : i32
      %dma_wait3A_502 = tpu.memref_slice %dma_wait3A_500[%dma_wait3A_501] : memref<3200000xf32, #tpu.memory_space<hbm>> -> memref<3200000xf32, #tpu.memory_space<hbm>>
      tpu.wait_indirect_dma semaphore(%arg8 : memref<!tpu.dma_semaphore, #tpu.memory_space<semaphore_mem>>) src(%dma_wait3A_502 : memref<3200000xf32, #tpu.memory_space<hbm>>) dst(%dma_wait3A_496 : memref<128xf32, #tpu.memory_space<vmem>>)
      %dma_wait3A_503 = arith.constant 11 : i32
      %dma_wait3A_504 = arith.constant 11 : i32
      %dma_wait3A_505 = arith.constant 0 : i32
      %dma_wait3A_506 = tpu.memref_slice %arg6[%dma_wait3A_504, %dma_wait3A_505] : memref<16x128xf32, #tpu.memory_space<vmem>> -> memref<1x128xf32, #tpu.memory_space<vmem>>
      %dma_wait3A_507 = tpu.memref_squeeze %dma_wait3A_506 : memref<1x128xf32, #tpu.memory_space<vmem>> -> memref<128xf32, #tpu.memory_space<vmem>>
      %dma_wait3A_508 = tpu.memref_slice %arg5[%mul3A_24] : memref<8192xi32, #tpu.memory_space<vmem>> -> memref<128xi32, #tpu.memory_space<vmem>>
      %dma_wait3A_509 = arith.constant 0 : i32
      %dma_wait3A_510 = tpu.memref_slice %arg2[%dma_wait3A_503, %dma_wait3A_509] : memref<16x3200000xf32, #tpu.memory_space<hbm>> -> memref<1x3200000xf32, #tpu.memory_space<hbm>>
      %dma_wait3A_511 = tpu.memref_squeeze %dma_wait3A_510 : memref<1x3200000xf32, #tpu.memory_space<hbm>> -> memref<3200000xf32, #tpu.memory_space<hbm>>
      %dma_wait3A_512 = arith.constant 0 : i32
      %dma_wait3A_513 = tpu.memref_slice %dma_wait3A_511[%dma_wait3A_512] : memref<3200000xf32, #tpu.memory_space<hbm>> -> memref<3200000xf32, #tpu.memory_space<hbm>>
      tpu.wait_indirect_dma semaphore(%arg8 : memref<!tpu.dma_semaphore, #tpu.memory_space<semaphore_mem>>) src(%dma_wait3A_513 : memref<3200000xf32, #tpu.memory_space<hbm>>) dst(%dma_wait3A_507 : memref<128xf32, #tpu.memory_space<vmem>>)
      %dma_wait3A_514 = arith.constant 12 : i32
      %dma_wait3A_515 = arith.constant 12 : i32
      %dma_wait3A_516 = arith.constant 0 : i32
      %dma_wait3A_517 = tpu.memref_slice %arg6[%dma_wait3A_515, %dma_wait3A_516] : memref<16x128xf32, #tpu.memory_space<vmem>> -> memref<1x128xf32, #tpu.memory_space<vmem>>
      %dma_wait3A_518 = tpu.memref_squeeze %dma_wait3A_517 : memref<1x128xf32, #tpu.memory_space<vmem>> -> memref<128xf32, #tpu.memory_space<vmem>>
      %dma_wait3A_519 = tpu.memref_slice %arg5[%mul3A_24] : memref<8192xi32, #tpu.memory_space<vmem>> -> memref<128xi32, #tpu.memory_space<vmem>>
      %dma_wait3A_520 = arith.constant 0 : i32
      %dma_wait3A_521 = tpu.memref_slice %arg2[%dma_wait3A_514, %dma_wait3A_520] : memref<16x3200000xf32, #tpu.memory_space<hbm>> -> memref<1x3200000xf32, #tpu.memory_space<hbm>>
      %dma_wait3A_522 = tpu.memref_squeeze %dma_wait3A_521 : memref<1x3200000xf32, #tpu.memory_space<hbm>> -> memref<3200000xf32, #tpu.memory_space<hbm>>
      %dma_wait3A_523 = arith.constant 0 : i32
      %dma_wait3A_524 = tpu.memref_slice %dma_wait3A_522[%dma_wait3A_523] : memref<3200000xf32, #tpu.memory_space<hbm>> -> memref<3200000xf32, #tpu.memory_space<hbm>>
      tpu.wait_indirect_dma semaphore(%arg8 : memref<!tpu.dma_semaphore, #tpu.memory_space<semaphore_mem>>) src(%dma_wait3A_524 : memref<3200000xf32, #tpu.memory_space<hbm>>) dst(%dma_wait3A_518 : memref<128xf32, #tpu.memory_space<vmem>>)
      %dma_wait3A_525 = arith.constant 13 : i32
      %dma_wait3A_526 = arith.constant 13 : i32
      %dma_wait3A_527 = arith.constant 0 : i32
      %dma_wait3A_528 = tpu.memref_slice %arg6[%dma_wait3A_526, %dma_wait3A_527] : memref<16x128xf32, #tpu.memory_space<vmem>> -> memref<1x128xf32, #tpu.memory_space<vmem>>
      %dma_wait3A_529 = tpu.memref_squeeze %dma_wait3A_528 : memref<1x128xf32, #tpu.memory_space<vmem>> -> memref<128xf32, #tpu.memory_space<vmem>>
      %dma_wait3A_530 = tpu.memref_slice %arg5[%mul3A_24] : memref<8192xi32, #tpu.memory_space<vmem>> -> memref<128xi32, #tpu.memory_space<vmem>>
      %dma_wait3A_531 = arith.constant 0 : i32
      %dma_wait3A_532 = tpu.memref_slice %arg2[%dma_wait3A_525, %dma_wait3A_531] : memref<16x3200000xf32, #tpu.memory_space<hbm>> -> memref<1x3200000xf32, #tpu.memory_space<hbm>>
      %dma_wait3A_533 = tpu.memref_squeeze %dma_wait3A_532 : memref<1x3200000xf32, #tpu.memory_space<hbm>> -> memref<3200000xf32, #tpu.memory_space<hbm>>
      %dma_wait3A_534 = arith.constant 0 : i32
      %dma_wait3A_535 = tpu.memref_slice %dma_wait3A_533[%dma_wait3A_534] : memref<3200000xf32, #tpu.memory_space<hbm>> -> memref<3200000xf32, #tpu.memory_space<hbm>>
      tpu.wait_indirect_dma semaphore(%arg8 : memref<!tpu.dma_semaphore, #tpu.memory_space<semaphore_mem>>) src(%dma_wait3A_535 : memref<3200000xf32, #tpu.memory_space<hbm>>) dst(%dma_wait3A_529 : memref<128xf32, #tpu.memory_space<vmem>>)
      %dma_wait3A_536 = arith.constant 14 : i32
      %dma_wait3A_537 = arith.constant 14 : i32
      %dma_wait3A_538 = arith.constant 0 : i32
      %dma_wait3A_539 = tpu.memref_slice %arg6[%dma_wait3A_537, %dma_wait3A_538] : memref<16x128xf32, #tpu.memory_space<vmem>> -> memref<1x128xf32, #tpu.memory_space<vmem>>
      %dma_wait3A_540 = tpu.memref_squeeze %dma_wait3A_539 : memref<1x128xf32, #tpu.memory_space<vmem>> -> memref<128xf32, #tpu.memory_space<vmem>>
      %dma_wait3A_541 = tpu.memref_slice %arg5[%mul3A_24] : memref<8192xi32, #tpu.memory_space<vmem>> -> memref<128xi32, #tpu.memory_space<vmem>>
      %dma_wait3A_542 = arith.constant 0 : i32
      %dma_wait3A_543 = tpu.memref_slice %arg2[%dma_wait3A_536, %dma_wait3A_542] : memref<16x3200000xf32, #tpu.memory_space<hbm>> -> memref<1x3200000xf32, #tpu.memory_space<hbm>>
      %dma_wait3A_544 = tpu.memref_squeeze %dma_wait3A_543 : memref<1x3200000xf32, #tpu.memory_space<hbm>> -> memref<3200000xf32, #tpu.memory_space<hbm>>
      %dma_wait3A_545 = arith.constant 0 : i32
      %dma_wait3A_546 = tpu.memref_slice %dma_wait3A_544[%dma_wait3A_545] : memref<3200000xf32, #tpu.memory_space<hbm>> -> memref<3200000xf32, #tpu.memory_space<hbm>>
      tpu.wait_indirect_dma semaphore(%arg8 : memref<!tpu.dma_semaphore, #tpu.memory_space<semaphore_mem>>) src(%dma_wait3A_546 : memref<3200000xf32, #tpu.memory_space<hbm>>) dst(%dma_wait3A_540 : memref<128xf32, #tpu.memory_space<vmem>>)
      %dma_wait3A_547 = arith.constant 15 : i32
      %dma_wait3A_548 = arith.constant 15 : i32
      %dma_wait3A_549 = arith.constant 0 : i32
      %dma_wait3A_550 = tpu.memref_slice %arg6[%dma_wait3A_548, %dma_wait3A_549] : memref<16x128xf32, #tpu.memory_space<vmem>> -> memref<1x128xf32, #tpu.memory_space<vmem>>
      %dma_wait3A_551 = tpu.memref_squeeze %dma_wait3A_550 : memref<1x128xf32, #tpu.memory_space<vmem>> -> memref<128xf32, #tpu.memory_space<vmem>>
      %dma_wait3A_552 = tpu.memref_slice %arg5[%mul3A_24] : memref<8192xi32, #tpu.memory_space<vmem>> -> memref<128xi32, #tpu.memory_space<vmem>>
      %dma_wait3A_553 = arith.constant 0 : i32
      %dma_wait3A_554 = tpu.memref_slice %arg2[%dma_wait3A_547, %dma_wait3A_553] : memref<16x3200000xf32, #tpu.memory_space<hbm>> -> memref<1x3200000xf32, #tpu.memory_space<hbm>>
      %dma_wait3A_555 = tpu.memref_squeeze %dma_wait3A_554 : memref<1x3200000xf32, #tpu.memory_space<hbm>> -> memref<3200000xf32, #tpu.memory_space<hbm>>
      %dma_wait3A_556 = arith.constant 0 : i32
      %dma_wait3A_557 = tpu.memref_slice %dma_wait3A_555[%dma_wait3A_556] : memref<3200000xf32, #tpu.memory_space<hbm>> -> memref<3200000xf32, #tpu.memory_space<hbm>>
      tpu.wait_indirect_dma semaphore(%arg8 : memref<!tpu.dma_semaphore, #tpu.memory_space<semaphore_mem>>) src(%dma_wait3A_557 : memref<3200000xf32, #tpu.memory_space<hbm>>) dst(%dma_wait3A_551 : memref<128xf32, #tpu.memory_space<vmem>>)
      %mul3A_558 = arith.constant 128 : i32
      %mul3A_559 = arith.muli %add3A_381, %mul3A_558 : i32
      %add3A_560 = arith.addi %mul3A_2, %mul3A_559 : i32
      %dma_start3A_561 = arith.constant 0 : i32
      %dma_start3A_562 = tpu.memref_slice %arg4[%dma_start3A_561, %add3A_560] : memref<16x262144xf32, #tpu.memory_space<hbm>> -> memref<16x128xf32, #tpu.memory_space<hbm>>
      %dma_start3A_563 = arith.constant 0 : i32
      %dma_start3A_564 = tpu.memref_slice %arg4[%dma_start3A_563, %add3A_560] : memref<16x262144xf32, #tpu.memory_space<hbm>> -> memref<16x128xf32, #tpu.memory_space<hbm>>
      tpu.enqueue_dma source(%arg6 : memref<16x128xf32, #tpu.memory_space<vmem>>) target(%dma_start3A_564 : memref<16x128xf32, #tpu.memory_space<hbm>>) target_semaphore(%arg10 : memref<!tpu.dma_semaphore, #tpu.memory_space<semaphore_mem>>)
      %add3A_565 = arith.constant 1 : i32
      %add3A_566 = arith.addi %add3A_18, %add3A_565 : i32
      %dma_wait3A_567 = arith.constant 0 : i32
      %dma_wait3A_568 = arith.constant 0 : i32
      %dma_wait3A_569 = arith.constant 0 : i32
      %dma_wait3A_570 = tpu.memref_slice %arg7[%dma_wait3A_568, %dma_wait3A_569] : memref<16x128xf32, #tpu.memory_space<vmem>> -> memref<1x128xf32, #tpu.memory_space<vmem>>
      %dma_wait3A_571 = tpu.memref_squeeze %dma_wait3A_570 : memref<1x128xf32, #tpu.memory_space<vmem>> -> memref<128xf32, #tpu.memory_space<vmem>>
      %dma_wait3A_572 = tpu.memref_slice %arg5[%mul3A_203] : memref<8192xi32, #tpu.memory_space<vmem>> -> memref<128xi32, #tpu.memory_space<vmem>>
      %dma_wait3A_573 = arith.constant 0 : i32
      %dma_wait3A_574 = tpu.memref_slice %arg2[%dma_wait3A_567, %dma_wait3A_573] : memref<16x3200000xf32, #tpu.memory_space<hbm>> -> memref<1x3200000xf32, #tpu.memory_space<hbm>>
      %dma_wait3A_575 = tpu.memref_squeeze %dma_wait3A_574 : memref<1x3200000xf32, #tpu.memory_space<hbm>> -> memref<3200000xf32, #tpu.memory_space<hbm>>
      %dma_wait3A_576 = arith.constant 0 : i32
      %dma_wait3A_577 = tpu.memref_slice %dma_wait3A_575[%dma_wait3A_576] : memref<3200000xf32, #tpu.memory_space<hbm>> -> memref<3200000xf32, #tpu.memory_space<hbm>>
      tpu.wait_indirect_dma semaphore(%arg9 : memref<!tpu.dma_semaphore, #tpu.memory_space<semaphore_mem>>) src(%dma_wait3A_577 : memref<3200000xf32, #tpu.memory_space<hbm>>) dst(%dma_wait3A_571 : memref<128xf32, #tpu.memory_space<vmem>>)
      %dma_wait3A_578 = arith.constant 1 : i32
      %dma_wait3A_579 = arith.constant 1 : i32
      %dma_wait3A_580 = arith.constant 0 : i32
      %dma_wait3A_581 = tpu.memref_slice %arg7[%dma_wait3A_579, %dma_wait3A_580] : memref<16x128xf32, #tpu.memory_space<vmem>> -> memref<1x128xf32, #tpu.memory_space<vmem>>
      %dma_wait3A_582 = tpu.memref_squeeze %dma_wait3A_581 : memref<1x128xf32, #tpu.memory_space<vmem>> -> memref<128xf32, #tpu.memory_space<vmem>>
      %dma_wait3A_583 = tpu.memref_slice %arg5[%mul3A_203] : memref<8192xi32, #tpu.memory_space<vmem>> -> memref<128xi32, #tpu.memory_space<vmem>>
      %dma_wait3A_584 = arith.constant 0 : i32
      %dma_wait3A_585 = tpu.memref_slice %arg2[%dma_wait3A_578, %dma_wait3A_584] : memref<16x3200000xf32, #tpu.memory_space<hbm>> -> memref<1x3200000xf32, #tpu.memory_space<hbm>>
      %dma_wait3A_586 = tpu.memref_squeeze %dma_wait3A_585 : memref<1x3200000xf32, #tpu.memory_space<hbm>> -> memref<3200000xf32, #tpu.memory_space<hbm>>
      %dma_wait3A_587 = arith.constant 0 : i32
      %dma_wait3A_588 = tpu.memref_slice %dma_wait3A_586[%dma_wait3A_587] : memref<3200000xf32, #tpu.memory_space<hbm>> -> memref<3200000xf32, #tpu.memory_space<hbm>>
      tpu.wait_indirect_dma semaphore(%arg9 : memref<!tpu.dma_semaphore, #tpu.memory_space<semaphore_mem>>) src(%dma_wait3A_588 : memref<3200000xf32, #tpu.memory_space<hbm>>) dst(%dma_wait3A_582 : memref<128xf32, #tpu.memory_space<vmem>>)
      %dma_wait3A_589 = arith.constant 2 : i32
      %dma_wait3A_590 = arith.constant 2 : i32
      %dma_wait3A_591 = arith.constant 0 : i32
      %dma_wait3A_592 = tpu.memref_slice %arg7[%dma_wait3A_590, %dma_wait3A_591] : memref<16x128xf32, #tpu.memory_space<vmem>> -> memref<1x128xf32, #tpu.memory_space<vmem>>
      %dma_wait3A_593 = tpu.memref_squeeze %dma_wait3A_592 : memref<1x128xf32, #tpu.memory_space<vmem>> -> memref<128xf32, #tpu.memory_space<vmem>>
      %dma_wait3A_594 = tpu.memref_slice %arg5[%mul3A_203] : memref<8192xi32, #tpu.memory_space<vmem>> -> memref<128xi32, #tpu.memory_space<vmem>>
      %dma_wait3A_595 = arith.constant 0 : i32
      %dma_wait3A_596 = tpu.memref_slice %arg2[%dma_wait3A_589, %dma_wait3A_595] : memref<16x3200000xf32, #tpu.memory_space<hbm>> -> memref<1x3200000xf32, #tpu.memory_space<hbm>>
      %dma_wait3A_597 = tpu.memref_squeeze %dma_wait3A_596 : memref<1x3200000xf32, #tpu.memory_space<hbm>> -> memref<3200000xf32, #tpu.memory_space<hbm>>
      %dma_wait3A_598 = arith.constant 0 : i32
      %dma_wait3A_599 = tpu.memref_slice %dma_wait3A_597[%dma_wait3A_598] : memref<3200000xf32, #tpu.memory_space<hbm>> -> memref<3200000xf32, #tpu.memory_space<hbm>>
      tpu.wait_indirect_dma semaphore(%arg9 : memref<!tpu.dma_semaphore, #tpu.memory_space<semaphore_mem>>) src(%dma_wait3A_599 : memref<3200000xf32, #tpu.memory_space<hbm>>) dst(%dma_wait3A_593 : memref<128xf32, #tpu.memory_space<vmem>>)
      %dma_wait3A_600 = arith.constant 3 : i32
      %dma_wait3A_601 = arith.constant 3 : i32
      %dma_wait3A_602 = arith.constant 0 : i32
      %dma_wait3A_603 = tpu.memref_slice %arg7[%dma_wait3A_601, %dma_wait3A_602] : memref<16x128xf32, #tpu.memory_space<vmem>> -> memref<1x128xf32, #tpu.memory_space<vmem>>
      %dma_wait3A_604 = tpu.memref_squeeze %dma_wait3A_603 : memref<1x128xf32, #tpu.memory_space<vmem>> -> memref<128xf32, #tpu.memory_space<vmem>>
      %dma_wait3A_605 = tpu.memref_slice %arg5[%mul3A_203] : memref<8192xi32, #tpu.memory_space<vmem>> -> memref<128xi32, #tpu.memory_space<vmem>>
      %dma_wait3A_606 = arith.constant 0 : i32
      %dma_wait3A_607 = tpu.memref_slice %arg2[%dma_wait3A_600, %dma_wait3A_606] : memref<16x3200000xf32, #tpu.memory_space<hbm>> -> memref<1x3200000xf32, #tpu.memory_space<hbm>>
      %dma_wait3A_608 = tpu.memref_squeeze %dma_wait3A_607 : memref<1x3200000xf32, #tpu.memory_space<hbm>> -> memref<3200000xf32, #tpu.memory_space<hbm>>
      %dma_wait3A_609 = arith.constant 0 : i32
      %dma_wait3A_610 = tpu.memref_slice %dma_wait3A_608[%dma_wait3A_609] : memref<3200000xf32, #tpu.memory_space<hbm>> -> memref<3200000xf32, #tpu.memory_space<hbm>>
      tpu.wait_indirect_dma semaphore(%arg9 : memref<!tpu.dma_semaphore, #tpu.memory_space<semaphore_mem>>) src(%dma_wait3A_610 : memref<3200000xf32, #tpu.memory_space<hbm>>) dst(%dma_wait3A_604 : memref<128xf32, #tpu.memory_space<vmem>>)
      %dma_wait3A_611 = arith.constant 4 : i32
      %dma_wait3A_612 = arith.constant 4 : i32
      %dma_wait3A_613 = arith.constant 0 : i32
      %dma_wait3A_614 = tpu.memref_slice %arg7[%dma_wait3A_612, %dma_wait3A_613] : memref<16x128xf32, #tpu.memory_space<vmem>> -> memref<1x128xf32, #tpu.memory_space<vmem>>
      %dma_wait3A_615 = tpu.memref_squeeze %dma_wait3A_614 : memref<1x128xf32, #tpu.memory_space<vmem>> -> memref<128xf32, #tpu.memory_space<vmem>>
      %dma_wait3A_616 = tpu.memref_slice %arg5[%mul3A_203] : memref<8192xi32, #tpu.memory_space<vmem>> -> memref<128xi32, #tpu.memory_space<vmem>>
      %dma_wait3A_617 = arith.constant 0 : i32
      %dma_wait3A_618 = tpu.memref_slice %arg2[%dma_wait3A_611, %dma_wait3A_617] : memref<16x3200000xf32, #tpu.memory_space<hbm>> -> memref<1x3200000xf32, #tpu.memory_space<hbm>>
      %dma_wait3A_619 = tpu.memref_squeeze %dma_wait3A_618 : memref<1x3200000xf32, #tpu.memory_space<hbm>> -> memref<3200000xf32, #tpu.memory_space<hbm>>
      %dma_wait3A_620 = arith.constant 0 : i32
      %dma_wait3A_621 = tpu.memref_slice %dma_wait3A_619[%dma_wait3A_620] : memref<3200000xf32, #tpu.memory_space<hbm>> -> memref<3200000xf32, #tpu.memory_space<hbm>>
      tpu.wait_indirect_dma semaphore(%arg9 : memref<!tpu.dma_semaphore, #tpu.memory_space<semaphore_mem>>) src(%dma_wait3A_621 : memref<3200000xf32, #tpu.memory_space<hbm>>) dst(%dma_wait3A_615 : memref<128xf32, #tpu.memory_space<vmem>>)
      %dma_wait3A_622 = arith.constant 5 : i32
      %dma_wait3A_623 = arith.constant 5 : i32
      %dma_wait3A_624 = arith.constant 0 : i32
      %dma_wait3A_625 = tpu.memref_slice %arg7[%dma_wait3A_623, %dma_wait3A_624] : memref<16x128xf32, #tpu.memory_space<vmem>> -> memref<1x128xf32, #tpu.memory_space<vmem>>
      %dma_wait3A_626 = tpu.memref_squeeze %dma_wait3A_625 : memref<1x128xf32, #tpu.memory_space<vmem>> -> memref<128xf32, #tpu.memory_space<vmem>>
      %dma_wait3A_627 = tpu.memref_slice %arg5[%mul3A_203] : memref<8192xi32, #tpu.memory_space<vmem>> -> memref<128xi32, #tpu.memory_space<vmem>>
      %dma_wait3A_628 = arith.constant 0 : i32
      %dma_wait3A_629 = tpu.memref_slice %arg2[%dma_wait3A_622, %dma_wait3A_628] : memref<16x3200000xf32, #tpu.memory_space<hbm>> -> memref<1x3200000xf32, #tpu.memory_space<hbm>>
      %dma_wait3A_630 = tpu.memref_squeeze %dma_wait3A_629 : memref<1x3200000xf32, #tpu.memory_space<hbm>> -> memref<3200000xf32, #tpu.memory_space<hbm>>
      %dma_wait3A_631 = arith.constant 0 : i32
      %dma_wait3A_632 = tpu.memref_slice %dma_wait3A_630[%dma_wait3A_631] : memref<3200000xf32, #tpu.memory_space<hbm>> -> memref<3200000xf32, #tpu.memory_space<hbm>>
      tpu.wait_indirect_dma semaphore(%arg9 : memref<!tpu.dma_semaphore, #tpu.memory_space<semaphore_mem>>) src(%dma_wait3A_632 : memref<3200000xf32, #tpu.memory_space<hbm>>) dst(%dma_wait3A_626 : memref<128xf32, #tpu.memory_space<vmem>>)
      %dma_wait3A_633 = arith.constant 6 : i32
      %dma_wait3A_634 = arith.constant 6 : i32
      %dma_wait3A_635 = arith.constant 0 : i32
      %dma_wait3A_636 = tpu.memref_slice %arg7[%dma_wait3A_634, %dma_wait3A_635] : memref<16x128xf32, #tpu.memory_space<vmem>> -> memref<1x128xf32, #tpu.memory_space<vmem>>
      %dma_wait3A_637 = tpu.memref_squeeze %dma_wait3A_636 : memref<1x128xf32, #tpu.memory_space<vmem>> -> memref<128xf32, #tpu.memory_space<vmem>>
      %dma_wait3A_638 = tpu.memref_slice %arg5[%mul3A_203] : memref<8192xi32, #tpu.memory_space<vmem>> -> memref<128xi32, #tpu.memory_space<vmem>>
      %dma_wait3A_639 = arith.constant 0 : i32
      %dma_wait3A_640 = tpu.memref_slice %arg2[%dma_wait3A_633, %dma_wait3A_639] : memref<16x3200000xf32, #tpu.memory_space<hbm>> -> memref<1x3200000xf32, #tpu.memory_space<hbm>>
      %dma_wait3A_641 = tpu.memref_squeeze %dma_wait3A_640 : memref<1x3200000xf32, #tpu.memory_space<hbm>> -> memref<3200000xf32, #tpu.memory_space<hbm>>
      %dma_wait3A_642 = arith.constant 0 : i32
      %dma_wait3A_643 = tpu.memref_slice %dma_wait3A_641[%dma_wait3A_642] : memref<3200000xf32, #tpu.memory_space<hbm>> -> memref<3200000xf32, #tpu.memory_space<hbm>>
      tpu.wait_indirect_dma semaphore(%arg9 : memref<!tpu.dma_semaphore, #tpu.memory_space<semaphore_mem>>) src(%dma_wait3A_643 : memref<3200000xf32, #tpu.memory_space<hbm>>) dst(%dma_wait3A_637 : memref<128xf32, #tpu.memory_space<vmem>>)
      %dma_wait3A_644 = arith.constant 7 : i32
      %dma_wait3A_645 = arith.constant 7 : i32
      %dma_wait3A_646 = arith.constant 0 : i32
      %dma_wait3A_647 = tpu.memref_slice %arg7[%dma_wait3A_645, %dma_wait3A_646] : memref<16x128xf32, #tpu.memory_space<vmem>> -> memref<1x128xf32, #tpu.memory_space<vmem>>
      %dma_wait3A_648 = tpu.memref_squeeze %dma_wait3A_647 : memref<1x128xf32, #tpu.memory_space<vmem>> -> memref<128xf32, #tpu.memory_space<vmem>>
      %dma_wait3A_649 = tpu.memref_slice %arg5[%mul3A_203] : memref<8192xi32, #tpu.memory_space<vmem>> -> memref<128xi32, #tpu.memory_space<vmem>>
      %dma_wait3A_650 = arith.constant 0 : i32
      %dma_wait3A_651 = tpu.memref_slice %arg2[%dma_wait3A_644, %dma_wait3A_650] : memref<16x3200000xf32, #tpu.memory_space<hbm>> -> memref<1x3200000xf32, #tpu.memory_space<hbm>>
      %dma_wait3A_652 = tpu.memref_squeeze %dma_wait3A_651 : memref<1x3200000xf32, #tpu.memory_space<hbm>> -> memref<3200000xf32, #tpu.memory_space<hbm>>
      %dma_wait3A_653 = arith.constant 0 : i32
      %dma_wait3A_654 = tpu.memref_slice %dma_wait3A_652[%dma_wait3A_653] : memref<3200000xf32, #tpu.memory_space<hbm>> -> memref<3200000xf32, #tpu.memory_space<hbm>>
      tpu.wait_indirect_dma semaphore(%arg9 : memref<!tpu.dma_semaphore, #tpu.memory_space<semaphore_mem>>) src(%dma_wait3A_654 : memref<3200000xf32, #tpu.memory_space<hbm>>) dst(%dma_wait3A_648 : memref<128xf32, #tpu.memory_space<vmem>>)
      %dma_wait3A_655 = arith.constant 8 : i32
      %dma_wait3A_656 = arith.constant 8 : i32
      %dma_wait3A_657 = arith.constant 0 : i32
      %dma_wait3A_658 = tpu.memref_slice %arg7[%dma_wait3A_656, %dma_wait3A_657] : memref<16x128xf32, #tpu.memory_space<vmem>> -> memref<1x128xf32, #tpu.memory_space<vmem>>
      %dma_wait3A_659 = tpu.memref_squeeze %dma_wait3A_658 : memref<1x128xf32, #tpu.memory_space<vmem>> -> memref<128xf32, #tpu.memory_space<vmem>>
      %dma_wait3A_660 = tpu.memref_slice %arg5[%mul3A_203] : memref<8192xi32, #tpu.memory_space<vmem>> -> memref<128xi32, #tpu.memory_space<vmem>>
      %dma_wait3A_661 = arith.constant 0 : i32
      %dma_wait3A_662 = tpu.memref_slice %arg2[%dma_wait3A_655, %dma_wait3A_661] : memref<16x3200000xf32, #tpu.memory_space<hbm>> -> memref<1x3200000xf32, #tpu.memory_space<hbm>>
      %dma_wait3A_663 = tpu.memref_squeeze %dma_wait3A_662 : memref<1x3200000xf32, #tpu.memory_space<hbm>> -> memref<3200000xf32, #tpu.memory_space<hbm>>
      %dma_wait3A_664 = arith.constant 0 : i32
      %dma_wait3A_665 = tpu.memref_slice %dma_wait3A_663[%dma_wait3A_664] : memref<3200000xf32, #tpu.memory_space<hbm>> -> memref<3200000xf32, #tpu.memory_space<hbm>>
      tpu.wait_indirect_dma semaphore(%arg9 : memref<!tpu.dma_semaphore, #tpu.memory_space<semaphore_mem>>) src(%dma_wait3A_665 : memref<3200000xf32, #tpu.memory_space<hbm>>) dst(%dma_wait3A_659 : memref<128xf32, #tpu.memory_space<vmem>>)
      %dma_wait3A_666 = arith.constant 9 : i32
      %dma_wait3A_667 = arith.constant 9 : i32
      %dma_wait3A_668 = arith.constant 0 : i32
      %dma_wait3A_669 = tpu.memref_slice %arg7[%dma_wait3A_667, %dma_wait3A_668] : memref<16x128xf32, #tpu.memory_space<vmem>> -> memref<1x128xf32, #tpu.memory_space<vmem>>
      %dma_wait3A_670 = tpu.memref_squeeze %dma_wait3A_669 : memref<1x128xf32, #tpu.memory_space<vmem>> -> memref<128xf32, #tpu.memory_space<vmem>>
      %dma_wait3A_671 = tpu.memref_slice %arg5[%mul3A_203] : memref<8192xi32, #tpu.memory_space<vmem>> -> memref<128xi32, #tpu.memory_space<vmem>>
      %dma_wait3A_672 = arith.constant 0 : i32
      %dma_wait3A_673 = tpu.memref_slice %arg2[%dma_wait3A_666, %dma_wait3A_672] : memref<16x3200000xf32, #tpu.memory_space<hbm>> -> memref<1x3200000xf32, #tpu.memory_space<hbm>>
      %dma_wait3A_674 = tpu.memref_squeeze %dma_wait3A_673 : memref<1x3200000xf32, #tpu.memory_space<hbm>> -> memref<3200000xf32, #tpu.memory_space<hbm>>
      %dma_wait3A_675 = arith.constant 0 : i32
      %dma_wait3A_676 = tpu.memref_slice %dma_wait3A_674[%dma_wait3A_675] : memref<3200000xf32, #tpu.memory_space<hbm>> -> memref<3200000xf32, #tpu.memory_space<hbm>>
      tpu.wait_indirect_dma semaphore(%arg9 : memref<!tpu.dma_semaphore, #tpu.memory_space<semaphore_mem>>) src(%dma_wait3A_676 : memref<3200000xf32, #tpu.memory_space<hbm>>) dst(%dma_wait3A_670 : memref<128xf32, #tpu.memory_space<vmem>>)
      %dma_wait3A_677 = arith.constant 10 : i32
      %dma_wait3A_678 = arith.constant 10 : i32
      %dma_wait3A_679 = arith.constant 0 : i32
      %dma_wait3A_680 = tpu.memref_slice %arg7[%dma_wait3A_678, %dma_wait3A_679] : memref<16x128xf32, #tpu.memory_space<vmem>> -> memref<1x128xf32, #tpu.memory_space<vmem>>
      %dma_wait3A_681 = tpu.memref_squeeze %dma_wait3A_680 : memref<1x128xf32, #tpu.memory_space<vmem>> -> memref<128xf32, #tpu.memory_space<vmem>>
      %dma_wait3A_682 = tpu.memref_slice %arg5[%mul3A_203] : memref<8192xi32, #tpu.memory_space<vmem>> -> memref<128xi32, #tpu.memory_space<vmem>>
      %dma_wait3A_683 = arith.constant 0 : i32
      %dma_wait3A_684 = tpu.memref_slice %arg2[%dma_wait3A_677, %dma_wait3A_683] : memref<16x3200000xf32, #tpu.memory_space<hbm>> -> memref<1x3200000xf32, #tpu.memory_space<hbm>>
      %dma_wait3A_685 = tpu.memref_squeeze %dma_wait3A_684 : memref<1x3200000xf32, #tpu.memory_space<hbm>> -> memref<3200000xf32, #tpu.memory_space<hbm>>
      %dma_wait3A_686 = arith.constant 0 : i32
      %dma_wait3A_687 = tpu.memref_slice %dma_wait3A_685[%dma_wait3A_686] : memref<3200000xf32, #tpu.memory_space<hbm>> -> memref<3200000xf32, #tpu.memory_space<hbm>>
      tpu.wait_indirect_dma semaphore(%arg9 : memref<!tpu.dma_semaphore, #tpu.memory_space<semaphore_mem>>) src(%dma_wait3A_687 : memref<3200000xf32, #tpu.memory_space<hbm>>) dst(%dma_wait3A_681 : memref<128xf32, #tpu.memory_space<vmem>>)
      %dma_wait3A_688 = arith.constant 11 : i32
      %dma_wait3A_689 = arith.constant 11 : i32
      %dma_wait3A_690 = arith.constant 0 : i32
      %dma_wait3A_691 = tpu.memref_slice %arg7[%dma_wait3A_689, %dma_wait3A_690] : memref<16x128xf32, #tpu.memory_space<vmem>> -> memref<1x128xf32, #tpu.memory_space<vmem>>
      %dma_wait3A_692 = tpu.memref_squeeze %dma_wait3A_691 : memref<1x128xf32, #tpu.memory_space<vmem>> -> memref<128xf32, #tpu.memory_space<vmem>>
      %dma_wait3A_693 = tpu.memref_slice %arg5[%mul3A_203] : memref<8192xi32, #tpu.memory_space<vmem>> -> memref<128xi32, #tpu.memory_space<vmem>>
      %dma_wait3A_694 = arith.constant 0 : i32
      %dma_wait3A_695 = tpu.memref_slice %arg2[%dma_wait3A_688, %dma_wait3A_694] : memref<16x3200000xf32, #tpu.memory_space<hbm>> -> memref<1x3200000xf32, #tpu.memory_space<hbm>>
      %dma_wait3A_696 = tpu.memref_squeeze %dma_wait3A_695 : memref<1x3200000xf32, #tpu.memory_space<hbm>> -> memref<3200000xf32, #tpu.memory_space<hbm>>
      %dma_wait3A_697 = arith.constant 0 : i32
      %dma_wait3A_698 = tpu.memref_slice %dma_wait3A_696[%dma_wait3A_697] : memref<3200000xf32, #tpu.memory_space<hbm>> -> memref<3200000xf32, #tpu.memory_space<hbm>>
      tpu.wait_indirect_dma semaphore(%arg9 : memref<!tpu.dma_semaphore, #tpu.memory_space<semaphore_mem>>) src(%dma_wait3A_698 : memref<3200000xf32, #tpu.memory_space<hbm>>) dst(%dma_wait3A_692 : memref<128xf32, #tpu.memory_space<vmem>>)
      %dma_wait3A_699 = arith.constant 12 : i32
      %dma_wait3A_700 = arith.constant 12 : i32
      %dma_wait3A_701 = arith.constant 0 : i32
      %dma_wait3A_702 = tpu.memref_slice %arg7[%dma_wait3A_700, %dma_wait3A_701] : memref<16x128xf32, #tpu.memory_space<vmem>> -> memref<1x128xf32, #tpu.memory_space<vmem>>
      %dma_wait3A_703 = tpu.memref_squeeze %dma_wait3A_702 : memref<1x128xf32, #tpu.memory_space<vmem>> -> memref<128xf32, #tpu.memory_space<vmem>>
      %dma_wait3A_704 = tpu.memref_slice %arg5[%mul3A_203] : memref<8192xi32, #tpu.memory_space<vmem>> -> memref<128xi32, #tpu.memory_space<vmem>>
      %dma_wait3A_705 = arith.constant 0 : i32
      %dma_wait3A_706 = tpu.memref_slice %arg2[%dma_wait3A_699, %dma_wait3A_705] : memref<16x3200000xf32, #tpu.memory_space<hbm>> -> memref<1x3200000xf32, #tpu.memory_space<hbm>>
      %dma_wait3A_707 = tpu.memref_squeeze %dma_wait3A_706 : memref<1x3200000xf32, #tpu.memory_space<hbm>> -> memref<3200000xf32, #tpu.memory_space<hbm>>
      %dma_wait3A_708 = arith.constant 0 : i32
      %dma_wait3A_709 = tpu.memref_slice %dma_wait3A_707[%dma_wait3A_708] : memref<3200000xf32, #tpu.memory_space<hbm>> -> memref<3200000xf32, #tpu.memory_space<hbm>>
      tpu.wait_indirect_dma semaphore(%arg9 : memref<!tpu.dma_semaphore, #tpu.memory_space<semaphore_mem>>) src(%dma_wait3A_709 : memref<3200000xf32, #tpu.memory_space<hbm>>) dst(%dma_wait3A_703 : memref<128xf32, #tpu.memory_space<vmem>>)
      %dma_wait3A_710 = arith.constant 13 : i32
      %dma_wait3A_711 = arith.constant 13 : i32
      %dma_wait3A_712 = arith.constant 0 : i32
      %dma_wait3A_713 = tpu.memref_slice %arg7[%dma_wait3A_711, %dma_wait3A_712] : memref<16x128xf32, #tpu.memory_space<vmem>> -> memref<1x128xf32, #tpu.memory_space<vmem>>
      %dma_wait3A_714 = tpu.memref_squeeze %dma_wait3A_713 : memref<1x128xf32, #tpu.memory_space<vmem>> -> memref<128xf32, #tpu.memory_space<vmem>>
      %dma_wait3A_715 = tpu.memref_slice %arg5[%mul3A_203] : memref<8192xi32, #tpu.memory_space<vmem>> -> memref<128xi32, #tpu.memory_space<vmem>>
      %dma_wait3A_716 = arith.constant 0 : i32
      %dma_wait3A_717 = tpu.memref_slice %arg2[%dma_wait3A_710, %dma_wait3A_716] : memref<16x3200000xf32, #tpu.memory_space<hbm>> -> memref<1x3200000xf32, #tpu.memory_space<hbm>>
      %dma_wait3A_718 = tpu.memref_squeeze %dma_wait3A_717 : memref<1x3200000xf32, #tpu.memory_space<hbm>> -> memref<3200000xf32, #tpu.memory_space<hbm>>
      %dma_wait3A_719 = arith.constant 0 : i32
      %dma_wait3A_720 = tpu.memref_slice %dma_wait3A_718[%dma_wait3A_719] : memref<3200000xf32, #tpu.memory_space<hbm>> -> memref<3200000xf32, #tpu.memory_space<hbm>>
      tpu.wait_indirect_dma semaphore(%arg9 : memref<!tpu.dma_semaphore, #tpu.memory_space<semaphore_mem>>) src(%dma_wait3A_720 : memref<3200000xf32, #tpu.memory_space<hbm>>) dst(%dma_wait3A_714 : memref<128xf32, #tpu.memory_space<vmem>>)
      %dma_wait3A_721 = arith.constant 14 : i32
      %dma_wait3A_722 = arith.constant 14 : i32
      %dma_wait3A_723 = arith.constant 0 : i32
      %dma_wait3A_724 = tpu.memref_slice %arg7[%dma_wait3A_722, %dma_wait3A_723] : memref<16x128xf32, #tpu.memory_space<vmem>> -> memref<1x128xf32, #tpu.memory_space<vmem>>
      %dma_wait3A_725 = tpu.memref_squeeze %dma_wait3A_724 : memref<1x128xf32, #tpu.memory_space<vmem>> -> memref<128xf32, #tpu.memory_space<vmem>>
      %dma_wait3A_726 = tpu.memref_slice %arg5[%mul3A_203] : memref<8192xi32, #tpu.memory_space<vmem>> -> memref<128xi32, #tpu.memory_space<vmem>>
      %dma_wait3A_727 = arith.constant 0 : i32
      %dma_wait3A_728 = tpu.memref_slice %arg2[%dma_wait3A_721, %dma_wait3A_727] : memref<16x3200000xf32, #tpu.memory_space<hbm>> -> memref<1x3200000xf32, #tpu.memory_space<hbm>>
      %dma_wait3A_729 = tpu.memref_squeeze %dma_wait3A_728 : memref<1x3200000xf32, #tpu.memory_space<hbm>> -> memref<3200000xf32, #tpu.memory_space<hbm>>
      %dma_wait3A_730 = arith.constant 0 : i32
      %dma_wait3A_731 = tpu.memref_slice %dma_wait3A_729[%dma_wait3A_730] : memref<3200000xf32, #tpu.memory_space<hbm>> -> memref<3200000xf32, #tpu.memory_space<hbm>>
      tpu.wait_indirect_dma semaphore(%arg9 : memref<!tpu.dma_semaphore, #tpu.memory_space<semaphore_mem>>) src(%dma_wait3A_731 : memref<3200000xf32, #tpu.memory_space<hbm>>) dst(%dma_wait3A_725 : memref<128xf32, #tpu.memory_space<vmem>>)
      %dma_wait3A_732 = arith.constant 15 : i32
      %dma_wait3A_733 = arith.constant 15 : i32
      %dma_wait3A_734 = arith.constant 0 : i32
      %dma_wait3A_735 = tpu.memref_slice %arg7[%dma_wait3A_733, %dma_wait3A_734] : memref<16x128xf32, #tpu.memory_space<vmem>> -> memref<1x128xf32, #tpu.memory_space<vmem>>
      %dma_wait3A_736 = tpu.memref_squeeze %dma_wait3A_735 : memref<1x128xf32, #tpu.memory_space<vmem>> -> memref<128xf32, #tpu.memory_space<vmem>>
      %dma_wait3A_737 = tpu.memref_slice %arg5[%mul3A_203] : memref<8192xi32, #tpu.memory_space<vmem>> -> memref<128xi32, #tpu.memory_space<vmem>>
      %dma_wait3A_738 = arith.constant 0 : i32
      %dma_wait3A_739 = tpu.memref_slice %arg2[%dma_wait3A_732, %dma_wait3A_738] : memref<16x3200000xf32, #tpu.memory_space<hbm>> -> memref<1x3200000xf32, #tpu.memory_space<hbm>>
      %dma_wait3A_740 = tpu.memref_squeeze %dma_wait3A_739 : memref<1x3200000xf32, #tpu.memory_space<hbm>> -> memref<3200000xf32, #tpu.memory_space<hbm>>
      %dma_wait3A_741 = arith.constant 0 : i32
      %dma_wait3A_742 = tpu.memref_slice %dma_wait3A_740[%dma_wait3A_741] : memref<3200000xf32, #tpu.memory_space<hbm>> -> memref<3200000xf32, #tpu.memory_space<hbm>>
      tpu.wait_indirect_dma semaphore(%arg9 : memref<!tpu.dma_semaphore, #tpu.memory_space<semaphore_mem>>) src(%dma_wait3A_742 : memref<3200000xf32, #tpu.memory_space<hbm>>) dst(%dma_wait3A_736 : memref<128xf32, #tpu.memory_space<vmem>>)
      %mul3A_743 = arith.constant 128 : i32
      %mul3A_744 = arith.muli %add3A_566, %mul3A_743 : i32
      %add3A_745 = arith.addi %mul3A_2, %mul3A_744 : i32
      %dma_start3A_746 = arith.constant 0 : i32
      %dma_start3A_747 = tpu.memref_slice %arg4[%dma_start3A_746, %add3A_745] : memref<16x262144xf32, #tpu.memory_space<hbm>> -> memref<16x128xf32, #tpu.memory_space<hbm>>
      %dma_start3A_748 = arith.constant 0 : i32
      %dma_start3A_749 = tpu.memref_slice %arg4[%dma_start3A_748, %add3A_745] : memref<16x262144xf32, #tpu.memory_space<hbm>> -> memref<16x128xf32, #tpu.memory_space<hbm>>
      tpu.enqueue_dma source(%arg7 : memref<16x128xf32, #tpu.memory_space<vmem>>) target(%dma_start3A_749 : memref<16x128xf32, #tpu.memory_space<hbm>>) target_semaphore(%arg11 : memref<!tpu.dma_semaphore, #tpu.memory_space<semaphore_mem>>)
    }
    %scan3A_6 = arith.constant 32 : i32
    %dma_wait3A = arith.constant 0 : i32
    %dma_wait3A_7 = tpu.memref_slice %arg4[%dma_wait3A, %mul3A_2] : memref<16x262144xf32, #tpu.memory_space<hbm>> -> memref<16x128xf32, #tpu.memory_space<hbm>>
    %dma_wait3A_8 = arith.constant 0 : i32
    %dma_wait3A_9 = tpu.memref_slice %arg4[%dma_wait3A_8, %mul3A_2] : memref<16x262144xf32, #tpu.memory_space<hbm>> -> memref<16x128xf32, #tpu.memory_space<hbm>>
    tpu.wait_dma2 semaphore(%arg10 : memref<!tpu.dma_semaphore, #tpu.memory_space<semaphore_mem>>) src(%arg6 : memref<16x128xf32, #tpu.memory_space<vmem>>) dst(%dma_wait3A_9 : memref<16x128xf32, #tpu.memory_space<hbm>>)
    %dma_wait3A_10 = arith.constant 0 : i32
    %dma_wait3A_11 = tpu.memref_slice %arg4[%dma_wait3A_10, %mul3A_2] : memref<16x262144xf32, #tpu.memory_space<hbm>> -> memref<16x128xf32, #tpu.memory_space<hbm>>
    %dma_wait3A_12 = arith.constant 0 : i32
    %dma_wait3A_13 = tpu.memref_slice %arg4[%dma_wait3A_12, %mul3A_2] : memref<16x262144xf32, #tpu.memory_space<hbm>> -> memref<16x128xf32, #tpu.memory_space<hbm>>
    tpu.wait_dma2 semaphore(%arg11 : memref<!tpu.dma_semaphore, #tpu.memory_space<semaphore_mem>>) src(%arg7 : memref<16x128xf32, #tpu.memory_space<vmem>>) dst(%dma_wait3A_13 : memref<16x128xf32, #tpu.memory_space<hbm>>)
    return
  }
}

#map = affine_map<(d0, d1) -> (0, 0)>
#map1 = affine_map<(d0, d1) -> (0)>
module attributes {stable_mosaic.version = 14 : i64} {
  func.func @new_body(%arg0: i32, %arg1: i32, %arg2: memref<100000x256xf32, #tpu.memory_space<hbm>>, %arg3: memref<8192x256xf32, #tpu.memory_space<hbm>>, %arg4: memref<8192xi32, #tpu.memory_space<hbm>>, %arg5: memref<8192xi32, #tpu.memory_space<hbm>>, %arg6: memref<100000x256xf32, #tpu.memory_space<hbm>>, %arg7: memref<128xi32, #tpu.memory_space<vmem>>, %arg8: memref<128xi32, #tpu.memory_space<vmem>>, %arg9: memref<128xi32, #tpu.memory_space<vmem>>, %arg10: memref<128xi32, #tpu.memory_space<vmem>>, %arg11: memref<128x256xf32, #tpu.memory_space<vmem>>, %arg12: memref<128x256xf32, #tpu.memory_space<vmem>>, %arg13: memref<!tpu.dma_semaphore, #tpu.memory_space<semaphore_mem>>, %arg14: memref<!tpu.dma_semaphore, #tpu.memory_space<semaphore_mem>>) attributes {dimension_semantics = [#tpu.dimension_semantics<core_parallel>, #tpu.dimension_semantics<subcore_parallel>], iteration_bounds = array<i64: 2, 16>, scalar_prefetch = 0 : i64, scratch_operands = 8 : i64, tpu.core_type = #tpu.core_type<sc_vector_subcore>, window_params = [{transform_indices = #map}, {transform_indices = #map}, {transform_indices = #map1}, {transform_indices = #map1}, {transform_indices = #map}]} {
    %mul3A = arith.constant 2 : i32
    %mul3A_0 = arith.muli %arg1, %mul3A : i32
    %add3A = arith.addi %mul3A_0, %arg0 : i32
    %mul3A_1 = arith.constant 256 : i32
    %mul3A_2 = arith.muli %add3A, %mul3A_1 : i32
    "tpu.region"() ({
      %run_scoped3A = tpu.sem_alloc : memref<!tpu.dma_semaphore, #tpu.memory_space<semaphore_mem>>
      %dma_start3A_29 = tpu.memref_slice %arg4[%mul3A_2] : memref<8192xi32, #tpu.memory_space<hbm>> -> memref<128xi32, #tpu.memory_space<hbm>>
      %dma_start3A_30 = tpu.memref_slice %arg4[%mul3A_2] : memref<8192xi32, #tpu.memory_space<hbm>> -> memref<128xi32, #tpu.memory_space<hbm>>
      tpu.enqueue_dma source(%dma_start3A_30 : memref<128xi32, #tpu.memory_space<hbm>>) target(%arg7 : memref<128xi32, #tpu.memory_space<vmem>>) target_semaphore(%run_scoped3A : memref<!tpu.dma_semaphore, #tpu.memory_space<semaphore_mem>>)
      %dma_wait3A_31 = tpu.memref_slice %arg4[%mul3A_2] : memref<8192xi32, #tpu.memory_space<hbm>> -> memref<128xi32, #tpu.memory_space<hbm>>
      %dma_wait3A_32 = tpu.memref_slice %arg4[%mul3A_2] : memref<8192xi32, #tpu.memory_space<hbm>> -> memref<128xi32, #tpu.memory_space<hbm>>
      tpu.wait_dma2 semaphore(%run_scoped3A : memref<!tpu.dma_semaphore, #tpu.memory_space<semaphore_mem>>) src(%dma_wait3A_32 : memref<128xi32, #tpu.memory_space<hbm>>) dst(%arg7 : memref<128xi32, #tpu.memory_space<vmem>>)
      tpu.yield
    }) : () -> ()
    %add3A_3 = arith.constant 128 : i32
    %add3A_4 = arith.addi %mul3A_2, %add3A_3 : i32
    "tpu.region"() ({
      %run_scoped3A = tpu.sem_alloc : memref<!tpu.dma_semaphore, #tpu.memory_space<semaphore_mem>>
      %dma_start3A_29 = tpu.memref_slice %arg4[%add3A_4] : memref<8192xi32, #tpu.memory_space<hbm>> -> memref<128xi32, #tpu.memory_space<hbm>>
      %dma_start3A_30 = tpu.memref_slice %arg4[%add3A_4] : memref<8192xi32, #tpu.memory_space<hbm>> -> memref<128xi32, #tpu.memory_space<hbm>>
      tpu.enqueue_dma source(%dma_start3A_30 : memref<128xi32, #tpu.memory_space<hbm>>) target(%arg8 : memref<128xi32, #tpu.memory_space<vmem>>) target_semaphore(%run_scoped3A : memref<!tpu.dma_semaphore, #tpu.memory_space<semaphore_mem>>)
      %dma_wait3A_31 = tpu.memref_slice %arg4[%add3A_4] : memref<8192xi32, #tpu.memory_space<hbm>> -> memref<128xi32, #tpu.memory_space<hbm>>
      %dma_wait3A_32 = tpu.memref_slice %arg4[%add3A_4] : memref<8192xi32, #tpu.memory_space<hbm>> -> memref<128xi32, #tpu.memory_space<hbm>>
      tpu.wait_dma2 semaphore(%run_scoped3A : memref<!tpu.dma_semaphore, #tpu.memory_space<semaphore_mem>>) src(%dma_wait3A_32 : memref<128xi32, #tpu.memory_space<hbm>>) dst(%arg8 : memref<128xi32, #tpu.memory_space<vmem>>)
      tpu.yield
    }) : () -> ()
    "tpu.region"() ({
      %run_scoped3A = tpu.sem_alloc : memref<!tpu.dma_semaphore, #tpu.memory_space<semaphore_mem>>
      %dma_start3A_29 = tpu.memref_slice %arg5[%mul3A_2] : memref<8192xi32, #tpu.memory_space<hbm>> -> memref<128xi32, #tpu.memory_space<hbm>>
      %dma_start3A_30 = tpu.memref_slice %arg5[%mul3A_2] : memref<8192xi32, #tpu.memory_space<hbm>> -> memref<128xi32, #tpu.memory_space<hbm>>
      tpu.enqueue_dma source(%dma_start3A_30 : memref<128xi32, #tpu.memory_space<hbm>>) target(%arg9 : memref<128xi32, #tpu.memory_space<vmem>>) target_semaphore(%run_scoped3A : memref<!tpu.dma_semaphore, #tpu.memory_space<semaphore_mem>>)
      %dma_wait3A_31 = tpu.memref_slice %arg5[%mul3A_2] : memref<8192xi32, #tpu.memory_space<hbm>> -> memref<128xi32, #tpu.memory_space<hbm>>
      %dma_wait3A_32 = tpu.memref_slice %arg5[%mul3A_2] : memref<8192xi32, #tpu.memory_space<hbm>> -> memref<128xi32, #tpu.memory_space<hbm>>
      tpu.wait_dma2 semaphore(%run_scoped3A : memref<!tpu.dma_semaphore, #tpu.memory_space<semaphore_mem>>) src(%dma_wait3A_32 : memref<128xi32, #tpu.memory_space<hbm>>) dst(%arg9 : memref<128xi32, #tpu.memory_space<vmem>>)
      tpu.yield
    }) : () -> ()
    %add3A_5 = arith.constant 128 : i32
    %add3A_6 = arith.addi %mul3A_2, %add3A_5 : i32
    "tpu.region"() ({
      %run_scoped3A = tpu.sem_alloc : memref<!tpu.dma_semaphore, #tpu.memory_space<semaphore_mem>>
      %dma_start3A_29 = tpu.memref_slice %arg5[%add3A_6] : memref<8192xi32, #tpu.memory_space<hbm>> -> memref<128xi32, #tpu.memory_space<hbm>>
      %dma_start3A_30 = tpu.memref_slice %arg5[%add3A_6] : memref<8192xi32, #tpu.memory_space<hbm>> -> memref<128xi32, #tpu.memory_space<hbm>>
      tpu.enqueue_dma source(%dma_start3A_30 : memref<128xi32, #tpu.memory_space<hbm>>) target(%arg10 : memref<128xi32, #tpu.memory_space<vmem>>) target_semaphore(%run_scoped3A : memref<!tpu.dma_semaphore, #tpu.memory_space<semaphore_mem>>)
      %dma_wait3A_31 = tpu.memref_slice %arg5[%add3A_6] : memref<8192xi32, #tpu.memory_space<hbm>> -> memref<128xi32, #tpu.memory_space<hbm>>
      %dma_wait3A_32 = tpu.memref_slice %arg5[%add3A_6] : memref<8192xi32, #tpu.memory_space<hbm>> -> memref<128xi32, #tpu.memory_space<hbm>>
      tpu.wait_dma2 semaphore(%run_scoped3A : memref<!tpu.dma_semaphore, #tpu.memory_space<semaphore_mem>>) src(%dma_wait3A_32 : memref<128xi32, #tpu.memory_space<hbm>>) dst(%arg10 : memref<128xi32, #tpu.memory_space<vmem>>)
      tpu.yield
    }) : () -> ()
    %dma_start3A = arith.constant 0 : i32
    %dma_start3A_7 = arith.constant 0 : i32
    %dma_start3A_8 = tpu.memref_slice %arg3[%dma_start3A, %dma_start3A_7] : memref<8192x256xf32, #tpu.memory_space<hbm>> -> memref<8192x256xf32, #tpu.memory_space<hbm>>
    tpu.enqueue_indirect_dma source(%dma_start3A_8 : memref<8192x256xf32, #tpu.memory_space<hbm>>) target(%arg11 : memref<128x256xf32, #tpu.memory_space<vmem>>) offsets(%arg9 : memref<128xi32, #tpu.memory_space<vmem>>) semaphore(%arg13 : memref<!tpu.dma_semaphore, #tpu.memory_space<semaphore_mem>>)
    %dma_start3A_9 = arith.constant 0 : i32
    %dma_start3A_10 = arith.constant 0 : i32
    %dma_start3A_11 = tpu.memref_slice %arg3[%dma_start3A_9, %dma_start3A_10] : memref<8192x256xf32, #tpu.memory_space<hbm>> -> memref<8192x256xf32, #tpu.memory_space<hbm>>
    tpu.enqueue_indirect_dma source(%dma_start3A_11 : memref<8192x256xf32, #tpu.memory_space<hbm>>) target(%arg12 : memref<128x256xf32, #tpu.memory_space<vmem>>) offsets(%arg10 : memref<128xi32, #tpu.memory_space<vmem>>) semaphore(%arg14 : memref<!tpu.dma_semaphore, #tpu.memory_space<semaphore_mem>>)
    %dma_wait3A = arith.constant 0 : i32
    %dma_wait3A_12 = arith.constant 0 : i32
    %dma_wait3A_13 = tpu.memref_slice %arg3[%dma_wait3A, %dma_wait3A_12] : memref<8192x256xf32, #tpu.memory_space<hbm>> -> memref<8192x256xf32, #tpu.memory_space<hbm>>
    tpu.wait_indirect_dma semaphore(%arg13 : memref<!tpu.dma_semaphore, #tpu.memory_space<semaphore_mem>>) src(%dma_wait3A_13 : memref<8192x256xf32, #tpu.memory_space<hbm>>) dst(%arg11 : memref<128x256xf32, #tpu.memory_space<vmem>>)
    %dma_start3A_14 = arith.constant 0 : i32
    %dma_start3A_15 = arith.constant 0 : i32
    %dma_start3A_16 = tpu.memref_slice %arg2[%dma_start3A_14, %dma_start3A_15] : memref<100000x256xf32, #tpu.memory_space<hbm>> -> memref<100000x256xf32, #tpu.memory_space<hbm>>
    tpu.enqueue_indirect_dma source(%arg11 : memref<128x256xf32, #tpu.memory_space<vmem>>) target(%dma_start3A_16 : memref<100000x256xf32, #tpu.memory_space<hbm>>) offsets(%arg7 : memref<128xi32, #tpu.memory_space<vmem>>) semaphore(%arg13 : memref<!tpu.dma_semaphore, #tpu.memory_space<semaphore_mem>>)
    %dma_wait3A_17 = arith.constant 0 : i32
    %dma_wait3A_18 = arith.constant 0 : i32
    %dma_wait3A_19 = tpu.memref_slice %arg3[%dma_wait3A_17, %dma_wait3A_18] : memref<8192x256xf32, #tpu.memory_space<hbm>> -> memref<8192x256xf32, #tpu.memory_space<hbm>>
    tpu.wait_indirect_dma semaphore(%arg14 : memref<!tpu.dma_semaphore, #tpu.memory_space<semaphore_mem>>) src(%dma_wait3A_19 : memref<8192x256xf32, #tpu.memory_space<hbm>>) dst(%arg12 : memref<128x256xf32, #tpu.memory_space<vmem>>)
    %dma_start3A_20 = arith.constant 0 : i32
    %dma_start3A_21 = arith.constant 0 : i32
    %dma_start3A_22 = tpu.memref_slice %arg2[%dma_start3A_20, %dma_start3A_21] : memref<100000x256xf32, #tpu.memory_space<hbm>> -> memref<100000x256xf32, #tpu.memory_space<hbm>>
    tpu.enqueue_indirect_dma source(%arg12 : memref<128x256xf32, #tpu.memory_space<vmem>>) target(%dma_start3A_22 : memref<100000x256xf32, #tpu.memory_space<hbm>>) offsets(%arg8 : memref<128xi32, #tpu.memory_space<vmem>>) semaphore(%arg14 : memref<!tpu.dma_semaphore, #tpu.memory_space<semaphore_mem>>)
    %dma_wait3A_23 = arith.constant 0 : i32
    %dma_wait3A_24 = arith.constant 0 : i32
    %dma_wait3A_25 = tpu.memref_slice %arg2[%dma_wait3A_23, %dma_wait3A_24] : memref<100000x256xf32, #tpu.memory_space<hbm>> -> memref<100000x256xf32, #tpu.memory_space<hbm>>
    tpu.wait_indirect_dma semaphore(%arg13 : memref<!tpu.dma_semaphore, #tpu.memory_space<semaphore_mem>>) src(%arg11 : memref<128x256xf32, #tpu.memory_space<vmem>>) dst(%dma_wait3A_25 : memref<100000x256xf32, #tpu.memory_space<hbm>>)
    %dma_wait3A_26 = arith.constant 0 : i32
    %dma_wait3A_27 = arith.constant 0 : i32
    %dma_wait3A_28 = tpu.memref_slice %arg2[%dma_wait3A_26, %dma_wait3A_27] : memref<100000x256xf32, #tpu.memory_space<hbm>> -> memref<100000x256xf32, #tpu.memory_space<hbm>>
    tpu.wait_indirect_dma semaphore(%arg14 : memref<!tpu.dma_semaphore, #tpu.memory_space<semaphore_mem>>) src(%arg12 : memref<128x256xf32, #tpu.memory_space<vmem>>) dst(%dma_wait3A_28 : memref<100000x256xf32, #tpu.memory_space<hbm>>)
    return
  }
}

module attributes {stable_mosaic.version = 14 : i64} {
  func.func @tc_mlp(%arg0: i32, %arg1: memref<4096x256xf32, #tpu.memory_space<vmem>>, %arg2: memref<16x4096xf32, #tpu.memory_space<vmem>>, %arg3: memref<4096x1xf32, #tpu.memory_space<vmem>>, %arg4: memref<4096x1xf32, #tpu.memory_space<vmem>>, %arg5: memref<128x32xf32, #tpu.memory_space<vmem>>, %arg6: memref<128x256xf32, #tpu.memory_space<vmem>>, %arg7: memref<128x1xi32, #tpu.memory_space<vmem>>, %arg8: memref<1x8192xi32, #tpu.memory_space<vmem>>, %arg9: memref<1568x256xf32, #tpu.memory_space<vmem>>, %arg10: memref<256x256xbf16, #tpu.memory_space<vmem>>, %arg11: memref<16x256xbf16, #tpu.memory_space<vmem>>, %arg12: memref<128x256xbf16, #tpu.memory_space<vmem>>, %arg13: memref<1x256xf32, #tpu.memory_space<vmem>>, %arg14: memref<256x256xbf16, #tpu.memory_space<vmem>>, %arg15: memref<1x256xf32, #tpu.memory_space<vmem>>, %arg16: memref<256x256xf32, #tpu.memory_space<vmem>>, %arg17: memref<1x256xf32, #tpu.memory_space<vmem>>, %arg18: memref<256x256xf32, #tpu.memory_space<vmem>>, %arg19: memref<1x256xf32, #tpu.memory_space<vmem>>, %arg20: memref<256x256xf32, #tpu.memory_space<vmem>>, %arg21: memref<256x256xf32, #tpu.memory_space<vmem>>, %arg22: memref<1x256xf32, #tpu.memory_space<vmem>>, %arg23: memref<1x128xf32, #tpu.memory_space<vmem>>, %arg24: memref<1x128xf32, #tpu.memory_space<vmem>>, %arg25: memref<128x256xf32, #tpu.memory_space<vmem>>, %arg26: memref<128x1xi32, #tpu.memory_space<vmem>>, %arg27: memref<1568x256xf32, #tpu.memory_space<vmem>>) attributes {dimension_semantics = [#tpu.dimension_semantics<arbitrary>], iteration_bounds = array<i64: 64>, scalar_prefetch = 0 : i64, scratch_operands = 0 : i64, tpu.core_type = #tpu.core_type<tc>, window_params = [{transform_indices = @transform_0, window_bounds = array<i64: 4096, 256>}, {transform_indices = @transform_1, window_bounds = array<i64: 16, 4096>}, {transform_indices = @transform_2, window_bounds = array<i64: 4096, 1>}, {transform_indices = @transform_3, window_bounds = array<i64: 4096, 1>}, {transform_indices = @transform_4, window_bounds = array<i64: 128, 32>}, {transform_indices = @transform_5, window_bounds = array<i64: 128, 256>}, {transform_indices = @transform_6, window_bounds = array<i64: 128, 1>}, {pipeline_mode = #tpu.pipeline_mode<synchronous>, transform_indices = @transform_7, window_bounds = array<i64: 1, 8192>}, {transform_indices = @transform_8, window_bounds = array<i64: 1568, 256>}, {pipeline_mode = #tpu.pipeline_mode<synchronous>, transform_indices = @transform_9, window_bounds = array<i64: 256, 256>}, {pipeline_mode = #tpu.pipeline_mode<synchronous>, transform_indices = @transform_10, window_bounds = array<i64: 16, 256>}, {pipeline_mode = #tpu.pipeline_mode<synchronous>, transform_indices = @transform_11, window_bounds = array<i64: 128, 256>}, {pipeline_mode = #tpu.pipeline_mode<synchronous>, transform_indices = @transform_12, window_bounds = array<i64: 1, 256>}, {pipeline_mode = #tpu.pipeline_mode<synchronous>, transform_indices = @transform_13, window_bounds = array<i64: 256, 256>}, {pipeline_mode = #tpu.pipeline_mode<synchronous>, transform_indices = @transform_14, window_bounds = array<i64: 1, 256>}, {pipeline_mode = #tpu.pipeline_mode<synchronous>, transform_indices = @transform_15, window_bounds = array<i64: 256, 256>}, {pipeline_mode = #tpu.pipeline_mode<synchronous>, transform_indices = @transform_16, window_bounds = array<i64: 1, 256>}, {pipeline_mode = #tpu.pipeline_mode<synchronous>, transform_indices = @transform_17, window_bounds = array<i64: 256, 256>}, {pipeline_mode = #tpu.pipeline_mode<synchronous>, transform_indices = @transform_18, window_bounds = array<i64: 1, 256>}, {pipeline_mode = #tpu.pipeline_mode<synchronous>, transform_indices = @transform_19, window_bounds = array<i64: 256, 256>}, {pipeline_mode = #tpu.pipeline_mode<synchronous>, transform_indices = @transform_20, window_bounds = array<i64: 256, 256>}, {pipeline_mode = #tpu.pipeline_mode<synchronous>, transform_indices = @transform_21, window_bounds = array<i64: 1, 256>}, {pipeline_mode = #tpu.pipeline_mode<synchronous>, transform_indices = @transform_22, window_bounds = array<i64: 1, 128>}, {pipeline_mode = #tpu.pipeline_mode<synchronous>, transform_indices = @transform_23, window_bounds = array<i64: 1, 128>}, {transform_indices = @transform_24, window_bounds = array<i64: 128, 256>}, {transform_indices = @transform_25, window_bounds = array<i64: 128, 1>}, {transform_indices = @transform_26, window_bounds = array<i64: 1568, 256>}]} {
    %get3A = arith.constant 0 : index
    %get3A_0 = arith.constant 0 : index
    %get3A_1 = vector.load %arg9[%get3A, %get3A_0] : memref<1568x256xf32, #tpu.memory_space<vmem>>, vector<1568x256xf32>
    %swap3A = arith.constant 0 : index
    %swap3A_2 = arith.constant 0 : index
    %swap3A_3 = vector.load %arg27[%swap3A, %swap3A_2] : memref<1568x256xf32, #tpu.memory_space<vmem>>, vector<1568x256xf32>
    tpu.vector_store %arg27[%swap3A, %swap3A_2], %get3A_1 {strides = array<i32>} : memref<1568x256xf32, #tpu.memory_space<vmem>>, vector<1568x256xf32>,
    %get3A_4 = arith.constant 0 : index
    %get3A_5 = arith.constant 0 : index
    %get3A_6 = vector.load %arg3[%get3A_4, %get3A_5] : memref<4096x1xf32, #tpu.memory_space<vmem>>, vector<4096x1xf32>
    %get3A_7 = arith.constant 0 : index
    %get3A_8 = arith.constant 0 : index
    %get3A_9 = vector.load %arg23[%get3A_7, %get3A_8] : memref<1x128xf32, #tpu.memory_space<vmem>>, vector<1x128xf32>
    %mul3A = vector.broadcast %get3A_6 : vector<4096x1xf32> to vector<4096x128xf32>
    %mul3A_10 = vector.broadcast %get3A_9 : vector<1x128xf32> to vector<4096x128xf32>
    %mul3A_11 = arith.mulf %mul3A, %mul3A_10 : vector<4096x128xf32>
    %get3A_12 = arith.constant 0 : index
    %get3A_13 = arith.constant 0 : index
    %get3A_14 = vector.load %arg24[%get3A_12, %get3A_13] : memref<1x128xf32, #tpu.memory_space<vmem>>, vector<1x128xf32>
    %add3A = vector.broadcast %get3A_14 : vector<1x128xf32> to vector<4096x128xf32>
    %add3A_15 = arith.addf %mul3A_11, %add3A : vector<4096x128xf32>
    %mul3A_16 = arith.constant 0.159154937 : f32
    %mul3A_17 = vector.broadcast %mul3A_16 : f32 to vector<4096x128xf32>
    %mul3A_18 = arith.mulf %add3A_15, %mul3A_17 : vector<4096x128xf32>
    %add3A_19 = arith.constant 5.000000e-01 : f32
    %add3A_20 = vector.broadcast %add3A_19 : f32 to vector<4096x128xf32>
    %add3A_21 = arith.addf %mul3A_18, %add3A_20 : vector<4096x128xf32>
    %floor3A = math.floor %add3A_21 : vector<4096x128xf32>
    %mul3A_22 = arith.constant 6.281250e+00 : f32
    %mul3A_23 = vector.broadcast %mul3A_22 : f32 to vector<4096x128xf32>
    %mul3A_24 = arith.mulf %floor3A, %mul3A_23 : vector<4096x128xf32>
    %sub3A = arith.subf %add3A_15, %mul3A_24 : vector<4096x128xf32>
    %mul3A_25 = arith.constant 0.00193530717 : f32
    %mul3A_26 = vector.broadcast %mul3A_25 : f32 to vector<4096x128xf32>
    %mul3A_27 = arith.mulf %floor3A, %mul3A_26 : vector<4096x128xf32>
    %sub3A_28 = arith.subf %sub3A, %mul3A_27 : vector<4096x128xf32>
    %mul3A_29 = arith.mulf %sub3A_28, %sub3A_28 : vector<4096x128xf32>
    %mul3A_30 = arith.constant 1.73689951E-9 : f32
    %mul3A_31 = vector.broadcast %mul3A_30 : f32 to vector<4096x128xf32>
    %mul3A_32 = arith.mulf %mul3A_31, %mul3A_29 : vector<4096x128xf32>
    %add3A_33 = arith.constant -2.71133388E-7 : f32
    %add3A_34 = vector.broadcast %add3A_33 : f32 to vector<4096x128xf32>
    %add3A_35 = arith.addf %mul3A_32, %add3A_34 : vector<4096x128xf32>
    %mul3A_36 = arith.mulf %add3A_35, %mul3A_29 : vector<4096x128xf32>
    %add3A_37 = arith.constant 2.47734206E-5 : f32
    %add3A_38 = vector.broadcast %add3A_37 : f32 to vector<4096x128xf32>
    %add3A_39 = arith.addf %mul3A_36, %add3A_38 : vector<4096x128xf32>
    %mul3A_40 = arith.mulf %add3A_39, %mul3A_29 : vector<4096x128xf32>
    %add3A_41 = arith.constant -0.00138879707 : f32
    %add3A_42 = vector.broadcast %add3A_41 : f32 to vector<4096x128xf32>
    %add3A_43 = arith.addf %mul3A_40, %add3A_42 : vector<4096x128xf32>
    %mul3A_44 = arith.mulf %add3A_43, %mul3A_29 : vector<4096x128xf32>
    %add3A_45 = arith.constant 0.0416665226 : f32
    %add3A_46 = vector.broadcast %add3A_45 : f32 to vector<4096x128xf32>
    %add3A_47 = arith.addf %mul3A_44, %add3A_46 : vector<4096x128xf32>
    %mul3A_48 = arith.mulf %add3A_47, %mul3A_29 : vector<4096x128xf32>
    %add3A_49 = arith.constant -0.499999911 : f32
    %add3A_50 = vector.broadcast %add3A_49 : f32 to vector<4096x128xf32>
    %add3A_51 = arith.addf %mul3A_48, %add3A_50 : vector<4096x128xf32>
    %mul3A_52 = arith.mulf %add3A_51, %mul3A_29 : vector<4096x128xf32>
    %add3A_53 = arith.constant 1.000000e+00 : f32
    %add3A_54 = vector.broadcast %add3A_53 : f32 to vector<4096x128xf32>
    %add3A_55 = arith.addf %mul3A_52, %add3A_54 : vector<4096x128xf32>
    %get3A_56 = arith.constant 0 : index
    %get3A_57 = arith.constant 0 : index
    %get3A_58 = vector.load %arg1[%get3A_56, %get3A_57] : memref<4096x256xf32, #tpu.memory_space<vmem>>, vector<4096x256xf32>
    %convert_element_type3A = arith.truncf %get3A_58 : vector<4096x256xf32> to vector<4096x256xbf16>
    %get3A_59 = arith.constant 0 : index
    %get3A_60 = arith.constant 0 : index
    %get3A_61 = vector.load %arg10[%get3A_59, %get3A_60] : memref<256x256xbf16, #tpu.memory_space<vmem>>, vector<256x256xbf16>
    %dot_general3A = arith.constant dense<0.000000e+00> : vector<4096x256xf32>
    %dot_general3A_62 = tpu.matmul %convert_element_type3A, %get3A_61, %dot_general3A {dimension_numbers = #tpu.dot_dimension_numbers<[1], [0], [0], [1], [0, 0, 1, 1], [], []>, transpose_lhs_hint = false} : vector<4096x256xbf16>, vector<256x256xbf16>, vector<4096x256xf32> -> vector<4096x256xf32>
    %get3A_63 = arith.constant 0 : index
    %get3A_64 = arith.constant 0 : index
    %get3A_65 = vector.load %arg2[%get3A_63, %get3A_64] : memref<16x4096xf32, #tpu.memory_space<vmem>>, vector<16x4096xf32>
    %convert_element_type3A_66 = arith.truncf %get3A_65 : vector<16x4096xf32> to vector<16x4096xbf16>
    %get3A_67 = arith.constant 0 : index
    %get3A_68 = arith.constant 0 : index
    %get3A_69 = vector.load %arg11[%get3A_67, %get3A_68] : memref<16x256xbf16, #tpu.memory_space<vmem>>, vector<16x256xbf16>
    %dot_general3A_70 = arith.constant dense<0.000000e+00> : vector<4096x256xf32>
    %dot_general3A_71 = tpu.matmul %convert_element_type3A_66, %get3A_69, %dot_general3A_70 {dimension_numbers = #tpu.dot_dimension_numbers<[0], [0], [1], [1], [0, 1, 1, 1], [], []>, transpose_lhs_hint = false} : vector<16x4096xbf16>, vector<16x256xbf16>, vector<4096x256xf32> -> vector<4096x256xf32>
    %add3A_72 = arith.addf %dot_general3A_62, %dot_general3A_71 : vector<4096x256xf32>
    %convert_element_type3A_73 = arith.truncf %add3A_55 : vector<4096x128xf32> to vector<4096x128xbf16>
    %get3A_74 = arith.constant 0 : index
    %get3A_75 = arith.constant 0 : index
    %get3A_76 = vector.load %arg12[%get3A_74, %get3A_75] : memref<128x256xbf16, #tpu.memory_space<vmem>>, vector<128x256xbf16>
    %dot_general3A_77 = arith.constant dense<0.000000e+00> : vector<4096x256xf32>
    %dot_general3A_78 = tpu.matmul %convert_element_type3A_73, %get3A_76, %dot_general3A_77 {dimension_numbers = #tpu.dot_dimension_numbers<[1], [0], [0], [1], [0, 0, 1, 1], [], []>, transpose_lhs_hint = false} : vector<4096x128xbf16>, vector<128x256xbf16>, vector<4096x256xf32> -> vector<4096x256xf32>
    %add3A_79 = arith.addf %add3A_72, %dot_general3A_78 : vector<4096x256xf32>
    %get3A_80 = arith.constant 0 : index
    %get3A_81 = arith.constant 0 : index
    %get3A_82 = vector.load %arg13[%get3A_80, %get3A_81] : memref<1x256xf32, #tpu.memory_space<vmem>>, vector<1x256xf32>
    %add3A_83 = vector.broadcast %get3A_82 : vector<1x256xf32> to vector<4096x256xf32>
    %add3A_84 = arith.addf %add3A_79, %add3A_83 : vector<4096x256xf32>
    %max3A = arith.constant 0.000000e+00 : f32
    %max3A_85 = vector.broadcast %max3A : f32 to vector<4096x256xf32>
    %max3A_86 = arith.maximumf %add3A_84, %max3A_85 : vector<4096x256xf32>
    %convert_element_type3A_87 = arith.truncf %max3A_86 : vector<4096x256xf32> to vector<4096x256xbf16>
    %get3A_88 = arith.constant 0 : index
    %get3A_89 = arith.constant 0 : index
    %get3A_90 = vector.load %arg14[%get3A_88, %get3A_89] : memref<256x256xbf16, #tpu.memory_space<vmem>>, vector<256x256xbf16>
    %dot_general3A_91 = arith.constant dense<0.000000e+00> : vector<4096x256xf32>
    %dot_general3A_92 = tpu.matmul %convert_element_type3A_87, %get3A_90, %dot_general3A_91 {dimension_numbers = #tpu.dot_dimension_numbers<[1], [0], [0], [1], [0, 0, 1, 1], [], []>, transpose_lhs_hint = false} : vector<4096x256xbf16>, vector<256x256xbf16>, vector<4096x256xf32> -> vector<4096x256xf32>
    %get3A_93 = arith.constant 0 : index
    %get3A_94 = arith.constant 0 : index
    %get3A_95 = vector.load %arg15[%get3A_93, %get3A_94] : memref<1x256xf32, #tpu.memory_space<vmem>>, vector<1x256xf32>
    %add3A_96 = vector.broadcast %get3A_95 : vector<1x256xf32> to vector<4096x256xf32>
    %add3A_97 = arith.addf %dot_general3A_92, %add3A_96 : vector<4096x256xf32>
    %get3A_98 = arith.constant 0 : index
    %get3A_99 = arith.constant 0 : index
    %get3A_100 = vector.load %arg4[%get3A_98, %get3A_99] : memref<4096x1xf32, #tpu.memory_space<vmem>>, vector<4096x1xf32>
    %mul3A_101 = vector.broadcast %get3A_100 : vector<4096x1xf32> to vector<4096x256xf32>
    %mul3A_102 = arith.mulf %add3A_97, %mul3A_101 : vector<4096x256xf32>
    %reshape3A = vector.shape_cast %mul3A_102 : vector<4096x256xf32> to vector<128x32x256xf32>
    %reduce_sum3A = arith.constant dense<0.000000e+00> : vector<128x256xf32>
    %reduce_sum3A_103 = vector.multi_reduction <add>, %reshape3A, %reduce_sum3A [1] : vector<128x32x256xf32> to vector<128x256xf32>
    %get3A_104 = arith.constant 0 : index
    %get3A_105 = arith.constant 0 : index
    %get3A_106 = vector.load %arg5[%get3A_104, %get3A_105] : memref<128x32xf32, #tpu.memory_space<vmem>>, vector<128x32xf32>
    %reduce_sum3A_107 = arith.constant dense<0.000000e+00> : vector<128xf32>
    %reduce_sum3A_108 = vector.multi_reduction <add>, %get3A_106, %reduce_sum3A_107 [1] : vector<128x32xf32> to vector<128xf32>
    %broadcast_in_dim3A = vector.shape_cast %reduce_sum3A_108 : vector<128xf32> to vector<128x1xf32>
    %lt3A = arith.constant 9.99999997E-7 : f32
    %lt3A_109 = vector.broadcast %lt3A : f32 to vector<128x1xf32>
    %lt3A_110 = arith.cmpf olt, %broadcast_in_dim3A, %lt3A_109 : vector<128x1xf32>
    %jit3A = arith.constant 9.99999997E-7 : f32
    %broadcast_in_dim3A_111 = vector.broadcast %jit3A : f32 to vector<128x1xf32>
    %select_n3A = arith.select %lt3A_110, %broadcast_in_dim3A_111, %broadcast_in_dim3A : vector<128x1xi1>, vector<128x1xf32>
    %div3A = vector.broadcast %select_n3A : vector<128x1xf32> to vector<128x256xf32>
    %div3A_112 = arith.divf %reduce_sum3A_103, %div3A : vector<128x256xf32>
    %get3A_113 = arith.constant 0 : index
    %get3A_114 = arith.constant 0 : index
    %get3A_115 = vector.load %arg6[%get3A_113, %get3A_114] : memref<128x256xf32, #tpu.memory_space<vmem>>, vector<128x256xf32>
    %get3A_116 = arith.constant 0 : index
    %get3A_117 = arith.constant 0 : index
    %get3A_118 = vector.load %arg16[%get3A_116, %get3A_117] : memref<256x256xf32, #tpu.memory_space<vmem>>, vector<256x256xf32>
    %dot_general3A_119 = arith.constant dense<0.000000e+00> : vector<128x256xf32>
    %dot_general3A_120 = tpu.matmul %get3A_115, %get3A_118, %dot_general3A_119 {dimension_numbers = #tpu.dot_dimension_numbers<[1], [0], [0], [1], [0, 0, 1, 1], [], []>, transpose_lhs_hint = false} : vector<128x256xf32>, vector<256x256xf32>, vector<128x256xf32> -> vector<128x256xf32>
    %get3A_121 = arith.constant 0 : index
    %get3A_122 = arith.constant 0 : index
    %get3A_123 = vector.load %arg17[%get3A_121, %get3A_122] : memref<1x256xf32, #tpu.memory_space<vmem>>, vector<1x256xf32>
    %add3A_124 = vector.broadcast %get3A_123 : vector<1x256xf32> to vector<128x256xf32>
    %add3A_125 = arith.addf %dot_general3A_120, %add3A_124 : vector<128x256xf32>
    %max3A_126 = arith.constant 0.000000e+00 : f32
    %max3A_127 = vector.broadcast %max3A_126 : f32 to vector<128x256xf32>
    %max3A_128 = arith.maximumf %add3A_125, %max3A_127 : vector<128x256xf32>
    %get3A_129 = arith.constant 0 : index
    %get3A_130 = arith.constant 0 : index
    %get3A_131 = vector.load %arg18[%get3A_129, %get3A_130] : memref<256x256xf32, #tpu.memory_space<vmem>>, vector<256x256xf32>
    %dot_general3A_132 = arith.constant dense<0.000000e+00> : vector<128x256xf32>
    %dot_general3A_133 = tpu.matmul %max3A_128, %get3A_131, %dot_general3A_132 {dimension_numbers = #tpu.dot_dimension_numbers<[1], [0], [0], [1], [0, 0, 1, 1], [], []>, transpose_lhs_hint = false} : vector<128x256xf32>, vector<256x256xf32>, vector<128x256xf32> -> vector<128x256xf32>
    %get3A_134 = arith.constant 0 : index
    %get3A_135 = arith.constant 0 : index
    %get3A_136 = vector.load %arg19[%get3A_134, %get3A_135] : memref<1x256xf32, #tpu.memory_space<vmem>>, vector<1x256xf32>
    %add3A_137 = vector.broadcast %get3A_136 : vector<1x256xf32> to vector<128x256xf32>
    %add3A_138 = arith.addf %dot_general3A_133, %add3A_137 : vector<128x256xf32>
    %get3A_139 = arith.constant 0 : index
    %get3A_140 = arith.constant 0 : index
    %get3A_141 = vector.load %arg20[%get3A_139, %get3A_140] : memref<256x256xf32, #tpu.memory_space<vmem>>, vector<256x256xf32>
    %dot_general3A_142 = arith.constant dense<0.000000e+00> : vector<128x256xf32>
    %dot_general3A_143 = tpu.matmul %add3A_138, %get3A_141, %dot_general3A_142 {dimension_numbers = #tpu.dot_dimension_numbers<[1], [0], [0], [1], [0, 0, 1, 1], [], []>, transpose_lhs_hint = false} : vector<128x256xf32>, vector<256x256xf32>, vector<128x256xf32> -> vector<128x256xf32>
    %get3A_144 = arith.constant 0 : index
    %get3A_145 = arith.constant 0 : index
    %get3A_146 = vector.load %arg21[%get3A_144, %get3A_145] : memref<256x256xf32, #tpu.memory_space<vmem>>, vector<256x256xf32>
    %dot_general3A_147 = arith.constant dense<0.000000e+00> : vector<128x256xf32>
    %dot_general3A_148 = tpu.matmul %div3A_112, %get3A_146, %dot_general3A_147 {dimension_numbers = #tpu.dot_dimension_numbers<[1], [0], [0], [1], [0, 0, 1, 1], [], []>, transpose_lhs_hint = false} : vector<128x256xf32>, vector<256x256xf32>, vector<128x256xf32> -> vector<128x256xf32>
    %add3A_149 = arith.addf %dot_general3A_143, %dot_general3A_148 : vector<128x256xf32>
    %get3A_150 = arith.constant 0 : index
    %get3A_151 = arith.constant 0 : index
    %get3A_152 = vector.load %arg22[%get3A_150, %get3A_151] : memref<1x256xf32, #tpu.memory_space<vmem>>, vector<1x256xf32>
    %add3A_153 = vector.broadcast %get3A_152 : vector<1x256xf32> to vector<128x256xf32>
    %add3A_154 = arith.addf %add3A_149, %add3A_153 : vector<128x256xf32>
    %swap3A_155 = arith.constant 0 : index
    %swap3A_156 = arith.constant 0 : index
    %swap3A_157 = vector.load %arg25[%swap3A_155, %swap3A_156] : memref<128x256xf32, #tpu.memory_space<vmem>>, vector<128x256xf32>
    tpu.vector_store %arg25[%swap3A_155, %swap3A_156], %add3A_154 {strides = array<i32>} : memref<128x256xf32, #tpu.memory_space<vmem>>, vector<128x256xf32>,
    %iota3A = tpu.iota {dimensions = array<i32: 1>} : vector<128x8192xi32>
    %get3A_158 = arith.constant 0 : index
    %get3A_159 = arith.constant 0 : index
    %get3A_160 = vector.load %arg7[%get3A_158, %get3A_159] : memref<128x1xi32, #tpu.memory_space<vmem>>, vector<128x1xi32>
    %get3A_161 = arith.constant 0 : index
    %get3A_162 = arith.constant 0 : index
    %get3A_163 = vector.load %arg8[%get3A_161, %get3A_162] : memref<1x8192xi32, #tpu.memory_space<vmem>>, vector<1x8192xi32>
    %eq3A = vector.broadcast %get3A_160 : vector<128x1xi32> to vector<128x8192xi32>
    %eq3A_164 = vector.broadcast %get3A_163 : vector<1x8192xi32> to vector<128x8192xi32>
    %eq3A_165 = arith.cmpi eq, %eq3A, %eq3A_164 : vector<128x8192xi32>
    %jit3A_166 = arith.constant -1 : i32
    %broadcast_in_dim3A_167 = vector.broadcast %jit3A_166 : i32 to vector<128x8192xi32>
    %select_n3A_168 = arith.select %eq3A_165, %iota3A, %broadcast_in_dim3A_167 : vector<128x8192xi1>, vector<128x8192xi32>
    %reduce_max3A = arith.constant dense<-2147483648> : vector<128xi32>
    %reduce_max3A_169 = vector.multi_reduction <maxsi>, %select_n3A_168, %reduce_max3A [1] : vector<128x8192xi32> to vector<128xi32>
    %broadcast_in_dim3A_170 = vector.shape_cast %reduce_max3A_169 : vector<128xi32> to vector<128x1xi32>
    %swap3A_171 = arith.constant 0 : index
    %swap3A_172 = arith.constant 0 : index
    %swap3A_173 = vector.load %arg26[%swap3A_171, %swap3A_172] : memref<128x1xi32, #tpu.memory_space<vmem>>, vector<128x1xi32>
    tpu.vector_store %arg26[%swap3A_171, %swap3A_172], %broadcast_in_dim3A_170 {strides = array<i32>} : memref<128x1xi32, #tpu.memory_space<vmem>>, vector<128x1xi32>,
    return
  }
  func.func @transform_0(%arg0: i32) -> (i32, i32) {
    %c0_i32 = arith.constant 0 : i32
    %c0_i32_0 = arith.constant 0 : i32
    return %arg0, %c0_i32 : i32, i32
  }
  func.func @transform_1(%arg0: i32) -> (i32, i32) {
    %c0_i32 = arith.constant 0 : i32
    %c0_i32_0 = arith.constant 0 : i32
    return %c0_i32, %arg0 : i32, i32
  }
  func.func @transform_2(%arg0: i32) -> (i32, i32) {
    %c0_i32 = arith.constant 0 : i32
    %c0_i32_0 = arith.constant 0 : i32
    return %arg0, %c0_i32 : i32, i32
  }
  func.func @transform_3(%arg0: i32) -> (i32, i32) {
    %c0_i32 = arith.constant 0 : i32
    %c0_i32_0 = arith.constant 0 : i32
    return %arg0, %c0_i32 : i32, i32
  }
  func.func @transform_4(%arg0: i32) -> (i32, i32) {
    %c0_i32 = arith.constant 0 : i32
    %c0_i32_0 = arith.constant 0 : i32
    return %arg0, %c0_i32 : i32, i32
  }
  func.func @transform_5(%arg0: i32) -> (i32, i32) {
    %c0_i32 = arith.constant 0 : i32
    %c0_i32_0 = arith.constant 0 : i32
    return %arg0, %c0_i32 : i32, i32
  }
  func.func @transform_6(%arg0: i32) -> (i32, i32) {
    %c0_i32 = arith.constant 0 : i32
    %c0_i32_0 = arith.constant 0 : i32
    return %arg0, %c0_i32 : i32, i32
  }
  func.func @transform_7(%arg0: i32) -> (i32, i32) {
    %c0_i32 = arith.constant 0 : i32
    %c0_i32_0 = arith.constant 0 : i32
    %c0_i32_1 = arith.constant 0 : i32
    return %c0_i32, %c0_i32_0 : i32, i32
  }
  func.func @transform_8(%arg0: i32) -> (i32, i32) {
    %c0_i32 = arith.constant 0 : i32
    %c0_i32_0 = arith.constant 0 : i32
    return %arg0, %c0_i32 : i32, i32
  }
  func.func @transform_9(%arg0: i32) -> (i32, i32) {
    %c0_i32 = arith.constant 0 : i32
    %c0_i32_0 = arith.constant 0 : i32
    %c0_i32_1 = arith.constant 0 : i32
    return %c0_i32, %c0_i32_0 : i32, i32
  }
  func.func @transform_10(%arg0: i32) -> (i32, i32) {
    %c0_i32 = arith.constant 0 : i32
    %c0_i32_0 = arith.constant 0 : i32
    %c0_i32_1 = arith.constant 0 : i32
    return %c0_i32, %c0_i32_0 : i32, i32
  }
  func.func @transform_11(%arg0: i32) -> (i32, i32) {
    %c0_i32 = arith.constant 0 : i32
    %c0_i32_0 = arith.constant 0 : i32
    %c0_i32_1 = arith.constant 0 : i32
    return %c0_i32, %c0_i32_0 : i32, i32
  }
  func.func @transform_12(%arg0: i32) -> (i32, i32) {
    %c0_i32 = arith.constant 0 : i32
    %c0_i32_0 = arith.constant 0 : i32
    %c0_i32_1 = arith.constant 0 : i32
    return %c0_i32, %c0_i32_0 : i32, i32
  }
  func.func @transform_13(%arg0: i32) -> (i32, i32) {
    %c0_i32 = arith.constant 0 : i32
    %c0_i32_0 = arith.constant 0 : i32
    %c0_i32_1 = arith.constant 0 : i32
    return %c0_i32, %c0_i32_0 : i32, i32
  }
  func.func @transform_14(%arg0: i32) -> (i32, i32) {
    %c0_i32 = arith.constant 0 : i32
    %c0_i32_0 = arith.constant 0 : i32
    %c0_i32_1 = arith.constant 0 : i32
    return %c0_i32, %c0_i32_0 : i32, i32
  }
  func.func @transform_15(%arg0: i32) -> (i32, i32) {
    %c0_i32 = arith.constant 0 : i32
    %c0_i32_0 = arith.constant 0 : i32
    %c0_i32_1 = arith.constant 0 : i32
    return %c0_i32, %c0_i32_0 : i32, i32
  }
  func.func @transform_16(%arg0: i32) -> (i32, i32) {
    %c0_i32 = arith.constant 0 : i32
    %c0_i32_0 = arith.constant 0 : i32
    %c0_i32_1 = arith.constant 0 : i32
    return %c0_i32, %c0_i32_0 : i32, i32
  }
  func.func @transform_17(%arg0: i32) -> (i32, i32) {
    %c0_i32 = arith.constant 0 : i32
    %c0_i32_0 = arith.constant 0 : i32
    %c0_i32_1 = arith.constant 0 : i32
    return %c0_i32, %c0_i32_0 : i32, i32
  }
  func.func @transform_18(%arg0: i32) -> (i32, i32) {
    %c0_i32 = arith.constant 0 : i32
    %c0_i32_0 = arith.constant 0 : i32
    %c0_i32_1 = arith.constant 0 : i32
    return %c0_i32, %c0_i32_0 : i32, i32
  }
  func.func @transform_19(%arg0: i32) -> (i32, i32) {
    %c0_i32 = arith.constant 0 : i32
    %c0_i32_0 = arith.constant 0 : i32
    %c0_i32_1 = arith.constant 0 : i32
    return %c0_i32, %c0_i32_0 : i32, i32
  }
  func.func @transform_20(%arg0: i32) -> (i32, i32) {
    %c0_i32 = arith.constant 0 : i32
    %c0_i32_0 = arith.constant 0 : i32
    %c0_i32_1 = arith.constant 0 : i32
    return %c0_i32, %c0_i32_0 : i32, i32
  }
  func.func @transform_21(%arg0: i32) -> (i32, i32) {
    %c0_i32 = arith.constant 0 : i32
    %c0_i32_0 = arith.constant 0 : i32
    %c0_i32_1 = arith.constant 0 : i32
    return %c0_i32, %c0_i32_0 : i32, i32
  }
  func.func @transform_22(%arg0: i32) -> (i32, i32) {
    %c0_i32 = arith.constant 0 : i32
    %c0_i32_0 = arith.constant 0 : i32
    %c0_i32_1 = arith.constant 0 : i32
    return %c0_i32, %c0_i32_0 : i32, i32
  }
  func.func @transform_23(%arg0: i32) -> (i32, i32) {
    %c0_i32 = arith.constant 0 : i32
    %c0_i32_0 = arith.constant 0 : i32
    %c0_i32_1 = arith.constant 0 : i32
    return %c0_i32, %c0_i32_0 : i32, i32
  }
  func.func @transform_24(%arg0: i32) -> (i32, i32) {
    %c0_i32 = arith.constant 0 : i32
    %c0_i32_0 = arith.constant 0 : i32
    return %arg0, %c0_i32 : i32, i32
  }
  func.func @transform_25(%arg0: i32) -> (i32, i32) {
    %c0_i32 = arith.constant 0 : i32
    %c0_i32_0 = arith.constant 0 : i32
    return %arg0, %c0_i32 : i32, i32
  }
  func.func @transform_26(%arg0: i32) -> (i32, i32) {
    %c0_i32 = arith.constant 0 : i32
    %c0_i32_0 = arith.constant 0 : i32
    return %arg0, %c0_i32 : i32, i32
  }
}

</mosaic_0001>

<sc_bundles>
// kernel: sc_gather.3.cloned.1.call-start
scs
__scs_entry_jumppad:
0x0: {  	(pc) =	sbr.rel $0x88, $3  }
0x1: {  	(tag) =	ssettag $0x0;
	lr =	simm.s32 $0x1  }
0x2: {  	[smem:$0x3F8E] =	sst lr;
	_ =	strace $0xD0000000  }
0x3: {  	_ = 	snop  }
0x4: {  	_ = 	snop  }
0x5: {  	_ = 	snop  }
0x6: {  	_ = 	snop  }
0x7: {  	_ = 	snop  }
__scs_overlays_trampoline_lowered:
0x8: {  	[smem:$0x3F9D] =	sst s0  }
0x9: {  	[smem:$0x3F9E] =	sst s1  }
0xa: {  	[smem:$0x3F9F] =	sst s2  }
0xb: {  	[smem:$0x3FA0] =	sst s3  }
0xc: {  	[smem:$0x3FA1] =	sst s4  }
0xd: {  	[smem:$0x3FA2] =	sst s5  }
0xe: {  	[smem:$0x3FA3] =	sst s6  }
0xf: {  	[smem:$0x3FA4] =	sst s7  }
0x10: {  	[smem:$0x3FA5] =	sst s8  }
0x11: {  	[smem:$0x3FA6] =	sst s9;
	s0 =	simm.s32 @!p0 $0x0  }
0x12: {  	s1 =	sld [smem:$0x3F8C];
	s0 =	simm.s32 @p0 $0x1  }
0x13: {  	[smem:$0x3FA7] =	sst s0;
	s0 =	simm.s32 @!p1 $0x0  }
0x14: {  	s2 =	sld [smem:$0x3F8B];
	s0 =	simm.s32 @p1 $0x1  }
0x15: {  	[smem:$0x3FA8] =	sst s0;
	s0 =	simm.s32 @!p2 $0x0  }
0x16: {  	s3 =	sld [smem:$0x3FDB];
	s0 =	simm.s32 @p2 $0x1  }
0x17: {  	s4 =	simm.s32 $0x1BF5;
	[smem:$0x3FAA] =	sst s0  }
0x18: {  	s0 =	sld [smem:$0x3F8D];
	_ =	swait.ge [sflag:s4], $0x0  }
0x19: {  	s7 =	sld [smem:$0x3F8E]  }
0x1a: {  	s8 =	sadd.s32 $0xFFFFE003, lr  }
0x1b: {  	s9 =	sadd.s32 $0xFFFFFEF7, lr;
	s5 =	simm.s32 $0xFFFFFFFF;
	p2 =	slt.u32 s8, $0xFFFFF086  }
0x1c: {  	p1 =	slt.u32 s9, $0xF7A;
	s5 =	simm.s32 @!p2 $0x0  }
0x1d: {  	s5 =	simm.s32 @p1 $0x1;
	p0 =	seq.s32 s7, s2  }
0x1e: {  	s7 =	smul.u32 @!p0 $0xF7A, s2;
	p2 =	seq.s32 @!p0 s5, $0x0  }
0x1f: {  	s9 =	smul.u32 $0xF7A, s1;
	s8 =	simm.s32 @!p0 $0x1BF5;
	p2 =	por !p2, p0  }
0x20: {  	[sflag:s8] =	ssyncset.s32 @!p0 $0xFFFFF086;
	s6 =	sadd.s32 @!p0 s3, s7;
	s7 =	simm.s32 @!p0 $0x108  }
0x21: {  	s3 =	sadd.s32 s3, s9;
	s6 =	sadd.s32 @!p0 $0x88, s6;
	s7 =	simm.s32 @p2 $0x1082  }
0x22: {  	[simem:s7], [sflag:s8] =	dma.local @!p0 [hbm:s6], $0xF7A  }
0x23: {  	s9 =	sor.u32 $0xD0000000, s2;
	s6 =	simm.s32 $0x108;
	_ =	swait.ge @!p0 [sflag:s8], $0x0  }
0x24: {  	s3 =	sadd.s32 $0x88, s3;
	s6 =	simm.s32 @!p1 $0x1082;
	[sflag:s4] =	ssyncset.s32 $0xFFFFF086  }
0x25: {  	[simem:s6], [sflag:s4] =	dma.local [hbm:s3], $0xF7A  }
0x26: {  	[smem:$0x3F8E] =	sst s1;
	(tag) =	ssettag s2;
	_ =	strace s9  }
0x27: {  	s1 =	sld [smem:$0x3F9E]  }
0x28: {  	s2 =	sld [smem:$0x3F9F]  }
0x29: {  	s4 =	sld [smem:$0x3FA1]  }
0x2a: {  	p0 =	seq.s32 s5, $0x0;
	s5 =	sld [smem:$0x3FA2]  }
0x2b: {  	s6 =	sld [smem:$0x3FA3]  }
0x2c: {  	s7 =	sld [smem:$0x3FA4]  }
0x2d: {  	s3 =	simm.s32 $0x108;
	s8 =	sld [smem:$0x3FA5]  }
0x2e: {  	s3 =	simm.s32 @!p0 $0x1082;
	s9 =	sld [smem:$0x3FA6]  }
0x2f: {  	lr =	sadd.s32 s0, s3;
	s0 =	sld [smem:$0x3F9D]  }
0x30: {  	s3 =	sld [smem:$0x3FA0]  }
0x31: {  	[smem:$0x3FA9] =	sst s10  }
0x32: {  	s10 =	sld [smem:$0x3FA7];
	_ =	sdelay $0x3  }
0x33: {  	p0 =	seq.s32 s10, $0x1;
	s10 =	sld [smem:$0x3FA9];
	_ =	sdelay $0x3  }
0x34: {  	[smem:$0x3FA9] =	sst s10  }
0x35: {  	s10 =	sld [smem:$0x3FA8];
	_ =	sdelay $0x3  }
0x36: {  	p1 =	seq.s32 s10, $0x1;
	s10 =	sld [smem:$0x3FA9];
	_ =	sdelay $0x3  }
0x37: {  	[smem:$0x3FA9] =	sst s10  }
0x38: {  	s10 =	sld [smem:$0x3FAA]  }
0x39: {  	_ = 	snop;
	(pc) =	sbr.ind lr, $3  }
0x3a: {  	_ = 	snop  }
0x3b: {  	_ = 	snop  }
0x3c: {  	p2 =	seq.s32 s10, $0x1;
	s10 =	sld [smem:$0x3FA9]  }
0x3d: {  	_ =	shalt  }
0x3e: {  	_ =	shalt  }
0x3f: {  	_ =	shalt  }
0x40: {  	_ =	shalt  }
0x41: {  	_ =	shalt  }
0x42: {  	_ =	shalt  }
0x43: {  	_ =	shalt  }
0x44: {  	_ =	shalt  }
0x45: {  	_ =	shalt  }
0x46: {  	_ =	shalt  }
0x47: {  	_ =	shalt  }
0x48: {  	_ =	shalt  }
0x49: {  	_ =	shalt  }
0x4a: {  	_ =	shalt  }
0x4b: {  	_ =	shalt  }
0x4c: {  	_ =	shalt  }
0x4d: {  	_ =	shalt  }
0x4e: {  	_ =	shalt  }
0x4f: {  	_ =	shalt  }
0x50: {  	_ =	shalt  }
0x51: {  	_ =	shalt  }
0x52: {  	_ =	shalt  }
0x53: {  	_ =	shalt  }
0x54: {  	_ =	shalt  }
0x55: {  	_ =	shalt  }
0x56: {  	_ =	shalt  }
0x57: {  	_ =	shalt  }
0x58: {  	_ =	shalt  }
0x59: {  	_ =	shalt  }
0x5a: {  	_ =	shalt  }
0x5b: {  	_ =	shalt  }
0x5c: {  	_ =	shalt  }
0x5d: {  	_ =	shalt  }
0x5e: {  	_ =	shalt  }
0x5f: {  	_ =	shalt  }
0x60: {  	_ =	shalt  }
0x61: {  	_ =	shalt  }
0x62: {  	_ =	shalt  }
0x63: {  	_ =	shalt  }
0x64: {  	_ =	shalt  }
0x65: {  	_ =	shalt  }
0x66: {  	_ =	shalt  }
0x67: {  	_ =	shalt  }
0x68: {  	_ =	shalt  }
0x69: {  	_ =	shalt  }
0x6a: {  	_ =	shalt  }
0x6b: {  	_ =	shalt  }
0x6c: {  	_ =	shalt  }
0x6d: {  	_ =	shalt  }
0x6e: {  	_ =	shalt  }
0x6f: {  	_ =	shalt  }
0x70: {  	_ =	shalt  }
0x71: {  	_ =	shalt  }
0x72: {  	_ =	shalt  }
0x73: {  	_ =	shalt  }
0x74: {  	_ =	shalt  }
0x75: {  	_ =	shalt  }
0x76: {  	_ =	shalt  }
0x77: {  	_ =	shalt  }
0x78: {  	_ =	shalt  }
0x79: {  	_ =	shalt  }
0x7a: {  	_ =	shalt  }
0x7b: {  	_ =	shalt  }
0x7c: {  	_ =	shalt  }
0x7d: {  	_ =	shalt  }
0x7e: {  	_ =	shalt  }
0x7f: {  	_ =	shalt  }
0x80: {  	_ =	shalt  }
0x81: {  	_ =	shalt  }
0x82: {  	_ =	shalt  }
0x83: {  	_ =	shalt  }
0x84: {  	_ =	shalt  }
0x85: {  	_ =	shalt  }
0x86: {  	_ =	shalt  }
0x87: {  	_ =	shalt  }
.Lfunc_end0:
.L_simem_size_0:
called_computation.1_lowered:
.L_overlay_start_0:
0x88: {  	s2 =	sld [smem:$0x3FD9]  }
0x89: {  	s3 =	sld [smem:$0x3FFE];
	_ =	sdelay $0x1  }
0x8a: {  	s1 =	srdreg.scid  }
0x8b: {  	s0 =	sand.u32 $0x1, s1  }
0x8c: {  	s15 =	sshll.u32 s0, $0xA;
	s2 =	sadd.s32 s3, s2  }
0x8d: {  	s2 =	sadd.s32 s2, s15  }
0x8e: {  	[smem:$0x3FB5] =	sst s2  }
0x8f: {  	_ = 	snop  }
0x90: {  	s16 =	sld [smem:$0x3FD0];
	_ =	sdelay $0x1  }
0x91: {  	s2 =	sld [smem:$0x3FC9]  }
0x92: {  	s5 =	simm.s32 $0xB;
	s6 =	simm.s32 $0x10;
	s4 =	sld [smem:$0x3FC4]  }
0x93: {  	[smem:s6], [sflag:s5] =	dma.local [hbm:s16], $0x1  }
0x94: {  	_ =	swait.eq [sflag:s5], $0x1  }
0x95: {  	[sflag:s5] =	ssyncset.done $0x0  }
0x96: {  	[sflag:s5] =	ssyncadd.s32 $0xFFFFFFFF  }
0x97: {  	s17 =	sld [smem:$0x10];
	(tm) =	ssettm $0x1  }
0x98: {  	s18 =	sld [smem:$0x3FFB];
	_ =	sdelay $0x3  }
0x99: {  	_ =	strace s18  }
0x9a: {  	s3 =	sld [smem:$0x3FFC];
	_ =	sdelay $0x3  }
0x9b: {  	_ =	strace s3  }
0x9c: {  	s3 =	sld [smem:$0x3FFD];
	_ =	sdelay $0x3  }
0x9d: {  	_ =	strace s3  }
0x9e: {  	_ =	strace $0x8FFFFFFF  }
0x9f: {  	s19 =	sld [smem:$0x3FDB];
	_ =	sdelay $0x1  }
0xa0: {  	s20 =	simm.s32 $_scs_section_size  }
0xa1: {  	s7 =	simm.s32 $_size__tile_overlayer_lowered;
	s8 =	simm.s32 $_tile_overlayer_lowered  }
0xa2: {  	s9 =	simm.s32 $0x1BFF;
	s21 =	sshll.u32 s8, $0x1;
	s6 =	sadd.s32 s20, s19  }
0xa3: {  	s22 =	simm.s32 $0x0;
	s7 =	sshll.u32 s7, $0x1;
	s8 =	sadd.s32 s21, s6  }
0xa4: {  	[timem:s22], [sflag:s9] =	dma.local [hbm:s8], s7  }
0xa5: {  	_ =	swait.ge [sflag:s9], s7  }
0xa6: {  	s7 =	ssub.s32 $0x0, s7;
	[sflag:s9] =	ssyncset.done $0x0  }
0xa7: {  	[sflag:s9] =	ssyncadd.s32 s7;
	_ =	sdelay $0x1  }
0xa8: {  	s23 =	simm.s32 $0x1B8B  }
0xa9: {  	_ =	swait.ge [sflag:s23], $0x1  }
0xaa: {  	[sflag:s23] =	ssyncset.done $0x0  }
0xab: {  	[sflag:s23] =	ssyncadd.s32 $0xFFFFFFFF  }
0xac: {  	s7 =	sld [smem:$0x0]  }
0xad: {  	s8 =	sand.u32 $0xFFFFFFFE, s1  }
0xae: {  	p0 =	sne.s32 s1, s8  }
0xaf: {  	s8 =	sshll.u32 @p0 s8, $0xE  }
0xb0: {  	s8 =	sadd.s32 @p0 $0x11B8D, s8;
	s9 =	sshll.u32 @p0 s7, $0x11  }
0xb1: {  	s8 =	sor.u32 @p0 s9, s8  }
0xb2: {  	[sflag:s8] =	ssyncadd.remote.s32 @p0 $0x1;
	_ =	sdelay $0x1  }
0xb3: {  	s8 =	simm.s32 @p0 $0x1B8D  }
0xb4: {  	_ =	swait.eq @p0 [sflag:s8], $0x1  }
0xb5: {  	[sflag:s8] =	ssyncadd.s32 @p0 $0xFFFFFFFF  }
0xb6: {  	s9 =	sshll.u32 @!p0 s1, $0xE  }
0xb7: {  	s9 =	sor.u32 @!p0 $0x4000, s9;
	s8 =	simm.s32 @!p0 $0x1B8D  }
0xb8: {  	s7 =	sshll.u32 @!p0 s7, $0x11;
	s9 =	sadd.s32 @!p0 $0x11B8D, s9;
	_ =	swait.eq @!p0 [sflag:s8], $0x1  }
0xb9: {  	s7 =	sor.u32 @!p0 s7, s9;
	[sflag:s8] =	ssyncadd.s32 @!p0 $0xFFFFFFFF  }
0xba: {  	s25 =	simm.s32 $0x1B8E;
	s24 =	sld [smem:$0x3FFE];
	[sflag:s7] =	ssyncadd.remote.s32 @!p0 $0x1  }
0xbb: {  	s26 =	simm.s32 $execute0_lowered;
	[smem:$0x3FD2] =	sst s25  }
0xbc: {  	s8 =	sshll.u32 s26, $0x1;
	_ =	strace $0x8000004C;
	[dreg:$0x1] =	wrdreg $0xFFFFFFFF  }
0xbd: {  	s28 =	simm.s32 $_size_execute0_lowered;
	s6 =	sadd.s32 s6, s8;
	[dreg:$0x0] =	wrdreg $0x0  }
0xbe: {  	s8 =	sshll.u32 s28, $0x1;
	[dreg:$0x2] =	wrdreg s6  }
0xbf: {  	[dreg:$0x3] =	wrdreg s8  }
0xc0: {  	[dreg:$0x4] =	wrdreg $0xC0  }
0xc1: {  	_ =	task [dreg:s22], $0x5FFFF  }
0xc2: {  	[dreg:$0x1] =	wrdreg $0xFFFFFFFF  }
0xc3: {  	[dreg:$0x0] =	wrdreg $0x60  }
0xc4: {  	[dreg:$0x2] =	wrdreg s4  }
0xc5: {  	[dreg:$0x3] =	wrdreg s24  }
0xc6: {  	[dreg:$0x4] =	wrdreg s2  }
0xc7: {  	[dreg:$0x5] =	wrdreg s17  }
0xc8: {  	[dreg:$0x6] =	wrdreg $0x9  }
0xc9: {  	_ =	task.clear_ibuf [dreg:s22], $0x7FFFF;
	_ =	strace $0x9000004C  }
0xca: {  	s29 =	simm.s32 $0x9;
	_ =	strace $0x8000004E  }
0xcb: {  	_ =	swait.ge [sflag:s29], $0x1  }
0xcc: {  	[sflag:s29] =	ssyncadd.s32 $0xFFFFFFFF  }
0xcd: {  	_ =	strace $0x9000004E  }
0xce: {  	_ =	sfence  }
0xcf: {  	s30 =	sld [smem:$0x0];
	_ =	sdelay $0x2  }
0xd0: {  	s31 =	sshll.u32 s1, $0xD;
	s1 =	sshrl.u32 s1, $0x2  }
0xd1: {  	s4 =	sand.u32 $0x4000, s31;
	s1 =	sadd.s32 s1, s30  }
0xd2: {  	s0 =	sor.u32 s4, s0;
	s1 =	sshll.u32 s1, $0x11  }
0xd3: {  	s0 =	sor.u32 s1, s0  }
0xd4: {  	s0 =	sadd.s32 $0x8F2B, s0  }
0xd5: {  	[sflag:s0] =	ssyncadd.remote.s32 $0x1  }
0xd6: {  	_ =	sfence.sel $0xFFFF  }
0xd7: {  	[dreg:$0x0] =	wrdreg $0xFFFFFFFF;
	(pc) =	sbr.abs _section_cstart, $3  }
0xd8: {  	[dreg:$0x1] =	wrdreg $0xFFFFFFFF  }
0xd9: {  	_ =	task.clear_ibuf [dreg:s22], $0x2FFFF;
	_ =	strace $0x9FFFFFFF  }
0xda: {  	(tm) =	ssettm $0x7FFFFFFF  }
0xdb: {  	_ =	shalt  }
tec
execute0_lowered:
.L_overlay_start_1:
0x0: {  	(tag) =	ssettag $0x1  }
0x1: {  	s1 =	rddreg [dreg:$0x0]  }
0x2: {  	s0 =	rddreg [dreg:$0x1]  }
0x3: {  	s2 =	rddreg [dreg:$0x2]  }
0x4: {  	s4 =	rddreg [dreg:$0x3];
	s3 =	simm.s32 $0x0  }
0x5: {  	s5 =	srdreg.scid;
	s8 =	stileid.u32;
	s17 =	simm.s32 $0x5  }
0x6: {  	s10 =	simm.s32 $0x2100;
	s14 =	simm.s32 $0x1;
	s15 =	simm.s32 $0x2  }
0x7: {  	s19 =	simm.s32 $0x2900;
	s20 =	simm.s32 $0x3100;
	s21 =	simm.s32 $0x3900  }
0x8: {  	s22 =	simm.s32 $0x4100;
	s28 =	simm.s32 $0x6100;
	s29 =	simm.s32 $0x6900  }
0x9: {  	s30 =	simm.s32 $0x7100;
	s31 =	simm.s32 $0x7900;
	s11 =	simm.s32 $0xC900  }
0xa: {  	s12 =	simm.s32 $0xD100;
	s13 =	simm.s32 $0xD900;
	[smem:$0x7FF] =	sst s3  }
0xb: {  	s5 =	sand.u32 $0x1, s5;
	s6 =	sshll.u32 s8, $0x1;
	s8 =	sshll.u32 s8, $0x13  }
0xc: {  	_ =	strace $0x8000004D;
	s6 =	sor.u32 s5, s6;
	s9 =	ssub.s32 $0x2, s5  }
0xd: {  	s5 =	sshll.u32 s5, $0x12;
	s7 =	sshll.u32 s6, $0xA;
	s23 =	sshrl.u32 s9, $0x1  }
0xe: {  	s24 =	sshll.u32 s6, $0xD;
	s6 =	sshll.u32 s6, $0x5;
	s7 =	sadd.s32 s7, s0  }
0xf: {  	s0 =	sadd.s32 s8, s0;
	s8 =	ssub.s32 s9, s23;
	s2 =	sadd.s32 s2, s6  }
0x10: {  	s25 =	sadd.s32 s4, s24;
	s23 =	simm.s32 $0x4900;
	s24 =	simm.s32 $0x5100  }
0x11: {  	s4 =	simm.s32 $0x9100;
	s6 =	simm.s32 $0xB900;
	s9 =	simm.s32 $0xC100  }
0x12: {  	s7 =	sadd.s32 $0x625C00, s7;
	s0 =	sadd.s32 s5, s0;
	[dreg:$0x7] =	wrdreg s2  }
0x13: {  	[dreg:$0x8] =	wrdreg s25;
	s2 =	sadd.s32 $0x1000, s25;
	s26 =	smax.u32 s8, $0x1  }
0x14: {  	s25 =	simm.s32 $0x5900;
	s5 =	simm.s32 $0x9900;
	[dreg:$0x6] =	wrdreg s7  }
0x15: {  	v2 =	vlaneseq.u32;
	s8 =	simm.s32 $0xB100;
	s0 =	sadd.s32 $0x62DC00, s0;
	[dreg:$0x9] =	wrdreg s2  }
0x16: {  	vm0 =	vmmov $0xffff;
	v1 =	vshrl.u32 v2, $0x3;
	[dreg:$0xa] =	wrdreg s26;
	s26 =	simm.s32 $0xA100;
	s2 =	simm.s32 $0x8900  }
0x17: {  	v0 =	vand.u32 $0x7, v2;
	v2 =	vor.u32 $0x8, v2;
	v1 =	vmul.u32 $0x8, v1;
	s7 =	simm.s32 $0xA900;
	[dreg:$0x5] =	wrdreg s0;
	s0 =	simm.s32 $0x0  }
.LBB2_1:
0x18: {  	[dreg:$0xb] =	wrdreg s0  }
0x19: {  	s16 =	rddreg [dreg:$0x6]  }
0x1a: {  	[tilespmem:s3], [sflag:$0x5] =	stream.linear.gather [hbm4b:s16+s3], $0x2000, $0x38;
	[tilespmem:$0x12100] =	vst v63  }
0x1b: {  	_ =	swait.ge [sflag:s17], $0x2000  }
0x1c: {  	s0 =	simm.s32 $0x8100;
	[sflag:s17] =	ssyncset.done $0x0  }
0x1d: {  	s16 =	simm.s32 $0x80;
	[sflag:s17] =	ssyncadd.s32 $0xFFFFE000;
	s17 =	simm.s32 $0x0  }
.LBB2_2:
0x1e: {  	p0 =	seq.s32 s17, $0x0  }
0x1f: {  	s18 =	simm.s32 @!p0 $0x3  }
0x20: {  	_ =	swait.ge @!p0 [sflag:s18], $0x8000  }
0x21: {  	[sflag:s18] =	ssyncset.done @!p0 $0x0  }
0x22: {  	[sflag:s18] =	ssyncadd.s32 @!p0 $0xFFFF8000;
	s18 =	simm.s32 @!p0 $0x4  }
0x23: {  	_ =	swait.ge @!p0 [sflag:s18], $0x8000  }
0x24: {  	[sflag:s18] =	ssyncset.done @!p0 $0x0  }
0x25: {  	[sflag:s18] =	ssyncadd.s32 @!p0 $0xFFFF8000  }
0x26: {  	v3 =	vld [tilespmem:s16+$0xFFFFFF80];
	_ =	sdelay $0x4  }
0x27: {  	v4 =	vshll.u32 v3, $0x1  }
0x28: {  	v3 =	vand.u32 $0x7, v3;
	v4 =	vand.u32 $0xFFFFFFF0, v4  }
0x29: {  	v3 =	vor.u32 v3, v4  }
0x2a: {  	v4 =	vperm.xlane v3, v0;
	_ =	sdelay $0x1  }
0x2b: {  	v3 =	vperm.xlane v3, v2;
	v4 =	vadd.s32 v1, v4;
	_ =	sdelay $0x1  }
0x2c: {  	v3 =	vadd.s32 v1, v3;
	_ =	sdelay $0x2  }
0x2d: {  	[tilespmem:s10], [sflag:$0x1] =	stream.indirect_vreg.gather [hbm4b:s1+s3], $0x80, v4, vm0, $0xb8;
	[tilespmem:$0x12100] =	vst v63  }
0x2e: {  	_ = 	snop  }
0x2f: {  	[tilespmem:s19], [sflag:$0x1] =	stream.indirect_vreg.gather [hbm4b:s1+s3], $0x80, v3, vm0, $0xb8;
	[tilespmem:$0x12100] =	vst v63  }
0x30: {  	v3 =	vld [tilespmem:s16+$0xFFFFFF90];
	_ =	sdelay $0x4  }
0x31: {  	v49 =	vshll.u32 v3, $0x1  }
0x32: {  	v3 =	vand.u32 $0x7, v3;
	v4 =	vand.u32 $0xFFFFFFF0, v49  }
0x33: {  	v3 =	vor.u32 v3, v4  }
0x34: {  	v4 =	vperm.xlane v3, v0;
	_ =	sdelay $0x1  }
0x35: {  	v3 =	vperm.xlane v3, v2;
	v4 =	vadd.s32 v1, v4;
	_ =	sdelay $0x1  }
0x36: {  	v3 =	vadd.s32 v1, v3;
	_ =	sdelay $0x2  }
0x37: {  	[tilespmem:s20], [sflag:$0x1] =	stream.indirect_vreg.gather [hbm4b:s1+s3], $0x80, v4, vm0, $0xb8;
	[tilespmem:$0x12100] =	vst v63  }
0x38: {  	_ = 	snop  }
0x39: {  	[tilespmem:s21], [sflag:$0x1] =	stream.indirect_vreg.gather [hbm4b:s1+s3], $0x80, v3, vm0, $0xb8;
	[tilespmem:$0x12100] =	vst v63  }
0x3a: {  	v3 =	vld [tilespmem:s16+$0xFFFFFFA0];
	_ =	sdelay $0x4  }
0x3b: {  	v50 =	vshll.u32 v3, $0x1  }
0x3c: {  	v3 =	vand.u32 $0x7, v3;
	v4 =	vand.u32 $0xFFFFFFF0, v50  }
0x3d: {  	v3 =	vor.u32 v3, v4  }
0x3e: {  	v4 =	vperm.xlane v3, v0;
	_ =	sdelay $0x1  }
0x3f: {  	v3 =	vperm.xlane v3, v2;
	v4 =	vadd.s32 v1, v4;
	_ =	sdelay $0x1  }
0x40: {  	v3 =	vadd.s32 v1, v3;
	_ =	sdelay $0x2  }
0x41: {  	[tilespmem:s22], [sflag:$0x1] =	stream.indirect_vreg.gather [hbm4b:s1+s3], $0x80, v4, vm0, $0xb8;
	[tilespmem:$0x12100] =	vst v63  }
0x42: {  	_ = 	snop  }
0x43: {  	[tilespmem:s23], [sflag:$0x1] =	stream.indirect_vreg.gather [hbm4b:s1+s3], $0x80, v3, vm0, $0xb8;
	[tilespmem:$0x12100] =	vst v63  }
0x44: {  	v3 =	vld [tilespmem:s16+$0xFFFFFFB0];
	_ =	sdelay $0x4  }
0x45: {  	v51 =	vshll.u32 v3, $0x1  }
0x46: {  	v3 =	vand.u32 $0x7, v3;
	v4 =	vand.u32 $0xFFFFFFF0, v51  }
0x47: {  	v3 =	vor.u32 v3, v4  }
0x48: {  	v4 =	vperm.xlane v3, v0;
	_ =	sdelay $0x1  }
0x49: {  	v3 =	vperm.xlane v3, v2;
	v4 =	vadd.s32 v1, v4;
	_ =	sdelay $0x1  }
0x4a: {  	v3 =	vadd.s32 v1, v3;
	_ =	sdelay $0x2  }
0x4b: {  	[tilespmem:s24], [sflag:$0x1] =	stream.indirect_vreg.gather [hbm4b:s1+s3], $0x80, v4, vm0, $0xb8;
	[tilespmem:$0x12100] =	vst v63  }
0x4c: {  	_ = 	snop  }
0x4d: {  	[tilespmem:s25], [sflag:$0x1] =	stream.indirect_vreg.gather [hbm4b:s1+s3], $0x80, v3, vm0, $0xb8;
	[tilespmem:$0x12100] =	vst v63  }
0x4e: {  	v3 =	vld [tilespmem:s16+$0xFFFFFFC0];
	_ =	sdelay $0x4  }
0x4f: {  	v52 =	vshll.u32 v3, $0x1  }
0x50: {  	v3 =	vand.u32 $0x7, v3;
	v4 =	vand.u32 $0xFFFFFFF0, v52  }
0x51: {  	v3 =	vor.u32 v3, v4  }
0x52: {  	v4 =	vperm.xlane v3, v0;
	_ =	sdelay $0x1  }
0x53: {  	v3 =	vperm.xlane v3, v2;
	v4 =	vadd.s32 v1, v4;
	_ =	sdelay $0x1  }
0x54: {  	v3 =	vadd.s32 v1, v3;
	_ =	sdelay $0x2  }
0x55: {  	[tilespmem:s28], [sflag:$0x1] =	stream.indirect_vreg.gather [hbm4b:s1+s3], $0x80, v4, vm0, $0xb8;
	[tilespmem:$0x12100] =	vst v63  }
0x56: {  	_ = 	snop  }
0x57: {  	[tilespmem:s29], [sflag:$0x1] =	stream.indirect_vreg.gather [hbm4b:s1+s3], $0x80, v3, vm0, $0xb8;
	[tilespmem:$0x12100] =	vst v63  }
0x58: {  	v3 =	vld [tilespmem:s16+$0xFFFFFFD0];
	_ =	sdelay $0x4  }
0x59: {  	v53 =	vshll.u32 v3, $0x1  }
0x5a: {  	v3 =	vand.u32 $0x7, v3;
	v4 =	vand.u32 $0xFFFFFFF0, v53  }
0x5b: {  	v3 =	vor.u32 v3, v4  }
0x5c: {  	v4 =	vperm.xlane v3, v0;
	_ =	sdelay $0x1  }
0x5d: {  	v3 =	vperm.xlane v3, v2;
	v4 =	vadd.s32 v1, v4;
	_ =	sdelay $0x1  }
0x5e: {  	v3 =	vadd.s32 v1, v3;
	_ =	sdelay $0x2  }
0x5f: {  	[tilespmem:s30], [sflag:$0x1] =	stream.indirect_vreg.gather [hbm4b:s1+s3], $0x80, v4, vm0, $0xb8;
	[tilespmem:$0x12100] =	vst v63  }
0x60: {  	_ = 	snop  }
0x61: {  	[tilespmem:s31], [sflag:$0x1] =	stream.indirect_vreg.gather [hbm4b:s1+s3], $0x80, v3, vm0, $0xb8;
	[tilespmem:$0x12100] =	vst v63  }
0x62: {  	v3 =	vld [tilespmem:s16+$0xFFFFFFE0];
	_ =	sdelay $0x4  }
0x63: {  	v54 =	vshll.u32 v3, $0x1  }
0x64: {  	v3 =	vand.u32 $0x7, v3;
	v4 =	vand.u32 $0xFFFFFFF0, v54  }
0x65: {  	v3 =	vor.u32 v3, v4  }
0x66: {  	v4 =	vperm.xlane v3, v0;
	_ =	sdelay $0x1  }
0x67: {  	v3 =	vperm.xlane v3, v2;
	v4 =	vadd.s32 v1, v4;
	_ =	sdelay $0x1  }
0x68: {  	v3 =	vadd.s32 v1, v3;
	_ =	sdelay $0x2  }
0x69: {  	[tilespmem:s0], [sflag:$0x1] =	stream.indirect_vreg.gather [hbm4b:s1+s3], $0x80, v4, vm0, $0xb8;
	[tilespmem:$0x12100] =	vst v63  }
0x6a: {  	_ = 	snop  }
0x6b: {  	[tilespmem:s2], [sflag:$0x1] =	stream.indirect_vreg.gather [hbm4b:s1+s3], $0x80, v3, vm0, $0xb8;
	[tilespmem:$0x12100] =	vst v63  }
0x6c: {  	v3 =	vld [tilespmem:s16+$0xFFFFFFF0];
	_ =	sdelay $0x4  }
0x6d: {  	v55 =	vshll.u32 v3, $0x1  }
0x6e: {  	v3 =	vand.u32 $0x7, v3;
	v4 =	vand.u32 $0xFFFFFFF0, v55  }
0x6f: {  	v3 =	vor.u32 v3, v4  }
0x70: {  	v4 =	vperm.xlane v3, v0;
	_ =	sdelay $0x1  }
0x71: {  	v3 =	vperm.xlane v3, v2;
	v4 =	vadd.s32 v1, v4;
	_ =	sdelay $0x1  }
0x72: {  	v3 =	vadd.s32 v1, v3;
	_ =	sdelay $0x2  }
0x73: {  	[tilespmem:s4], [sflag:$0x1] =	stream.indirect_vreg.gather [hbm4b:s1+s3], $0x80, v4, vm0, $0xb8;
	[tilespmem:$0x12100] =	vst v63  }
0x74: {  	_ = 	snop  }
0x75: {  	[tilespmem:s5], [sflag:$0x1] =	stream.indirect_vreg.gather [hbm4b:s1+s3], $0x80, v3, vm0, $0xb8;
	[tilespmem:$0x12100] =	vst v63  }
0x76: {  	v3 =	vld [tilespmem:s16+$0x0];
	_ =	sdelay $0x4  }
0x77: {  	v56 =	vshll.u32 v3, $0x1  }
0x78: {  	v3 =	vand.u32 $0x7, v3;
	v4 =	vand.u32 $0xFFFFFFF0, v56  }
0x79: {  	v3 =	vor.u32 v3, v4  }
0x7a: {  	v4 =	vperm.xlane v3, v0;
	_ =	sdelay $0x1  }
0x7b: {  	v3 =	vperm.xlane v3, v2;
	v4 =	vadd.s32 v1, v4;
	_ =	sdelay $0x1  }
0x7c: {  	v3 =	vadd.s32 v1, v3;
	_ =	sdelay $0x2  }
0x7d: {  	[tilespmem:s26], [sflag:$0x2] =	stream.indirect_vreg.gather [hbm4b:s1+s3], $0x80, v4, vm0, $0xb8;
	[tilespmem:$0x12100] =	vst v63  }
0x7e: {  	_ = 	snop  }
0x7f: {  	[tilespmem:s7], [sflag:$0x2] =	stream.indirect_vreg.gather [hbm4b:s1+s3], $0x80, v3, vm0, $0xb8;
	[tilespmem:$0x12100] =	vst v63  }
0x80: {  	v3 =	vld [tilespmem:s16+$0x10];
	_ =	sdelay $0x4  }
0x81: {  	v57 =	vshll.u32 v3, $0x1  }
0x82: {  	v3 =	vand.u32 $0x7, v3;
	v4 =	vand.u32 $0xFFFFFFF0, v57  }
0x83: {  	v3 =	vor.u32 v3, v4  }
0x84: {  	v4 =	vperm.xlane v3, v0;
	_ =	sdelay $0x1  }
0x85: {  	v3 =	vperm.xlane v3, v2;
	v4 =	vadd.s32 v1, v4;
	_ =	sdelay $0x1  }
0x86: {  	v3 =	vadd.s32 v1, v3;
	_ =	sdelay $0x2  }
0x87: {  	[tilespmem:s8], [sflag:$0x2] =	stream.indirect_vreg.gather [hbm4b:s1+s3], $0x80, v4, vm0, $0xb8;
	[tilespmem:$0x12100] =	vst v63  }
0x88: {  	_ = 	snop  }
0x89: {  	[tilespmem:s6], [sflag:$0x2] =	stream.indirect_vreg.gather [hbm4b:s1+s3], $0x80, v3, vm0, $0xb8;
	[tilespmem:$0x12100] =	vst v63  }
0x8a: {  	v3 =	vld [tilespmem:s16+$0x20];
	_ =	sdelay $0x4  }
0x8b: {  	v58 =	vshll.u32 v3, $0x1  }
0x8c: {  	v3 =	vand.u32 $0x7, v3;
	v4 =	vand.u32 $0xFFFFFFF0, v58  }
0x8d: {  	v3 =	vor.u32 v3, v4  }
0x8e: {  	v4 =	vperm.xlane v3, v0;
	_ =	sdelay $0x1  }
0x8f: {  	v3 =	vperm.xlane v3, v2;
	v4 =	vadd.s32 v1, v4;
	_ =	sdelay $0x1  }
0x90: {  	v3 =	vadd.s32 v1, v3;
	_ =	sdelay $0x2  }
0x91: {  	[tilespmem:s9], [sflag:$0x2] =	stream.indirect_vreg.gather [hbm4b:s1+s3], $0x80, v4, vm0, $0xb8;
	[tilespmem:$0x12100] =	vst v63  }
0x92: {  	_ = 	snop  }
0x93: {  	[tilespmem:s11], [sflag:$0x2] =	stream.indirect_vreg.gather [hbm4b:s1+s3], $0x80, v3, vm0, $0xb8;
	[tilespmem:$0x12100] =	vst v63  }
0x94: {  	v3 =	vld [tilespmem:s16+$0x30];
	_ =	sdelay $0x4  }
0x95: {  	v59 =	vshll.u32 v3, $0x1  }
0x96: {  	v3 =	vand.u32 $0x7, v3;
	v4 =	vand.u32 $0xFFFFFFF0, v59  }
0x97: {  	v3 =	vor.u32 v3, v4  }
0x98: {  	v4 =	vperm.xlane v3, v0;
	_ =	sdelay $0x1  }
0x99: {  	v3 =	vperm.xlane v3, v2;
	v4 =	vadd.s32 v1, v4;
	_ =	sdelay $0x1  }
0x9a: {  	v3 =	vadd.s32 v1, v3;
	_ =	sdelay $0x2  }
0x9b: {  	[tilespmem:s12], [sflag:$0x2] =	stream.indirect_vreg.gather [hbm4b:s1+s3], $0x80, v4, vm0, $0xb8;
	[tilespmem:$0x12100] =	vst v63  }
0x9c: {  	_ = 	snop  }
0x9d: {  	[tilespmem:s13], [sflag:$0x2] =	stream.indirect_vreg.gather [hbm4b:s1+s3], $0x80, v3, vm0, $0xb8;
	[tilespmem:$0x12100] =	vst v63  }
0x9e: {  	v3 =	vld [tilespmem:s16+$0x40];
	_ =	sdelay $0x4  }
0x9f: {  	v60 =	vshll.u32 v3, $0x1  }
0xa0: {  	v3 =	vand.u32 $0x7, v3;
	v4 =	vand.u32 $0xFFFFFFF0, v60  }
0xa1: {  	v3 =	vor.u32 v3, v4  }
0xa2: {  	v4 =	vperm.xlane v3, v0;
	_ =	sdelay $0x1  }
0xa3: {  	v3 =	vperm.xlane v3, v2;
	v4 =	vadd.s32 v1, v4;
	_ =	sdelay $0x1  }
0xa4: {  	v3 =	vadd.s32 v1, v3;
	_ =	sdelay $0x1  }
0xa5: {  	s18 =	simm.s32 $0xE100  }
0xa6: {  	[tilespmem:s18], [sflag:$0x2] =	stream.indirect_vreg.gather [hbm4b:s1+s3], $0x80, v4, vm0, $0xb8;
	[tilespmem:$0x12100] =	vst v63  }
0xa7: {  	s18 =	simm.s32 $0xE900  }
0xa8: {  	[tilespmem:s18], [sflag:$0x2] =	stream.indirect_vreg.gather [hbm4b:s1+s3], $0x80, v3, vm0, $0xb8;
	[tilespmem:$0x12100] =	vst v63  }
0xa9: {  	v3 =	vld [tilespmem:s16+$0x50];
	_ =	sdelay $0x4  }
0xaa: {  	v61 =	vshll.u32 v3, $0x1  }
0xab: {  	v3 =	vand.u32 $0x7, v3;
	v4 =	vand.u32 $0xFFFFFFF0, v61  }
0xac: {  	v3 =	vor.u32 v3, v4  }
0xad: {  	v4 =	vperm.xlane v3, v0;
	_ =	sdelay $0x1  }
0xae: {  	v3 =	vperm.xlane v3, v2;
	v4 =	vadd.s32 v1, v4;
	_ =	sdelay $0x1  }
0xaf: {  	v3 =	vadd.s32 v1, v3;
	_ =	sdelay $0x1  }
0xb0: {  	s18 =	simm.s32 $0xF100  }
0xb1: {  	[tilespmem:s18], [sflag:$0x2] =	stream.indirect_vreg.gather [hbm4b:s1+s3], $0x80, v4, vm0, $0xb8;
	[tilespmem:$0x12100] =	vst v63  }
0xb2: {  	s18 =	simm.s32 $0xF900  }
0xb3: {  	[tilespmem:s18], [sflag:$0x2] =	stream.indirect_vreg.gather [hbm4b:s1+s3], $0x80, v3, vm0, $0xb8;
	[tilespmem:$0x12100] =	vst v63  }
0xb4: {  	v3 =	vld [tilespmem:s16+$0x60];
	_ =	sdelay $0x4  }
0xb5: {  	v62 =	vshll.u32 v3, $0x1  }
0xb6: {  	v3 =	vand.u32 $0x7, v3;
	v4 =	vand.u32 $0xFFFFFFF0, v62  }
0xb7: {  	v3 =	vor.u32 v3, v4  }
0xb8: {  	v4 =	vperm.xlane v3, v0;
	_ =	sdelay $0x1  }
0xb9: {  	v3 =	vperm.xlane v3, v2;
	v4 =	vadd.s32 v1, v4;
	_ =	sdelay $0x1  }
0xba: {  	v3 =	vadd.s32 v1, v3;
	_ =	sdelay $0x1  }
0xbb: {  	s18 =	simm.s32 $0x10100  }
0xbc: {  	[tilespmem:s18], [sflag:$0x2] =	stream.indirect_vreg.gather [hbm4b:s1+s3], $0x80, v4, vm0, $0xb8;
	[tilespmem:$0x12100] =	vst v63  }
0xbd: {  	s18 =	simm.s32 $0x10900  }
0xbe: {  	[tilespmem:s18], [sflag:$0x2] =	stream.indirect_vreg.gather [hbm4b:s1+s3], $0x80, v3, vm0, $0xb8;
	[tilespmem:$0x12100] =	vst v63  }
0xbf: {  	v3 =	vld [tilespmem:s16+$0x70];
	_ =	sdelay $0x4  }
0xc0: {  	v63 =	vshll.u32 v3, $0x1  }
0xc1: {  	v3 =	vand.u32 $0x7, v3;
	v4 =	vand.u32 $0xFFFFFFF0, v63  }
0xc2: {  	v3 =	vor.u32 v3, v4  }
0xc3: {  	v4 =	vperm.xlane v3, v0;
	_ =	sdelay $0x1  }
0xc4: {  	v3 =	vperm.xlane v3, v2;
	v4 =	vadd.s32 v1, v4;
	_ =	sdelay $0x1  }
0xc5: {  	v3 =	vadd.s32 v1, v3;
	_ =	sdelay $0x1  }
0xc6: {  	s18 =	simm.s32 $0x11100  }
0xc7: {  	[tilespmem:s18], [sflag:$0x2] =	stream.indirect_vreg.gather [hbm4b:s1+s3], $0x80, v4, vm0, $0xb8;
	[tilespmem:$0x12100] =	vst v63  }
0xc8: {  	s18 =	simm.s32 $0x11900  }
0xc9: {  	[tilespmem:s18], [sflag:$0x2] =	stream.indirect_vreg.gather [hbm4b:s1+s3], $0x80, v3, vm0, $0xb8;
	[tilespmem:$0x12100] =	vst v63  }
0xca: {  	_ =	swait.ge [sflag:s14], $0x8000  }
0xcb: {  	s18 =	rddreg [dreg:$0x5];
	[sflag:s14] =	ssyncset.done $0x0  }
0xcc: {  	[sflag:s14] =	ssyncadd.s32 $0xFFFF8000;
	s18 =	sadd.s32 s17, s18;
	s17 =	sadd.s32 $0x2000, s17  }
0xcd: {  	[hbm4b:s18+s3] =	stream.linear.scatter [tilespmem:s10], [sflag:$0x3], $0x8000, $0x38;
	[tilespmem:$0x12100] =	vst v63  }
0xce: {  	p0 =	sne.s32 s17, $0x40000  }
.Ltmp0:
0xcf: {  	_ = 	snop;
	(pc) =	sbr.rel @p0 .LBB2_2-.Ltmp0, $4  }
0xd0: {  	_ =	swait.ge [sflag:s15], $0x8000  }
0xd1: {  	[sflag:s15] =	ssyncset.done $0x0  }
0xd2: {  	s16 =	sadd.s32 $0x100, s16;
	s18 =	sadd.s32 $0x1000, s18;
	[sflag:s15] =	ssyncadd.s32 $0xFFFF8000  }
0xd3: {  	[hbm4b:s18+s3] =	stream.linear.scatter [tilespmem:s26], [sflag:$0x4], $0x8000, $0x38;
	[tilespmem:$0x12100] =	vst v63  }
0xd4: {  	s16 =	simm.s32 $0x3  }
0xd5: {  	_ =	swait.ge [sflag:s16], $0x8000  }
0xd6: {  	[sflag:s16] =	ssyncset.done $0x0  }
0xd7: {  	s17 =	simm.s32 $0x4;
	[sflag:s16] =	ssyncadd.s32 $0xFFFF8000  }
0xd8: {  	_ =	swait.ge [sflag:s17], $0x8000  }
0xd9: {  	[sflag:s17] =	ssyncset.done $0x0  }
0xda: {  	s18 =	rddreg [dreg:$0x7];
	[sflag:s17] =	ssyncadd.s32 $0xFFFF8000;
	s17 =	simm.s32 $0x2000  }
0xdb: {  	[tilespmem:s17], [sflag:$0x5] =	stream.linear.gather [hbm4b:s18+s3], $0x100, $0x38;
	[tilespmem:$0x12100] =	vst v63  }
0xdc: {  	s17 =	simm.s32 $0x5  }
0xdd: {  	_ =	swait.ge [sflag:s17], $0x100  }
0xde: {  	[sflag:s17] =	ssyncset.done $0x0  }
0xdf: {  	[sflag:s17] =	ssyncadd.s32 $0xFFFFFF00  }
0xe0: {  	v3 =	vld [tilespmem:$0x2000];
	_ =	sdelay $0x4  }
0xe1: {  	v4 =	vshll.u32 v3, $0x1  }
0xe2: {  	v3 =	vand.u32 $0x7, v3;
	v4 =	vand.u32 $0xFFFFFFF0, v4  }
0xe3: {  	v3 =	vor.u32 v3, v4  }
0xe4: {  	v4 =	vperm.xlane v3, v0;
	_ =	sdelay $0x1  }
0xe5: {  	v3 =	vperm.xlane v3, v2;
	v4 =	vadd.s32 v1, v4;
	_ =	sdelay $0x1  }
0xe6: {  	v3 =	vadd.s32 v1, v3;
	_ =	sdelay $0x2  }
0xe7: {  	[tilespmem:s10], [sflag:$0x1] =	stream.indirect_vreg.gather [hbm4b:s1+s3], $0x80, v4, vm0, $0xb8;
	[tilespmem:$0x12100] =	vst v63  }
0xe8: {  	_ = 	snop  }
0xe9: {  	[tilespmem:s19], [sflag:$0x1] =	stream.indirect_vreg.gather [hbm4b:s1+s3], $0x80, v3, vm0, $0xb8;
	[tilespmem:$0x12100] =	vst v63  }
0xea: {  	v3 =	vld [tilespmem:$0x2010];
	_ =	sdelay $0x4  }
0xeb: {  	v49 =	vshll.u32 v3, $0x1  }
0xec: {  	v3 =	vand.u32 $0x7, v3;
	v4 =	vand.u32 $0xFFFFFFF0, v49  }
0xed: {  	v3 =	vor.u32 v3, v4  }
0xee: {  	v4 =	vperm.xlane v3, v0;
	_ =	sdelay $0x1  }
0xef: {  	v3 =	vperm.xlane v3, v2;
	v4 =	vadd.s32 v1, v4;
	_ =	sdelay $0x1  }
0xf0: {  	v3 =	vadd.s32 v1, v3;
	_ =	sdelay $0x2  }
0xf1: {  	[tilespmem:s20], [sflag:$0x1] =	stream.indirect_vreg.gather [hbm4b:s1+s3], $0x80, v4, vm0, $0xb8;
	[tilespmem:$0x12100] =	vst v63  }
0xf2: {  	_ = 	snop  }
0xf3: {  	[tilespmem:s21], [sflag:$0x1] =	stream.indirect_vreg.gather [hbm4b:s1+s3], $0x80, v3, vm0, $0xb8;
	[tilespmem:$0x12100] =	vst v63  }
0xf4: {  	v3 =	vld [tilespmem:$0x2020];
	_ =	sdelay $0x4  }
0xf5: {  	v50 =	vshll.u32 v3, $0x1  }
0xf6: {  	v3 =	vand.u32 $0x7, v3;
	v4 =	vand.u32 $0xFFFFFFF0, v50  }
0xf7: {  	v3 =	vor.u32 v3, v4  }
0xf8: {  	v4 =	vperm.xlane v3, v0;
	_ =	sdelay $0x1  }
0xf9: {  	v3 =	vperm.xlane v3, v2;
	v4 =	vadd.s32 v1, v4;
	_ =	sdelay $0x1  }
0xfa: {  	v3 =	vadd.s32 v1, v3;
	_ =	sdelay $0x2  }
0xfb: {  	[tilespmem:s22], [sflag:$0x1] =	stream.indirect_vreg.gather [hbm4b:s1+s3], $0x80, v4, vm0, $0xb8;
	[tilespmem:$0x12100] =	vst v63  }
0xfc: {  	_ = 	snop  }
0xfd: {  	[tilespmem:s23], [sflag:$0x1] =	stream.indirect_vreg.gather [hbm4b:s1+s3], $0x80, v3, vm0, $0xb8;
	[tilespmem:$0x12100] =	vst v63  }
0xfe: {  	v3 =	vld [tilespmem:$0x2030];
	_ =	sdelay $0x4  }
0xff: {  	v51 =	vshll.u32 v3, $0x1  }
0x100: {  	v3 =	vand.u32 $0x7, v3;
	v4 =	vand.u32 $0xFFFFFFF0, v51  }
0x101: {  	v3 =	vor.u32 v3, v4  }
0x102: {  	v4 =	vperm.xlane v3, v0;
	_ =	sdelay $0x1  }
0x103: {  	v3 =	vperm.xlane v3, v2;
	v4 =	vadd.s32 v1, v4;
	_ =	sdelay $0x1  }
0x104: {  	v3 =	vadd.s32 v1, v3;
	_ =	sdelay $0x2  }
0x105: {  	[tilespmem:s24], [sflag:$0x1] =	stream.indirect_vreg.gather [hbm4b:s1+s3], $0x80, v4, vm0, $0xb8;
	[tilespmem:$0x12100] =	vst v63  }
0x106: {  	_ = 	snop  }
0x107: {  	[tilespmem:s25], [sflag:$0x1] =	stream.indirect_vreg.gather [hbm4b:s1+s3], $0x80, v3, vm0, $0xb8;
	[tilespmem:$0x12100] =	vst v63  }
0x108: {  	v3 =	vld [tilespmem:$0x2040];
	_ =	sdelay $0x4  }
0x109: {  	v52 =	vshll.u32 v3, $0x1  }
0x10a: {  	v3 =	vand.u32 $0x7, v3;
	v4 =	vand.u32 $0xFFFFFFF0, v52  }
0x10b: {  	v3 =	vor.u32 v3, v4  }
0x10c: {  	v4 =	vperm.xlane v3, v0;
	_ =	sdelay $0x1  }
0x10d: {  	v3 =	vperm.xlane v3, v2;
	v4 =	vadd.s32 v1, v4;
	_ =	sdelay $0x1  }
0x10e: {  	v3 =	vadd.s32 v1, v3;
	_ =	sdelay $0x2  }
0x10f: {  	[tilespmem:s28], [sflag:$0x1] =	stream.indirect_vreg.gather [hbm4b:s1+s3], $0x80, v4, vm0, $0xb8;
	[tilespmem:$0x12100] =	vst v63  }
0x110: {  	_ = 	snop  }
0x111: {  	[tilespmem:s29], [sflag:$0x1] =	stream.indirect_vreg.gather [hbm4b:s1+s3], $0x80, v3, vm0, $0xb8;
	[tilespmem:$0x12100] =	vst v63  }
0x112: {  	v3 =	vld [tilespmem:$0x2050];
	_ =	sdelay $0x4  }
0x113: {  	v53 =	vshll.u32 v3, $0x1  }
0x114: {  	v3 =	vand.u32 $0x7, v3;
	v4 =	vand.u32 $0xFFFFFFF0, v53  }
0x115: {  	v3 =	vor.u32 v3, v4  }
0x116: {  	v4 =	vperm.xlane v3, v0;
	_ =	sdelay $0x1  }
0x117: {  	v3 =	vperm.xlane v3, v2;
	v4 =	vadd.s32 v1, v4;
	_ =	sdelay $0x1  }
0x118: {  	v3 =	vadd.s32 v1, v3;
	_ =	sdelay $0x2  }
0x119: {  	[tilespmem:s30], [sflag:$0x1] =	stream.indirect_vreg.gather [hbm4b:s1+s3], $0x80, v4, vm0, $0xb8;
	[tilespmem:$0x12100] =	vst v63  }
0x11a: {  	_ = 	snop  }
0x11b: {  	[tilespmem:s31], [sflag:$0x1] =	stream.indirect_vreg.gather [hbm4b:s1+s3], $0x80, v3, vm0, $0xb8;
	[tilespmem:$0x12100] =	vst v63  }
0x11c: {  	v3 =	vld [tilespmem:$0x2060];
	_ =	sdelay $0x4  }
0x11d: {  	v54 =	vshll.u32 v3, $0x1  }
0x11e: {  	v3 =	vand.u32 $0x7, v3;
	v4 =	vand.u32 $0xFFFFFFF0, v54  }
0x11f: {  	v3 =	vor.u32 v3, v4  }
0x120: {  	v4 =	vperm.xlane v3, v0;
	_ =	sdelay $0x1  }
0x121: {  	v3 =	vperm.xlane v3, v2;
	v4 =	vadd.s32 v1, v4;
	_ =	sdelay $0x1  }
0x122: {  	v3 =	vadd.s32 v1, v3;
	_ =	sdelay $0x2  }
0x123: {  	[tilespmem:s0], [sflag:$0x1] =	stream.indirect_vreg.gather [hbm4b:s1+s3], $0x80, v4, vm0, $0xb8;
	[tilespmem:$0x12100] =	vst v63  }
0x124: {  	_ = 	snop  }
0x125: {  	[tilespmem:s2], [sflag:$0x1] =	stream.indirect_vreg.gather [hbm4b:s1+s3], $0x80, v3, vm0, $0xb8;
	[tilespmem:$0x12100] =	vst v63  }
0x126: {  	v3 =	vld [tilespmem:$0x2070];
	_ =	sdelay $0x4  }
0x127: {  	v55 =	vshll.u32 v3, $0x1  }
0x128: {  	v3 =	vand.u32 $0x7, v3;
	v4 =	vand.u32 $0xFFFFFFF0, v55  }
0x129: {  	v3 =	vor.u32 v3, v4  }
0x12a: {  	v4 =	vperm.xlane v3, v0;
	_ =	sdelay $0x1  }
0x12b: {  	v3 =	vperm.xlane v3, v2;
	v4 =	vadd.s32 v1, v4;
	_ =	sdelay $0x1  }
0x12c: {  	v3 =	vadd.s32 v1, v3;
	_ =	sdelay $0x2  }
0x12d: {  	[tilespmem:s4], [sflag:$0x1] =	stream.indirect_vreg.gather [hbm4b:s1+s3], $0x80, v4, vm0, $0xb8;
	[tilespmem:$0x12100] =	vst v63  }
0x12e: {  	_ = 	snop  }
0x12f: {  	[tilespmem:s5], [sflag:$0x1] =	stream.indirect_vreg.gather [hbm4b:s1+s3], $0x80, v3, vm0, $0xb8;
	[tilespmem:$0x12100] =	vst v63  }
0x130: {  	_ =	swait.ge [sflag:s14], $0x8000  }
0x131: {  	[sflag:s14] =	ssyncset.done $0x0  }
0x132: {  	s0 =	rddreg [dreg:$0x8];
	[sflag:s14] =	ssyncadd.s32 $0xFFFF8000  }
0x133: {  	[hbm4b:s0+s3] =	stream.linear.scatter [tilespmem:s10], [sflag:$0x5], $0x8000, $0x38;
	[tilespmem:$0x12100] =	vst v63  }
0x134: {  	_ =	swait.ge [sflag:s17], $0x8000  }
0x135: {  	[sflag:s17] =	ssyncset.done $0x0  }
0x136: {  	[sflag:s17] =	ssyncadd.s32 $0xFFFF8000  }
0x137: {  	v3 =	vld [tilespmem:$0x2080];
	_ =	sdelay $0x4  }
0x138: {  	v56 =	vshll.u32 v3, $0x1  }
0x139: {  	v3 =	vand.u32 $0x7, v3;
	v4 =	vand.u32 $0xFFFFFFF0, v56  }
0x13a: {  	v3 =	vor.u32 v3, v4  }
0x13b: {  	v4 =	vperm.xlane v3, v0;
	_ =	sdelay $0x1  }
0x13c: {  	v3 =	vperm.xlane v3, v2;
	v4 =	vadd.s32 v1, v4;
	_ =	sdelay $0x1  }
0x13d: {  	v3 =	vadd.s32 v1, v3;
	_ =	sdelay $0x2  }
0x13e: {  	[tilespmem:s26], [sflag:$0x2] =	stream.indirect_vreg.gather [hbm4b:s1+s3], $0x80, v4, vm0, $0xb8;
	[tilespmem:$0x12100] =	vst v63  }
0x13f: {  	_ = 	snop  }
0x140: {  	[tilespmem:s7], [sflag:$0x2] =	stream.indirect_vreg.gather [hbm4b:s1+s3], $0x80, v3, vm0, $0xb8;
	[tilespmem:$0x12100] =	vst v63  }
0x141: {  	v3 =	vld [tilespmem:$0x2090];
	_ =	sdelay $0x4  }
0x142: {  	v57 =	vshll.u32 v3, $0x1  }
0x143: {  	v3 =	vand.u32 $0x7, v3;
	v4 =	vand.u32 $0xFFFFFFF0, v57  }
0x144: {  	v3 =	vor.u32 v3, v4  }
0x145: {  	v4 =	vperm.xlane v3, v0;
	_ =	sdelay $0x1  }
0x146: {  	v3 =	vperm.xlane v3, v2;
	v4 =	vadd.s32 v1, v4;
	_ =	sdelay $0x1  }
0x147: {  	v3 =	vadd.s32 v1, v3;
	_ =	sdelay $0x2  }
0x148: {  	[tilespmem:s8], [sflag:$0x2] =	stream.indirect_vreg.gather [hbm4b:s1+s3], $0x80, v4, vm0, $0xb8;
	[tilespmem:$0x12100] =	vst v63  }
0x149: {  	_ = 	snop  }
0x14a: {  	[tilespmem:s6], [sflag:$0x2] =	stream.indirect_vreg.gather [hbm4b:s1+s3], $0x80, v3, vm0, $0xb8;
	[tilespmem:$0x12100] =	vst v63  }
0x14b: {  	v3 =	vld [tilespmem:$0x20A0];
	_ =	sdelay $0x4  }
0x14c: {  	v58 =	vshll.u32 v3, $0x1  }
0x14d: {  	v3 =	vand.u32 $0x7, v3;
	v4 =	vand.u32 $0xFFFFFFF0, v58  }
0x14e: {  	v3 =	vor.u32 v3, v4  }
0x14f: {  	v4 =	vperm.xlane v3, v0;
	_ =	sdelay $0x1  }
0x150: {  	v3 =	vperm.xlane v3, v2;
	v4 =	vadd.s32 v1, v4;
	_ =	sdelay $0x1  }
0x151: {  	v3 =	vadd.s32 v1, v3;
	_ =	sdelay $0x2  }
0x152: {  	[tilespmem:s9], [sflag:$0x2] =	stream.indirect_vreg.gather [hbm4b:s1+s3], $0x80, v4, vm0, $0xb8;
	[tilespmem:$0x12100] =	vst v63  }
0x153: {  	_ = 	snop  }
0x154: {  	[tilespmem:s11], [sflag:$0x2] =	stream.indirect_vreg.gather [hbm4b:s1+s3], $0x80, v3, vm0, $0xb8;
	[tilespmem:$0x12100] =	vst v63  }
0x155: {  	v3 =	vld [tilespmem:$0x20B0];
	_ =	sdelay $0x4  }
0x156: {  	v59 =	vshll.u32 v3, $0x1  }
0x157: {  	v3 =	vand.u32 $0x7, v3;
	v4 =	vand.u32 $0xFFFFFFF0, v59  }
0x158: {  	v3 =	vor.u32 v3, v4  }
0x159: {  	v4 =	vperm.xlane v3, v0;
	_ =	sdelay $0x1  }
0x15a: {  	v3 =	vperm.xlane v3, v2;
	v4 =	vadd.s32 v1, v4;
	_ =	sdelay $0x1  }
0x15b: {  	v3 =	vadd.s32 v1, v3;
	_ =	sdelay $0x2  }
0x15c: {  	[tilespmem:s12], [sflag:$0x2] =	stream.indirect_vreg.gather [hbm4b:s1+s3], $0x80, v4, vm0, $0xb8;
	[tilespmem:$0x12100] =	vst v63  }
0x15d: {  	_ = 	snop  }
0x15e: {  	[tilespmem:s13], [sflag:$0x2] =	stream.indirect_vreg.gather [hbm4b:s1+s3], $0x80, v3, vm0, $0xb8;
	[tilespmem:$0x12100] =	vst v63  }
0x15f: {  	v3 =	vld [tilespmem:$0x20C0];
	_ =	sdelay $0x4  }
0x160: {  	v60 =	vshll.u32 v3, $0x1  }
0x161: {  	v3 =	vand.u32 $0x7, v3;
	v4 =	vand.u32 $0xFFFFFFF0, v60  }
0x162: {  	v3 =	vor.u32 v3, v4  }
0x163: {  	v4 =	vperm.xlane v3, v0;
	_ =	sdelay $0x1  }
0x164: {  	v3 =	vperm.xlane v3, v2;
	v4 =	vadd.s32 v1, v4;
	_ =	sdelay $0x1  }
0x165: {  	v3 =	vadd.s32 v1, v3;
	_ =	sdelay $0x1  }
0x166: {  	s16 =	simm.s32 $0xE100  }
0x167: {  	[tilespmem:s16], [sflag:$0x2] =	stream.indirect_vreg.gather [hbm4b:s1+s3], $0x80, v4, vm0, $0xb8;
	[tilespmem:$0x12100] =	vst v63  }
0x168: {  	s18 =	simm.s32 $0xE900  }
0x169: {  	[tilespmem:s18], [sflag:$0x2] =	stream.indirect_vreg.gather [hbm4b:s1+s3], $0x80, v3, vm0, $0xb8;
	[tilespmem:$0x12100] =	vst v63  }
0x16a: {  	v3 =	vld [tilespmem:$0x20D0];
	_ =	sdelay $0x4  }
0x16b: {  	v61 =	vshll.u32 v3, $0x1  }
0x16c: {  	v3 =	vand.u32 $0x7, v3;
	v4 =	vand.u32 $0xFFFFFFF0, v61  }
0x16d: {  	v3 =	vor.u32 v3, v4  }
0x16e: {  	v4 =	vperm.xlane v3, v0;
	_ =	sdelay $0x1  }
0x16f: {  	v3 =	vperm.xlane v3, v2;
	v4 =	vadd.s32 v1, v4;
	_ =	sdelay $0x1  }
0x170: {  	v3 =	vadd.s32 v1, v3;
	_ =	sdelay $0x1  }
0x171: {  	s16 =	simm.s32 $0xF100  }
0x172: {  	[tilespmem:s16], [sflag:$0x2] =	stream.indirect_vreg.gather [hbm4b:s1+s3], $0x80, v4, vm0, $0xb8;
	[tilespmem:$0x12100] =	vst v63  }
0x173: {  	s18 =	simm.s32 $0xF900  }
0x174: {  	[tilespmem:s18], [sflag:$0x2] =	stream.indirect_vreg.gather [hbm4b:s1+s3], $0x80, v3, vm0, $0xb8;
	[tilespmem:$0x12100] =	vst v63  }
0x175: {  	v3 =	vld [tilespmem:$0x20E0];
	_ =	sdelay $0x4  }
0x176: {  	v62 =	vshll.u32 v3, $0x1  }
0x177: {  	v3 =	vand.u32 $0x7, v3;
	v4 =	vand.u32 $0xFFFFFFF0, v62  }
0x178: {  	v3 =	vor.u32 v3, v4  }
0x179: {  	v4 =	vperm.xlane v3, v0;
	_ =	sdelay $0x1  }
0x17a: {  	v3 =	vperm.xlane v3, v2;
	v4 =	vadd.s32 v1, v4;
	_ =	sdelay $0x1  }
0x17b: {  	v3 =	vadd.s32 v1, v3;
	_ =	sdelay $0x1  }
0x17c: {  	s16 =	simm.s32 $0x10100  }
0x17d: {  	[tilespmem:s16], [sflag:$0x2] =	stream.indirect_vreg.gather [hbm4b:s1+s3], $0x80, v4, vm0, $0xb8;
	[tilespmem:$0x12100] =	vst v63  }
0x17e: {  	s18 =	simm.s32 $0x10900  }
0x17f: {  	[tilespmem:s18], [sflag:$0x2] =	stream.indirect_vreg.gather [hbm4b:s1+s3], $0x80, v3, vm0, $0xb8;
	[tilespmem:$0x12100] =	vst v63  }
0x180: {  	v3 =	vld [tilespmem:$0x20F0];
	_ =	sdelay $0x4  }
0x181: {  	v63 =	vshll.u32 v3, $0x1  }
0x182: {  	v3 =	vand.u32 $0x7, v3;
	v4 =	vand.u32 $0xFFFFFFF0, v63  }
0x183: {  	v3 =	vor.u32 v3, v4  }
0x184: {  	v4 =	vperm.xlane v3, v0;
	_ =	sdelay $0x1  }
0x185: {  	v3 =	vperm.xlane v3, v2;
	v4 =	vadd.s32 v1, v4;
	_ =	sdelay $0x1  }
0x186: {  	v3 =	vadd.s32 v1, v3;
	_ =	sdelay $0x1  }
0x187: {  	s16 =	simm.s32 $0x11100  }
0x188: {  	[tilespmem:s16], [sflag:$0x2] =	stream.indirect_vreg.gather [hbm4b:s1+s3], $0x80, v4, vm0, $0xb8;
	[tilespmem:$0x12100] =	vst v63  }
0x189: {  	s18 =	simm.s32 $0x11900  }
0x18a: {  	[tilespmem:s18], [sflag:$0x2] =	stream.indirect_vreg.gather [hbm4b:s1+s3], $0x80, v3, vm0, $0xb8;
	[tilespmem:$0x12100] =	vst v63  }
0x18b: {  	_ =	swait.ge [sflag:s15], $0x8000  }
0x18c: {  	[sflag:s15] =	ssyncset.done $0x0  }
0x18d: {  	s0 =	rddreg [dreg:$0x9];
	[sflag:s15] =	ssyncadd.s32 $0xFFFF8000  }
0x18e: {  	[hbm4b:s0+s3] =	stream.linear.scatter [tilespmem:s26], [sflag:$0x5], $0x8000, $0x38;
	[tilespmem:$0x12100] =	vst v63  }
0x18f: {  	_ =	swait.ge [sflag:s17], $0x8000  }
0x190: {  	s16 =	rddreg [dreg:$0xb]  }
0x191: {  	s18 =	rddreg [dreg:$0xa];
	s0 =	sadd.s32 $0x1, s16  }
0x192: {  	p0 =	sne.s32 s0, s18  }
.Ltmp1:
0x193: {  	_ = 	snop;
	(pc) =	sbr.rel @p0 .LBB2_1-.Ltmp1, $3  }
0x194: {  	_ =	sdelay $0x1  }
0x195: {  	[sflag:s17] =	ssyncset.done $0x0  }
0x196: {  	[sflag:s17] =	ssyncadd.s32 $0xFFFF8000  }
0x197: {  	_ =	sfence.sel $0x180000  }
0x198: {  	[bflag:$0x0] =	sbarrier.arrive $0xFFFF  }
0x199: {  	_ =	strace $0x9000004D  }
0x19a: {  	s0 =	stileid.u32;
	[bflag:$0x2] =	sbarrier.arrive $0xFFFF  }
0x19b: {  	p0 =	sne.s32 s0, $0x0;
	s0 =	rddreg [dreg:$0x4]  }
0x19c: {  	s0 =	sadd.s32 @!p0 $0x100000, s0  }
0x19d: {  	[sflag:s0] =	ssyncadd.tile.s32 @!p0 $0x1;
	_ =	shalt  }
.Lfunc_end2:
_tile_overlayer_lowered:
.L_overlay_start_2:
0x19e: {  	(tag) =	ssettag $0x2  }
0x19f: {  	s0 =	rddreg [dreg:$0x0];
	s2 =	stileid.u32  }
0x1a0: {  	s1 =	rddreg [dreg:$0x1];
	p0 =	sne.s32 s2, $0x0  }
0x1a1: {  	s3 =	rddreg [dreg:$0x2];
	[bflag:$0x3] =	sbarrier.arrive $0xFFFF;
	s2 =	simm.s32 @!p0 $0x1C05  }
0x1a2: {  	[timem:s3], [sflag:s2] =	dma.local @!p0 [hbm:s0], s1  }
0x1a3: {  	s0 =	simm.s32 @!p0 $0x5  }
0x1a4: {  	_ =	swait.ge @!p0 [sflag:s0], s1  }
0x1a5: {  	s1 =	ssub.s32 @!p0 $0x0, s1;
	[sflag:s0] =	ssyncset.done @!p0 $0x0  }
0x1a6: {  	[sflag:s0] =	ssyncadd.s32 @!p0 s1  }
0x1a7: {  	[bflag:$0x3] =	sbarrier.arrive $0xFFFF  }
0x1a8: {  	_ =	shalt  }

// kernel: sc_gather_edges.3.cloned.1.call-start
scs
__scs_entry_jumppad:
0x0: {  	(pc) =	sbr.rel $0x88, $3  }
0x1: {  	(tag) =	ssettag $0x0;
	lr =	simm.s32 $0x1  }
0x2: {  	[smem:$0x3F8E] =	sst lr;
	_ =	strace $0xD0000000  }
0x3: {  	_ = 	snop  }
0x4: {  	_ = 	snop  }
0x5: {  	_ = 	snop  }
0x6: {  	_ = 	snop  }
0x7: {  	_ = 	snop  }
__scs_overlays_trampoline_lowered:
0x8: {  	[smem:$0x3F9D] =	sst s0  }
0x9: {  	[smem:$0x3F9E] =	sst s1  }
0xa: {  	[smem:$0x3F9F] =	sst s2  }
0xb: {  	[smem:$0x3FA0] =	sst s3  }
0xc: {  	[smem:$0x3FA1] =	sst s4  }
0xd: {  	[smem:$0x3FA2] =	sst s5  }
0xe: {  	[smem:$0x3FA3] =	sst s6  }
0xf: {  	[smem:$0x3FA4] =	sst s7  }
0x10: {  	[smem:$0x3FA5] =	sst s8  }
0x11: {  	[smem:$0x3FA6] =	sst s9;
	s0 =	simm.s32 @!p0 $0x0  }
0x12: {  	s1 =	sld [smem:$0x3F8C];
	s0 =	simm.s32 @p0 $0x1  }
0x13: {  	[smem:$0x3FA7] =	sst s0;
	s0 =	simm.s32 @!p1 $0x0  }
0x14: {  	s2 =	sld [smem:$0x3F8B];
	s0 =	simm.s32 @p1 $0x1  }
0x15: {  	[smem:$0x3FA8] =	sst s0;
	s0 =	simm.s32 @!p2 $0x0  }
0x16: {  	s3 =	sld [smem:$0x3FDB];
	s0 =	simm.s32 @p2 $0x1  }
0x17: {  	s4 =	simm.s32 $0x1BF5;
	[smem:$0x3FAA] =	sst s0  }
0x18: {  	s0 =	sld [smem:$0x3F8D];
	_ =	swait.ge [sflag:s4], $0x0  }
0x19: {  	s7 =	sld [smem:$0x3F8E]  }
0x1a: {  	s8 =	sadd.s32 $0xFFFFE003, lr  }
0x1b: {  	s9 =	sadd.s32 $0xFFFFFEF7, lr;
	s5 =	simm.s32 $0xFFFFFFFF;
	p2 =	slt.u32 s8, $0xFFFFF086  }
0x1c: {  	p1 =	slt.u32 s9, $0xF7A;
	s5 =	simm.s32 @!p2 $0x0  }
0x1d: {  	s5 =	simm.s32 @p1 $0x1;
	p0 =	seq.s32 s7, s2  }
0x1e: {  	s7 =	smul.u32 @!p0 $0xF7A, s2;
	p2 =	seq.s32 @!p0 s5, $0x0  }
0x1f: {  	s9 =	smul.u32 $0xF7A, s1;
	s8 =	simm.s32 @!p0 $0x1BF5;
	p2 =	por !p2, p0  }
0x20: {  	[sflag:s8] =	ssyncset.s32 @!p0 $0xFFFFF086;
	s6 =	sadd.s32 @!p0 s3, s7;
	s7 =	simm.s32 @!p0 $0x108  }
0x21: {  	s3 =	sadd.s32 s3, s9;
	s6 =	sadd.s32 @!p0 $0x88, s6;
	s7 =	simm.s32 @p2 $0x1082  }
0x22: {  	[simem:s7], [sflag:s8] =	dma.local @!p0 [hbm:s6], $0xF7A  }
0x23: {  	s9 =	sor.u32 $0xD0000000, s2;
	s6 =	simm.s32 $0x108;
	_ =	swait.ge @!p0 [sflag:s8], $0x0  }
0x24: {  	s3 =	sadd.s32 $0x88, s3;
	s6 =	simm.s32 @!p1 $0x1082;
	[sflag:s4] =	ssyncset.s32 $0xFFFFF086  }
0x25: {  	[simem:s6], [sflag:s4] =	dma.local [hbm:s3], $0xF7A  }
0x26: {  	[smem:$0x3F8E] =	sst s1;
	(tag) =	ssettag s2;
	_ =	strace s9  }
0x27: {  	s1 =	sld [smem:$0x3F9E]  }
0x28: {  	s2 =	sld [smem:$0x3F9F]  }
0x29: {  	s4 =	sld [smem:$0x3FA1]  }
0x2a: {  	p0 =	seq.s32 s5, $0x0;
	s5 =	sld [smem:$0x3FA2]  }
0x2b: {  	s6 =	sld [smem:$0x3FA3]  }
0x2c: {  	s7 =	sld [smem:$0x3FA4]  }
0x2d: {  	s3 =	simm.s32 $0x108;
	s8 =	sld [smem:$0x3FA5]  }
0x2e: {  	s3 =	simm.s32 @!p0 $0x1082;
	s9 =	sld [smem:$0x3FA6]  }
0x2f: {  	lr =	sadd.s32 s0, s3;
	s0 =	sld [smem:$0x3F9D]  }
0x30: {  	s3 =	sld [smem:$0x3FA0]  }
0x31: {  	[smem:$0x3FA9] =	sst s10  }
0x32: {  	s10 =	sld [smem:$0x3FA7];
	_ =	sdelay $0x3  }
0x33: {  	p0 =	seq.s32 s10, $0x1;
	s10 =	sld [smem:$0x3FA9];
	_ =	sdelay $0x3  }
0x34: {  	[smem:$0x3FA9] =	sst s10  }
0x35: {  	s10 =	sld [smem:$0x3FA8];
	_ =	sdelay $0x3  }
0x36: {  	p1 =	seq.s32 s10, $0x1;
	s10 =	sld [smem:$0x3FA9];
	_ =	sdelay $0x3  }
0x37: {  	[smem:$0x3FA9] =	sst s10  }
0x38: {  	s10 =	sld [smem:$0x3FAA]  }
0x39: {  	_ = 	snop;
	(pc) =	sbr.ind lr, $3  }
0x3a: {  	_ = 	snop  }
0x3b: {  	_ = 	snop  }
0x3c: {  	p2 =	seq.s32 s10, $0x1;
	s10 =	sld [smem:$0x3FA9]  }
0x3d: {  	_ =	shalt  }
0x3e: {  	_ =	shalt  }
0x3f: {  	_ =	shalt  }
0x40: {  	_ =	shalt  }
0x41: {  	_ =	shalt  }
0x42: {  	_ =	shalt  }
0x43: {  	_ =	shalt  }
0x44: {  	_ =	shalt  }
0x45: {  	_ =	shalt  }
0x46: {  	_ =	shalt  }
0x47: {  	_ =	shalt  }
0x48: {  	_ =	shalt  }
0x49: {  	_ =	shalt  }
0x4a: {  	_ =	shalt  }
0x4b: {  	_ =	shalt  }
0x4c: {  	_ =	shalt  }
0x4d: {  	_ =	shalt  }
0x4e: {  	_ =	shalt  }
0x4f: {  	_ =	shalt  }
0x50: {  	_ =	shalt  }
0x51: {  	_ =	shalt  }
0x52: {  	_ =	shalt  }
0x53: {  	_ =	shalt  }
0x54: {  	_ =	shalt  }
0x55: {  	_ =	shalt  }
0x56: {  	_ =	shalt  }
0x57: {  	_ =	shalt  }
0x58: {  	_ =	shalt  }
0x59: {  	_ =	shalt  }
0x5a: {  	_ =	shalt  }
0x5b: {  	_ =	shalt  }
0x5c: {  	_ =	shalt  }
0x5d: {  	_ =	shalt  }
0x5e: {  	_ =	shalt  }
0x5f: {  	_ =	shalt  }
0x60: {  	_ =	shalt  }
0x61: {  	_ =	shalt  }
0x62: {  	_ =	shalt  }
0x63: {  	_ =	shalt  }
0x64: {  	_ =	shalt  }
0x65: {  	_ =	shalt  }
0x66: {  	_ =	shalt  }
0x67: {  	_ =	shalt  }
0x68: {  	_ =	shalt  }
0x69: {  	_ =	shalt  }
0x6a: {  	_ =	shalt  }
0x6b: {  	_ =	shalt  }
0x6c: {  	_ =	shalt  }
0x6d: {  	_ =	shalt  }
0x6e: {  	_ =	shalt  }
0x6f: {  	_ =	shalt  }
0x70: {  	_ =	shalt  }
0x71: {  	_ =	shalt  }
0x72: {  	_ =	shalt  }
0x73: {  	_ =	shalt  }
0x74: {  	_ =	shalt  }
0x75: {  	_ =	shalt  }
0x76: {  	_ =	shalt  }
0x77: {  	_ =	shalt  }
0x78: {  	_ =	shalt  }
0x79: {  	_ =	shalt  }
0x7a: {  	_ =	shalt  }
0x7b: {  	_ =	shalt  }
0x7c: {  	_ =	shalt  }
0x7d: {  	_ =	shalt  }
0x7e: {  	_ =	shalt  }
0x7f: {  	_ =	shalt  }
0x80: {  	_ =	shalt  }
0x81: {  	_ =	shalt  }
0x82: {  	_ =	shalt  }
0x83: {  	_ =	shalt  }
0x84: {  	_ =	shalt  }
0x85: {  	_ =	shalt  }
0x86: {  	_ =	shalt  }
0x87: {  	_ =	shalt  }
.Lfunc_end0:
.L_simem_size_0:
called_computation.2_lowered:
.L_overlay_start_0:
0x88: {  	s2 =	sld [smem:$0x3FD9]  }
0x89: {  	s3 =	sld [smem:$0x3FFE];
	_ =	sdelay $0x1  }
0x8a: {  	s1 =	srdreg.scid  }
0x8b: {  	s0 =	sand.u32 $0x1, s1  }
0x8c: {  	s14 =	sshll.u32 s0, $0xA;
	s2 =	sadd.s32 s3, s2  }
0x8d: {  	s2 =	sadd.s32 s2, s14  }
0x8e: {  	[smem:$0x3FB5] =	sst s2  }
0x8f: {  	_ = 	snop  }
0x90: {  	s2 =	sld [smem:$0x3FD0];
	_ =	sdelay $0x2  }
0x91: {  	s15 =	simm.s32 $0xB;
	s4 =	simm.s32 $0x10  }
0x92: {  	[smem:s4], [sflag:s15] =	dma.local [hbm:s2], $0x1  }
0x93: {  	_ =	swait.eq [sflag:s15], $0x1  }
0x94: {  	[sflag:s15] =	ssyncset.done $0x0  }
0x95: {  	[sflag:s15] =	ssyncadd.s32 $0xFFFFFFFF  }
0x96: {  	s16 =	sld [smem:$0x11];
	(tm) =	ssettm $0x1  }
0x97: {  	s17 =	sld [smem:$0x3FFB];
	_ =	sdelay $0x3  }
0x98: {  	_ =	strace s17  }
0x99: {  	s3 =	sld [smem:$0x3FFC];
	_ =	sdelay $0x3  }
0x9a: {  	_ =	strace s3  }
0x9b: {  	s3 =	sld [smem:$0x3FFD];
	_ =	sdelay $0x3  }
0x9c: {  	_ =	strace s3  }
0x9d: {  	_ =	strace $0x8FFFFFFF  }
0x9e: {  	s18 =	sld [smem:$0x3FDB];
	_ =	sdelay $0x1  }
0x9f: {  	s19 =	simm.s32 $_scs_section_size  }
0xa0: {  	s5 =	simm.s32 $_size__tile_overlayer_lowered;
	s6 =	simm.s32 $_tile_overlayer_lowered  }
0xa1: {  	s22 =	simm.s32 $0x1BFF;
	s21 =	sshll.u32 s6, $0x1;
	s3 =	sadd.s32 s19, s18  }
0xa2: {  	s7 =	simm.s32 $0x0;
	s20 =	sshll.u32 s5, $0x1;
	s5 =	sadd.s32 s21, s3  }
0xa3: {  	[timem:s7], [sflag:s22] =	dma.local [hbm:s5], s20  }
0xa4: {  	_ =	swait.ge [sflag:s22], s20  }
0xa5: {  	s4 =	ssub.s32 $0x0, s20;
	[sflag:s22] =	ssyncset.done $0x0  }
0xa6: {  	[sflag:s22] =	ssyncadd.s32 s4;
	_ =	sdelay $0x1  }
0xa7: {  	s23 =	simm.s32 $0x1B8B  }
0xa8: {  	_ =	swait.ge [sflag:s23], $0x1  }
0xa9: {  	[sflag:s23] =	ssyncset.done $0x0  }
0xaa: {  	s25 =	simm.s32 $0x1B8E;
	s24 =	sld [smem:$0x3FFE];
	[sflag:s23] =	ssyncadd.s32 $0xFFFFFFFF  }
0xab: {  	s26 =	simm.s32 $execute0_lowered;
	[smem:$0x3FD2] =	sst s25  }
0xac: {  	s5 =	sshll.u32 s26, $0x1;
	_ =	strace $0x80000049;
	[dreg:$0x1] =	wrdreg $0xFFFFFFFF  }
0xad: {  	s28 =	simm.s32 $_size_execute0_lowered;
	s3 =	sadd.s32 s3, s5;
	[dreg:$0x0] =	wrdreg $0x0  }
0xae: {  	s5 =	sshll.u32 s28, $0x1;
	[dreg:$0x2] =	wrdreg s3  }
0xaf: {  	[dreg:$0x3] =	wrdreg s5  }
0xb0: {  	[dreg:$0x4] =	wrdreg $0xC0  }
0xb1: {  	_ =	task [dreg:s7], $0x5FFFF  }
0xb2: {  	[dreg:$0x1] =	wrdreg $0xFFFFFFFF  }
0xb3: {  	[dreg:$0x0] =	wrdreg $0x60  }
0xb4: {  	[dreg:$0x2] =	wrdreg s24  }
0xb5: {  	[dreg:$0x3] =	wrdreg s16  }
0xb6: {  	[dreg:$0x4] =	wrdreg $0xA  }
0xb7: {  	_ =	task.clear_ibuf [dreg:s7], $0x5FFFF;
	_ =	strace $0x90000049  }
0xb8: {  	s29 =	simm.s32 $0xA;
	_ =	strace $0x8000004B  }
0xb9: {  	_ =	swait.ge [sflag:s29], $0x1  }
0xba: {  	[sflag:s29] =	ssyncadd.s32 $0xFFFFFFFF  }
0xbb: {  	_ =	strace $0x9000004B  }
0xbc: {  	_ =	sfence  }
0xbd: {  	s30 =	sld [smem:$0x0];
	_ =	sdelay $0x2  }
0xbe: {  	s31 =	sshll.u32 s1, $0xD;
	s1 =	sshrl.u32 s1, $0x2  }
0xbf: {  	s3 =	sand.u32 $0x4000, s31;
	s1 =	sadd.s32 s1, s30  }
0xc0: {  	s0 =	sor.u32 s3, s0;
	s1 =	sshll.u32 s1, $0x11  }
0xc1: {  	s0 =	sor.u32 s1, s0  }
0xc2: {  	s0 =	sadd.s32 $0x8F2B, s0  }
0xc3: {  	[sflag:s0] =	ssyncadd.remote.s32 $0x1  }
0xc4: {  	_ =	sfence.sel $0xFFFF  }
0xc5: {  	[dreg:$0x0] =	wrdreg $0xFFFFFFFF;
	(pc) =	sbr.abs _section_cstart, $3  }
0xc6: {  	[dreg:$0x1] =	wrdreg $0xFFFFFFFF  }
0xc7: {  	_ =	task.clear_ibuf [dreg:s7], $0x2FFFF;
	_ =	strace $0x9FFFFFFF  }
0xc8: {  	(tm) =	ssettm $0x7FFFFFFF  }
0xc9: {  	_ =	shalt  }
tec
execute0_lowered:
.L_overlay_start_1:
0x0: {  	(tag) =	ssettag $0x1  }
0x1: {  	s0 =	srdreg.scid;
	s4 =	rddreg [dreg:$0x1]  }
0x2: {  	s5 =	simm.s32 $0x0;
	s1 =	sand.u32 $0x1, s0;
	s0 =	rddreg [dreg:$0x0]  }
0x3: {  	s23 =	simm.s32 $0x2080;
	[smem:$0x7FF] =	sst s5  }
0x4: {  	s24 =	simm.s32 $0x2100;
	_ =	strace $0x8000004A;
	[dreg:$0x5] =	wrdreg s23  }
0x5: {  	s25 =	simm.s32 $0x2180;
	[dreg:$0x6] =	wrdreg s24  }
0x6: {  	s26 =	simm.s32 $0x2200;
	[dreg:$0x7] =	wrdreg s25  }
0x7: {  	s30 =	simm.s32 $0x2280;
	[dreg:$0x8] =	wrdreg s26  }
0x8: {  	s31 =	simm.s32 $0x2300;
	[dreg:$0x9] =	wrdreg s30  }
0x9: {  	s2 =	stileid.u32;
	s5 =	simm.s32 $0x2380;
	[dreg:$0xa] =	wrdreg s31  }
0xa: {  	s7 =	simm.s32 $0x2400;
	s8 =	simm.s32 $0x2480;
	[dreg:$0xb] =	wrdreg s5  }
0xb: {  	s9 =	simm.s32 $0x2500;
	s10 =	simm.s32 $0x2580;
	[dreg:$0xc] =	wrdreg s7  }
0xc: {  	s11 =	simm.s32 $0x2600;
	s12 =	simm.s32 $0x2680;
	[dreg:$0xd] =	wrdreg s8  }
0xd: {  	s13 =	simm.s32 $0x2700;
	s14 =	simm.s32 $0x2780;
	[dreg:$0xe] =	wrdreg s9  }
0xe: {  	s15 =	simm.s32 $0x2880;
	s16 =	simm.s32 $0x2900;
	[dreg:$0xf] =	wrdreg s10  }
0xf: {  	s17 =	simm.s32 $0x2980;
	s18 =	simm.s32 $0x2A00;
	[dreg:$0x10] =	wrdreg s11  }
0x10: {  	s19 =	simm.s32 $0x2A80;
	s20 =	simm.s32 $0x2B00;
	[dreg:$0x11] =	wrdreg s12  }
0x11: {  	s21 =	simm.s32 $0x2B80;
	s28 =	simm.s32 $0x40000;
	[dreg:$0x12] =	wrdreg s13  }
0x12: {  	s29 =	simm.s32 $0x2;
	s2 =	sshll.u32 s2, $0xE;
	[dreg:$0x13] =	wrdreg s14  }
0x13: {  	s3 =	sshll.u32 s1, $0xD;
	s1 =	ssub.s32 $0x2, s1;
	[dreg:$0x14] =	wrdreg s15  }
0x14: {  	s5 =	sadd.s32 $0x64E80, s0;
	s7 =	sadd.s32 $0x128380, s0;
	[dreg:$0x15] =	wrdreg s16  }
0x15: {  	s8 =	sadd.s32 $0x189E00, s0;
	s9 =	sadd.s32 $0x1EB880, s0;
	[dreg:$0x16] =	wrdreg s17  }
0x16: {  	s10 =	sadd.s32 $0x24D300, s0;
	s11 =	sadd.s32 $0x2AED80, s0;
	[dreg:$0x17] =	wrdreg s18  }
0x17: {  	s12 =	sadd.s32 $0x310800, s0;
	s13 =	sadd.s32 $0x372280, s0;
	[dreg:$0x18] =	wrdreg s19  }
0x18: {  	s14 =	sadd.s32 $0x3D3D00, s0;
	s15 =	sadd.s32 $0x435780, s0;
	[dreg:$0x19] =	wrdreg s20  }
0x19: {  	s16 =	sadd.s32 $0x497200, s0;
	[dreg:$0x1a] =	wrdreg s21;
	s23 =	simm.s32 $0x2C80  }
0x1a: {  	s17 =	sadd.s32 $0x4F8C80, s0;
	s24 =	simm.s32 $0x2D00;
	[dreg:$0x1c] =	wrdreg s23  }
0x1b: {  	s18 =	sadd.s32 $0x55A700, s0;
	s25 =	simm.s32 $0x2D80;
	[dreg:$0x1d] =	wrdreg s24  }
0x1c: {  	s19 =	sadd.s32 $0x5BC180, s0;
	s26 =	simm.s32 $0x2E00;
	[dreg:$0x1e] =	wrdreg s25  }
0x1d: {  	s30 =	simm.s32 $0x2E80;
	s31 =	simm.s32 $0x2F00;
	[dreg:$0x1f] =	wrdreg s26  }
0x1e: {  	s2 =	sor.u32 s3, s2;
	s6 =	sshrl.u32 s1, $0x1;
	[smem:$0x7FC] =	sst s30  }
0x1f: {  	s23 =	simm.s32 $0x2000;
	s24 =	simm.s32 $0x2800;
	[smem:$0x7FD] =	sst s31  }
0x20: {  	s25 =	simm.s32 $0x2F80;
	s3 =	sor.u32 $0x80, s2;
	s2 =	sshrl.u32 s2, $0x3  }
0x21: {  	s26 =	simm.s32 $0x1;
	s1 =	ssub.s32 s1, s6;
	s22 =	sadd.s32 s2, s4  }
0x22: {  	s3 =	sshrl.u32 s3, $0x3;
	s1 =	smax.u32 s1, $0x1;
	[dreg:$0x4] =	wrdreg s22  }
0x23: {  	s2 =	sadd.s32 s2, s0;
	s3 =	sadd.s32 s3, s4;
	[smem:$0x7FB] =	sst s1  }
0x24: {  	s6 =	sadd.s32 $0xC6900, s0;
	s2 =	sadd.s32 $0x61DC00, s2;
	[dreg:$0x3] =	wrdreg s3  }
0x25: {  	s22 =	simm.s32 $0x2C00;
	s1 =	simm.s32 $0x0;
	[smem:$0x7FA] =	sst s2  }
0x26: {  	s3 =	sadd.s32 $0x3400, s0;
	[dreg:$0x1b] =	wrdreg s22;
	s22 =	simm.s32 $0x80  }
.LBB2_1:
0x27: {  	s2 =	sld [smem:$0x7FA];
	_ =	sdelay $0x1  }
0x28: {  	s0 =	simm.s32 $0x0;
	s21 =	simm.s32 $0x5  }
0x29: {  	[tilespmem:s0], [sflag:$0x5] =	stream.linear.gather [hbm4b:s2+s0], $0x2000, $0x38;
	[tilespmem:$0x3000] =	vst v63  }
0x2a: {  	_ =	swait.ge [sflag:s21], $0x2000  }
0x2b: {  	p0 =	por $0x1, $0x1;
	[sflag:s21] =	ssyncset.done $0x0  }
0x2c: {  	s0 =	simm.s32 @!p0 $0x3;
	[sflag:s21] =	ssyncadd.s32 $0xFFFFE000  }
0x2d: {  	_ =	swait.ge @!p0 [sflag:s0], $0x800  }
0x2e: {  	[sflag:s0] =	ssyncset.done @!p0 $0x0  }
0x2f: {  	[sflag:s0] =	ssyncadd.s32 @!p0 $0xFFFFF800;
	s0 =	simm.s32 @!p0 $0x4  }
0x30: {  	_ =	swait.ge @!p0 [sflag:s0], $0x800  }
0x31: {  	[sflag:s0] =	ssyncset.done @!p0 $0x0  }
0x32: {  	[sflag:s0] =	ssyncadd.s32 @!p0 $0xFFFFF800;
	s0 =	simm.s32 $0x0  }
0x33: {  	[tilespmem:s23], [sflag:$0x1] =	stream.indirect.gather [hbm4b:s3+s22], $0x1, s0, s22, $0xb8;
	[tilespmem:$0x3000] =	vst v63  }
0x34: {  	s30 =	rddreg [dreg:$0x5]  }
0x35: {  	[tilespmem:s30], [sflag:$0x1] =	stream.indirect.gather [hbm4b:s5+s22], $0x1, s0, s22, $0xb8;
	[tilespmem:$0x3000] =	vst v63  }
0x36: {  	s4 =	rddreg [dreg:$0x6]  }
0x37: {  	[tilespmem:s4], [sflag:$0x1] =	stream.indirect.gather [hbm4b:s6+s22], $0x1, s0, s22, $0xb8;
	[tilespmem:$0x3000] =	vst v63  }
0x38: {  	s31 =	rddreg [dreg:$0x7]  }
0x39: {  	[tilespmem:s31], [sflag:$0x1] =	stream.indirect.gather [hbm4b:s7+s22], $0x1, s0, s22, $0xb8;
	[tilespmem:$0x3000] =	vst v63  }
0x3a: {  	s20 =	rddreg [dreg:$0x8]  }
0x3b: {  	[tilespmem:s20], [sflag:$0x1] =	stream.indirect.gather [hbm4b:s8+s22], $0x1, s0, s22, $0xb8;
	[tilespmem:$0x3000] =	vst v63  }
0x3c: {  	s21 =	rddreg [dreg:$0x9]  }
0x3d: {  	[tilespmem:s21], [sflag:$0x1] =	stream.indirect.gather [hbm4b:s9+s22], $0x1, s0, s22, $0xb8;
	[tilespmem:$0x3000] =	vst v63  }
0x3e: {  	s30 =	rddreg [dreg:$0xa]  }
0x3f: {  	[tilespmem:s30], [sflag:$0x1] =	stream.indirect.gather [hbm4b:s10+s22], $0x1, s0, s22, $0xb8;
	[tilespmem:$0x3000] =	vst v63  }
0x40: {  	s31 =	rddreg [dreg:$0xb]  }
0x41: {  	[tilespmem:s31], [sflag:$0x1] =	stream.indirect.gather [hbm4b:s11+s22], $0x1, s0, s22, $0xb8;
	[tilespmem:$0x3000] =	vst v63  }
0x42: {  	s20 =	rddreg [dreg:$0xc]  }
0x43: {  	[tilespmem:s20], [sflag:$0x1] =	stream.indirect.gather [hbm4b:s12+s22], $0x1, s0, s22, $0xb8;
	[tilespmem:$0x3000] =	vst v63  }
0x44: {  	s21 =	rddreg [dreg:$0xd]  }
0x45: {  	[tilespmem:s21], [sflag:$0x1] =	stream.indirect.gather [hbm4b:s13+s22], $0x1, s0, s22, $0xb8;
	[tilespmem:$0x3000] =	vst v63  }
0x46: {  	s30 =	rddreg [dreg:$0xe]  }
0x47: {  	[tilespmem:s30], [sflag:$0x1] =	stream.indirect.gather [hbm4b:s14+s22], $0x1, s0, s22, $0xb8;
	[tilespmem:$0x3000] =	vst v63  }
0x48: {  	s31 =	rddreg [dreg:$0xf]  }
0x49: {  	[tilespmem:s31], [sflag:$0x1] =	stream.indirect.gather [hbm4b:s15+s22], $0x1, s0, s22, $0xb8;
	[tilespmem:$0x3000] =	vst v63  }
0x4a: {  	s20 =	rddreg [dreg:$0x10]  }
0x4b: {  	[tilespmem:s20], [sflag:$0x1] =	stream.indirect.gather [hbm4b:s16+s22], $0x1, s0, s22, $0xb8;
	[tilespmem:$0x3000] =	vst v63  }
0x4c: {  	s21 =	rddreg [dreg:$0x11]  }
0x4d: {  	[tilespmem:s21], [sflag:$0x1] =	stream.indirect.gather [hbm4b:s17+s22], $0x1, s0, s22, $0xb8;
	[tilespmem:$0x3000] =	vst v63  }
0x4e: {  	s30 =	rddreg [dreg:$0x12]  }
0x4f: {  	[tilespmem:s30], [sflag:$0x1] =	stream.indirect.gather [hbm4b:s18+s22], $0x1, s0, s22, $0xb8;
	[tilespmem:$0x3000] =	vst v63  }
0x50: {  	s31 =	rddreg [dreg:$0x13]  }
0x51: {  	[tilespmem:s31], [sflag:$0x1] =	stream.indirect.gather [hbm4b:s19+s22], $0x1, s0, s22, $0xb8;
	[tilespmem:$0x3000] =	vst v63  }
0x52: {  	s4 =	rddreg [dreg:$0x14]  }
0x53: {  	[tilespmem:s24], [sflag:$0x2] =	stream.indirect.gather [hbm4b:s3+s22], $0x1, s22, s22, $0xb8;
	[tilespmem:$0x3000] =	vst v63  }
0x54: {  	s20 =	rddreg [dreg:$0x15]  }
0x55: {  	[tilespmem:s4], [sflag:$0x2] =	stream.indirect.gather [hbm4b:s5+s22], $0x1, s22, s22, $0xb8;
	[tilespmem:$0x3000] =	vst v63  }
0x56: {  	s21 =	rddreg [dreg:$0x16]  }
0x57: {  	[tilespmem:s20], [sflag:$0x2] =	stream.indirect.gather [hbm4b:s6+s22], $0x1, s22, s22, $0xb8;
	[tilespmem:$0x3000] =	vst v63  }
0x58: {  	s30 =	rddreg [dreg:$0x17]  }
0x59: {  	[tilespmem:s21], [sflag:$0x2] =	stream.indirect.gather [hbm4b:s7+s22], $0x1, s22, s22, $0xb8;
	[tilespmem:$0x3000] =	vst v63  }
0x5a: {  	s31 =	rddreg [dreg:$0x18]  }
0x5b: {  	[tilespmem:s30], [sflag:$0x2] =	stream.indirect.gather [hbm4b:s8+s22], $0x1, s22, s22, $0xb8;
	[tilespmem:$0x3000] =	vst v63  }
0x5c: {  	s4 =	rddreg [dreg:$0x19]  }
0x5d: {  	[tilespmem:s31], [sflag:$0x2] =	stream.indirect.gather [hbm4b:s9+s22], $0x1, s22, s22, $0xb8;
	[tilespmem:$0x3000] =	vst v63  }
0x5e: {  	s20 =	rddreg [dreg:$0x1a]  }
0x5f: {  	[tilespmem:s4], [sflag:$0x2] =	stream.indirect.gather [hbm4b:s10+s22], $0x1, s22, s22, $0xb8;
	[tilespmem:$0x3000] =	vst v63  }
0x60: {  	s21 =	rddreg [dreg:$0x1b]  }
0x61: {  	[tilespmem:s20], [sflag:$0x2] =	stream.indirect.gather [hbm4b:s11+s22], $0x1, s22, s22, $0xb8;
	[tilespmem:$0x3000] =	vst v63  }
0x62: {  	s30 =	rddreg [dreg:$0x1c]  }
0x63: {  	[tilespmem:s21], [sflag:$0x2] =	stream.indirect.gather [hbm4b:s12+s22], $0x1, s22, s22, $0xb8;
	[tilespmem:$0x3000] =	vst v63  }
0x64: {  	s31 =	rddreg [dreg:$0x1d]  }
0x65: {  	[tilespmem:s30], [sflag:$0x2] =	stream.indirect.gather [hbm4b:s13+s22], $0x1, s22, s22, $0xb8;
	[tilespmem:$0x3000] =	vst v63  }
0x66: {  	s4 =	rddreg [dreg:$0x1e]  }
0x67: {  	[tilespmem:s31], [sflag:$0x2] =	stream.indirect.gather [hbm4b:s14+s22], $0x1, s22, s22, $0xb8;
	[tilespmem:$0x3000] =	vst v63  }
0x68: {  	s20 =	rddreg [dreg:$0x1f]  }
0x69: {  	[tilespmem:s4], [sflag:$0x2] =	stream.indirect.gather [hbm4b:s15+s22], $0x1, s22, s22, $0xb8;
	[tilespmem:$0x3000] =	vst v63  }
0x6a: {  	s21 =	sld [smem:$0x7FC]  }
0x6b: {  	[tilespmem:s20], [sflag:$0x2] =	stream.indirect.gather [hbm4b:s16+s22], $0x1, s22, s22, $0xb8;
	[tilespmem:$0x3000] =	vst v63  }
0x6c: {  	s30 =	sld [smem:$0x7FD]  }
0x6d: {  	[tilespmem:s21], [sflag:$0x2] =	stream.indirect.gather [hbm4b:s17+s22], $0x1, s22, s22, $0xb8;
	[tilespmem:$0x3000] =	vst v63  }
0x6e: {  	_ = 	snop  }
0x6f: {  	[tilespmem:s30], [sflag:$0x2] =	stream.indirect.gather [hbm4b:s18+s22], $0x1, s22, s22, $0xb8;
	[tilespmem:$0x3000] =	vst v63  }
0x70: {  	_ = 	snop  }
0x71: {  	[tilespmem:s25], [sflag:$0x2] =	stream.indirect.gather [hbm4b:s19+s22], $0x1, s22, s22, $0xb8;
	[tilespmem:$0x3000] =	vst v63  }
0x72: {  	_ =	swait.ge [sflag:s26], $0x80  }
0x73: {  	[sflag:s26] =	ssyncset.done $0x0  }
0x74: {  	[sflag:s26] =	ssyncadd.s32 $0xFFFFFF80  }
0x75: {  	_ =	swait.ge [sflag:s26], $0x80  }
0x76: {  	[sflag:s26] =	ssyncset.done $0x0  }
0x77: {  	[sflag:s26] =	ssyncadd.s32 $0xFFFFFF80  }
0x78: {  	_ =	swait.ge [sflag:s26], $0x80  }
0x79: {  	[sflag:s26] =	ssyncset.done $0x0  }
0x7a: {  	[sflag:s26] =	ssyncadd.s32 $0xFFFFFF80  }
0x7b: {  	_ =	swait.ge [sflag:s26], $0x80  }
0x7c: {  	[sflag:s26] =	ssyncset.done $0x0  }
0x7d: {  	[sflag:s26] =	ssyncadd.s32 $0xFFFFFF80  }
0x7e: {  	_ =	swait.ge [sflag:s26], $0x80  }
0x7f: {  	[sflag:s26] =	ssyncset.done $0x0  }
0x80: {  	[sflag:s26] =	ssyncadd.s32 $0xFFFFFF80  }
0x81: {  	_ =	swait.ge [sflag:s26], $0x80  }
0x82: {  	[sflag:s26] =	ssyncset.done $0x0  }
0x83: {  	[sflag:s26] =	ssyncadd.s32 $0xFFFFFF80  }
0x84: {  	_ =	swait.ge [sflag:s26], $0x80  }
0x85: {  	[sflag:s26] =	ssyncset.done $0x0  }
0x86: {  	[sflag:s26] =	ssyncadd.s32 $0xFFFFFF80  }
0x87: {  	_ =	swait.ge [sflag:s26], $0x80  }
0x88: {  	[sflag:s26] =	ssyncset.done $0x0  }
0x89: {  	[sflag:s26] =	ssyncadd.s32 $0xFFFFFF80  }
0x8a: {  	_ =	swait.ge [sflag:s26], $0x80  }
0x8b: {  	[sflag:s26] =	ssyncset.done $0x0  }
0x8c: {  	[sflag:s26] =	ssyncadd.s32 $0xFFFFFF80  }
0x8d: {  	_ =	swait.ge [sflag:s26], $0x80  }
0x8e: {  	[sflag:s26] =	ssyncset.done $0x0  }
0x8f: {  	[sflag:s26] =	ssyncadd.s32 $0xFFFFFF80  }
0x90: {  	_ =	swait.ge [sflag:s26], $0x80  }
0x91: {  	[sflag:s26] =	ssyncset.done $0x0  }
0x92: {  	[sflag:s26] =	ssyncadd.s32 $0xFFFFFF80  }
0x93: {  	_ =	swait.ge [sflag:s26], $0x80  }
0x94: {  	[sflag:s26] =	ssyncset.done $0x0  }
0x95: {  	[sflag:s26] =	ssyncadd.s32 $0xFFFFFF80  }
0x96: {  	_ =	swait.ge [sflag:s26], $0x80  }
0x97: {  	[sflag:s26] =	ssyncset.done $0x0  }
0x98: {  	[sflag:s26] =	ssyncadd.s32 $0xFFFFFF80  }
0x99: {  	_ =	swait.ge [sflag:s26], $0x80  }
0x9a: {  	[sflag:s26] =	ssyncset.done $0x0  }
0x9b: {  	[sflag:s26] =	ssyncadd.s32 $0xFFFFFF80  }
0x9c: {  	_ =	swait.ge [sflag:s26], $0x80  }
0x9d: {  	[sflag:s26] =	ssyncset.done $0x0  }
0x9e: {  	[sflag:s26] =	ssyncadd.s32 $0xFFFFFF80  }
0x9f: {  	_ =	swait.ge [sflag:s26], $0x80  }
0xa0: {  	s31 =	rddreg [dreg:$0x4];
	[sflag:s26] =	ssyncset.done $0x0  }
0xa1: {  	[sflag:s26] =	ssyncadd.s32 $0xFFFFFF80;
	s0 =	sadd.s32 $0x0, s31  }
0xa2: {  	[hbm4b:s0+s22] =	stream.strided.scatter [tilespmem:s23], [sflag:$0x3], $0x800, s28, s22, $0x38;
	[tilespmem:$0x3000] =	vst v63  }
0xa3: {  	_ =	swait.ge [sflag:s29], $0x80  }
0xa4: {  	[sflag:s29] =	ssyncset.done $0x0  }
0xa5: {  	[sflag:s29] =	ssyncadd.s32 $0xFFFFFF80  }
0xa6: {  	_ =	swait.ge [sflag:s29], $0x80  }
0xa7: {  	[sflag:s29] =	ssyncset.done $0x0  }
0xa8: {  	[sflag:s29] =	ssyncadd.s32 $0xFFFFFF80  }
0xa9: {  	_ =	swait.ge [sflag:s29], $0x80  }
0xaa: {  	[sflag:s29] =	ssyncset.done $0x0  }
0xab: {  	[sflag:s29] =	ssyncadd.s32 $0xFFFFFF80  }
0xac: {  	_ =	swait.ge [sflag:s29], $0x80  }
0xad: {  	[sflag:s29] =	ssyncset.done $0x0  }
0xae: {  	[sflag:s29] =	ssyncadd.s32 $0xFFFFFF80  }
0xaf: {  	_ =	swait.ge [sflag:s29], $0x80  }
0xb0: {  	[sflag:s29] =	ssyncset.done $0x0  }
0xb1: {  	[sflag:s29] =	ssyncadd.s32 $0xFFFFFF80  }
0xb2: {  	_ =	swait.ge [sflag:s29], $0x80  }
0xb3: {  	[sflag:s29] =	ssyncset.done $0x0  }
0xb4: {  	[sflag:s29] =	ssyncadd.s32 $0xFFFFFF80  }
0xb5: {  	_ =	swait.ge [sflag:s29], $0x80  }
0xb6: {  	[sflag:s29] =	ssyncset.done $0x0  }
0xb7: {  	[sflag:s29] =	ssyncadd.s32 $0xFFFFFF80  }
0xb8: {  	_ =	swait.ge [sflag:s29], $0x80  }
0xb9: {  	[sflag:s29] =	ssyncset.done $0x0  }
0xba: {  	[sflag:s29] =	ssyncadd.s32 $0xFFFFFF80  }
0xbb: {  	_ =	swait.ge [sflag:s29], $0x80  }
0xbc: {  	[sflag:s29] =	ssyncset.done $0x0  }
0xbd: {  	[sflag:s29] =	ssyncadd.s32 $0xFFFFFF80  }
0xbe: {  	_ =	swait.ge [sflag:s29], $0x80  }
0xbf: {  	[sflag:s29] =	ssyncset.done $0x0  }
0xc0: {  	[sflag:s29] =	ssyncadd.s32 $0xFFFFFF80  }
0xc1: {  	_ =	swait.ge [sflag:s29], $0x80  }
0xc2: {  	[sflag:s29] =	ssyncset.done $0x0  }
0xc3: {  	[sflag:s29] =	ssyncadd.s32 $0xFFFFFF80  }
0xc4: {  	_ =	swait.ge [sflag:s29], $0x80  }
0xc5: {  	[sflag:s29] =	ssyncset.done $0x0  }
0xc6: {  	[sflag:s29] =	ssyncadd.s32 $0xFFFFFF80  }
0xc7: {  	_ =	swait.ge [sflag:s29], $0x80  }
0xc8: {  	[sflag:s29] =	ssyncset.done $0x0  }
0xc9: {  	[sflag:s29] =	ssyncadd.s32 $0xFFFFFF80  }
0xca: {  	_ =	swait.ge [sflag:s29], $0x80  }
0xcb: {  	[sflag:s29] =	ssyncset.done $0x0  }
0xcc: {  	[sflag:s29] =	ssyncadd.s32 $0xFFFFFF80  }
0xcd: {  	_ =	swait.ge [sflag:s29], $0x80  }
0xce: {  	[sflag:s29] =	ssyncset.done $0x0  }
0xcf: {  	[sflag:s29] =	ssyncadd.s32 $0xFFFFFF80  }
0xd0: {  	p1 =	por $0x0, $0x0;
	s2 =	simm.s32 $0x180;
	_ =	swait.ge [sflag:s29], $0x80  }
0xd1: {  	s4 =	simm.s32 $0x40;
	s20 =	simm.s32 $0x0;
	[sflag:s29] =	ssyncset.done $0x0  }
0xd2: {  	s0 =	simm.s32 $0x20;
	s21 =	rddreg [dreg:$0x3];
	[sflag:s29] =	ssyncadd.s32 $0xFFFFFF80  }
.LBB2_2:
0xd3: {  	s30 =	simm.s32 @!p1 $0x3;
	s21 =	sadd.s32 s20, s21  }
0xd4: {  	[hbm4b:s21+s22] =	stream.strided.scatter [tilespmem:s24], [sflag:$0x4], $0x800, s28, s22, $0x38;
	[tilespmem:$0x3000] =	vst v63  }
0xd5: {  	_ =	swait.ge @!p1 [sflag:s30], $0x800  }
0xd6: {  	[sflag:s30] =	ssyncset.done @!p1 $0x0  }
0xd7: {  	s21 =	simm.s32 @!p1 $0x4;
	[sflag:s30] =	ssyncadd.s32 @!p1 $0xFFFFF800  }
0xd8: {  	_ =	swait.ge @!p1 [sflag:s21], $0x800  }
0xd9: {  	[sflag:s21] =	ssyncset.done @!p1 $0x0  }
0xda: {  	[sflag:s21] =	ssyncadd.s32 @!p1 $0xFFFFF800;
	s21 =	sadd.s32 $0xFFFFFF80, s2  }
0xdb: {  	[tilespmem:s23], [sflag:$0x1] =	stream.indirect.gather [hbm4b:s3+s22], $0x1, s21, s22, $0xb8;
	[tilespmem:$0x3000] =	vst v63  }
0xdc: {  	s30 =	rddreg [dreg:$0x5]  }
0xdd: {  	[tilespmem:s30], [sflag:$0x1] =	stream.indirect.gather [hbm4b:s5+s22], $0x1, s21, s22, $0xb8;
	[tilespmem:$0x3000] =	vst v63  }
0xde: {  	s31 =	rddreg [dreg:$0x6]  }
0xdf: {  	[tilespmem:s31], [sflag:$0x1] =	stream.indirect.gather [hbm4b:s6+s22], $0x1, s21, s22, $0xb8;
	[tilespmem:$0x3000] =	vst v63  }
0xe0: {  	s30 =	rddreg [dreg:$0x7]  }
0xe1: {  	[tilespmem:s30], [sflag:$0x1] =	stream.indirect.gather [hbm4b:s7+s22], $0x1, s21, s22, $0xb8;
	[tilespmem:$0x3000] =	vst v63  }
0xe2: {  	s31 =	rddreg [dreg:$0x8]  }
0xe3: {  	[tilespmem:s31], [sflag:$0x1] =	stream.indirect.gather [hbm4b:s8+s22], $0x1, s21, s22, $0xb8;
	[tilespmem:$0x3000] =	vst v63  }
0xe4: {  	s30 =	rddreg [dreg:$0x9]  }
0xe5: {  	[tilespmem:s30], [sflag:$0x1] =	stream.indirect.gather [hbm4b:s9+s22], $0x1, s21, s22, $0xb8;
	[tilespmem:$0x3000] =	vst v63  }
0xe6: {  	s31 =	rddreg [dreg:$0xa]  }
0xe7: {  	[tilespmem:s31], [sflag:$0x1] =	stream.indirect.gather [hbm4b:s10+s22], $0x1, s21, s22, $0xb8;
	[tilespmem:$0x3000] =	vst v63  }
0xe8: {  	s30 =	rddreg [dreg:$0xb]  }
0xe9: {  	[tilespmem:s30], [sflag:$0x1] =	stream.indirect.gather [hbm4b:s11+s22], $0x1, s21, s22, $0xb8;
	[tilespmem:$0x3000] =	vst v63  }
0xea: {  	s31 =	rddreg [dreg:$0xc]  }
0xeb: {  	[tilespmem:s31], [sflag:$0x1] =	stream.indirect.gather [hbm4b:s12+s22], $0x1, s21, s22, $0xb8;
	[tilespmem:$0x3000] =	vst v63  }
0xec: {  	s30 =	rddreg [dreg:$0xd]  }
0xed: {  	[tilespmem:s30], [sflag:$0x1] =	stream.indirect.gather [hbm4b:s13+s22], $0x1, s21, s22, $0xb8;
	[tilespmem:$0x3000] =	vst v63  }
0xee: {  	s31 =	rddreg [dreg:$0xe]  }
0xef: {  	[tilespmem:s31], [sflag:$0x1] =	stream.indirect.gather [hbm4b:s14+s22], $0x1, s21, s22, $0xb8;
	[tilespmem:$0x3000] =	vst v63  }
0xf0: {  	s30 =	rddreg [dreg:$0xf]  }
0xf1: {  	[tilespmem:s30], [sflag:$0x1] =	stream.indirect.gather [hbm4b:s15+s22], $0x1, s21, s22, $0xb8;
	[tilespmem:$0x3000] =	vst v63  }
0xf2: {  	s31 =	rddreg [dreg:$0x10]  }
0xf3: {  	[tilespmem:s31], [sflag:$0x1] =	stream.indirect.gather [hbm4b:s16+s22], $0x1, s21, s22, $0xb8;
	[tilespmem:$0x3000] =	vst v63  }
0xf4: {  	s30 =	rddreg [dreg:$0x11]  }
0xf5: {  	[tilespmem:s30], [sflag:$0x1] =	stream.indirect.gather [hbm4b:s17+s22], $0x1, s21, s22, $0xb8;
	[tilespmem:$0x3000] =	vst v63  }
0xf6: {  	s31 =	rddreg [dreg:$0x12]  }
0xf7: {  	[tilespmem:s31], [sflag:$0x1] =	stream.indirect.gather [hbm4b:s18+s22], $0x1, s21, s22, $0xb8;
	[tilespmem:$0x3000] =	vst v63  }
0xf8: {  	s30 =	rddreg [dreg:$0x13]  }
0xf9: {  	[tilespmem:s30], [sflag:$0x1] =	stream.indirect.gather [hbm4b:s19+s22], $0x1, s21, s22, $0xb8;
	[tilespmem:$0x3000] =	vst v63  }
0xfa: {  	s31 =	rddreg [dreg:$0x15]  }
0xfb: {  	[tilespmem:s24], [sflag:$0x2] =	stream.indirect.gather [hbm4b:s3+s22], $0x1, s2, s22, $0xb8;
	[tilespmem:$0x3000] =	vst v63  }
0xfc: {  	s21 =	rddreg [dreg:$0x14]  }
0xfd: {  	[tilespmem:s21], [sflag:$0x2] =	stream.indirect.gather [hbm4b:s5+s22], $0x1, s2, s22, $0xb8;
	[tilespmem:$0x3000] =	vst v63  }
0xfe: {  	s21 =	rddreg [dreg:$0x16]  }
0xff: {  	[tilespmem:s31], [sflag:$0x2] =	stream.indirect.gather [hbm4b:s6+s22], $0x1, s2, s22, $0xb8;
	[tilespmem:$0x3000] =	vst v63  }
0x100: {  	s31 =	rddreg [dreg:$0x17]  }
0x101: {  	[tilespmem:s21], [sflag:$0x2] =	stream.indirect.gather [hbm4b:s7+s22], $0x1, s2, s22, $0xb8;
	[tilespmem:$0x3000] =	vst v63  }
0x102: {  	s21 =	rddreg [dreg:$0x18]  }
0x103: {  	[tilespmem:s31], [sflag:$0x2] =	stream.indirect.gather [hbm4b:s8+s22], $0x1, s2, s22, $0xb8;
	[tilespmem:$0x3000] =	vst v63  }
0x104: {  	s31 =	rddreg [dreg:$0x19]  }
0x105: {  	[tilespmem:s21], [sflag:$0x2] =	stream.indirect.gather [hbm4b:s9+s22], $0x1, s2, s22, $0xb8;
	[tilespmem:$0x3000] =	vst v63  }
0x106: {  	s21 =	rddreg [dreg:$0x1a]  }
0x107: {  	[tilespmem:s31], [sflag:$0x2] =	stream.indirect.gather [hbm4b:s10+s22], $0x1, s2, s22, $0xb8;
	[tilespmem:$0x3000] =	vst v63  }
0x108: {  	s31 =	rddreg [dreg:$0x1b]  }
0x109: {  	[tilespmem:s21], [sflag:$0x2] =	stream.indirect.gather [hbm4b:s11+s22], $0x1, s2, s22, $0xb8;
	[tilespmem:$0x3000] =	vst v63  }
0x10a: {  	s21 =	rddreg [dreg:$0x1c]  }
0x10b: {  	[tilespmem:s31], [sflag:$0x2] =	stream.indirect.gather [hbm4b:s12+s22], $0x1, s2, s22, $0xb8;
	[tilespmem:$0x3000] =	vst v63  }
0x10c: {  	s31 =	rddreg [dreg:$0x1d]  }
0x10d: {  	[tilespmem:s21], [sflag:$0x2] =	stream.indirect.gather [hbm4b:s13+s22], $0x1, s2, s22, $0xb8;
	[tilespmem:$0x3000] =	vst v63  }
0x10e: {  	s21 =	rddreg [dreg:$0x1e]  }
0x10f: {  	[tilespmem:s31], [sflag:$0x2] =	stream.indirect.gather [hbm4b:s14+s22], $0x1, s2, s22, $0xb8;
	[tilespmem:$0x3000] =	vst v63  }
0x110: {  	s31 =	rddreg [dreg:$0x1f]  }
0x111: {  	[tilespmem:s21], [sflag:$0x2] =	stream.indirect.gather [hbm4b:s15+s22], $0x1, s2, s22, $0xb8;
	[tilespmem:$0x3000] =	vst v63  }
0x112: {  	s21 =	sld [smem:$0x7FC]  }
0x113: {  	[tilespmem:s31], [sflag:$0x2] =	stream.indirect.gather [hbm4b:s16+s22], $0x1, s2, s22, $0xb8;
	[tilespmem:$0x3000] =	vst v63  }
0x114: {  	s31 =	sld [smem:$0x7FD]  }
0x115: {  	[tilespmem:s21], [sflag:$0x2] =	stream.indirect.gather [hbm4b:s17+s22], $0x1, s2, s22, $0xb8;
	[tilespmem:$0x3000] =	vst v63  }
0x116: {  	_ = 	snop  }
0x117: {  	[tilespmem:s31], [sflag:$0x2] =	stream.indirect.gather [hbm4b:s18+s22], $0x1, s2, s22, $0xb8;
	[tilespmem:$0x3000] =	vst v63  }
0x118: {  	_ = 	snop  }
0x119: {  	[tilespmem:s25], [sflag:$0x2] =	stream.indirect.gather [hbm4b:s19+s22], $0x1, s2, s22, $0xb8;
	[tilespmem:$0x3000] =	vst v63  }
0x11a: {  	_ =	swait.ge [sflag:s26], $0x80  }
0x11b: {  	[sflag:s26] =	ssyncset.done $0x0  }
0x11c: {  	[sflag:s26] =	ssyncadd.s32 $0xFFFFFF80  }
0x11d: {  	_ =	swait.ge [sflag:s26], $0x80  }
0x11e: {  	[sflag:s26] =	ssyncset.done $0x0  }
0x11f: {  	[sflag:s26] =	ssyncadd.s32 $0xFFFFFF80  }
0x120: {  	_ =	swait.ge [sflag:s26], $0x80  }
0x121: {  	[sflag:s26] =	ssyncset.done $0x0  }
0x122: {  	[sflag:s26] =	ssyncadd.s32 $0xFFFFFF80  }
0x123: {  	_ =	swait.ge [sflag:s26], $0x80  }
0x124: {  	[sflag:s26] =	ssyncset.done $0x0  }
0x125: {  	[sflag:s26] =	ssyncadd.s32 $0xFFFFFF80  }
0x126: {  	_ =	swait.ge [sflag:s26], $0x80  }
0x127: {  	[sflag:s26] =	ssyncset.done $0x0  }
0x128: {  	[sflag:s26] =	ssyncadd.s32 $0xFFFFFF80  }
0x129: {  	_ =	swait.ge [sflag:s26], $0x80  }
0x12a: {  	[sflag:s26] =	ssyncset.done $0x0  }
0x12b: {  	[sflag:s26] =	ssyncadd.s32 $0xFFFFFF80  }
0x12c: {  	_ =	swait.ge [sflag:s26], $0x80  }
0x12d: {  	[sflag:s26] =	ssyncset.done $0x0  }
0x12e: {  	[sflag:s26] =	ssyncadd.s32 $0xFFFFFF80  }
0x12f: {  	_ =	swait.ge [sflag:s26], $0x80  }
0x130: {  	[sflag:s26] =	ssyncset.done $0x0  }
0x131: {  	[sflag:s26] =	ssyncadd.s32 $0xFFFFFF80  }
0x132: {  	_ =	swait.ge [sflag:s26], $0x80  }
0x133: {  	[sflag:s26] =	ssyncset.done $0x0  }
0x134: {  	[sflag:s26] =	ssyncadd.s32 $0xFFFFFF80  }
0x135: {  	_ =	swait.ge [sflag:s26], $0x80  }
0x136: {  	[sflag:s26] =	ssyncset.done $0x0  }
0x137: {  	[sflag:s26] =	ssyncadd.s32 $0xFFFFFF80  }
0x138: {  	_ =	swait.ge [sflag:s26], $0x80  }
0x139: {  	[sflag:s26] =	ssyncset.done $0x0  }
0x13a: {  	[sflag:s26] =	ssyncadd.s32 $0xFFFFFF80  }
0x13b: {  	_ =	swait.ge [sflag:s26], $0x80  }
0x13c: {  	[sflag:s26] =	ssyncset.done $0x0  }
0x13d: {  	[sflag:s26] =	ssyncadd.s32 $0xFFFFFF80  }
0x13e: {  	_ =	swait.ge [sflag:s26], $0x80  }
0x13f: {  	[sflag:s26] =	ssyncset.done $0x0  }
0x140: {  	[sflag:s26] =	ssyncadd.s32 $0xFFFFFF80  }
0x141: {  	_ =	swait.ge [sflag:s26], $0x80  }
0x142: {  	[sflag:s26] =	ssyncset.done $0x0  }
0x143: {  	[sflag:s26] =	ssyncadd.s32 $0xFFFFFF80  }
0x144: {  	_ =	swait.ge [sflag:s26], $0x80  }
0x145: {  	[sflag:s26] =	ssyncset.done $0x0  }
0x146: {  	[sflag:s26] =	ssyncadd.s32 $0xFFFFFF80  }
0x147: {  	_ =	swait.ge [sflag:s26], $0x80  }
0x148: {  	s20 =	smov.u32 s0;
	s31 =	rddreg [dreg:$0x4];
	[sflag:s26] =	ssyncset.done $0x0  }
0x149: {  	[sflag:s26] =	ssyncadd.s32 $0xFFFFFF80;
	s21 =	sadd.s32 s20, s31  }
0x14a: {  	[hbm4b:s21+s22] =	stream.strided.scatter [tilespmem:s23], [sflag:$0x3], $0x800, s28, s22, $0x38;
	[tilespmem:$0x3000] =	vst v63  }
0x14b: {  	_ =	swait.ge [sflag:s29], $0x80  }
0x14c: {  	[sflag:s29] =	ssyncset.done $0x0  }
0x14d: {  	[sflag:s29] =	ssyncadd.s32 $0xFFFFFF80  }
0x14e: {  	_ =	swait.ge [sflag:s29], $0x80  }
0x14f: {  	[sflag:s29] =	ssyncset.done $0x0  }
0x150: {  	[sflag:s29] =	ssyncadd.s32 $0xFFFFFF80  }
0x151: {  	_ =	swait.ge [sflag:s29], $0x80  }
0x152: {  	[sflag:s29] =	ssyncset.done $0x0  }
0x153: {  	[sflag:s29] =	ssyncadd.s32 $0xFFFFFF80  }
0x154: {  	_ =	swait.ge [sflag:s29], $0x80  }
0x155: {  	[sflag:s29] =	ssyncset.done $0x0  }
0x156: {  	[sflag:s29] =	ssyncadd.s32 $0xFFFFFF80  }
0x157: {  	_ =	swait.ge [sflag:s29], $0x80  }
0x158: {  	[sflag:s29] =	ssyncset.done $0x0  }
0x159: {  	[sflag:s29] =	ssyncadd.s32 $0xFFFFFF80  }
0x15a: {  	_ =	swait.ge [sflag:s29], $0x80  }
0x15b: {  	[sflag:s29] =	ssyncset.done $0x0  }
0x15c: {  	[sflag:s29] =	ssyncadd.s32 $0xFFFFFF80  }
0x15d: {  	_ =	swait.ge [sflag:s29], $0x80  }
0x15e: {  	[sflag:s29] =	ssyncset.done $0x0  }
0x15f: {  	[sflag:s29] =	ssyncadd.s32 $0xFFFFFF80  }
0x160: {  	_ =	swait.ge [sflag:s29], $0x80  }
0x161: {  	[sflag:s29] =	ssyncset.done $0x0  }
0x162: {  	[sflag:s29] =	ssyncadd.s32 $0xFFFFFF80  }
0x163: {  	_ =	swait.ge [sflag:s29], $0x80  }
0x164: {  	[sflag:s29] =	ssyncset.done $0x0  }
0x165: {  	[sflag:s29] =	ssyncadd.s32 $0xFFFFFF80  }
0x166: {  	_ =	swait.ge [sflag:s29], $0x80  }
0x167: {  	[sflag:s29] =	ssyncset.done $0x0  }
0x168: {  	[sflag:s29] =	ssyncadd.s32 $0xFFFFFF80  }
0x169: {  	_ =	swait.ge [sflag:s29], $0x80  }
0x16a: {  	[sflag:s29] =	ssyncset.done $0x0  }
0x16b: {  	[sflag:s29] =	ssyncadd.s32 $0xFFFFFF80  }
0x16c: {  	_ =	swait.ge [sflag:s29], $0x80  }
0x16d: {  	[sflag:s29] =	ssyncset.done $0x0  }
0x16e: {  	[sflag:s29] =	ssyncadd.s32 $0xFFFFFF80  }
0x16f: {  	_ =	swait.ge [sflag:s29], $0x80  }
0x170: {  	[sflag:s29] =	ssyncset.done $0x0  }
0x171: {  	[sflag:s29] =	ssyncadd.s32 $0xFFFFFF80  }
0x172: {  	_ =	swait.ge [sflag:s29], $0x80  }
0x173: {  	[sflag:s29] =	ssyncset.done $0x0  }
0x174: {  	s0 =	smov.u32 s4;
	s4 =	sadd.s32 $0x20, s4;
	[sflag:s29] =	ssyncadd.s32 $0xFFFFFF80  }
0x175: {  	p0 =	sne.s32 s4, $0x400;
	_ =	swait.ge [sflag:s29], $0x80  }
.Ltmp0:
0x176: {  	[sflag:s29] =	ssyncset.done $0x0;
	(pc) =	sbr.rel @p0 .LBB2_2-.Ltmp0, $4  }
0x177: {  	[sflag:s29] =	ssyncadd.s32 $0xFFFFFF80  }
0x178: {  	_ =	swait.ge [sflag:s29], $0x80  }
0x179: {  	p1 =	seq.s32 s0, $0x0;
	[sflag:s29] =	ssyncset.done $0x0  }
0x17a: {  	s2 =	sadd.s32 $0x100, s2;
	s21 =	rddreg [dreg:$0x3];
	[sflag:s29] =	ssyncadd.s32 $0xFFFFFF80  }
0x17b: {  	s4 =	simm.s32 @!p1 $0x3;
	s20 =	sadd.s32 s20, s21  }
0x17c: {  	[hbm4b:s20+s22] =	stream.strided.scatter [tilespmem:s24], [sflag:$0x4], $0x800, s28, s22, $0x38;
	[tilespmem:$0x3000] =	vst v63  }
0x17d: {  	_ =	swait.ge @!p1 [sflag:s4], $0x800  }
0x17e: {  	[sflag:s4] =	ssyncset.done @!p1 $0x0  }
0x17f: {  	[sflag:s4] =	ssyncadd.s32 @!p1 $0xFFFFF800;
	s4 =	simm.s32 @!p1 $0x4  }
0x180: {  	_ =	swait.ge @!p1 [sflag:s4], $0x800  }
0x181: {  	[sflag:s4] =	ssyncset.done @!p1 $0x0  }
0x182: {  	[sflag:s4] =	ssyncadd.s32 @!p1 $0xFFFFF800;
	s4 =	sadd.s32 $0xFFFFFF80, s2  }
0x183: {  	[tilespmem:s23], [sflag:$0x1] =	stream.indirect.gather [hbm4b:s3+s22], $0x1, s4, s22, $0xb8;
	[tilespmem:$0x3000] =	vst v63  }
0x184: {  	s21 =	rddreg [dreg:$0x5]  }
0x185: {  	[tilespmem:s21], [sflag:$0x1] =	stream.indirect.gather [hbm4b:s5+s22], $0x1, s4, s22, $0xb8;
	[tilespmem:$0x3000] =	vst v63  }
0x186: {  	s30 =	rddreg [dreg:$0x6]  }
0x187: {  	[tilespmem:s30], [sflag:$0x1] =	stream.indirect.gather [hbm4b:s6+s22], $0x1, s4, s22, $0xb8;
	[tilespmem:$0x3000] =	vst v63  }
0x188: {  	s31 =	rddreg [dreg:$0x7]  }
0x189: {  	[tilespmem:s31], [sflag:$0x1] =	stream.indirect.gather [hbm4b:s7+s22], $0x1, s4, s22, $0xb8;
	[tilespmem:$0x3000] =	vst v63  }
0x18a: {  	s30 =	rddreg [dreg:$0x8]  }
0x18b: {  	[tilespmem:s30], [sflag:$0x1] =	stream.indirect.gather [hbm4b:s8+s22], $0x1, s4, s22, $0xb8;
	[tilespmem:$0x3000] =	vst v63  }
0x18c: {  	s31 =	rddreg [dreg:$0x9]  }
0x18d: {  	[tilespmem:s31], [sflag:$0x1] =	stream.indirect.gather [hbm4b:s9+s22], $0x1, s4, s22, $0xb8;
	[tilespmem:$0x3000] =	vst v63  }
0x18e: {  	s30 =	rddreg [dreg:$0xa]  }
0x18f: {  	[tilespmem:s30], [sflag:$0x1] =	stream.indirect.gather [hbm4b:s10+s22], $0x1, s4, s22, $0xb8;
	[tilespmem:$0x3000] =	vst v63  }
0x190: {  	s31 =	rddreg [dreg:$0xb]  }
0x191: {  	[tilespmem:s31], [sflag:$0x1] =	stream.indirect.gather [hbm4b:s11+s22], $0x1, s4, s22, $0xb8;
	[tilespmem:$0x3000] =	vst v63  }
0x192: {  	s30 =	rddreg [dreg:$0xc]  }
0x193: {  	[tilespmem:s30], [sflag:$0x1] =	stream.indirect.gather [hbm4b:s12+s22], $0x1, s4, s22, $0xb8;
	[tilespmem:$0x3000] =	vst v63  }
0x194: {  	s31 =	rddreg [dreg:$0xd]  }
0x195: {  	[tilespmem:s31], [sflag:$0x1] =	stream.indirect.gather [hbm4b:s13+s22], $0x1, s4, s22, $0xb8;
	[tilespmem:$0x3000] =	vst v63  }
0x196: {  	s30 =	rddreg [dreg:$0xe]  }
0x197: {  	[tilespmem:s30], [sflag:$0x1] =	stream.indirect.gather [hbm4b:s14+s22], $0x1, s4, s22, $0xb8;
	[tilespmem:$0x3000] =	vst v63  }
0x198: {  	s31 =	rddreg [dreg:$0xf]  }
0x199: {  	[tilespmem:s31], [sflag:$0x1] =	stream.indirect.gather [hbm4b:s15+s22], $0x1, s4, s22, $0xb8;
	[tilespmem:$0x3000] =	vst v63  }
0x19a: {  	s30 =	rddreg [dreg:$0x10]  }
0x19b: {  	[tilespmem:s30], [sflag:$0x1] =	stream.indirect.gather [hbm4b:s16+s22], $0x1, s4, s22, $0xb8;
	[tilespmem:$0x3000] =	vst v63  }
0x19c: {  	s31 =	rddreg [dreg:$0x11]  }
0x19d: {  	[tilespmem:s31], [sflag:$0x1] =	stream.indirect.gather [hbm4b:s17+s22], $0x1, s4, s22, $0xb8;
	[tilespmem:$0x3000] =	vst v63  }
0x19e: {  	s30 =	rddreg [dreg:$0x12]  }
0x19f: {  	[tilespmem:s30], [sflag:$0x1] =	stream.indirect.gather [hbm4b:s18+s22], $0x1, s4, s22, $0xb8;
	[tilespmem:$0x3000] =	vst v63  }
0x1a0: {  	s31 =	rddreg [dreg:$0x13]  }
0x1a1: {  	[tilespmem:s31], [sflag:$0x1] =	stream.indirect.gather [hbm4b:s19+s22], $0x1, s4, s22, $0xb8;
	[tilespmem:$0x3000] =	vst v63  }
0x1a2: {  	s21 =	rddreg [dreg:$0x14]  }
0x1a3: {  	[tilespmem:s24], [sflag:$0x2] =	stream.indirect.gather [hbm4b:s3+s22], $0x1, s2, s22, $0xb8;
	[tilespmem:$0x3000] =	vst v63  }
0x1a4: {  	s30 =	rddreg [dreg:$0x15]  }
0x1a5: {  	[tilespmem:s21], [sflag:$0x2] =	stream.indirect.gather [hbm4b:s5+s22], $0x1, s2, s22, $0xb8;
	[tilespmem:$0x3000] =	vst v63  }
0x1a6: {  	s31 =	rddreg [dreg:$0x16]  }
0x1a7: {  	[tilespmem:s30], [sflag:$0x2] =	stream.indirect.gather [hbm4b:s6+s22], $0x1, s2, s22, $0xb8;
	[tilespmem:$0x3000] =	vst v63  }
0x1a8: {  	s21 =	rddreg [dreg:$0x17]  }
0x1a9: {  	[tilespmem:s31], [sflag:$0x2] =	stream.indirect.gather [hbm4b:s7+s22], $0x1, s2, s22, $0xb8;
	[tilespmem:$0x3000] =	vst v63  }
0x1aa: {  	s30 =	rddreg [dreg:$0x18]  }
0x1ab: {  	[tilespmem:s21], [sflag:$0x2] =	stream.indirect.gather [hbm4b:s8+s22], $0x1, s2, s22, $0xb8;
	[tilespmem:$0x3000] =	vst v63  }
0x1ac: {  	s31 =	rddreg [dreg:$0x19]  }
0x1ad: {  	[tilespmem:s30], [sflag:$0x2] =	stream.indirect.gather [hbm4b:s9+s22], $0x1, s2, s22, $0xb8;
	[tilespmem:$0x3000] =	vst v63  }
0x1ae: {  	s21 =	rddreg [dreg:$0x1a]  }
0x1af: {  	[tilespmem:s31], [sflag:$0x2] =	stream.indirect.gather [hbm4b:s10+s22], $0x1, s2, s22, $0xb8;
	[tilespmem:$0x3000] =	vst v63  }
0x1b0: {  	s30 =	rddreg [dreg:$0x1b]  }
0x1b1: {  	[tilespmem:s21], [sflag:$0x2] =	stream.indirect.gather [hbm4b:s11+s22], $0x1, s2, s22, $0xb8;
	[tilespmem:$0x3000] =	vst v63  }
0x1b2: {  	s31 =	rddreg [dreg:$0x1c]  }
0x1b3: {  	[tilespmem:s30], [sflag:$0x2] =	stream.indirect.gather [hbm4b:s12+s22], $0x1, s2, s22, $0xb8;
	[tilespmem:$0x3000] =	vst v63  }
0x1b4: {  	s21 =	rddreg [dreg:$0x1d]  }
0x1b5: {  	[tilespmem:s31], [sflag:$0x2] =	stream.indirect.gather [hbm4b:s13+s22], $0x1, s2, s22, $0xb8;
	[tilespmem:$0x3000] =	vst v63  }
0x1b6: {  	s30 =	rddreg [dreg:$0x1e]  }
0x1b7: {  	[tilespmem:s21], [sflag:$0x2] =	stream.indirect.gather [hbm4b:s14+s22], $0x1, s2, s22, $0xb8;
	[tilespmem:$0x3000] =	vst v63  }
0x1b8: {  	s31 =	rddreg [dreg:$0x1f]  }
0x1b9: {  	[tilespmem:s30], [sflag:$0x2] =	stream.indirect.gather [hbm4b:s15+s22], $0x1, s2, s22, $0xb8;
	[tilespmem:$0x3000] =	vst v63  }
0x1ba: {  	s21 =	sld [smem:$0x7FC]  }
0x1bb: {  	[tilespmem:s31], [sflag:$0x2] =	stream.indirect.gather [hbm4b:s16+s22], $0x1, s2, s22, $0xb8;
	[tilespmem:$0x3000] =	vst v63  }
0x1bc: {  	s30 =	sld [smem:$0x7FD]  }
0x1bd: {  	[tilespmem:s21], [sflag:$0x2] =	stream.indirect.gather [hbm4b:s17+s22], $0x1, s2, s22, $0xb8;
	[tilespmem:$0x3000] =	vst v63  }
0x1be: {  	_ = 	snop  }
0x1bf: {  	[tilespmem:s30], [sflag:$0x2] =	stream.indirect.gather [hbm4b:s18+s22], $0x1, s2, s22, $0xb8;
	[tilespmem:$0x3000] =	vst v63  }
0x1c0: {  	_ = 	snop  }
0x1c1: {  	[tilespmem:s25], [sflag:$0x2] =	stream.indirect.gather [hbm4b:s19+s22], $0x1, s2, s22, $0xb8;
	[tilespmem:$0x3000] =	vst v63  }
0x1c2: {  	_ =	swait.ge [sflag:s26], $0x80  }
0x1c3: {  	[sflag:s26] =	ssyncset.done $0x0  }
0x1c4: {  	[sflag:s26] =	ssyncadd.s32 $0xFFFFFF80  }
0x1c5: {  	_ =	swait.ge [sflag:s26], $0x80  }
0x1c6: {  	[sflag:s26] =	ssyncset.done $0x0  }
0x1c7: {  	[sflag:s26] =	ssyncadd.s32 $0xFFFFFF80  }
0x1c8: {  	_ =	swait.ge [sflag:s26], $0x80  }
0x1c9: {  	[sflag:s26] =	ssyncset.done $0x0  }
0x1ca: {  	[sflag:s26] =	ssyncadd.s32 $0xFFFFFF80  }
0x1cb: {  	_ =	swait.ge [sflag:s26], $0x80  }
0x1cc: {  	[sflag:s26] =	ssyncset.done $0x0  }
0x1cd: {  	[sflag:s26] =	ssyncadd.s32 $0xFFFFFF80  }
0x1ce: {  	_ =	swait.ge [sflag:s26], $0x80  }
0x1cf: {  	[sflag:s26] =	ssyncset.done $0x0  }
0x1d0: {  	[sflag:s26] =	ssyncadd.s32 $0xFFFFFF80  }
0x1d1: {  	_ =	swait.ge [sflag:s26], $0x80  }
0x1d2: {  	[sflag:s26] =	ssyncset.done $0x0  }
0x1d3: {  	[sflag:s26] =	ssyncadd.s32 $0xFFFFFF80  }
0x1d4: {  	_ =	swait.ge [sflag:s26], $0x80  }
0x1d5: {  	[sflag:s26] =	ssyncset.done $0x0  }
0x1d6: {  	[sflag:s26] =	ssyncadd.s32 $0xFFFFFF80  }
0x1d7: {  	_ =	swait.ge [sflag:s26], $0x80  }
0x1d8: {  	[sflag:s26] =	ssyncset.done $0x0  }
0x1d9: {  	[sflag:s26] =	ssyncadd.s32 $0xFFFFFF80  }
0x1da: {  	_ =	swait.ge [sflag:s26], $0x80  }
0x1db: {  	[sflag:s26] =	ssyncset.done $0x0  }
0x1dc: {  	[sflag:s26] =	ssyncadd.s32 $0xFFFFFF80  }
0x1dd: {  	_ =	swait.ge [sflag:s26], $0x80  }
0x1de: {  	[sflag:s26] =	ssyncset.done $0x0  }
0x1df: {  	[sflag:s26] =	ssyncadd.s32 $0xFFFFFF80  }
0x1e0: {  	_ =	swait.ge [sflag:s26], $0x80  }
0x1e1: {  	[sflag:s26] =	ssyncset.done $0x0  }
0x1e2: {  	[sflag:s26] =	ssyncadd.s32 $0xFFFFFF80  }
0x1e3: {  	_ =	swait.ge [sflag:s26], $0x80  }
0x1e4: {  	[sflag:s26] =	ssyncset.done $0x0  }
0x1e5: {  	[sflag:s26] =	ssyncadd.s32 $0xFFFFFF80  }
0x1e6: {  	_ =	swait.ge [sflag:s26], $0x80  }
0x1e7: {  	[sflag:s26] =	ssyncset.done $0x0  }
0x1e8: {  	[sflag:s26] =	ssyncadd.s32 $0xFFFFFF80  }
0x1e9: {  	_ =	swait.ge [sflag:s26], $0x80  }
0x1ea: {  	[sflag:s26] =	ssyncset.done $0x0  }
0x1eb: {  	[sflag:s26] =	ssyncadd.s32 $0xFFFFFF80  }
0x1ec: {  	_ =	swait.ge [sflag:s26], $0x80  }
0x1ed: {  	[sflag:s26] =	ssyncset.done $0x0  }
0x1ee: {  	[sflag:s26] =	ssyncadd.s32 $0xFFFFFF80  }
0x1ef: {  	_ =	swait.ge [sflag:s26], $0x80  }
0x1f0: {  	s31 =	rddreg [dreg:$0x4];
	[sflag:s26] =	ssyncset.done $0x0  }
0x1f1: {  	[sflag:s26] =	ssyncadd.s32 $0xFFFFFF80;
	s2 =	sadd.s32 s0, s31  }
0x1f2: {  	[hbm4b:s2+s22] =	stream.strided.scatter [tilespmem:s23], [sflag:$0x3], $0x800, s28, s22, $0x38;
	[tilespmem:$0x3000] =	vst v63  }
0x1f3: {  	_ =	swait.ge [sflag:s29], $0x80  }
0x1f4: {  	[sflag:s29] =	ssyncset.done $0x0  }
0x1f5: {  	[sflag:s29] =	ssyncadd.s32 $0xFFFFFF80  }
0x1f6: {  	_ =	swait.ge [sflag:s29], $0x80  }
0x1f7: {  	[sflag:s29] =	ssyncset.done $0x0  }
0x1f8: {  	[sflag:s29] =	ssyncadd.s32 $0xFFFFFF80  }
0x1f9: {  	_ =	swait.ge [sflag:s29], $0x80  }
0x1fa: {  	[sflag:s29] =	ssyncset.done $0x0  }
0x1fb: {  	[sflag:s29] =	ssyncadd.s32 $0xFFFFFF80  }
0x1fc: {  	_ =	swait.ge [sflag:s29], $0x80  }
0x1fd: {  	[sflag:s29] =	ssyncset.done $0x0  }
0x1fe: {  	[sflag:s29] =	ssyncadd.s32 $0xFFFFFF80  }
0x1ff: {  	_ =	swait.ge [sflag:s29], $0x80  }
0x200: {  	[sflag:s29] =	ssyncset.done $0x0  }
0x201: {  	[sflag:s29] =	ssyncadd.s32 $0xFFFFFF80  }
0x202: {  	_ =	swait.ge [sflag:s29], $0x80  }
0x203: {  	[sflag:s29] =	ssyncset.done $0x0  }
0x204: {  	[sflag:s29] =	ssyncadd.s32 $0xFFFFFF80  }
0x205: {  	_ =	swait.ge [sflag:s29], $0x80  }
0x206: {  	[sflag:s29] =	ssyncset.done $0x0  }
0x207: {  	[sflag:s29] =	ssyncadd.s32 $0xFFFFFF80  }
0x208: {  	_ =	swait.ge [sflag:s29], $0x80  }
0x209: {  	[sflag:s29] =	ssyncset.done $0x0  }
0x20a: {  	[sflag:s29] =	ssyncadd.s32 $0xFFFFFF80  }
0x20b: {  	_ =	swait.ge [sflag:s29], $0x80  }
0x20c: {  	[sflag:s29] =	ssyncset.done $0x0  }
0x20d: {  	[sflag:s29] =	ssyncadd.s32 $0xFFFFFF80  }
0x20e: {  	_ =	swait.ge [sflag:s29], $0x80  }
0x20f: {  	[sflag:s29] =	ssyncset.done $0x0  }
0x210: {  	[sflag:s29] =	ssyncadd.s32 $0xFFFFFF80  }
0x211: {  	_ =	swait.ge [sflag:s29], $0x80  }
0x212: {  	[sflag:s29] =	ssyncset.done $0x0  }
0x213: {  	[sflag:s29] =	ssyncadd.s32 $0xFFFFFF80  }
0x214: {  	_ =	swait.ge [sflag:s29], $0x80  }
0x215: {  	[sflag:s29] =	ssyncset.done $0x0  }
0x216: {  	[sflag:s29] =	ssyncadd.s32 $0xFFFFFF80  }
0x217: {  	_ =	swait.ge [sflag:s29], $0x80  }
0x218: {  	[sflag:s29] =	ssyncset.done $0x0  }
0x219: {  	[sflag:s29] =	ssyncadd.s32 $0xFFFFFF80  }
0x21a: {  	_ =	swait.ge [sflag:s29], $0x80  }
0x21b: {  	[sflag:s29] =	ssyncset.done $0x0  }
0x21c: {  	[sflag:s29] =	ssyncadd.s32 $0xFFFFFF80  }
0x21d: {  	_ =	swait.ge [sflag:s29], $0x80  }
0x21e: {  	[sflag:s29] =	ssyncset.done $0x0  }
0x21f: {  	[sflag:s29] =	ssyncadd.s32 $0xFFFFFF80  }
0x220: {  	_ =	swait.ge [sflag:s29], $0x80  }
0x221: {  	s4 =	rddreg [dreg:$0x3];
	[sflag:s29] =	ssyncset.done $0x0  }
0x222: {  	s21 =	simm.s32 $0x3;
	s20 =	sadd.s32 s0, s4;
	[sflag:s29] =	ssyncadd.s32 $0xFFFFFF80  }
0x223: {  	[hbm4b:s20+s22] =	stream.strided.scatter [tilespmem:s24], [sflag:$0x4], $0x800, s28, s22, $0x38;
	[tilespmem:$0x3000] =	vst v63  }
0x224: {  	_ =	swait.ge [sflag:s21], $0x800  }
0x225: {  	[sflag:s21] =	ssyncset.done $0x0  }
0x226: {  	s30 =	simm.s32 $0x4;
	[sflag:s21] =	ssyncadd.s32 $0xFFFFF800  }
0x227: {  	_ =	swait.ge [sflag:s30], $0x800  }
0x228: {  	s31 =	sld [smem:$0x7FB];
	_ =	sdelay $0x1  }
0x229: {  	s1 =	sadd.s32 $0x1, s1  }
0x22a: {  	p0 =	sne.s32 s1, s31  }
.Ltmp1:
0x22b: {  	_ = 	snop;
	(pc) =	sbr.rel @p0 .LBB2_1-.Ltmp1, $3  }
0x22c: {  	_ =	sdelay $0x1  }
0x22d: {  	[sflag:s30] =	ssyncset.done $0x0  }
0x22e: {  	[sflag:s30] =	ssyncadd.s32 $0xFFFFF800  }
0x22f: {  	_ =	sfence.sel $0x180000  }
0x230: {  	[bflag:$0x0] =	sbarrier.arrive $0xFFFF  }
0x231: {  	_ =	strace $0x9000004A  }
0x232: {  	s0 =	stileid.u32;
	[bflag:$0x2] =	sbarrier.arrive $0xFFFF  }
0x233: {  	p0 =	sne.s32 s0, $0x0;
	s0 =	rddreg [dreg:$0x2]  }
0x234: {  	s0 =	sadd.s32 @!p0 $0x100000, s0  }
0x235: {  	[sflag:s0] =	ssyncadd.tile.s32 @!p0 $0x1;
	_ =	shalt  }
.Lfunc_end2:
_tile_overlayer_lowered:
.L_overlay_start_2:
0x236: {  	(tag) =	ssettag $0x2  }
0x237: {  	s0 =	rddreg [dreg:$0x0];
	s2 =	stileid.u32  }
0x238: {  	s1 =	rddreg [dreg:$0x1];
	p0 =	sne.s32 s2, $0x0  }
0x239: {  	s3 =	rddreg [dreg:$0x2];
	[bflag:$0x3] =	sbarrier.arrive $0xFFFF;
	s2 =	simm.s32 @!p0 $0x1C05  }
0x23a: {  	[timem:s3], [sflag:s2] =	dma.local @!p0 [hbm:s0], s1  }
0x23b: {  	s0 =	simm.s32 @!p0 $0x5  }
0x23c: {  	_ =	swait.ge @!p0 [sflag:s0], s1  }
0x23d: {  	s1 =	ssub.s32 @!p0 $0x0, s1;
	[sflag:s0] =	ssyncset.done @!p0 $0x0  }
0x23e: {  	[sflag:s0] =	ssyncadd.s32 @!p0 s1  }
0x23f: {  	[bflag:$0x3] =	sbarrier.arrive $0xFFFF  }
0x240: {  	_ =	shalt  }

// kernel: sc_scatter.3.cloned.1.call-start
scs
__scs_entry_jumppad:
0x0: {  	(pc) =	sbr.rel $0x88, $3  }
0x1: {  	(tag) =	ssettag $0x0;
	lr =	simm.s32 $0x1  }
0x2: {  	[smem:$0x3F8E] =	sst lr;
	_ =	strace $0xD0000000  }
0x3: {  	_ = 	snop  }
0x4: {  	_ = 	snop  }
0x5: {  	_ = 	snop  }
0x6: {  	_ = 	snop  }
0x7: {  	_ = 	snop  }
__scs_overlays_trampoline_lowered:
0x8: {  	[smem:$0x3F9D] =	sst s0  }
0x9: {  	[smem:$0x3F9E] =	sst s1  }
0xa: {  	[smem:$0x3F9F] =	sst s2  }
0xb: {  	[smem:$0x3FA0] =	sst s3  }
0xc: {  	[smem:$0x3FA1] =	sst s4  }
0xd: {  	[smem:$0x3FA2] =	sst s5  }
0xe: {  	[smem:$0x3FA3] =	sst s6  }
0xf: {  	[smem:$0x3FA4] =	sst s7  }
0x10: {  	[smem:$0x3FA5] =	sst s8  }
0x11: {  	[smem:$0x3FA6] =	sst s9;
	s0 =	simm.s32 @!p0 $0x0  }
0x12: {  	s1 =	sld [smem:$0x3F8C];
	s0 =	simm.s32 @p0 $0x1  }
0x13: {  	[smem:$0x3FA7] =	sst s0;
	s0 =	simm.s32 @!p1 $0x0  }
0x14: {  	s2 =	sld [smem:$0x3F8B];
	s0 =	simm.s32 @p1 $0x1  }
0x15: {  	[smem:$0x3FA8] =	sst s0;
	s0 =	simm.s32 @!p2 $0x0  }
0x16: {  	s3 =	sld [smem:$0x3FDB];
	s0 =	simm.s32 @p2 $0x1  }
0x17: {  	s4 =	simm.s32 $0x1BF5;
	[smem:$0x3FAA] =	sst s0  }
0x18: {  	s0 =	sld [smem:$0x3F8D];
	_ =	swait.ge [sflag:s4], $0x0  }
0x19: {  	s7 =	sld [smem:$0x3F8E]  }
0x1a: {  	s8 =	sadd.s32 $0xFFFFE003, lr  }
0x1b: {  	s9 =	sadd.s32 $0xFFFFFEF7, lr;
	s5 =	simm.s32 $0xFFFFFFFF;
	p2 =	slt.u32 s8, $0xFFFFF086  }
0x1c: {  	p1 =	slt.u32 s9, $0xF7A;
	s5 =	simm.s32 @!p2 $0x0  }
0x1d: {  	s5 =	simm.s32 @p1 $0x1;
	p0 =	seq.s32 s7, s2  }
0x1e: {  	s7 =	smul.u32 @!p0 $0xF7A, s2;
	p2 =	seq.s32 @!p0 s5, $0x0  }
0x1f: {  	s9 =	smul.u32 $0xF7A, s1;
	s8 =	simm.s32 @!p0 $0x1BF5;
	p2 =	por !p2, p0  }
0x20: {  	[sflag:s8] =	ssyncset.s32 @!p0 $0xFFFFF086;
	s6 =	sadd.s32 @!p0 s3, s7;
	s7 =	simm.s32 @!p0 $0x108  }
0x21: {  	s3 =	sadd.s32 s3, s9;
	s6 =	sadd.s32 @!p0 $0x88, s6;
	s7 =	simm.s32 @p2 $0x1082  }
0x22: {  	[simem:s7], [sflag:s8] =	dma.local @!p0 [hbm:s6], $0xF7A  }
0x23: {  	s9 =	sor.u32 $0xD0000000, s2;
	s6 =	simm.s32 $0x108;
	_ =	swait.ge @!p0 [sflag:s8], $0x0  }
0x24: {  	s3 =	sadd.s32 $0x88, s3;
	s6 =	simm.s32 @!p1 $0x1082;
	[sflag:s4] =	ssyncset.s32 $0xFFFFF086  }
0x25: {  	[simem:s6], [sflag:s4] =	dma.local [hbm:s3], $0xF7A  }
0x26: {  	[smem:$0x3F8E] =	sst s1;
	(tag) =	ssettag s2;
	_ =	strace s9  }
0x27: {  	s1 =	sld [smem:$0x3F9E]  }
0x28: {  	s2 =	sld [smem:$0x3F9F]  }
0x29: {  	s4 =	sld [smem:$0x3FA1]  }
0x2a: {  	p0 =	seq.s32 s5, $0x0;
	s5 =	sld [smem:$0x3FA2]  }
0x2b: {  	s6 =	sld [smem:$0x3FA3]  }
0x2c: {  	s7 =	sld [smem:$0x3FA4]  }
0x2d: {  	s3 =	simm.s32 $0x108;
	s8 =	sld [smem:$0x3FA5]  }
0x2e: {  	s3 =	simm.s32 @!p0 $0x1082;
	s9 =	sld [smem:$0x3FA6]  }
0x2f: {  	lr =	sadd.s32 s0, s3;
	s0 =	sld [smem:$0x3F9D]  }
0x30: {  	s3 =	sld [smem:$0x3FA0]  }
0x31: {  	[smem:$0x3FA9] =	sst s10  }
0x32: {  	s10 =	sld [smem:$0x3FA7];
	_ =	sdelay $0x3  }
0x33: {  	p0 =	seq.s32 s10, $0x1;
	s10 =	sld [smem:$0x3FA9];
	_ =	sdelay $0x3  }
0x34: {  	[smem:$0x3FA9] =	sst s10  }
0x35: {  	s10 =	sld [smem:$0x3FA8];
	_ =	sdelay $0x3  }
0x36: {  	p1 =	seq.s32 s10, $0x1;
	s10 =	sld [smem:$0x3FA9];
	_ =	sdelay $0x3  }
0x37: {  	[smem:$0x3FA9] =	sst s10  }
0x38: {  	s10 =	sld [smem:$0x3FAA]  }
0x39: {  	_ = 	snop;
	(pc) =	sbr.ind lr, $3  }
0x3a: {  	_ = 	snop  }
0x3b: {  	_ = 	snop  }
0x3c: {  	p2 =	seq.s32 s10, $0x1;
	s10 =	sld [smem:$0x3FA9]  }
0x3d: {  	_ =	shalt  }
0x3e: {  	_ =	shalt  }
0x3f: {  	_ =	shalt  }
0x40: {  	_ =	shalt  }
0x41: {  	_ =	shalt  }
0x42: {  	_ =	shalt  }
0x43: {  	_ =	shalt  }
0x44: {  	_ =	shalt  }
0x45: {  	_ =	shalt  }
0x46: {  	_ =	shalt  }
0x47: {  	_ =	shalt  }
0x48: {  	_ =	shalt  }
0x49: {  	_ =	shalt  }
0x4a: {  	_ =	shalt  }
0x4b: {  	_ =	shalt  }
0x4c: {  	_ =	shalt  }
0x4d: {  	_ =	shalt  }
0x4e: {  	_ =	shalt  }
0x4f: {  	_ =	shalt  }
0x50: {  	_ =	shalt  }
0x51: {  	_ =	shalt  }
0x52: {  	_ =	shalt  }
0x53: {  	_ =	shalt  }
0x54: {  	_ =	shalt  }
0x55: {  	_ =	shalt  }
0x56: {  	_ =	shalt  }
0x57: {  	_ =	shalt  }
0x58: {  	_ =	shalt  }
0x59: {  	_ =	shalt  }
0x5a: {  	_ =	shalt  }
0x5b: {  	_ =	shalt  }
0x5c: {  	_ =	shalt  }
0x5d: {  	_ =	shalt  }
0x5e: {  	_ =	shalt  }
0x5f: {  	_ =	shalt  }
0x60: {  	_ =	shalt  }
0x61: {  	_ =	shalt  }
0x62: {  	_ =	shalt  }
0x63: {  	_ =	shalt  }
0x64: {  	_ =	shalt  }
0x65: {  	_ =	shalt  }
0x66: {  	_ =	shalt  }
0x67: {  	_ =	shalt  }
0x68: {  	_ =	shalt  }
0x69: {  	_ =	shalt  }
0x6a: {  	_ =	shalt  }
0x6b: {  	_ =	shalt  }
0x6c: {  	_ =	shalt  }
0x6d: {  	_ =	shalt  }
0x6e: {  	_ =	shalt  }
0x6f: {  	_ =	shalt  }
0x70: {  	_ =	shalt  }
0x71: {  	_ =	shalt  }
0x72: {  	_ =	shalt  }
0x73: {  	_ =	shalt  }
0x74: {  	_ =	shalt  }
0x75: {  	_ =	shalt  }
0x76: {  	_ =	shalt  }
0x77: {  	_ =	shalt  }
0x78: {  	_ =	shalt  }
0x79: {  	_ =	shalt  }
0x7a: {  	_ =	shalt  }
0x7b: {  	_ =	shalt  }
0x7c: {  	_ =	shalt  }
0x7d: {  	_ =	shalt  }
0x7e: {  	_ =	shalt  }
0x7f: {  	_ =	shalt  }
0x80: {  	_ =	shalt  }
0x81: {  	_ =	shalt  }
0x82: {  	_ =	shalt  }
0x83: {  	_ =	shalt  }
0x84: {  	_ =	shalt  }
0x85: {  	_ =	shalt  }
0x86: {  	_ =	shalt  }
0x87: {  	_ =	shalt  }
.Lfunc_end0:
.L_simem_size_0:
called_computation.3_lowered:
.L_overlay_start_0:
0x88: {  	s2 =	sld [smem:$0x3FD9]  }
0x89: {  	s3 =	sld [smem:$0x3FFE];
	_ =	sdelay $0x1  }
0x8a: {  	s1 =	srdreg.scid  }
0x8b: {  	s0 =	sand.u32 $0x1, s1  }
0x8c: {  	s14 =	sshll.u32 s0, $0xA;
	s2 =	sadd.s32 s3, s2  }
0x8d: {  	s2 =	sadd.s32 s2, s14  }
0x8e: {  	[smem:$0x3FB5] =	sst s2  }
0x8f: {  	_ = 	snop  }
0x90: {  	s2 =	sld [smem:$0x3FD0];
	_ =	sdelay $0x2  }
0x91: {  	s4 =	simm.s32 $0xB;
	s5 =	simm.s32 $0x10;
	s15 =	sld [smem:$0x3FC9]  }
0x92: {  	[smem:s5], [sflag:s4] =	dma.local [hbm:s2], $0x1  }
0x93: {  	_ =	swait.eq [sflag:s4], $0x1  }
0x94: {  	[sflag:s4] =	ssyncset.done $0x0  }
0x95: {  	s16 =	sld [smem:$0x10];
	[sflag:s4] =	ssyncadd.s32 $0xFFFFFFFF  }
0x96: {  	s17 =	sld [smem:$0x11];
	(tm) =	ssettm $0x1  }
0x97: {  	s18 =	sld [smem:$0x3FFB];
	_ =	sdelay $0x3  }
0x98: {  	_ =	strace s18  }
0x99: {  	s5 =	sld [smem:$0x3FFC];
	_ =	sdelay $0x3  }
0x9a: {  	_ =	strace s5  }
0x9b: {  	s5 =	sld [smem:$0x3FFD];
	_ =	sdelay $0x3  }
0x9c: {  	_ =	strace s5  }
0x9d: {  	_ =	strace $0x8FFFFFFF  }
0x9e: {  	s19 =	sld [smem:$0x3FDB];
	_ =	sdelay $0x1  }
0x9f: {  	s6 =	simm.s32 $_scs_section_size  }
0xa0: {  	s7 =	simm.s32 $_size__tile_overlayer_lowered;
	s8 =	simm.s32 $_tile_overlayer_lowered  }
0xa1: {  	s22 =	simm.s32 $0x1BFF;
	s21 =	sshll.u32 s8, $0x1;
	s5 =	sadd.s32 s6, s19  }
0xa2: {  	s9 =	simm.s32 $0x0;
	s20 =	sshll.u32 s7, $0x1;
	s7 =	sadd.s32 s21, s5  }
0xa3: {  	[timem:s9], [sflag:s22] =	dma.local [hbm:s7], s20  }
0xa4: {  	_ =	swait.ge [sflag:s22], s20  }
0xa5: {  	s6 =	ssub.s32 $0x0, s20;
	[sflag:s22] =	ssyncset.done $0x0  }
0xa6: {  	[sflag:s22] =	ssyncadd.s32 s6;
	_ =	sdelay $0x1  }
0xa7: {  	s23 =	simm.s32 $0x1B8B  }
0xa8: {  	_ =	swait.ge [sflag:s23], $0x1  }
0xa9: {  	[sflag:s23] =	ssyncset.done $0x0  }
0xaa: {  	s25 =	simm.s32 $0x1B8E;
	s24 =	sld [smem:$0x3FFE];
	[sflag:s23] =	ssyncadd.s32 $0xFFFFFFFF  }
0xab: {  	s26 =	simm.s32 $execute0_lowered;
	[smem:$0x3FD2] =	sst s25  }
0xac: {  	s7 =	sshll.u32 s26, $0x1;
	_ =	strace $0x8000004F;
	[dreg:$0x1] =	wrdreg $0xFFFFFFFF  }
0xad: {  	s28 =	simm.s32 $_size_execute0_lowered;
	s5 =	sadd.s32 s5, s7;
	[dreg:$0x0] =	wrdreg $0x0  }
0xae: {  	s7 =	sshll.u32 s28, $0x1;
	[dreg:$0x2] =	wrdreg s5  }
0xaf: {  	[dreg:$0x3] =	wrdreg s7  }
0xb0: {  	[dreg:$0x4] =	wrdreg $0xC0  }
0xb1: {  	_ =	task [dreg:s9], $0x5FFFF  }
0xb2: {  	[dreg:$0x1] =	wrdreg $0xFFFFFFFF  }
0xb3: {  	[dreg:$0x0] =	wrdreg $0x60  }
0xb4: {  	[dreg:$0x2] =	wrdreg s17  }
0xb5: {  	[dreg:$0x3] =	wrdreg s16  }
0xb6: {  	[dreg:$0x4] =	wrdreg s15  }
0xb7: {  	[dreg:$0x5] =	wrdreg s24  }
0xb8: {  	[dreg:$0x6] =	wrdreg $0x9  }
0xb9: {  	_ =	task.clear_ibuf [dreg:s9], $0x7FFFF;
	_ =	strace $0x9000004F  }
0xba: {  	s29 =	simm.s32 $0x9;
	_ =	strace $0x80000051  }
0xbb: {  	_ =	swait.ge [sflag:s29], $0x1  }
0xbc: {  	[sflag:s29] =	ssyncadd.s32 $0xFFFFFFFF  }
0xbd: {  	_ =	strace $0x90000051  }
0xbe: {  	_ =	sfence  }
0xbf: {  	s30 =	sld [smem:$0x0];
	_ =	sdelay $0x2  }
0xc0: {  	s31 =	sshll.u32 s1, $0xD;
	s1 =	sshrl.u32 s1, $0x2  }
0xc1: {  	s3 =	sand.u32 $0x4000, s31;
	s1 =	sadd.s32 s1, s30  }
0xc2: {  	s0 =	sor.u32 s3, s0;
	s1 =	sshll.u32 s1, $0x11  }
0xc3: {  	s0 =	sor.u32 s1, s0  }
0xc4: {  	s0 =	sadd.s32 $0x8F2B, s0  }
0xc5: {  	[sflag:s0] =	ssyncadd.remote.s32 $0x1  }
0xc6: {  	_ =	sfence.sel $0xFFFF  }
0xc7: {  	[dreg:$0x0] =	wrdreg $0xFFFFFFFF;
	(pc) =	sbr.abs _section_cstart, $3  }
0xc8: {  	[dreg:$0x1] =	wrdreg $0xFFFFFFFF  }
0xc9: {  	_ =	task.clear_ibuf [dreg:s9], $0x2FFFF;
	_ =	strace $0x9FFFFFFF  }
0xca: {  	(tm) =	ssettm $0x7FFFFFFF  }
0xcb: {  	_ =	shalt  }
tec
execute0_lowered:
.L_overlay_start_1:
0x0: {  	(tag) =	ssettag $0x1  }
0x1: {  	s1 =	rddreg [dreg:$0x0]  }
0x2: {  	s2 =	rddreg [dreg:$0x1]  }
0x3: {  	s0 =	rddreg [dreg:$0x2]  }
0x4: {  	s3 =	rddreg [dreg:$0x3];
	s4 =	srdreg.scid  }
0x5: {  	s6 =	stileid.u32;
	s24 =	simm.s32 $0x80;
	s25 =	simm.s32 $0x100  }
0x6: {  	s26 =	simm.s32 $0x180;
	s17 =	simm.s32 $0x1200;
	s18 =	simm.s32 $0x1A00  }
0x7: {  	s19 =	simm.s32 $0x2200;
	s20 =	simm.s32 $0x2A00;
	s28 =	simm.s32 $0x6200  }
0x8: {  	s29 =	simm.s32 $0x6A00;
	s30 =	simm.s32 $0x7200;
	s31 =	simm.s32 $0x7A00  }
0x9: {  	s9 =	simm.s32 $0xA200;
	s10 =	simm.s32 $0xAA00;
	s11 =	simm.s32 $0xB200  }
0xa: {  	s12 =	simm.s32 $0xBA00;
	s13 =	simm.s32 $0xC200;
	s14 =	simm.s32 $0xCA00  }
0xb: {  	s5 =	sand.u32 $0x1, s4;
	s4 =	simm.s32 $0x0;
	s6 =	sshll.u32 s6, $0x6  }
0xc: {  	s3 =	sadd.s32 $0x3400, s3;
	s7 =	sshll.u32 s5, $0x5;
	[smem:$0x7FF] =	sst s4  }
0xd: {  	s5 =	ssub.s32 $0x2, s5;
	_ =	strace $0x80000050;
	[dreg:$0x9] =	wrdreg s24  }
0xe: {  	s6 =	sor.u32 s7, s6;
	s23 =	sshrl.u32 s5, $0x1;
	[dreg:$0xa] =	wrdreg s25  }
0xf: {  	[dreg:$0xb] =	wrdreg s26;
	s24 =	simm.s32 $0x4A00;
	s25 =	simm.s32 $0x5200  }
0x10: {  	s26 =	simm.s32 $0x5A00;
	s7 =	sadd.s32 s0, s6;
	s8 =	sor.u32 $0x10, s6  }
0x11: {  	s21 =	sadd.s32 s3, s6;
	s6 =	simm.s32 $0x3;
	[dreg:$0x5] =	wrdreg s7  }
0x12: {  	s0 =	sadd.s32 s0, s8;
	[dreg:$0x7] =	wrdreg s21;
	s22 =	sadd.s32 s3, s8  }
0x13: {  	v2 =	vlaneseq.u32;
	s3 =	ssub.s32 s5, s23;
	s21 =	simm.s32 $0x3200;
	s23 =	simm.s32 $0x4200  }
0x14: {  	vm0 =	vmmov $0xffff;
	v1 =	vshrl.u32 v2, $0x3;
	s7 =	simm.s32 $0x9200;
	s8 =	simm.s32 $0x9A00;
	[dreg:$0x6] =	wrdreg s0  }
0x15: {  	v0 =	vand.u32 $0x7, v2;
	v2 =	vor.u32 $0x8, v2;
	v1 =	vmul.u32 $0x8, v1;
	[dreg:$0x8] =	wrdreg s22;
	s5 =	smax.u32 s3, $0x1;
	s22 =	simm.s32 $0x3A00  }
.LBB2_1:
0x16: {  	s15 =	rddreg [dreg:$0x5]  }
0x17: {  	[tilespmem:s4], [sflag:$0x3] =	stream.linear.gather [hbm4b:s15+s4], $0x80, $0x38;
	[tilespmem:$0x10200] =	vst v63  }
0x18: {  	_ =	swait.ge [sflag:s6], $0x80  }
0x19: {  	s3 =	rddreg [dreg:$0x6];
	[sflag:s6] =	ssyncset.done $0x0  }
0x1a: {  	s16 =	rddreg [dreg:$0x9];
	[sflag:s6] =	ssyncadd.s32 $0xFFFFFF80  }
0x1b: {  	[tilespmem:s16], [sflag:$0x3] =	stream.linear.gather [hbm4b:s3+s4], $0x80, $0x38;
	[tilespmem:$0x10200] =	vst v63  }
0x1c: {  	_ =	swait.ge [sflag:s6], $0x80  }
0x1d: {  	s0 =	rddreg [dreg:$0x7];
	[sflag:s6] =	ssyncset.done $0x0  }
0x1e: {  	s3 =	rddreg [dreg:$0xa];
	[sflag:s6] =	ssyncadd.s32 $0xFFFFFF80  }
0x1f: {  	[tilespmem:s3], [sflag:$0x3] =	stream.linear.gather [hbm4b:s0+s4], $0x80, $0x38;
	[tilespmem:$0x10200] =	vst v63  }
0x20: {  	_ =	swait.ge [sflag:s6], $0x80  }
0x21: {  	s0 =	rddreg [dreg:$0x8];
	[sflag:s6] =	ssyncset.done $0x0  }
0x22: {  	s3 =	rddreg [dreg:$0xb];
	[sflag:s6] =	ssyncadd.s32 $0xFFFFFF80  }
0x23: {  	[tilespmem:s3], [sflag:$0x3] =	stream.linear.gather [hbm4b:s0+s4], $0x80, $0x38;
	[tilespmem:$0x10200] =	vst v63  }
0x24: {  	_ =	swait.ge [sflag:s6], $0x80  }
0x25: {  	[sflag:s6] =	ssyncset.done $0x0  }
0x26: {  	[sflag:s6] =	ssyncadd.s32 $0xFFFFFF80  }
0x27: {  	v3 =	vld [tilespmem:$0x100];
	_ =	sdelay $0x4  }
0x28: {  	v4 =	vshll.u32 v3, $0x1  }
0x29: {  	v3 =	vand.u32 $0x7, v3;
	v4 =	vand.u32 $0xFFFFFFF0, v4  }
0x2a: {  	v3 =	vor.u32 v3, v4  }
0x2b: {  	v4 =	vperm.xlane v3, v0;
	_ =	sdelay $0x1  }
0x2c: {  	v3 =	vperm.xlane v3, v2;
	v4 =	vadd.s32 v1, v4;
	_ =	sdelay $0x1  }
0x2d: {  	v3 =	vadd.s32 v1, v3;
	_ =	sdelay $0x1  }
0x2e: {  	s15 =	simm.s32 $0x200  }
0x2f: {  	[tilespmem:s15], [sflag:$0x1] =	stream.indirect_vreg.gather [hbm4b:s2+s4], $0x80, v4, vm0, $0xb8;
	[tilespmem:$0x10200] =	vst v63  }
0x30: {  	s16 =	simm.s32 $0xA00  }
0x31: {  	[tilespmem:s16], [sflag:$0x1] =	stream.indirect_vreg.gather [hbm4b:s2+s4], $0x80, v3, vm0, $0xb8;
	[tilespmem:$0x10200] =	vst v63  }
0x32: {  	v3 =	vld [tilespmem:$0x110];
	_ =	sdelay $0x4  }
0x33: {  	v33 =	vshll.u32 v3, $0x1  }
0x34: {  	v3 =	vand.u32 $0x7, v3;
	v4 =	vand.u32 $0xFFFFFFF0, v33  }
0x35: {  	v3 =	vor.u32 v3, v4  }
0x36: {  	v4 =	vperm.xlane v3, v0;
	_ =	sdelay $0x1  }
0x37: {  	v3 =	vperm.xlane v3, v2;
	v4 =	vadd.s32 v1, v4;
	_ =	sdelay $0x1  }
0x38: {  	v3 =	vadd.s32 v1, v3;
	_ =	sdelay $0x2  }
0x39: {  	[tilespmem:s17], [sflag:$0x1] =	stream.indirect_vreg.gather [hbm4b:s2+s4], $0x80, v4, vm0, $0xb8;
	[tilespmem:$0x10200] =	vst v63  }
0x3a: {  	_ = 	snop  }
0x3b: {  	[tilespmem:s18], [sflag:$0x1] =	stream.indirect_vreg.gather [hbm4b:s2+s4], $0x80, v3, vm0, $0xb8;
	[tilespmem:$0x10200] =	vst v63  }
0x3c: {  	v3 =	vld [tilespmem:$0x120];
	_ =	sdelay $0x4  }
0x3d: {  	v34 =	vshll.u32 v3, $0x1  }
0x3e: {  	v3 =	vand.u32 $0x7, v3;
	v4 =	vand.u32 $0xFFFFFFF0, v34  }
0x3f: {  	v3 =	vor.u32 v3, v4  }
0x40: {  	v4 =	vperm.xlane v3, v0;
	_ =	sdelay $0x1  }
0x41: {  	v3 =	vperm.xlane v3, v2;
	v4 =	vadd.s32 v1, v4;
	_ =	sdelay $0x1  }
0x42: {  	v3 =	vadd.s32 v1, v3;
	_ =	sdelay $0x2  }
0x43: {  	[tilespmem:s19], [sflag:$0x1] =	stream.indirect_vreg.gather [hbm4b:s2+s4], $0x80, v4, vm0, $0xb8;
	[tilespmem:$0x10200] =	vst v63  }
0x44: {  	_ = 	snop  }
0x45: {  	[tilespmem:s20], [sflag:$0x1] =	stream.indirect_vreg.gather [hbm4b:s2+s4], $0x80, v3, vm0, $0xb8;
	[tilespmem:$0x10200] =	vst v63  }
0x46: {  	v3 =	vld [tilespmem:$0x130];
	_ =	sdelay $0x4  }
0x47: {  	v35 =	vshll.u32 v3, $0x1  }
0x48: {  	v3 =	vand.u32 $0x7, v3;
	v4 =	vand.u32 $0xFFFFFFF0, v35  }
0x49: {  	v3 =	vor.u32 v3, v4  }
0x4a: {  	v4 =	vperm.xlane v3, v0;
	_ =	sdelay $0x1  }
0x4b: {  	v3 =	vperm.xlane v3, v2;
	v4 =	vadd.s32 v1, v4;
	_ =	sdelay $0x1  }
0x4c: {  	v3 =	vadd.s32 v1, v3;
	_ =	sdelay $0x2  }
0x4d: {  	[tilespmem:s21], [sflag:$0x1] =	stream.indirect_vreg.gather [hbm4b:s2+s4], $0x80, v4, vm0, $0xb8;
	[tilespmem:$0x10200] =	vst v63  }
0x4e: {  	_ = 	snop  }
0x4f: {  	[tilespmem:s22], [sflag:$0x1] =	stream.indirect_vreg.gather [hbm4b:s2+s4], $0x80, v3, vm0, $0xb8;
	[tilespmem:$0x10200] =	vst v63  }
0x50: {  	v3 =	vld [tilespmem:$0x140];
	_ =	sdelay $0x4  }
0x51: {  	v36 =	vshll.u32 v3, $0x1  }
0x52: {  	v3 =	vand.u32 $0x7, v3;
	v4 =	vand.u32 $0xFFFFFFF0, v36  }
0x53: {  	v3 =	vor.u32 v3, v4  }
0x54: {  	v4 =	vperm.xlane v3, v0;
	_ =	sdelay $0x1  }
0x55: {  	v3 =	vperm.xlane v3, v2;
	v4 =	vadd.s32 v1, v4;
	_ =	sdelay $0x1  }
0x56: {  	v3 =	vadd.s32 v1, v3;
	_ =	sdelay $0x2  }
0x57: {  	[tilespmem:s23], [sflag:$0x1] =	stream.indirect_vreg.gather [hbm4b:s2+s4], $0x80, v4, vm0, $0xb8;
	[tilespmem:$0x10200] =	vst v63  }
0x58: {  	_ = 	snop  }
0x59: {  	[tilespmem:s24], [sflag:$0x1] =	stream.indirect_vreg.gather [hbm4b:s2+s4], $0x80, v3, vm0, $0xb8;
	[tilespmem:$0x10200] =	vst v63  }
0x5a: {  	v3 =	vld [tilespmem:$0x150];
	_ =	sdelay $0x4  }
0x5b: {  	v37 =	vshll.u32 v3, $0x1  }
0x5c: {  	v3 =	vand.u32 $0x7, v3;
	v4 =	vand.u32 $0xFFFFFFF0, v37  }
0x5d: {  	v3 =	vor.u32 v3, v4  }
0x5e: {  	v4 =	vperm.xlane v3, v0;
	_ =	sdelay $0x1  }
0x5f: {  	v3 =	vperm.xlane v3, v2;
	v4 =	vadd.s32 v1, v4;
	_ =	sdelay $0x1  }
0x60: {  	v3 =	vadd.s32 v1, v3;
	_ =	sdelay $0x2  }
0x61: {  	[tilespmem:s25], [sflag:$0x1] =	stream.indirect_vreg.gather [hbm4b:s2+s4], $0x80, v4, vm0, $0xb8;
	[tilespmem:$0x10200] =	vst v63  }
0x62: {  	_ = 	snop  }
0x63: {  	[tilespmem:s26], [sflag:$0x1] =	stream.indirect_vreg.gather [hbm4b:s2+s4], $0x80, v3, vm0, $0xb8;
	[tilespmem:$0x10200] =	vst v63  }
0x64: {  	v3 =	vld [tilespmem:$0x160];
	_ =	sdelay $0x4  }
0x65: {  	v38 =	vshll.u32 v3, $0x1  }
0x66: {  	v3 =	vand.u32 $0x7, v3;
	v4 =	vand.u32 $0xFFFFFFF0, v38  }
0x67: {  	v3 =	vor.u32 v3, v4  }
0x68: {  	v4 =	vperm.xlane v3, v0;
	_ =	sdelay $0x1  }
0x69: {  	v3 =	vperm.xlane v3, v2;
	v4 =	vadd.s32 v1, v4;
	_ =	sdelay $0x1  }
0x6a: {  	v3 =	vadd.s32 v1, v3;
	_ =	sdelay $0x2  }
0x6b: {  	[tilespmem:s28], [sflag:$0x1] =	stream.indirect_vreg.gather [hbm4b:s2+s4], $0x80, v4, vm0, $0xb8;
	[tilespmem:$0x10200] =	vst v63  }
0x6c: {  	_ = 	snop  }
0x6d: {  	[tilespmem:s29], [sflag:$0x1] =	stream.indirect_vreg.gather [hbm4b:s2+s4], $0x80, v3, vm0, $0xb8;
	[tilespmem:$0x10200] =	vst v63  }
0x6e: {  	v3 =	vld [tilespmem:$0x170];
	_ =	sdelay $0x4  }
0x6f: {  	v39 =	vshll.u32 v3, $0x1  }
0x70: {  	v3 =	vand.u32 $0x7, v3;
	v4 =	vand.u32 $0xFFFFFFF0, v39  }
0x71: {  	v3 =	vor.u32 v3, v4  }
0x72: {  	v4 =	vperm.xlane v3, v0;
	_ =	sdelay $0x1  }
0x73: {  	v3 =	vperm.xlane v3, v2;
	v4 =	vadd.s32 v1, v4;
	_ =	sdelay $0x1  }
0x74: {  	v3 =	vadd.s32 v1, v3;
	_ =	sdelay $0x2  }
0x75: {  	[tilespmem:s30], [sflag:$0x1] =	stream.indirect_vreg.gather [hbm4b:s2+s4], $0x80, v4, vm0, $0xb8;
	[tilespmem:$0x10200] =	vst v63  }
0x76: {  	_ = 	snop  }
0x77: {  	[tilespmem:s31], [sflag:$0x1] =	stream.indirect_vreg.gather [hbm4b:s2+s4], $0x80, v3, vm0, $0xb8;
	[tilespmem:$0x10200] =	vst v63  }
0x78: {  	v3 =	vld [tilespmem:$0x180];
	_ =	sdelay $0x4  }
0x79: {  	v40 =	vshll.u32 v3, $0x1  }
0x7a: {  	v3 =	vand.u32 $0x7, v3;
	v4 =	vand.u32 $0xFFFFFFF0, v40  }
0x7b: {  	v3 =	vor.u32 v3, v4  }
0x7c: {  	v4 =	vperm.xlane v3, v0;
	_ =	sdelay $0x1  }
0x7d: {  	v3 =	vperm.xlane v3, v2;
	v4 =	vadd.s32 v1, v4;
	_ =	sdelay $0x1  }
0x7e: {  	v3 =	vadd.s32 v1, v3;
	_ =	sdelay $0x1  }
0x7f: {  	s0 =	simm.s32 $0x8200  }
0x80: {  	[tilespmem:s0], [sflag:$0x2] =	stream.indirect_vreg.gather [hbm4b:s2+s4], $0x80, v4, vm0, $0xb8;
	[tilespmem:$0x10200] =	vst v63  }
0x81: {  	s3 =	simm.s32 $0x8A00  }
0x82: {  	[tilespmem:s3], [sflag:$0x2] =	stream.indirect_vreg.gather [hbm4b:s2+s4], $0x80, v3, vm0, $0xb8;
	[tilespmem:$0x10200] =	vst v63  }
0x83: {  	v3 =	vld [tilespmem:$0x190];
	_ =	sdelay $0x4  }
0x84: {  	v41 =	vshll.u32 v3, $0x1  }
0x85: {  	v3 =	vand.u32 $0x7, v3;
	v4 =	vand.u32 $0xFFFFFFF0, v41  }
0x86: {  	v3 =	vor.u32 v3, v4  }
0x87: {  	v4 =	vperm.xlane v3, v0;
	_ =	sdelay $0x1  }
0x88: {  	v3 =	vperm.xlane v3, v2;
	v4 =	vadd.s32 v1, v4;
	_ =	sdelay $0x1  }
0x89: {  	v3 =	vadd.s32 v1, v3;
	_ =	sdelay $0x2  }
0x8a: {  	[tilespmem:s7], [sflag:$0x2] =	stream.indirect_vreg.gather [hbm4b:s2+s4], $0x80, v4, vm0, $0xb8;
	[tilespmem:$0x10200] =	vst v63  }
0x8b: {  	_ = 	snop  }
0x8c: {  	[tilespmem:s8], [sflag:$0x2] =	stream.indirect_vreg.gather [hbm4b:s2+s4], $0x80, v3, vm0, $0xb8;
	[tilespmem:$0x10200] =	vst v63  }
0x8d: {  	v3 =	vld [tilespmem:$0x1A0];
	_ =	sdelay $0x4  }
0x8e: {  	v42 =	vshll.u32 v3, $0x1  }
0x8f: {  	v3 =	vand.u32 $0x7, v3;
	v4 =	vand.u32 $0xFFFFFFF0, v42  }
0x90: {  	v3 =	vor.u32 v3, v4  }
0x91: {  	v4 =	vperm.xlane v3, v0;
	_ =	sdelay $0x1  }
0x92: {  	v3 =	vperm.xlane v3, v2;
	v4 =	vadd.s32 v1, v4;
	_ =	sdelay $0x1  }
0x93: {  	v3 =	vadd.s32 v1, v3;
	_ =	sdelay $0x2  }
0x94: {  	[tilespmem:s9], [sflag:$0x2] =	stream.indirect_vreg.gather [hbm4b:s2+s4], $0x80, v4, vm0, $0xb8;
	[tilespmem:$0x10200] =	vst v63  }
0x95: {  	_ = 	snop  }
0x96: {  	[tilespmem:s10], [sflag:$0x2] =	stream.indirect_vreg.gather [hbm4b:s2+s4], $0x80, v3, vm0, $0xb8;
	[tilespmem:$0x10200] =	vst v63  }
0x97: {  	v3 =	vld [tilespmem:$0x1B0];
	_ =	sdelay $0x4  }
0x98: {  	v43 =	vshll.u32 v3, $0x1  }
0x99: {  	v3 =	vand.u32 $0x7, v3;
	v4 =	vand.u32 $0xFFFFFFF0, v43  }
0x9a: {  	v3 =	vor.u32 v3, v4  }
0x9b: {  	v4 =	vperm.xlane v3, v0;
	_ =	sdelay $0x1  }
0x9c: {  	v3 =	vperm.xlane v3, v2;
	v4 =	vadd.s32 v1, v4;
	_ =	sdelay $0x1  }
0x9d: {  	v3 =	vadd.s32 v1, v3;
	_ =	sdelay $0x2  }
0x9e: {  	[tilespmem:s11], [sflag:$0x2] =	stream.indirect_vreg.gather [hbm4b:s2+s4], $0x80, v4, vm0, $0xb8;
	[tilespmem:$0x10200] =	vst v63  }
0x9f: {  	_ = 	snop  }
0xa0: {  	[tilespmem:s12], [sflag:$0x2] =	stream.indirect_vreg.gather [hbm4b:s2+s4], $0x80, v3, vm0, $0xb8;
	[tilespmem:$0x10200] =	vst v63  }
0xa1: {  	v3 =	vld [tilespmem:$0x1C0];
	_ =	sdelay $0x4  }
0xa2: {  	v44 =	vshll.u32 v3, $0x1  }
0xa3: {  	v3 =	vand.u32 $0x7, v3;
	v4 =	vand.u32 $0xFFFFFFF0, v44  }
0xa4: {  	v3 =	vor.u32 v3, v4  }
0xa5: {  	v4 =	vperm.xlane v3, v0;
	_ =	sdelay $0x1  }
0xa6: {  	v3 =	vperm.xlane v3, v2;
	v4 =	vadd.s32 v1, v4;
	_ =	sdelay $0x1  }
0xa7: {  	v3 =	vadd.s32 v1, v3;
	_ =	sdelay $0x2  }
0xa8: {  	[tilespmem:s13], [sflag:$0x2] =	stream.indirect_vreg.gather [hbm4b:s2+s4], $0x80, v4, vm0, $0xb8;
	[tilespmem:$0x10200] =	vst v63  }
0xa9: {  	_ = 	snop  }
0xaa: {  	[tilespmem:s14], [sflag:$0x2] =	stream.indirect_vreg.gather [hbm4b:s2+s4], $0x80, v3, vm0, $0xb8;
	[tilespmem:$0x10200] =	vst v63  }
0xab: {  	v3 =	vld [tilespmem:$0x1D0];
	_ =	sdelay $0x4  }
0xac: {  	v45 =	vshll.u32 v3, $0x1  }
0xad: {  	v3 =	vand.u32 $0x7, v3;
	v4 =	vand.u32 $0xFFFFFFF0, v45  }
0xae: {  	v3 =	vor.u32 v3, v4  }
0xaf: {  	v4 =	vperm.xlane v3, v0;
	_ =	sdelay $0x1  }
0xb0: {  	v3 =	vperm.xlane v3, v2;
	v4 =	vadd.s32 v1, v4;
	_ =	sdelay $0x1  }
0xb1: {  	v3 =	vadd.s32 v1, v3;
	_ =	sdelay $0x1  }
0xb2: {  	s0 =	simm.s32 $0xD200  }
0xb3: {  	[tilespmem:s0], [sflag:$0x2] =	stream.indirect_vreg.gather [hbm4b:s2+s4], $0x80, v4, vm0, $0xb8;
	[tilespmem:$0x10200] =	vst v63  }
0xb4: {  	s0 =	simm.s32 $0xDA00  }
0xb5: {  	[tilespmem:s0], [sflag:$0x2] =	stream.indirect_vreg.gather [hbm4b:s2+s4], $0x80, v3, vm0, $0xb8;
	[tilespmem:$0x10200] =	vst v63  }
0xb6: {  	v3 =	vld [tilespmem:$0x1E0];
	_ =	sdelay $0x4  }
0xb7: {  	v46 =	vshll.u32 v3, $0x1  }
0xb8: {  	v3 =	vand.u32 $0x7, v3;
	v4 =	vand.u32 $0xFFFFFFF0, v46  }
0xb9: {  	v3 =	vor.u32 v3, v4  }
0xba: {  	v4 =	vperm.xlane v3, v0;
	_ =	sdelay $0x1  }
0xbb: {  	v3 =	vperm.xlane v3, v2;
	v4 =	vadd.s32 v1, v4;
	_ =	sdelay $0x1  }
0xbc: {  	v3 =	vadd.s32 v1, v3;
	_ =	sdelay $0x1  }
0xbd: {  	s0 =	simm.s32 $0xE200  }
0xbe: {  	[tilespmem:s0], [sflag:$0x2] =	stream.indirect_vreg.gather [hbm4b:s2+s4], $0x80, v4, vm0, $0xb8;
	[tilespmem:$0x10200] =	vst v63  }
0xbf: {  	s0 =	simm.s32 $0xEA00  }
0xc0: {  	[tilespmem:s0], [sflag:$0x2] =	stream.indirect_vreg.gather [hbm4b:s2+s4], $0x80, v3, vm0, $0xb8;
	[tilespmem:$0x10200] =	vst v63  }
0xc1: {  	v3 =	vld [tilespmem:$0x1F0];
	_ =	sdelay $0x4  }
0xc2: {  	v47 =	vshll.u32 v3, $0x1  }
0xc3: {  	v3 =	vand.u32 $0x7, v3;
	v4 =	vand.u32 $0xFFFFFFF0, v47  }
0xc4: {  	v3 =	vor.u32 v3, v4  }
0xc5: {  	v4 =	vperm.xlane v3, v0;
	_ =	sdelay $0x1  }
0xc6: {  	v3 =	vperm.xlane v3, v2;
	v4 =	vadd.s32 v1, v4;
	_ =	sdelay $0x1  }
0xc7: {  	v3 =	vadd.s32 v1, v3;
	_ =	sdelay $0x1  }
0xc8: {  	s0 =	simm.s32 $0xF200  }
0xc9: {  	[tilespmem:s0], [sflag:$0x2] =	stream.indirect_vreg.gather [hbm4b:s2+s4], $0x80, v4, vm0, $0xb8;
	[tilespmem:$0x10200] =	vst v63  }
0xca: {  	s0 =	simm.s32 $0xFA00  }
0xcb: {  	[tilespmem:s0], [sflag:$0x2] =	stream.indirect_vreg.gather [hbm4b:s2+s4], $0x80, v3, vm0, $0xb8;
	[tilespmem:$0x10200] =	vst v63  }
0xcc: {  	s0 =	simm.s32 $0x1  }
0xcd: {  	_ =	swait.ge [sflag:s0], $0x8000  }
0xce: {  	[sflag:s0] =	ssyncset.done $0x0  }
0xcf: {  	[sflag:s0] =	ssyncadd.s32 $0xFFFF8000  }
0xd0: {  	v3 =	vld [tilespmem:$0x0];
	_ =	sdelay $0x4  }
0xd1: {  	v48 =	vshll.u32 v3, $0x1  }
0xd2: {  	v3 =	vand.u32 $0x7, v3;
	v4 =	vand.u32 $0xFFFFFFF0, v48  }
0xd3: {  	v3 =	vor.u32 v3, v4  }
0xd4: {  	v4 =	vperm.xlane v3, v0;
	_ =	sdelay $0x1  }
0xd5: {  	v3 =	vperm.xlane v3, v2;
	v4 =	vadd.s32 v1, v4;
	_ =	sdelay $0x1  }
0xd6: {  	v3 =	vadd.s32 v1, v3;
	_ =	sdelay $0x2  }
0xd7: {  	[hbm4b:s1+s4] =	stream.indirect_vreg.scatter [tilespmem:s15], [sflag:$0x1], $0x80, v4, vm0, $0xb8;
	[tilespmem:$0x10200] =	vst v63  }
0xd8: {  	_ = 	snop  }
0xd9: {  	[hbm4b:s1+s4] =	stream.indirect_vreg.scatter [tilespmem:s16], [sflag:$0x1], $0x80, v3, vm0, $0xb8;
	[tilespmem:$0x10200] =	vst v63  }
0xda: {  	v3 =	vld [tilespmem:$0x10];
	_ =	sdelay $0x4  }
0xdb: {  	v49 =	vshll.u32 v3, $0x1  }
0xdc: {  	v3 =	vand.u32 $0x7, v3;
	v4 =	vand.u32 $0xFFFFFFF0, v49  }
0xdd: {  	v3 =	vor.u32 v3, v4  }
0xde: {  	v4 =	vperm.xlane v3, v0;
	_ =	sdelay $0x1  }
0xdf: {  	v3 =	vperm.xlane v3, v2;
	v4 =	vadd.s32 v1, v4;
	_ =	sdelay $0x1  }
0xe0: {  	v3 =	vadd.s32 v1, v3;
	_ =	sdelay $0x2  }
0xe1: {  	[hbm4b:s1+s4] =	stream.indirect_vreg.scatter [tilespmem:s17], [sflag:$0x1], $0x80, v4, vm0, $0xb8;
	[tilespmem:$0x10200] =	vst v63  }
0xe2: {  	_ = 	snop  }
0xe3: {  	[hbm4b:s1+s4] =	stream.indirect_vreg.scatter [tilespmem:s18], [sflag:$0x1], $0x80, v3, vm0, $0xb8;
	[tilespmem:$0x10200] =	vst v63  }
0xe4: {  	v3 =	vld [tilespmem:$0x20];
	_ =	sdelay $0x4  }
0xe5: {  	v50 =	vshll.u32 v3, $0x1  }
0xe6: {  	v3 =	vand.u32 $0x7, v3;
	v4 =	vand.u32 $0xFFFFFFF0, v50  }
0xe7: {  	v3 =	vor.u32 v3, v4  }
0xe8: {  	v4 =	vperm.xlane v3, v0;
	_ =	sdelay $0x1  }
0xe9: {  	v3 =	vperm.xlane v3, v2;
	v4 =	vadd.s32 v1, v4;
	_ =	sdelay $0x1  }
0xea: {  	v3 =	vadd.s32 v1, v3;
	_ =	sdelay $0x2  }
0xeb: {  	[hbm4b:s1+s4] =	stream.indirect_vreg.scatter [tilespmem:s19], [sflag:$0x1], $0x80, v4, vm0, $0xb8;
	[tilespmem:$0x10200] =	vst v63  }
0xec: {  	_ = 	snop  }
0xed: {  	[hbm4b:s1+s4] =	stream.indirect_vreg.scatter [tilespmem:s20], [sflag:$0x1], $0x80, v3, vm0, $0xb8;
	[tilespmem:$0x10200] =	vst v63  }
0xee: {  	v3 =	vld [tilespmem:$0x30];
	_ =	sdelay $0x4  }
0xef: {  	v51 =	vshll.u32 v3, $0x1  }
0xf0: {  	v3 =	vand.u32 $0x7, v3;
	v4 =	vand.u32 $0xFFFFFFF0, v51  }
0xf1: {  	v3 =	vor.u32 v3, v4  }
0xf2: {  	v4 =	vperm.xlane v3, v0;
	_ =	sdelay $0x1  }
0xf3: {  	v3 =	vperm.xlane v3, v2;
	v4 =	vadd.s32 v1, v4;
	_ =	sdelay $0x1  }
0xf4: {  	v3 =	vadd.s32 v1, v3;
	_ =	sdelay $0x2  }
0xf5: {  	[hbm4b:s1+s4] =	stream.indirect_vreg.scatter [tilespmem:s21], [sflag:$0x1], $0x80, v4, vm0, $0xb8;
	[tilespmem:$0x10200] =	vst v63  }
0xf6: {  	_ = 	snop  }
0xf7: {  	[hbm4b:s1+s4] =	stream.indirect_vreg.scatter [tilespmem:s22], [sflag:$0x1], $0x80, v3, vm0, $0xb8;
	[tilespmem:$0x10200] =	vst v63  }
0xf8: {  	v3 =	vld [tilespmem:$0x40];
	_ =	sdelay $0x4  }
0xf9: {  	v52 =	vshll.u32 v3, $0x1  }
0xfa: {  	v3 =	vand.u32 $0x7, v3;
	v4 =	vand.u32 $0xFFFFFFF0, v52  }
0xfb: {  	v3 =	vor.u32 v3, v4  }
0xfc: {  	v4 =	vperm.xlane v3, v0;
	_ =	sdelay $0x1  }
0xfd: {  	v3 =	vperm.xlane v3, v2;
	v4 =	vadd.s32 v1, v4;
	_ =	sdelay $0x1  }
0xfe: {  	v3 =	vadd.s32 v1, v3;
	_ =	sdelay $0x2  }
0xff: {  	[hbm4b:s1+s4] =	stream.indirect_vreg.scatter [tilespmem:s23], [sflag:$0x1], $0x80, v4, vm0, $0xb8;
	[tilespmem:$0x10200] =	vst v63  }
0x100: {  	_ = 	snop  }
0x101: {  	[hbm4b:s1+s4] =	stream.indirect_vreg.scatter [tilespmem:s24], [sflag:$0x1], $0x80, v3, vm0, $0xb8;
	[tilespmem:$0x10200] =	vst v63  }
0x102: {  	v3 =	vld [tilespmem:$0x50];
	_ =	sdelay $0x4  }
0x103: {  	v53 =	vshll.u32 v3, $0x1  }
0x104: {  	v3 =	vand.u32 $0x7, v3;
	v4 =	vand.u32 $0xFFFFFFF0, v53  }
0x105: {  	v3 =	vor.u32 v3, v4  }
0x106: {  	v4 =	vperm.xlane v3, v0;
	_ =	sdelay $0x1  }
0x107: {  	v3 =	vperm.xlane v3, v2;
	v4 =	vadd.s32 v1, v4;
	_ =	sdelay $0x1  }
0x108: {  	v3 =	vadd.s32 v1, v3;
	_ =	sdelay $0x2  }
0x109: {  	[hbm4b:s1+s4] =	stream.indirect_vreg.scatter [tilespmem:s25], [sflag:$0x1], $0x80, v4, vm0, $0xb8;
	[tilespmem:$0x10200] =	vst v63  }
0x10a: {  	_ = 	snop  }
0x10b: {  	[hbm4b:s1+s4] =	stream.indirect_vreg.scatter [tilespmem:s26], [sflag:$0x1], $0x80, v3, vm0, $0xb8;
	[tilespmem:$0x10200] =	vst v63  }
0x10c: {  	v3 =	vld [tilespmem:$0x60];
	_ =	sdelay $0x4  }
0x10d: {  	v54 =	vshll.u32 v3, $0x1  }
0x10e: {  	v3 =	vand.u32 $0x7, v3;
	v4 =	vand.u32 $0xFFFFFFF0, v54  }
0x10f: {  	v3 =	vor.u32 v3, v4  }
0x110: {  	v4 =	vperm.xlane v3, v0;
	_ =	sdelay $0x1  }
0x111: {  	v3 =	vperm.xlane v3, v2;
	v4 =	vadd.s32 v1, v4;
	_ =	sdelay $0x1  }
0x112: {  	v3 =	vadd.s32 v1, v3;
	_ =	sdelay $0x2  }
0x113: {  	[hbm4b:s1+s4] =	stream.indirect_vreg.scatter [tilespmem:s28], [sflag:$0x1], $0x80, v4, vm0, $0xb8;
	[tilespmem:$0x10200] =	vst v63  }
0x114: {  	_ = 	snop  }
0x115: {  	[hbm4b:s1+s4] =	stream.indirect_vreg.scatter [tilespmem:s29], [sflag:$0x1], $0x80, v3, vm0, $0xb8;
	[tilespmem:$0x10200] =	vst v63  }
0x116: {  	v3 =	vld [tilespmem:$0x70];
	_ =	sdelay $0x4  }
0x117: {  	v55 =	vshll.u32 v3, $0x1  }
0x118: {  	v3 =	vand.u32 $0x7, v3;
	v4 =	vand.u32 $0xFFFFFFF0, v55  }
0x119: {  	v3 =	vor.u32 v3, v4  }
0x11a: {  	v4 =	vperm.xlane v3, v0;
	_ =	sdelay $0x1  }
0x11b: {  	v3 =	vperm.xlane v3, v2;
	v4 =	vadd.s32 v1, v4;
	_ =	sdelay $0x1  }
0x11c: {  	v3 =	vadd.s32 v1, v3;
	_ =	sdelay $0x2  }
0x11d: {  	[hbm4b:s1+s4] =	stream.indirect_vreg.scatter [tilespmem:s30], [sflag:$0x1], $0x80, v4, vm0, $0xb8;
	[tilespmem:$0x10200] =	vst v63  }
0x11e: {  	s15 =	simm.s32 $0x2  }
0x11f: {  	[hbm4b:s1+s4] =	stream.indirect_vreg.scatter [tilespmem:s31], [sflag:$0x1], $0x80, v3, vm0, $0xb8;
	[tilespmem:$0x10200] =	vst v63  }
0x120: {  	_ =	swait.ge [sflag:s15], $0x8000  }
0x121: {  	[sflag:s15] =	ssyncset.done $0x0  }
0x122: {  	[sflag:s15] =	ssyncadd.s32 $0xFFFF8000  }
0x123: {  	v3 =	vld [tilespmem:$0x80];
	_ =	sdelay $0x4  }
0x124: {  	v56 =	vshll.u32 v3, $0x1  }
0x125: {  	v3 =	vand.u32 $0x7, v3;
	v4 =	vand.u32 $0xFFFFFFF0, v56  }
0x126: {  	v3 =	vor.u32 v3, v4  }
0x127: {  	v4 =	vperm.xlane v3, v0;
	_ =	sdelay $0x1  }
0x128: {  	v3 =	vperm.xlane v3, v2;
	v4 =	vadd.s32 v1, v4;
	_ =	sdelay $0x1  }
0x129: {  	v3 =	vadd.s32 v1, v3;
	_ =	sdelay $0x1  }
0x12a: {  	s16 =	simm.s32 $0x8200  }
0x12b: {  	[hbm4b:s1+s4] =	stream.indirect_vreg.scatter [tilespmem:s16], [sflag:$0x2], $0x80, v4, vm0, $0xb8;
	[tilespmem:$0x10200] =	vst v63  }
0x12c: {  	_ = 	snop  }
0x12d: {  	[hbm4b:s1+s4] =	stream.indirect_vreg.scatter [tilespmem:s3], [sflag:$0x2], $0x80, v3, vm0, $0xb8;
	[tilespmem:$0x10200] =	vst v63  }
0x12e: {  	v3 =	vld [tilespmem:$0x90];
	_ =	sdelay $0x4  }
0x12f: {  	v57 =	vshll.u32 v3, $0x1  }
0x130: {  	v3 =	vand.u32 $0x7, v3;
	v4 =	vand.u32 $0xFFFFFFF0, v57  }
0x131: {  	v3 =	vor.u32 v3, v4  }
0x132: {  	v4 =	vperm.xlane v3, v0;
	_ =	sdelay $0x1  }
0x133: {  	v3 =	vperm.xlane v3, v2;
	v4 =	vadd.s32 v1, v4;
	_ =	sdelay $0x1  }
0x134: {  	v3 =	vadd.s32 v1, v3;
	_ =	sdelay $0x2  }
0x135: {  	[hbm4b:s1+s4] =	stream.indirect_vreg.scatter [tilespmem:s7], [sflag:$0x2], $0x80, v4, vm0, $0xb8;
	[tilespmem:$0x10200] =	vst v63  }
0x136: {  	_ = 	snop  }
0x137: {  	[hbm4b:s1+s4] =	stream.indirect_vreg.scatter [tilespmem:s8], [sflag:$0x2], $0x80, v3, vm0, $0xb8;
	[tilespmem:$0x10200] =	vst v63  }
0x138: {  	v3 =	vld [tilespmem:$0xA0];
	_ =	sdelay $0x4  }
0x139: {  	v58 =	vshll.u32 v3, $0x1  }
0x13a: {  	v3 =	vand.u32 $0x7, v3;
	v4 =	vand.u32 $0xFFFFFFF0, v58  }
0x13b: {  	v3 =	vor.u32 v3, v4  }
0x13c: {  	v4 =	vperm.xlane v3, v0;
	_ =	sdelay $0x1  }
0x13d: {  	v3 =	vperm.xlane v3, v2;
	v4 =	vadd.s32 v1, v4;
	_ =	sdelay $0x1  }
0x13e: {  	v3 =	vadd.s32 v1, v3;
	_ =	sdelay $0x2  }
0x13f: {  	[hbm4b:s1+s4] =	stream.indirect_vreg.scatter [tilespmem:s9], [sflag:$0x2], $0x80, v4, vm0, $0xb8;
	[tilespmem:$0x10200] =	vst v63  }
0x140: {  	_ = 	snop  }
0x141: {  	[hbm4b:s1+s4] =	stream.indirect_vreg.scatter [tilespmem:s10], [sflag:$0x2], $0x80, v3, vm0, $0xb8;
	[tilespmem:$0x10200] =	vst v63  }
0x142: {  	v3 =	vld [tilespmem:$0xB0];
	_ =	sdelay $0x4  }
0x143: {  	v59 =	vshll.u32 v3, $0x1  }
0x144: {  	v3 =	vand.u32 $0x7, v3;
	v4 =	vand.u32 $0xFFFFFFF0, v59  }
0x145: {  	v3 =	vor.u32 v3, v4  }
0x146: {  	v4 =	vperm.xlane v3, v0;
	_ =	sdelay $0x1  }
0x147: {  	v3 =	vperm.xlane v3, v2;
	v4 =	vadd.s32 v1, v4;
	_ =	sdelay $0x1  }
0x148: {  	v3 =	vadd.s32 v1, v3;
	_ =	sdelay $0x2  }
0x149: {  	[hbm4b:s1+s4] =	stream.indirect_vreg.scatter [tilespmem:s11], [sflag:$0x2], $0x80, v4, vm0, $0xb8;
	[tilespmem:$0x10200] =	vst v63  }
0x14a: {  	_ = 	snop  }
0x14b: {  	[hbm4b:s1+s4] =	stream.indirect_vreg.scatter [tilespmem:s12], [sflag:$0x2], $0x80, v3, vm0, $0xb8;
	[tilespmem:$0x10200] =	vst v63  }
0x14c: {  	v3 =	vld [tilespmem:$0xC0];
	_ =	sdelay $0x4  }
0x14d: {  	v60 =	vshll.u32 v3, $0x1  }
0x14e: {  	v3 =	vand.u32 $0x7, v3;
	v4 =	vand.u32 $0xFFFFFFF0, v60  }
0x14f: {  	v3 =	vor.u32 v3, v4  }
0x150: {  	v4 =	vperm.xlane v3, v0;
	_ =	sdelay $0x1  }
0x151: {  	v3 =	vperm.xlane v3, v2;
	v4 =	vadd.s32 v1, v4;
	_ =	sdelay $0x1  }
0x152: {  	v3 =	vadd.s32 v1, v3;
	_ =	sdelay $0x2  }
0x153: {  	[hbm4b:s1+s4] =	stream.indirect_vreg.scatter [tilespmem:s13], [sflag:$0x2], $0x80, v4, vm0, $0xb8;
	[tilespmem:$0x10200] =	vst v63  }
0x154: {  	_ = 	snop  }
0x155: {  	[hbm4b:s1+s4] =	stream.indirect_vreg.scatter [tilespmem:s14], [sflag:$0x2], $0x80, v3, vm0, $0xb8;
	[tilespmem:$0x10200] =	vst v63  }
0x156: {  	v3 =	vld [tilespmem:$0xD0];
	_ =	sdelay $0x4  }
0x157: {  	v61 =	vshll.u32 v3, $0x1  }
0x158: {  	v3 =	vand.u32 $0x7, v3;
	v4 =	vand.u32 $0xFFFFFFF0, v61  }
0x159: {  	v3 =	vor.u32 v3, v4  }
0x15a: {  	v4 =	vperm.xlane v3, v0;
	_ =	sdelay $0x1  }
0x15b: {  	v3 =	vperm.xlane v3, v2;
	v4 =	vadd.s32 v1, v4;
	_ =	sdelay $0x1  }
0x15c: {  	v3 =	vadd.s32 v1, v3;
	_ =	sdelay $0x1  }
0x15d: {  	s16 =	simm.s32 $0xD200  }
0x15e: {  	[hbm4b:s1+s4] =	stream.indirect_vreg.scatter [tilespmem:s16], [sflag:$0x2], $0x80, v4, vm0, $0xb8;
	[tilespmem:$0x10200] =	vst v63  }
0x15f: {  	s16 =	simm.s32 $0xDA00  }
0x160: {  	[hbm4b:s1+s4] =	stream.indirect_vreg.scatter [tilespmem:s16], [sflag:$0x2], $0x80, v3, vm0, $0xb8;
	[tilespmem:$0x10200] =	vst v63  }
0x161: {  	v3 =	vld [tilespmem:$0xE0];
	_ =	sdelay $0x4  }
0x162: {  	v62 =	vshll.u32 v3, $0x1  }
0x163: {  	v3 =	vand.u32 $0x7, v3;
	v4 =	vand.u32 $0xFFFFFFF0, v62  }
0x164: {  	v3 =	vor.u32 v3, v4  }
0x165: {  	v4 =	vperm.xlane v3, v0;
	_ =	sdelay $0x1  }
0x166: {  	v3 =	vperm.xlane v3, v2;
	v4 =	vadd.s32 v1, v4;
	_ =	sdelay $0x1  }
0x167: {  	v3 =	vadd.s32 v1, v3;
	_ =	sdelay $0x1  }
0x168: {  	s16 =	simm.s32 $0xE200  }
0x169: {  	[hbm4b:s1+s4] =	stream.indirect_vreg.scatter [tilespmem:s16], [sflag:$0x2], $0x80, v4, vm0, $0xb8;
	[tilespmem:$0x10200] =	vst v63  }
0x16a: {  	s16 =	simm.s32 $0xEA00  }
0x16b: {  	[hbm4b:s1+s4] =	stream.indirect_vreg.scatter [tilespmem:s16], [sflag:$0x2], $0x80, v3, vm0, $0xb8;
	[tilespmem:$0x10200] =	vst v63  }
0x16c: {  	v3 =	vld [tilespmem:$0xF0];
	_ =	sdelay $0x4  }
0x16d: {  	v63 =	vshll.u32 v3, $0x1  }
0x16e: {  	v3 =	vand.u32 $0x7, v3;
	v4 =	vand.u32 $0xFFFFFFF0, v63  }
0x16f: {  	v3 =	vor.u32 v3, v4  }
0x170: {  	v4 =	vperm.xlane v3, v0;
	_ =	sdelay $0x1  }
0x171: {  	v3 =	vperm.xlane v3, v2;
	v4 =	vadd.s32 v1, v4;
	_ =	sdelay $0x1  }
0x172: {  	v3 =	vadd.s32 v1, v3;
	_ =	sdelay $0x1  }
0x173: {  	s16 =	simm.s32 $0xF200  }
0x174: {  	[hbm4b:s1+s4] =	stream.indirect_vreg.scatter [tilespmem:s16], [sflag:$0x2], $0x80, v4, vm0, $0xb8;
	[tilespmem:$0x10200] =	vst v63  }
0x175: {  	s16 =	simm.s32 $0xFA00  }
0x176: {  	[hbm4b:s1+s4] =	stream.indirect_vreg.scatter [tilespmem:s16], [sflag:$0x2], $0x80, v3, vm0, $0xb8;
	[tilespmem:$0x10200] =	vst v63  }
0x177: {  	p0 =	sne.s32 s5, $0x1;
	_ =	swait.ge [sflag:s0], $0x8000  }
.Ltmp0:
0x178: {  	[sflag:s0] =	ssyncset.done $0x0;
	(pc) =	sbr.rel @p0 .LBB2_1-.Ltmp0, $4  }
0x179: {  	[sflag:s0] =	ssyncadd.s32 $0xFFFF8000  }
0x17a: {  	_ =	swait.ge [sflag:s15], $0x8000  }
0x17b: {  	[sflag:s15] =	ssyncset.done $0x0  }
0x17c: {  	s5 =	sadd.s32 $0xFFFFFFFF, s5;
	[sflag:s15] =	ssyncadd.s32 $0xFFFF8000  }
0x17d: {  	_ =	sfence.sel $0x180000  }
0x17e: {  	[bflag:$0x0] =	sbarrier.arrive $0xFFFF  }
0x17f: {  	_ =	strace $0x90000050  }
0x180: {  	s0 =	stileid.u32;
	[bflag:$0x2] =	sbarrier.arrive $0xFFFF  }
0x181: {  	p0 =	sne.s32 s0, $0x0;
	s0 =	rddreg [dreg:$0x4]  }
0x182: {  	s0 =	sadd.s32 @!p0 $0x100000, s0  }
0x183: {  	[sflag:s0] =	ssyncadd.tile.s32 @!p0 $0x1;
	_ =	shalt  }
.Lfunc_end2:
_tile_overlayer_lowered:
.L_overlay_start_2:
0x184: {  	(tag) =	ssettag $0x2  }
0x185: {  	s0 =	rddreg [dreg:$0x0];
	s2 =	stileid.u32  }
0x186: {  	s1 =	rddreg [dreg:$0x1];
	p0 =	sne.s32 s2, $0x0  }
0x187: {  	s3 =	rddreg [dreg:$0x2];
	[bflag:$0x3] =	sbarrier.arrive $0xFFFF;
	s2 =	simm.s32 @!p0 $0x1C03  }
0x188: {  	[timem:s3], [sflag:s2] =	dma.local @!p0 [hbm:s0], s1  }
0x189: {  	s0 =	simm.s32 @!p0 $0x3  }
0x18a: {  	_ =	swait.ge @!p0 [sflag:s0], s1  }
0x18b: {  	s1 =	ssub.s32 @!p0 $0x0, s1;
	[sflag:s0] =	ssyncset.done @!p0 $0x0  }
0x18c: {  	[sflag:s0] =	ssyncadd.s32 @!p0 s1  }
0x18d: {  	[bflag:$0x3] =	sbarrier.arrive $0xFFFF  }
0x18e: {  	_ =	shalt  }

// kernel: sparse-core-data-format-call.cloned.1.call-start
scs
called_computation_lowered:
.L_overlay_start_0:
0x0: {  	s2 =	sld [smem:$0x3FD9]  }
0x1: {  	s3 =	sld [smem:$0x3FFE];
	_ =	sdelay $0x1  }
0x2: {  	s1 =	srdreg.scid  }
0x3: {  	s0 =	sand.u32 $0x1, s1  }
0x4: {  	s18 =	sshll.u32 s0, $0xA;
	s2 =	sadd.s32 s3, s2  }
0x5: {  	s2 =	sadd.s32 s2, s18  }
0x6: {  	[smem:$0x3FB5] =	sst s2  }
0x7: {  	_ = 	snop  }
0x8: {  	s2 =	sld [smem:$0x3FC3];
	(tm) =	ssettm $0x1  }
0x9: {  	s19 =	sld [smem:$0x3FFB];
	_ =	sdelay $0x3  }
0xa: {  	_ =	strace s19  }
0xb: {  	s3 =	sld [smem:$0x3FFC];
	_ =	sdelay $0x3  }
0xc: {  	_ =	strace s3  }
0xd: {  	s3 =	sld [smem:$0x3FFD];
	_ =	sdelay $0x3  }
0xe: {  	_ =	strace s3  }
0xf: {  	_ =	strace $0x8FFFFFFF  }
0x10: {  	s20 =	sld [smem:$0x3FDB];
	_ =	sdelay $0x1  }
0x11: {  	s4 =	simm.s32 $_scs_section_size  }
0x12: {  	s5 =	simm.s32 $_size__tile_overlayer_lowered;
	s6 =	simm.s32 $_tile_overlayer_lowered  }
0x13: {  	s23 =	simm.s32 $0x1BFF;
	s22 =	sshll.u32 s6, $0x1;
	s3 =	sadd.s32 s4, s20  }
0x14: {  	s7 =	simm.s32 $0x0;
	s21 =	sshll.u32 s5, $0x1;
	s5 =	sadd.s32 s22, s3  }
0x15: {  	[timem:s7], [sflag:s23] =	dma.local [hbm:s5], s21  }
0x16: {  	_ =	swait.ge [sflag:s23], s21  }
0x17: {  	s4 =	ssub.s32 $0x0, s21;
	[sflag:s23] =	ssyncset.done $0x0  }
0x18: {  	[sflag:s23] =	ssyncadd.s32 s4;
	_ =	sdelay $0x1  }
0x19: {  	s24 =	simm.s32 $0x1B8B  }
0x1a: {  	_ =	swait.ge [sflag:s24], $0x1  }
0x1b: {  	[sflag:s24] =	ssyncset.done $0x0  }
0x1c: {  	s26 =	simm.s32 $0x1B8E;
	s25 =	sld [smem:$0x3FFE];
	[sflag:s24] =	ssyncadd.s32 $0xFFFFFFFF  }
0x1d: {  	s27 =	simm.s32 $execute0_lowered;
	[smem:$0x3FD2] =	sst s26  }
0x1e: {  	s5 =	sshll.u32 s27, $0x1;
	_ =	strace $0x80000046;
	[dreg:$0x1] =	wrdreg $0xFFFFFFFF  }
0x1f: {  	s28 =	simm.s32 $_size_execute0_lowered;
	s3 =	sadd.s32 s3, s5;
	[dreg:$0x0] =	wrdreg $0x0  }
0x20: {  	s5 =	sshll.u32 s28, $0x1;
	[dreg:$0x2] =	wrdreg s3  }
0x21: {  	[dreg:$0x3] =	wrdreg s5  }
0x22: {  	[dreg:$0x4] =	wrdreg $0xC0  }
0x23: {  	_ =	task [dreg:s7], $0x5FFFF  }
0x24: {  	[dreg:$0x1] =	wrdreg $0xFFFFFFFF  }
0x25: {  	[dreg:$0x0] =	wrdreg $0x60  }
0x26: {  	[dreg:$0x2] =	wrdreg s2  }
0x27: {  	[dreg:$0x3] =	wrdreg s25  }
0x28: {  	[dreg:$0x4] =	wrdreg $0x9  }
0x29: {  	_ =	task.clear_ibuf [dreg:s7], $0x5FFFF;
	_ =	strace $0x90000046  }
0x2a: {  	s29 =	simm.s32 $0x9;
	_ =	strace $0x80000048  }
0x2b: {  	_ =	swait.ge [sflag:s29], $0x1  }
0x2c: {  	[sflag:s29] =	ssyncadd.s32 $0xFFFFFFFF  }
0x2d: {  	_ =	strace $0x90000048  }
0x2e: {  	_ =	sfence  }
0x2f: {  	s30 =	sld [smem:$0x0];
	_ =	sdelay $0x2  }
0x30: {  	s31 =	sshll.u32 s1, $0xD;
	s1 =	sshrl.u32 s1, $0x2  }
0x31: {  	s3 =	sand.u32 $0x4000, s31;
	s1 =	sadd.s32 s1, s30  }
0x32: {  	s0 =	sor.u32 s3, s0;
	s1 =	sshll.u32 s1, $0x11  }
0x33: {  	s0 =	sor.u32 s1, s0  }
0x34: {  	s0 =	sadd.s32 $0x8F2B, s0  }
0x35: {  	[sflag:s0] =	ssyncadd.remote.s32 $0x1  }
0x36: {  	_ =	sfence.sel $0xFFFF  }
0x37: {  	[dreg:$0x0] =	wrdreg $0xFFFFFFFF;
	(pc) =	sbr.abs _section_cstart, $3  }
0x38: {  	[dreg:$0x1] =	wrdreg $0xFFFFFFFF  }
0x39: {  	_ =	task.clear_ibuf [dreg:s7], $0x2FFFF;
	_ =	strace $0x9FFFFFFF  }
0x3a: {  	(tm) =	ssettm $0x7FFFFFFF  }
0x3b: {  	_ =	shalt  }
tec
execute0_lowered:
.L_overlay_start_1:
0x0: {  	(tag) =	ssettag $0x1  }
0x1: {  	s0 =	srdreg.scid;
	s2 =	rddreg [dreg:$0x0]  }
0x2: {  	s4 =	rddreg [dreg:$0x1];
	s7 =	simm.s32 $0x1;
	s1 =	sshll.u32 s0, $0x4  }
0x3: {  	s8 =	simm.s32 $0x2;
	s0 =	stileid.u32;
	s1 =	sand.u32 $0x10, s1  }
0x4: {  	s14 =	simm.s32 $0x0;
	s9 =	simm.s32 $0x30D400;
	s1 =	sor.u32 s0, s1  }
0x5: {  	s10 =	simm.s32 $0x0;
	s15 =	simm.s32 $0x0;
	s3 =	sshll.u32 s1, $0x3  }
0x6: {  	s12 =	simm.s32 $0x0;
	s13 =	simm.s32 $0x0;
	s6 =	ssub.s32 $0x61A8, s3  }
.Ltmp0:
0x7: {  	s4 =	sadd.s32 $0x3400, s4;
	s5 =	sand.u32 $0xF8, s6;
	(pc) =	sbr.rel .LBB1_1-.Ltmp0, $4  }
0x8: {  	s1 =	rddreg [dreg:$0x2];
	_ =	strace $0x80000047;
	p0 =	sne.s32 s5, $0x0  }
0x9: {  	s6 =	sshrl.u32 s6, $0x8;
	s5 =	simm.s32 $0x1;
	s7 =	simm.s32 @!p0 $0x0  }
0xa: {  	s11 =	smov.u32 s3;
	[sflag:s5] =	ssyncpa.u1 $0x0;
	s6 =	sadd.s32 s7, s6  }
0xb: {  	[sflag:s8] =	ssyncpa.u1 $0x0;
	s8 =	simm.s32 $0x400;
	s7 =	sadd.s32 $0x1, s6  }
.LBB1_9:
0xc: {  	s16 =	sadd.s32 $0x100, s11  }
0xd: {  	s14 =	sadd.s32 $0x2, s12;
	s18 =	smov.u32 s12;
	p1 =	sgt.s32 s16, $0x61A7  }
0xe: {  	s18 =	smov.u32 @p1 s14  }
0xf: {  	s16 =	smov.u32 @p1 s3;
	p1 =	sgt.s32 s18, $0x1  }
0x10: {  	s18 =	simm.s32 @p1 $0x0;
	p1 =	sne.s32 s13, s7  }
.Ltmp1:
0x11: {  	p0 =	slt.u32 s13, $0x2;
	(pc) =	sbr.rel @!p1 .LBB1_10-.Ltmp1, $4  }
0x12: {  	s17 =	simm.s32 @!p0 $0x2  }
0x13: {  	s15 =	smov.u32 s12;
	s10 =	sadd.s32 $0x4000, s10;
	_ =	swait.ge @!p0 [sflag:s17], $0x4000  }
0x14: {  	s14 =	smov.u32 s11;
	[sflag:s17] =	ssyncset.done @!p0 $0x0;
	s11 =	smov.u32 s16  }
0x15: {  	s13 =	sadd.s32 $0x1, s13;
	[sflag:s17] =	ssyncadd.s32 @!p0 $0xFFFFC000;
	s12 =	smov.u32 s18  }
.LBB1_1:
0x16: {  	p0 =	sge.u32 s13, s6  }
0x17: {  	s17 =	smul.u32 @!p0 $0x30D400, s12  }
0x18: {  	s31 =	sadd.s32 $0xFFFFFFFF, s13;
	s16 =	sxor.u32 @!p0 $0xFFFFFFFF, s13;
	s18 =	sshll.u32 @!p0 s11, $0x7  }
0x19: {  	s19 =	simm.s32 @!p0 $0x186A000;
	s16 =	sshll.u32 @!p0 s16, $0xE;
	s17 =	sadd.s32 @!p0 s2, s17  }
0x1a: {  	s16 =	sand.u32 @!p0 $0x4000, s16;
	s17 =	sadd.s32 @!p0 s18, s17;
	s18 =	simm.s32 @!p0 $0x2000  }
0x1b: {  	[tilespmem:s16], [sflag:$0x1] =	stream.strided.gather @!p0 [hbm4b:s17+s18], $0x4000, s19, s18, $0x38;
	[tilespmem:$0x10000] =	vst v63  }
0x1c: {  	p0 =	sge.u32 s31, s6  }
.Ltmp2:
0x1d: {  	_ = 	snop;
	(pc) =	sbr.rel @p0 .LBB1_9-.Ltmp2, $1  }
0x1e: {  	_ =	sdelay $0x3  }
0x1f: {  	s16 =	sshll.u32 s10, $0x2  }
0x20: {  	_ =	swait.ge [sflag:s5], $0x4000;
	s17 =	sshll.u32 s13, $0xE;
	s19 =	simm.s32 $0x0  }
0x21: {  	p1 =	por $0x1, $0x1;
	s16 =	sand.u32 $0x10000, s16;
	[sflag:s5] =	ssyncset.done $0x0  }
0x22: {  	s17 =	sand.u32 $0x4000, s17;
	s18 =	sshrl.u32 s16, $0x2;
	[sflag:s5] =	ssyncadd.s32 $0xFFFFC000  }
0x23: {  	s16 =	sor.u32 $0x8000, s17;
	s17 =	sadd.s32 $0x8040, s18;
	s18 =	sadd.s32 $0x40, s18  }
.LBB1_3:
0x24: {  	s19 =	sshll.u32 s19, $0x2  }
0x25: {  	p0 =	por p1, p1;
	s20 =	sshra.s32 s19, $0x2  }
0x26: {  	s21 =	simm.s32 $0x0;
	s19 =	sadd.s32 s20, s17;
	s20 =	sadd.s32 s20, s18  }
.LBB1_4:
0x27: {  	v0 =	vmov s20;
	_ =	sdelay $0x3  }
0x28: {  	s23 =	simm.s32 $0x0  }
0x29: {  	v6 =	vld.idx.msk [tilespmem:v0+s23+$0x30 ss:$0x1], $0xffff  }
0x2a: {  	v7 =	vld.idx.msk [tilespmem:v0+s23+$0xFFFFFFC0 ss:$0x1], $0xffff  }
0x2b: {  	v5 =	vld.idx.msk [tilespmem:v0+s23+$0xFFFFFFD0 ss:$0x1], $0xffff  }
0x2c: {  	v4 =	vld.idx.msk [tilespmem:v0+s23+$0xFFFFFFE0 ss:$0x1], $0xffff  }
0x2d: {  	v3 =	vld.idx.msk [tilespmem:v0+s23+$0xFFFFFFF0 ss:$0x1], $0xffff  }
0x2e: {  	v1 =	vld.idx.msk [tilespmem:v0+s23+$0x0 ss:$0x1], $0xffff  }
0x2f: {  	v2 =	vld.idx.msk [tilespmem:v0+s23+$0x10 ss:$0x1], $0xffff;
	[tilespmem:s19+$0x30] =	vst v6  }
0x30: {  	s22 =	simm.s32 $0x80;
	s24 =	simm.s32 $0x400;
	[tilespmem:s19+$0xFFFFFFC0] =	vst v7;
	v6 =	vld.idx.msk [tilespmem:v0+s23+$0x20 ss:$0x1], $0xffff;
	s23 =	smov.u32 s19  }
.LBB1_5:
0x31: {  	p1 =	sne.s32 s24, $0xE00;
	v7 =	vld.idx.msk [tilespmem:v0+s22+$0x30 ss:$0x1], $0xffff;
	[tilespmem:s23+$0xFFFFFFD0] =	vst v5  }
0x32: {  	v8 =	vld.idx.msk [tilespmem:v0+s22+$0xFFFFFFC0 ss:$0x1], $0xffff;
	[tilespmem:s23+$0xFFFFFFE0] =	vst v4  }
0x33: {  	v5 =	vld.idx.msk [tilespmem:v0+s22+$0xFFFFFFD0 ss:$0x1], $0xffff;
	[tilespmem:s23+$0xFFFFFFF0] =	vst v3  }
.Ltmp3:
0x34: {  	v4 =	vld.idx.msk [tilespmem:v0+s22+$0xFFFFFFE0 ss:$0x1], $0xffff;
	[tilespmem:s23+$0x0] =	vst v1;
	(pc) =	sbr.rel @p1 .LBB1_5-.Ltmp3, $4  }
0x35: {  	v3 =	vld.idx.msk [tilespmem:v0+s22+$0xFFFFFFF0 ss:$0x1], $0xffff;
	[tilespmem:s23+$0x10] =	vst v2  }
0x36: {  	v1 =	vld.idx.msk [tilespmem:v0+s22+$0x0 ss:$0x1], $0xffff;
	[tilespmem:s23+$0x20] =	vst v6;
	s23 =	sadd.s32 $0x400, s23  }
0x37: {  	v2 =	vld.idx.msk [tilespmem:v0+s22+$0x10 ss:$0x1], $0xffff;
	[tilespmem:s23+$0x30] =	vst v7  }
0x38: {  	[tilespmem:s23+$0xFFFFFFC0] =	vst v8;
	v6 =	vld.idx.msk [tilespmem:v0+s22+$0x20 ss:$0x1], $0xffff;
	s22 =	sshra.s32 s24, $0x2;
	s24 =	sadd.s32 $0x200, s24  }
0x39: {  	_ =	sdelay $0x2  }
0x3a: {  	[tilespmem:s23+$0xFFFFFFD0] =	vst v5  }
0x3b: {  	v56 =	vld.idx.msk [tilespmem:v0+s22+$0x30 ss:$0x1], $0xffff;
	[tilespmem:s23+$0xFFFFFFE0] =	vst v4  }
0x3c: {  	v57 =	vld.idx.msk [tilespmem:v0+s22+$0xFFFFFFC0 ss:$0x1], $0xffff;
	[tilespmem:s23+$0xFFFFFFF0] =	vst v3  }
0x3d: {  	v58 =	vld.idx.msk [tilespmem:v0+s22+$0xFFFFFFD0 ss:$0x1], $0xffff;
	[tilespmem:s23+$0x0] =	vst v1  }
0x3e: {  	v59 =	vld.idx.msk [tilespmem:v0+s22+$0xFFFFFFE0 ss:$0x1], $0xffff;
	[tilespmem:s23+$0x10] =	vst v2  }
0x3f: {  	v60 =	vld.idx.msk [tilespmem:v0+s22+$0xFFFFFFF0 ss:$0x1], $0xffff;
	s31 =	sadd.s32 $0x400, s23;
	[tilespmem:s23+$0x20] =	vst v6  }
0x40: {  	v61 =	vld.idx.msk [tilespmem:v0+s22+$0x0 ss:$0x1], $0xffff;
	[tilespmem:s31+$0x30] =	vst v56  }
0x41: {  	v62 =	vld.idx.msk [tilespmem:v0+s22+$0x10 ss:$0x1], $0xffff;
	s21 =	sadd.s32 $0x1, s21;
	[tilespmem:s31+$0xFFFFFFC0] =	vst v57  }
0x42: {  	v63 =	vld.idx.msk [tilespmem:v0+s22+$0x20 ss:$0x1], $0xffff;
	p1 =	sne.s32 s21, $0x8;
	[tilespmem:s31+$0xFFFFFFD0] =	vst v58  }
.Ltmp4:
0x43: {  	[tilespmem:s31+$0xFFFFFFE0] =	vst v59;
	(pc) =	sbr.rel @p1 .LBB1_4-.Ltmp4, $4  }
0x44: {  	[tilespmem:s31+$0xFFFFFFF0] =	vst v60  }
0x45: {  	[tilespmem:s31+$0x0] =	vst v61  }
0x46: {  	[tilespmem:s31+$0x10] =	vst v62  }
0x47: {  	s19 =	sadd.s32 $0x80, s19;
	s20 =	sadd.s32 $0x400, s20;
	[tilespmem:s31+$0x20] =	vst v63  }
.Ltmp5:
0x48: {  	(pc) =	sbr.rel @p0 .LBB1_3-.Ltmp5, $2  }
0x49: {  	_ =	sdelay $0x2  }
0x4a: {  	s19 =	simm.s32 $0x2000;
	p1 =	por $0x0, $0x0  }
0x4b: {  	s14 =	sand.u32 $0x1FFFFFF, s14  }
0x4c: {  	s17 =	smulhi.u32 $0x14F8B59, s14;
	_ =	sdelay $0x1  }
0x4d: {  	s15 =	smul.u32 $0x30D400, s15;
	s17 =	sshrl.u32 s17, $0x7  }
0x4e: {  	s17 =	smul.u32 $0x61A8, s17  }
.Ltmp6:
0x4f: {  	_ = 	snop;
	(pc) =	sbr.rel .LBB1_9-.Ltmp6, $4  }
0x50: {  	s14 =	ssub.s32 s14, s17  }
0x51: {  	s15 =	sadd.s32 s4, s15;
	s14 =	sshll.u32 s14, $0x4  }
0x52: {  	s14 =	sadd.s32 s14, s15  }
0x53: {  	[hbm4b:s14+s8] =	stream.strided.scatter [tilespmem:s16], [sflag:$0x2], $0x4000, s9, s8, $0x38;
	[tilespmem:$0x10000] =	vst v63  }
.LBB1_10:
0x54: {  	_ =	sfence.sel $0x180000  }
0x55: {  	s2 =	simm.s32 $0x1;
	[bflag:$0x0] =	sbarrier.arrive $0xFFFF  }
0x56: {  	s31 =	simm.s32 $0x2;
	[sflag:s2] =	ssyncpa.u1 $0x1  }
0x57: {  	[sflag:s31] =	ssyncpa.u1 $0x1  }
0x58: {  	p0 =	sne.s32 s0, $0x0;
	_ =	strace $0x90000047  }
0x59: {  	s0 =	sadd.s32 @!p0 $0x100000, s1;
	[bflag:$0x2] =	sbarrier.arrive $0xFFFF  }
0x5a: {  	[sflag:s0] =	ssyncadd.tile.s32 @!p0 $0x1;
	_ =	shalt  }
.Lfunc_end1:
_tile_overlayer_lowered:
.L_overlay_start_2:
0x5b: {  	(tag) =	ssettag $0x2  }
0x5c: {  	s0 =	rddreg [dreg:$0x0];
	s2 =	stileid.u32  }
0x5d: {  	s1 =	rddreg [dreg:$0x1];
	p0 =	sne.s32 s2, $0x0  }
0x5e: {  	s3 =	rddreg [dreg:$0x2];
	[bflag:$0x3] =	sbarrier.arrive $0xFFFF;
	s2 =	simm.s32 @!p0 $0x1C01  }
0x5f: {  	[timem:s3], [sflag:s2] =	dma.local @!p0 [hbm:s0], s1  }
0x60: {  	s0 =	simm.s32 @!p0 $0x1  }
0x61: {  	_ =	swait.ge @!p0 [sflag:s0], s1  }
0x62: {  	s1 =	ssub.s32 @!p0 $0x0, s1;
	[sflag:s0] =	ssyncset.done @!p0 $0x0  }
0x63: {  	[sflag:s0] =	ssyncadd.s32 @!p0 s1  }
0x64: {  	[bflag:$0x3] =	sbarrier.arrive $0xFFFF  }
0x65: {  	_ =	shalt  }

</sc_bundles>
